<compile_context>
chip_gen: v7x
topology: tpu7x:2x2x1
jax: 0.10.2.dev20260603
libtpu: 0.0.44.dev20260713+nightly
codegen_flags: <defaults>
</compile_context>

<pallas_src>
import functools

import jax
import jax.numpy as jnp
from jax import lax
from jax.experimental import pallas as pl
from jax.experimental.pallas import tpu as pltpu
from jax.experimental.pallas import tpu_sc as plsc

N = 10000
E = 320000
D = 128
H = 16
C = 10

NC = 2
NS = 16
NW = NC * NS

NP = 10240
NB = 2 * NP
CHE = E // NW
NCHUNK_E = CHE // 16
NLOOP = NP // NW
NCHUNK_S = NLOOP // 16
CAP = CHE + NLOOP + 16
COLS = NB // NS
ROWS_PER_TILE = NP // NS
ZROWS = 64

_f32 = jnp.float32
_i32 = jnp.int32


def _hist_body(ei_hbm, hist_hbm, src_v, dst_v, hist_v, red_v, acc_v, shared):
    cid = lax.axis_index("c")
    sid = lax.axis_index("s")
    wid = cid * NS + sid
    base = wid * CHE
    pltpu.sync_copy(ei_hbm.at[pl.ds(base, CHE)], src_v)
    pltpu.sync_copy(ei_hbm.at[pl.ds(E + base, CHE)], dst_v)

    def zero_body(i, _):
        hist_v[pl.ds(i * 16, 16)] = jnp.zeros((16,), _f32)
        return ()

    lax.fori_loop(0, NB // 16, zero_body, ())

    ones = jnp.ones((16,), _f32)

    @plsc.parallel_loop(0, CHE, step=16, unroll=8)
    def _(i):
        s16 = src_v[pl.ds(i, 16)]
        d16 = dst_v[pl.ds(i, 16)]
        plsc.addupdate_scatter(hist_v, [d16], ones)
        plsc.addupdate_scatter(hist_v, [s16 + NP], ones, mask=d16 == 0)

    pltpu.sync_copy(hist_v, shared.at[sid])
    plsc.subcore_barrier()
    colbase = sid * COLS
    pltpu.sync_copy(shared.at[:, pl.ds(colbase, COLS)], red_v)

    def red_body(j, _):
        acc = red_v[0, pl.ds(j * 16, 16)]
        for t in range(1, NS):
            acc = acc + red_v[t, pl.ds(j * 16, 16)]
        acc_v[pl.ds(j * 16, 16)] = acc
        return ()

    lax.fori_loop(0, COLS // 16, red_body, ())
    pltpu.sync_copy(acc_v, hist_hbm.at[cid, pl.ds(colbase, COLS)])


def _make_hist_kernel():
    mesh = plsc.VectorSubcoreMesh(core_axis_name="c", subcore_axis_name="s")
    return pl.kernel(
        _hist_body,
        out_type=jax.ShapeDtypeStruct((NC, NB), _f32),
        mesh=mesh,
        compiler_params=pltpu.CompilerParams(needs_layout_passes=False),
        scratch_types=[
            pltpu.VMEM((CHE,), _i32),
            pltpu.VMEM((CHE,), _i32),
            pltpu.VMEM((NB,), _f32),
            pltpu.VMEM((NS, COLS), _f32),
            pltpu.VMEM((COLS,), _f32),
            pltpu.VMEM_SHARED((NS, NB), _f32),
        ],
    )


def _norm_body(hist_ref, dw_ref):
    h = hist_ref[0] + hist_ref[1]
    row = lax.broadcasted_iota(_i32, (NP // 128, 128), 0)
    col = lax.broadcasted_iota(_i32, (NP // 128, 128), 1)
    at0 = jnp.logical_and(row == 0, col == 0).astype(_f32)
    deg = h[: NP // 128] + 1.0
    cnt0 = h[NP // 128:] + at0
    dis = lax.rsqrt(deg)
    dis0 = dis[0:1, 0:1]
    w0 = cnt0 * dis * dis0
    dw_ref[0] = jnp.where(w0 > 0.0, -dis, dis)
    dw_ref[1] = w0


def _norm_kernel(hist):
    hist3 = hist.reshape(NC, NB // 128, 128)
    return pl.pallas_call(
        _norm_body,
        out_shape=jax.ShapeDtypeStruct((2, NP // 128, 128), _f32),
    )(hist3)


def _agg_body(ei_hbm, dism_hbm, x_hbm, agg_hbm,
              src_v, dst_v, dism_v, rows_v, nrm_v, zero_v, agg_sh):
    cid = lax.axis_index("c")
    sid = lax.axis_index("s")
    wid = cid * NS + sid
    base = wid * CHE
    pltpu.sync_copy(ei_hbm.at[pl.ds(base, CHE)], src_v.at[pl.ds(0, CHE)])
    pltpu.sync_copy(ei_hbm.at[pl.ds(E + base, CHE)],
                    dst_v.at[pl.ds(0, CHE)])
    pltpu.sync_copy(dism_hbm, dism_v)

    def zb(r, _):
        for c in range(D // 16):
            zero_v[r, pl.ds(c * 16, 16)] = jnp.zeros((16,), _f32)
        return ()

    lax.fori_loop(0, ZROWS, zb, ())
    for k in range(ROWS_PER_TILE // ZROWS):
        pltpu.sync_copy(
            zero_v, agg_sh.at[pl.ds(sid * ROWS_PER_TILE + k * ZROWS, ZROWS)])
    plsc.subcore_barrier()

    def compact(cntv, s16, d16, m):
        idx = cntv + plsc.cumsum(m.astype(_i32)) - 1
        plsc.store_scatter(src_v, [idx], s16, mask=m)
        plsc.store_scatter(dst_v, [idx], d16, mask=m)
        return cntv + plsc.all_reduce_population_count(m)

    @plsc.parallel_loop(0, CHE, step=16, unroll=8,
                        carry=jnp.zeros((16,), _i32))
    def cntv(i, cntv):
        s16 = src_v[pl.ds(i, 16)]
        d16 = dst_v[pl.ds(i, 16)]
        m = plsc.load_gather(dism_v, [d16]) < 0.0
        return compact(cntv, s16, d16, m)

    nbase = wid * NLOOP

    def loop_body(i, cntv):
        v16 = nbase + i * 16 + lax.iota(_i32, 16)
        m = plsc.load_gather(dism_v, [v16]) < 0.0
        return compact(cntv, v16, v16, m)

    cntv = lax.fori_loop(0, NCHUNK_S, loop_body, cntv)
    cnt = jnp.max(cntv)

    tail = cnt + lax.iota(_i32, 16)
    plsc.store_scatter(src_v, [tail], jnp.zeros((16,), _i32))
    plsc.store_scatter(dst_v, [tail], jnp.full((16,), N, _i32))

    def proc_body(j, _):
        s16 = src_v[pl.ds(j * 16, 16)]
        d16 = dst_v[pl.ds(j * 16, 16)]
        dms = plsc.load_gather(dism_v, [s16])
        dmd = plsc.load_gather(dism_v, [d16])
        nrm = jnp.abs(dms) * jnp.abs(dmd)
        nrm_v[pl.ds(16, 16)] = nrm
        pltpu.sync_copy(x_hbm.at[s16], rows_v)
        for r in range(16):
            splat = plsc.load_gather(nrm_v, [jnp.full((16,), 16 + r, _i32)])
            for c in range(D // 16):
                rows_v[r, pl.ds(c * 16, 16)] = (
                    rows_v[r, pl.ds(c * 16, 16)] * splat)
        pltpu.sync_copy(rows_v, agg_sh.at[d16], add=True)
        return ()

    nch = (cnt + 15) // 16
    lax.fori_loop(0, nch, proc_body, ())
    plsc.subcore_barrier()
    pltpu.sync_copy(agg_sh.at[pl.ds(sid * ROWS_PER_TILE, ROWS_PER_TILE)],
                    agg_hbm.at[cid, pl.ds(sid * ROWS_PER_TILE, ROWS_PER_TILE)])


def _make_agg_kernel():
    mesh = plsc.VectorSubcoreMesh(core_axis_name="c", subcore_axis_name="s")
    return pl.kernel(
        _agg_body,
        out_type=jax.ShapeDtypeStruct((NC, NP, D), _f32),
        mesh=mesh,
        compiler_params=pltpu.CompilerParams(needs_layout_passes=False),
        scratch_types=[
            pltpu.VMEM((CAP,), _i32),
            pltpu.VMEM((CAP,), _i32),
            pltpu.VMEM((NP,), _f32),
            pltpu.VMEM((16, D), _f32),
            pltpu.VMEM((32,), _f32),
            pltpu.VMEM((ZROWS, D), _f32),
            pltpu.VMEM_SHARED((NP, D), _f32),
        ],
    )


_BLK = 1024
_NSTEP = NP // _BLK


def _final_body(p0_ref, p1_ref, w0_ref, w1_ref, b1_ref, w2_ref, b2_ref,
                out_ref, acc_ref):
    i = pl.program_id(0)

    @pl.when(i == 0)
    def _():
        acc_ref[...] = jnp.zeros_like(acc_ref)

    a = p0_ref[0] + p1_ref[0]
    h = a @ w1_ref[...] + b1_ref[...]
    h = jnp.maximum(h, 0.0)
    acc_ref[...] += lax.dot_general(
        w0_ref[...], h, (((0,), (0,)), ((), ())),
        preferred_element_type=_f32)

    @pl.when(i == _NSTEP - 1)
    def _():
        z = jnp.dot(acc_ref[...], w2_ref[...],
                    preferred_element_type=_f32) + b2_ref[...]
        mx = jnp.max(z, axis=1, keepdims=True)
        se = jnp.sum(jnp.exp(z - mx), axis=1, keepdims=True)
        out_ref[...] = z - mx - jnp.log(se)


def _final_kernel(agg, w0m, W1, b1, W2, b2):
    return pl.pallas_call(
        _final_body,
        grid=(_NSTEP,),
        in_specs=[
            pl.BlockSpec((1, _BLK, D), lambda i: (0, i, 0)),
            pl.BlockSpec((1, _BLK, D), lambda i: (1, i, 0)),
            pl.BlockSpec((_BLK, 8), lambda i: (i, 0)),
            pl.BlockSpec((D, H), lambda i: (0, 0)),
            pl.BlockSpec((1, H), lambda i: (0, 0)),
            pl.BlockSpec((H, C), lambda i: (0, 0)),
            pl.BlockSpec((1, C), lambda i: (0, 0)),
        ],
        out_specs=pl.BlockSpec((8, C), lambda i: (0, 0)),
        out_shape=jax.ShapeDtypeStruct((8, C), _f32),
        scratch_shapes=[pltpu.VMEM((8, H), _f32)],
    )(agg, agg, w0m, W1, b1, W2, b2)


def kernel(edge_index, x, W1, b1, W2, b2):
    ei = edge_index.astype(_i32).reshape(2 * E)
    hist = _make_hist_kernel()(ei)
    dw = _norm_kernel(hist)
    dism = dw[0].reshape(NP)
    w0 = dw[1].reshape(NP)

    agg = _make_agg_kernel()(ei, dism, x)

    w0m = jnp.zeros((NP, 8), _f32).at[:, 0].set(w0)
    res = _final_kernel(agg, w0m, W1, b1.reshape(1, H), W2, b2.reshape(1, C))
    return res[0]

# --- scband reference (transcript-rebuilt; emitter-appended) ---
"""Pipeline reference for scband-gcn-50551765074154 (READ-ONLY COPY).

The authoritative reference and input builder live on the scoring server;
editing this copy changes nothing except your own understanding.
"""

import jax, jax.numpy as jnp
import numpy as np

N = 10000
E = 320000
D = 128
H = 16
C = 10


def setup_inputs(seed: int = 0) -> dict:
    key = jax.random.key(seed)
    k1, k2, k3, k4, k5, k6 = jax.random.split(key, 6)
    x = jax.random.normal(k1, (N, D), dtype=jnp.float32)
    edge_index = jax.random.randint(k2, (2, E), 0, N, dtype=jnp.int32)
    # GCNConv weights (glorot-ish init) and zero biases
    W1 = jax.random.normal(k3, (D, H), dtype=jnp.float32) * (1.0 / np.sqrt(D))
    b1 = jnp.zeros((H,), dtype=jnp.float32)
    W2 = jax.random.normal(k4, (H, C), dtype=jnp.float32) * (1.0 / np.sqrt(H))
    b2 = jnp.zeros((C,), dtype=jnp.float32)
    return {"edge_index": edge_index, "x": x, "W1": W1, "b1": b1, "W2": W2, "b2": b2}


def _gcn_conv(x, src, dst, W, b):
    # x' = D^{-1/2} (A + I) D^{-1/2} X W + b  (self-loops already appended to src/dst)
    h = x @ W
    deg = jnp.zeros((N,), dtype=h.dtype).at[dst].add(1.0)
    deg_inv_sqrt = jnp.where(deg > 0, deg ** -0.5, 0.0)
    norm = deg_inv_sqrt[src] * deg_inv_sqrt[dst]
    msg = h[src] * norm[:, None]
    out = jnp.zeros((N, h.shape[1]), dtype=h.dtype).at[dst].add(msg)
    return out + b


def reference(edge_index, x, W1, b1, W2, b2):
    loop = jnp.arange(N, dtype=edge_index.dtype)
    src = jnp.concatenate([edge_index[0], loop])
    dst = jnp.concatenate([edge_index[1], loop])
    h = _gcn_conv(x, src, dst, W1, b1)
    h = jax.nn.relu(h)
    # F.dropout(training=self.training): identity in eval mode
    h = _gcn_conv(h, src, dst, W2, b2)
    return jax.nn.log_softmax(h, axis=1)[0]

if __name__ == "__main__":
    import jax
    _d = setup_inputs()
    print(jax.jit(kernel)(*tuple(_d.values())))

</pallas_src>

<mosaic_0001>
#map = affine_map<(d0, d1) -> (0)>
#map1 = affine_map<(d0, d1) -> (0, 0)>
#map2 = affine_map<(d0, d1) -> (0, 0, 0)>
module attributes {stable_mosaic.version = 14 : i64} {
  func.func @_agg_body(%arg0: i32, %arg1: i32, %arg2: memref<640000xi32, #tpu.memory_space<hbm>>, %arg3: memref<10240xf32, #tpu.memory_space<hbm>>, %arg4: memref<10000x128xf32, #tpu.memory_space<hbm>>, %arg5: memref<2x10240x128xf32, #tpu.memory_space<hbm>>, %arg6: memref<10336xi32, #tpu.memory_space<vmem>>, %arg7: memref<10336xi32, #tpu.memory_space<vmem>>, %arg8: memref<10240xf32, #tpu.memory_space<vmem>>, %arg9: memref<16x128xf32, #tpu.memory_space<vmem>>, %arg10: memref<32xf32, #tpu.memory_space<vmem>>, %arg11: memref<64x128xf32, #tpu.memory_space<vmem>>, %arg12: memref<10240x128xf32, #tpu.memory_space<vmem_shared>>) attributes {dimension_semantics = [#tpu.dimension_semantics<core_parallel>, #tpu.dimension_semantics<subcore_parallel>], iteration_bounds = array<i64: 2, 16>, scalar_prefetch = 0 : i64, scratch_operands = 7 : i64, tpu.core_type = #tpu.core_type<sc_vector_subcore>, window_params = [{transform_indices = #map}, {transform_indices = #map}, {transform_indices = #map1}, {transform_indices = #map2}]} {
    %mul3A = arith.constant 16 : i32
    %mul3A_0 = arith.muli %arg0, %mul3A : i32
    %add3A = arith.addi %mul3A_0, %arg1 : i32
    %mul3A_1 = arith.constant 10000 : i32
    %mul3A_2 = arith.muli %add3A, %mul3A_1 : i32
    "tpu.region"() ({
      %run_scoped3A = tpu.sem_alloc : memref<!tpu.dma_semaphore, #tpu.memory_space<semaphore_mem>>
      %dma_start3A = arith.constant 0 : i32
      %dma_start3A_105 = tpu.memref_slice %arg6[%dma_start3A] : memref<10336xi32, #tpu.memory_space<vmem>> -> memref<10000xi32, #tpu.memory_space<vmem>>
      %dma_start3A_106 = tpu.memref_slice %arg2[%mul3A_2] : memref<640000xi32, #tpu.memory_space<hbm>> -> memref<10000xi32, #tpu.memory_space<hbm>>
      %dma_start3A_107 = arith.constant 0 : i32
      %dma_start3A_108 = tpu.memref_slice %arg6[%dma_start3A_107] : memref<10336xi32, #tpu.memory_space<vmem>> -> memref<10000xi32, #tpu.memory_space<vmem>>
      %dma_start3A_109 = tpu.memref_slice %arg2[%mul3A_2] : memref<640000xi32, #tpu.memory_space<hbm>> -> memref<10000xi32, #tpu.memory_space<hbm>>
      tpu.enqueue_dma source(%dma_start3A_109 : memref<10000xi32, #tpu.memory_space<hbm>>) target(%dma_start3A_108 : memref<10000xi32, #tpu.memory_space<vmem>>) target_semaphore(%run_scoped3A : memref<!tpu.dma_semaphore, #tpu.memory_space<semaphore_mem>>)
      %dma_wait3A = arith.constant 0 : i32
      %dma_wait3A_110 = tpu.memref_slice %arg6[%dma_wait3A] : memref<10336xi32, #tpu.memory_space<vmem>> -> memref<10000xi32, #tpu.memory_space<vmem>>
      %dma_wait3A_111 = tpu.memref_slice %arg2[%mul3A_2] : memref<640000xi32, #tpu.memory_space<hbm>> -> memref<10000xi32, #tpu.memory_space<hbm>>
      %dma_wait3A_112 = arith.constant 0 : i32
      %dma_wait3A_113 = tpu.memref_slice %arg6[%dma_wait3A_112] : memref<10336xi32, #tpu.memory_space<vmem>> -> memref<10000xi32, #tpu.memory_space<vmem>>
      %dma_wait3A_114 = tpu.memref_slice %arg2[%mul3A_2] : memref<640000xi32, #tpu.memory_space<hbm>> -> memref<10000xi32, #tpu.memory_space<hbm>>
      tpu.wait_dma2 semaphore(%run_scoped3A : memref<!tpu.dma_semaphore, #tpu.memory_space<semaphore_mem>>) src(%dma_wait3A_114 : memref<10000xi32, #tpu.memory_space<hbm>>) dst(%dma_wait3A_113 : memref<10000xi32, #tpu.memory_space<vmem>>)
      tpu.yield
    }) : () -> ()
    %add3A_3 = arith.constant 320000 : i32
    %add3A_4 = arith.addi %add3A_3, %mul3A_2 : i32
    "tpu.region"() ({
      %run_scoped3A = tpu.sem_alloc : memref<!tpu.dma_semaphore, #tpu.memory_space<semaphore_mem>>
      %dma_start3A = arith.constant 0 : i32
      %dma_start3A_105 = tpu.memref_slice %arg7[%dma_start3A] : memref<10336xi32, #tpu.memory_space<vmem>> -> memref<10000xi32, #tpu.memory_space<vmem>>
      %dma_start3A_106 = tpu.memref_slice %arg2[%add3A_4] : memref<640000xi32, #tpu.memory_space<hbm>> -> memref<10000xi32, #tpu.memory_space<hbm>>
      %dma_start3A_107 = arith.constant 0 : i32
      %dma_start3A_108 = tpu.memref_slice %arg7[%dma_start3A_107] : memref<10336xi32, #tpu.memory_space<vmem>> -> memref<10000xi32, #tpu.memory_space<vmem>>
      %dma_start3A_109 = tpu.memref_slice %arg2[%add3A_4] : memref<640000xi32, #tpu.memory_space<hbm>> -> memref<10000xi32, #tpu.memory_space<hbm>>
      tpu.enqueue_dma source(%dma_start3A_109 : memref<10000xi32, #tpu.memory_space<hbm>>) target(%dma_start3A_108 : memref<10000xi32, #tpu.memory_space<vmem>>) target_semaphore(%run_scoped3A : memref<!tpu.dma_semaphore, #tpu.memory_space<semaphore_mem>>)
      %dma_wait3A = arith.constant 0 : i32
      %dma_wait3A_110 = tpu.memref_slice %arg7[%dma_wait3A] : memref<10336xi32, #tpu.memory_space<vmem>> -> memref<10000xi32, #tpu.memory_space<vmem>>
      %dma_wait3A_111 = tpu.memref_slice %arg2[%add3A_4] : memref<640000xi32, #tpu.memory_space<hbm>> -> memref<10000xi32, #tpu.memory_space<hbm>>
      %dma_wait3A_112 = arith.constant 0 : i32
      %dma_wait3A_113 = tpu.memref_slice %arg7[%dma_wait3A_112] : memref<10336xi32, #tpu.memory_space<vmem>> -> memref<10000xi32, #tpu.memory_space<vmem>>
      %dma_wait3A_114 = tpu.memref_slice %arg2[%add3A_4] : memref<640000xi32, #tpu.memory_space<hbm>> -> memref<10000xi32, #tpu.memory_space<hbm>>
      tpu.wait_dma2 semaphore(%run_scoped3A : memref<!tpu.dma_semaphore, #tpu.memory_space<semaphore_mem>>) src(%dma_wait3A_114 : memref<10000xi32, #tpu.memory_space<hbm>>) dst(%dma_wait3A_113 : memref<10000xi32, #tpu.memory_space<vmem>>)
      tpu.yield
    }) : () -> ()
    "tpu.region"() ({
      %run_scoped3A = tpu.sem_alloc : memref<!tpu.dma_semaphore, #tpu.memory_space<semaphore_mem>>
      tpu.enqueue_dma source(%arg3 : memref<10240xf32, #tpu.memory_space<hbm>>) target(%arg8 : memref<10240xf32, #tpu.memory_space<vmem>>) target_semaphore(%run_scoped3A : memref<!tpu.dma_semaphore, #tpu.memory_space<semaphore_mem>>)
      tpu.wait_dma2 semaphore(%run_scoped3A : memref<!tpu.dma_semaphore, #tpu.memory_space<semaphore_mem>>) src(%arg3 : memref<10240xf32, #tpu.memory_space<hbm>>) dst(%arg8 : memref<10240xf32, #tpu.memory_space<vmem>>)
      tpu.yield
    }) : () -> ()
    %scan3A = arith.constant 0 : i32
    %scan3A_5 = arith.constant 64 : i32
    %scan3A_6 = arith.addi %scan3A, %scan3A_5 : i32
    %scan3A_7 = arith.constant 1 : i32
    scf.for %scan3A_105 = %scan3A to %scan3A_6 step %scan3A_7  : i32 {
      %broadcast_in_dim3A_106 = arith.constant 0.000000e+00 : f32
      %broadcast_in_dim3A_107 = vector.broadcast %broadcast_in_dim3A_106 : f32 to vector<16xf32>
      %swap3A = arith.index_cast %scan3A_105 : i32 to index
      %swap3A_108 = arith.constant 0 : index
      %swap3A_109 = tpu.vector_load %arg11[%swap3A, %swap3A_108] {strides = array<i32>} : memref<64x128xf32, #tpu.memory_space<vmem>>, vector<16xf32>,
      tpu.vector_store %arg11[%swap3A, %swap3A_108], %broadcast_in_dim3A_107 {strides = array<i32>} : memref<64x128xf32, #tpu.memory_space<vmem>>, vector<16xf32>,
      %broadcast_in_dim3A_110 = arith.constant 0.000000e+00 : f32
      %broadcast_in_dim3A_111 = vector.broadcast %broadcast_in_dim3A_110 : f32 to vector<16xf32>
      %swap3A_112 = arith.index_cast %scan3A_105 : i32 to index
      %swap3A_113 = arith.constant 16 : index
      %swap3A_114 = tpu.vector_load %arg11[%swap3A_112, %swap3A_113] {strides = array<i32>} : memref<64x128xf32, #tpu.memory_space<vmem>>, vector<16xf32>,
      tpu.vector_store %arg11[%swap3A_112, %swap3A_113], %broadcast_in_dim3A_111 {strides = array<i32>} : memref<64x128xf32, #tpu.memory_space<vmem>>, vector<16xf32>,
      %broadcast_in_dim3A_115 = arith.constant 0.000000e+00 : f32
      %broadcast_in_dim3A_116 = vector.broadcast %broadcast_in_dim3A_115 : f32 to vector<16xf32>
      %swap3A_117 = arith.index_cast %scan3A_105 : i32 to index
      %swap3A_118 = arith.constant 32 : index
      %swap3A_119 = tpu.vector_load %arg11[%swap3A_117, %swap3A_118] {strides = array<i32>} : memref<64x128xf32, #tpu.memory_space<vmem>>, vector<16xf32>,
      tpu.vector_store %arg11[%swap3A_117, %swap3A_118], %broadcast_in_dim3A_116 {strides = array<i32>} : memref<64x128xf32, #tpu.memory_space<vmem>>, vector<16xf32>,
      %broadcast_in_dim3A_120 = arith.constant 0.000000e+00 : f32
      %broadcast_in_dim3A_121 = vector.broadcast %broadcast_in_dim3A_120 : f32 to vector<16xf32>
      %swap3A_122 = arith.index_cast %scan3A_105 : i32 to index
      %swap3A_123 = arith.constant 48 : index
      %swap3A_124 = tpu.vector_load %arg11[%swap3A_122, %swap3A_123] {strides = array<i32>} : memref<64x128xf32, #tpu.memory_space<vmem>>, vector<16xf32>,
      tpu.vector_store %arg11[%swap3A_122, %swap3A_123], %broadcast_in_dim3A_121 {strides = array<i32>} : memref<64x128xf32, #tpu.memory_space<vmem>>, vector<16xf32>,
      %broadcast_in_dim3A_125 = arith.constant 0.000000e+00 : f32
      %broadcast_in_dim3A_126 = vector.broadcast %broadcast_in_dim3A_125 : f32 to vector<16xf32>
      %swap3A_127 = arith.index_cast %scan3A_105 : i32 to index
      %swap3A_128 = arith.constant 64 : index
      %swap3A_129 = tpu.vector_load %arg11[%swap3A_127, %swap3A_128] {strides = array<i32>} : memref<64x128xf32, #tpu.memory_space<vmem>>, vector<16xf32>,
      tpu.vector_store %arg11[%swap3A_127, %swap3A_128], %broadcast_in_dim3A_126 {strides = array<i32>} : memref<64x128xf32, #tpu.memory_space<vmem>>, vector<16xf32>,
      %broadcast_in_dim3A_130 = arith.constant 0.000000e+00 : f32
      %broadcast_in_dim3A_131 = vector.broadcast %broadcast_in_dim3A_130 : f32 to vector<16xf32>
      %swap3A_132 = arith.index_cast %scan3A_105 : i32 to index
      %swap3A_133 = arith.constant 80 : index
      %swap3A_134 = tpu.vector_load %arg11[%swap3A_132, %swap3A_133] {strides = array<i32>} : memref<64x128xf32, #tpu.memory_space<vmem>>, vector<16xf32>,
      tpu.vector_store %arg11[%swap3A_132, %swap3A_133], %broadcast_in_dim3A_131 {strides = array<i32>} : memref<64x128xf32, #tpu.memory_space<vmem>>, vector<16xf32>,
      %broadcast_in_dim3A_135 = arith.constant 0.000000e+00 : f32
      %broadcast_in_dim3A_136 = vector.broadcast %broadcast_in_dim3A_135 : f32 to vector<16xf32>
      %swap3A_137 = arith.index_cast %scan3A_105 : i32 to index
      %swap3A_138 = arith.constant 96 : index
      %swap3A_139 = tpu.vector_load %arg11[%swap3A_137, %swap3A_138] {strides = array<i32>} : memref<64x128xf32, #tpu.memory_space<vmem>>, vector<16xf32>,
      tpu.vector_store %arg11[%swap3A_137, %swap3A_138], %broadcast_in_dim3A_136 {strides = array<i32>} : memref<64x128xf32, #tpu.memory_space<vmem>>, vector<16xf32>,
      %broadcast_in_dim3A_140 = arith.constant 0.000000e+00 : f32
      %broadcast_in_dim3A_141 = vector.broadcast %broadcast_in_dim3A_140 : f32 to vector<16xf32>
      %swap3A_142 = arith.index_cast %scan3A_105 : i32 to index
      %swap3A_143 = arith.constant 112 : index
      %swap3A_144 = tpu.vector_load %arg11[%swap3A_142, %swap3A_143] {strides = array<i32>} : memref<64x128xf32, #tpu.memory_space<vmem>>, vector<16xf32>,
      tpu.vector_store %arg11[%swap3A_142, %swap3A_143], %broadcast_in_dim3A_141 {strides = array<i32>} : memref<64x128xf32, #tpu.memory_space<vmem>>, vector<16xf32>,
    }
    %scan3A_8 = arith.constant 64 : i32
    %mul3A_9 = arith.constant 640 : i32
    %mul3A_10 = arith.muli %arg1, %mul3A_9 : i32
    %add3A_11 = arith.constant 0 : i32
    %add3A_12 = arith.addi %mul3A_10, %add3A_11 : i32
    "tpu.region"() ({
      %run_scoped3A = tpu.sem_alloc : memref<!tpu.dma_semaphore, #tpu.memory_space<semaphore_mem>>
      %dma_start3A = arith.constant 0 : i32
      %dma_start3A_105 = tpu.memref_slice %arg12[%add3A_12, %dma_start3A] : memref<10240x128xf32, #tpu.memory_space<vmem_shared>> -> memref<64x128xf32, #tpu.memory_space<vmem_shared>>
      %dma_start3A_106 = arith.constant 0 : i32
      %dma_start3A_107 = tpu.memref_slice %arg12[%add3A_12, %dma_start3A_106] : memref<10240x128xf32, #tpu.memory_space<vmem_shared>> -> memref<64x128xf32, #tpu.memory_space<vmem_shared>>
      tpu.enqueue_dma source(%arg11 : memref<64x128xf32, #tpu.memory_space<vmem>>) target(%dma_start3A_107 : memref<64x128xf32, #tpu.memory_space<vmem_shared>>) target_semaphore(%run_scoped3A : memref<!tpu.dma_semaphore, #tpu.memory_space<semaphore_mem>>)
      %dma_wait3A = arith.constant 0 : i32
      %dma_wait3A_108 = tpu.memref_slice %arg12[%add3A_12, %dma_wait3A] : memref<10240x128xf32, #tpu.memory_space<vmem_shared>> -> memref<64x128xf32, #tpu.memory_space<vmem_shared>>
      %dma_wait3A_109 = arith.constant 0 : i32
      %dma_wait3A_110 = tpu.memref_slice %arg12[%add3A_12, %dma_wait3A_109] : memref<10240x128xf32, #tpu.memory_space<vmem_shared>> -> memref<64x128xf32, #tpu.memory_space<vmem_shared>>
      tpu.wait_dma2 semaphore(%run_scoped3A : memref<!tpu.dma_semaphore, #tpu.memory_space<semaphore_mem>>) src(%arg11 : memref<64x128xf32, #tpu.memory_space<vmem>>) dst(%dma_wait3A_110 : memref<64x128xf32, #tpu.memory_space<vmem_shared>>)
      tpu.yield
    }) : () -> ()
    %mul3A_13 = arith.constant 640 : i32
    %mul3A_14 = arith.muli %arg1, %mul3A_13 : i32
    %add3A_15 = arith.constant 64 : i32
    %add3A_16 = arith.addi %mul3A_14, %add3A_15 : i32
    "tpu.region"() ({
      %run_scoped3A = tpu.sem_alloc : memref<!tpu.dma_semaphore, #tpu.memory_space<semaphore_mem>>
      %dma_start3A = arith.constant 0 : i32
      %dma_start3A_105 = tpu.memref_slice %arg12[%add3A_16, %dma_start3A] : memref<10240x128xf32, #tpu.memory_space<vmem_shared>> -> memref<64x128xf32, #tpu.memory_space<vmem_shared>>
      %dma_start3A_106 = arith.constant 0 : i32
      %dma_start3A_107 = tpu.memref_slice %arg12[%add3A_16, %dma_start3A_106] : memref<10240x128xf32, #tpu.memory_space<vmem_shared>> -> memref<64x128xf32, #tpu.memory_space<vmem_shared>>
      tpu.enqueue_dma source(%arg11 : memref<64x128xf32, #tpu.memory_space<vmem>>) target(%dma_start3A_107 : memref<64x128xf32, #tpu.memory_space<vmem_shared>>) target_semaphore(%run_scoped3A : memref<!tpu.dma_semaphore, #tpu.memory_space<semaphore_mem>>)
      %dma_wait3A = arith.constant 0 : i32
      %dma_wait3A_108 = tpu.memref_slice %arg12[%add3A_16, %dma_wait3A] : memref<10240x128xf32, #tpu.memory_space<vmem_shared>> -> memref<64x128xf32, #tpu.memory_space<vmem_shared>>
      %dma_wait3A_109 = arith.constant 0 : i32
      %dma_wait3A_110 = tpu.memref_slice %arg12[%add3A_16, %dma_wait3A_109] : memref<10240x128xf32, #tpu.memory_space<vmem_shared>> -> memref<64x128xf32, #tpu.memory_space<vmem_shared>>
      tpu.wait_dma2 semaphore(%run_scoped3A : memref<!tpu.dma_semaphore, #tpu.memory_space<semaphore_mem>>) src(%arg11 : memref<64x128xf32, #tpu.memory_space<vmem>>) dst(%dma_wait3A_110 : memref<64x128xf32, #tpu.memory_space<vmem_shared>>)
      tpu.yield
    }) : () -> ()
    %mul3A_17 = arith.constant 640 : i32
    %mul3A_18 = arith.muli %arg1, %mul3A_17 : i32
    %add3A_19 = arith.constant 128 : i32
    %add3A_20 = arith.addi %mul3A_18, %add3A_19 : i32
    "tpu.region"() ({
      %run_scoped3A = tpu.sem_alloc : memref<!tpu.dma_semaphore, #tpu.memory_space<semaphore_mem>>
      %dma_start3A = arith.constant 0 : i32
      %dma_start3A_105 = tpu.memref_slice %arg12[%add3A_20, %dma_start3A] : memref<10240x128xf32, #tpu.memory_space<vmem_shared>> -> memref<64x128xf32, #tpu.memory_space<vmem_shared>>
      %dma_start3A_106 = arith.constant 0 : i32
      %dma_start3A_107 = tpu.memref_slice %arg12[%add3A_20, %dma_start3A_106] : memref<10240x128xf32, #tpu.memory_space<vmem_shared>> -> memref<64x128xf32, #tpu.memory_space<vmem_shared>>
      tpu.enqueue_dma source(%arg11 : memref<64x128xf32, #tpu.memory_space<vmem>>) target(%dma_start3A_107 : memref<64x128xf32, #tpu.memory_space<vmem_shared>>) target_semaphore(%run_scoped3A : memref<!tpu.dma_semaphore, #tpu.memory_space<semaphore_mem>>)
      %dma_wait3A = arith.constant 0 : i32
      %dma_wait3A_108 = tpu.memref_slice %arg12[%add3A_20, %dma_wait3A] : memref<10240x128xf32, #tpu.memory_space<vmem_shared>> -> memref<64x128xf32, #tpu.memory_space<vmem_shared>>
      %dma_wait3A_109 = arith.constant 0 : i32
      %dma_wait3A_110 = tpu.memref_slice %arg12[%add3A_20, %dma_wait3A_109] : memref<10240x128xf32, #tpu.memory_space<vmem_shared>> -> memref<64x128xf32, #tpu.memory_space<vmem_shared>>
      tpu.wait_dma2 semaphore(%run_scoped3A : memref<!tpu.dma_semaphore, #tpu.memory_space<semaphore_mem>>) src(%arg11 : memref<64x128xf32, #tpu.memory_space<vmem>>) dst(%dma_wait3A_110 : memref<64x128xf32, #tpu.memory_space<vmem_shared>>)
      tpu.yield
    }) : () -> ()
    %mul3A_21 = arith.constant 640 : i32
    %mul3A_22 = arith.muli %arg1, %mul3A_21 : i32
    %add3A_23 = arith.constant 192 : i32
    %add3A_24 = arith.addi %mul3A_22, %add3A_23 : i32
    "tpu.region"() ({
      %run_scoped3A = tpu.sem_alloc : memref<!tpu.dma_semaphore, #tpu.memory_space<semaphore_mem>>
      %dma_start3A = arith.constant 0 : i32
      %dma_start3A_105 = tpu.memref_slice %arg12[%add3A_24, %dma_start3A] : memref<10240x128xf32, #tpu.memory_space<vmem_shared>> -> memref<64x128xf32, #tpu.memory_space<vmem_shared>>
      %dma_start3A_106 = arith.constant 0 : i32
      %dma_start3A_107 = tpu.memref_slice %arg12[%add3A_24, %dma_start3A_106] : memref<10240x128xf32, #tpu.memory_space<vmem_shared>> -> memref<64x128xf32, #tpu.memory_space<vmem_shared>>
      tpu.enqueue_dma source(%arg11 : memref<64x128xf32, #tpu.memory_space<vmem>>) target(%dma_start3A_107 : memref<64x128xf32, #tpu.memory_space<vmem_shared>>) target_semaphore(%run_scoped3A : memref<!tpu.dma_semaphore, #tpu.memory_space<semaphore_mem>>)
      %dma_wait3A = arith.constant 0 : i32
      %dma_wait3A_108 = tpu.memref_slice %arg12[%add3A_24, %dma_wait3A] : memref<10240x128xf32, #tpu.memory_space<vmem_shared>> -> memref<64x128xf32, #tpu.memory_space<vmem_shared>>
      %dma_wait3A_109 = arith.constant 0 : i32
      %dma_wait3A_110 = tpu.memref_slice %arg12[%add3A_24, %dma_wait3A_109] : memref<10240x128xf32, #tpu.memory_space<vmem_shared>> -> memref<64x128xf32, #tpu.memory_space<vmem_shared>>
      tpu.wait_dma2 semaphore(%run_scoped3A : memref<!tpu.dma_semaphore, #tpu.memory_space<semaphore_mem>>) src(%arg11 : memref<64x128xf32, #tpu.memory_space<vmem>>) dst(%dma_wait3A_110 : memref<64x128xf32, #tpu.memory_space<vmem_shared>>)
      tpu.yield
    }) : () -> ()
    %mul3A_25 = arith.constant 640 : i32
    %mul3A_26 = arith.muli %arg1, %mul3A_25 : i32
    %add3A_27 = arith.constant 256 : i32
    %add3A_28 = arith.addi %mul3A_26, %add3A_27 : i32
    "tpu.region"() ({
      %run_scoped3A = tpu.sem_alloc : memref<!tpu.dma_semaphore, #tpu.memory_space<semaphore_mem>>
      %dma_start3A = arith.constant 0 : i32
      %dma_start3A_105 = tpu.memref_slice %arg12[%add3A_28, %dma_start3A] : memref<10240x128xf32, #tpu.memory_space<vmem_shared>> -> memref<64x128xf32, #tpu.memory_space<vmem_shared>>
      %dma_start3A_106 = arith.constant 0 : i32
      %dma_start3A_107 = tpu.memref_slice %arg12[%add3A_28, %dma_start3A_106] : memref<10240x128xf32, #tpu.memory_space<vmem_shared>> -> memref<64x128xf32, #tpu.memory_space<vmem_shared>>
      tpu.enqueue_dma source(%arg11 : memref<64x128xf32, #tpu.memory_space<vmem>>) target(%dma_start3A_107 : memref<64x128xf32, #tpu.memory_space<vmem_shared>>) target_semaphore(%run_scoped3A : memref<!tpu.dma_semaphore, #tpu.memory_space<semaphore_mem>>)
      %dma_wait3A = arith.constant 0 : i32
      %dma_wait3A_108 = tpu.memref_slice %arg12[%add3A_28, %dma_wait3A] : memref<10240x128xf32, #tpu.memory_space<vmem_shared>> -> memref<64x128xf32, #tpu.memory_space<vmem_shared>>
      %dma_wait3A_109 = arith.constant 0 : i32
      %dma_wait3A_110 = tpu.memref_slice %arg12[%add3A_28, %dma_wait3A_109] : memref<10240x128xf32, #tpu.memory_space<vmem_shared>> -> memref<64x128xf32, #tpu.memory_space<vmem_shared>>
      tpu.wait_dma2 semaphore(%run_scoped3A : memref<!tpu.dma_semaphore, #tpu.memory_space<semaphore_mem>>) src(%arg11 : memref<64x128xf32, #tpu.memory_space<vmem>>) dst(%dma_wait3A_110 : memref<64x128xf32, #tpu.memory_space<vmem_shared>>)
      tpu.yield
    }) : () -> ()
    %mul3A_29 = arith.constant 640 : i32
    %mul3A_30 = arith.muli %arg1, %mul3A_29 : i32
    %add3A_31 = arith.constant 320 : i32
    %add3A_32 = arith.addi %mul3A_30, %add3A_31 : i32
    "tpu.region"() ({
      %run_scoped3A = tpu.sem_alloc : memref<!tpu.dma_semaphore, #tpu.memory_space<semaphore_mem>>
      %dma_start3A = arith.constant 0 : i32
      %dma_start3A_105 = tpu.memref_slice %arg12[%add3A_32, %dma_start3A] : memref<10240x128xf32, #tpu.memory_space<vmem_shared>> -> memref<64x128xf32, #tpu.memory_space<vmem_shared>>
      %dma_start3A_106 = arith.constant 0 : i32
      %dma_start3A_107 = tpu.memref_slice %arg12[%add3A_32, %dma_start3A_106] : memref<10240x128xf32, #tpu.memory_space<vmem_shared>> -> memref<64x128xf32, #tpu.memory_space<vmem_shared>>
      tpu.enqueue_dma source(%arg11 : memref<64x128xf32, #tpu.memory_space<vmem>>) target(%dma_start3A_107 : memref<64x128xf32, #tpu.memory_space<vmem_shared>>) target_semaphore(%run_scoped3A : memref<!tpu.dma_semaphore, #tpu.memory_space<semaphore_mem>>)
      %dma_wait3A = arith.constant 0 : i32
      %dma_wait3A_108 = tpu.memref_slice %arg12[%add3A_32, %dma_wait3A] : memref<10240x128xf32, #tpu.memory_space<vmem_shared>> -> memref<64x128xf32, #tpu.memory_space<vmem_shared>>
      %dma_wait3A_109 = arith.constant 0 : i32
      %dma_wait3A_110 = tpu.memref_slice %arg12[%add3A_32, %dma_wait3A_109] : memref<10240x128xf32, #tpu.memory_space<vmem_shared>> -> memref<64x128xf32, #tpu.memory_space<vmem_shared>>
      tpu.wait_dma2 semaphore(%run_scoped3A : memref<!tpu.dma_semaphore, #tpu.memory_space<semaphore_mem>>) src(%arg11 : memref<64x128xf32, #tpu.memory_space<vmem>>) dst(%dma_wait3A_110 : memref<64x128xf32, #tpu.memory_space<vmem_shared>>)
      tpu.yield
    }) : () -> ()
    %mul3A_33 = arith.constant 640 : i32
    %mul3A_34 = arith.muli %arg1, %mul3A_33 : i32
    %add3A_35 = arith.constant 384 : i32
    %add3A_36 = arith.addi %mul3A_34, %add3A_35 : i32
    "tpu.region"() ({
      %run_scoped3A = tpu.sem_alloc : memref<!tpu.dma_semaphore, #tpu.memory_space<semaphore_mem>>
      %dma_start3A = arith.constant 0 : i32
      %dma_start3A_105 = tpu.memref_slice %arg12[%add3A_36, %dma_start3A] : memref<10240x128xf32, #tpu.memory_space<vmem_shared>> -> memref<64x128xf32, #tpu.memory_space<vmem_shared>>
      %dma_start3A_106 = arith.constant 0 : i32
      %dma_start3A_107 = tpu.memref_slice %arg12[%add3A_36, %dma_start3A_106] : memref<10240x128xf32, #tpu.memory_space<vmem_shared>> -> memref<64x128xf32, #tpu.memory_space<vmem_shared>>
      tpu.enqueue_dma source(%arg11 : memref<64x128xf32, #tpu.memory_space<vmem>>) target(%dma_start3A_107 : memref<64x128xf32, #tpu.memory_space<vmem_shared>>) target_semaphore(%run_scoped3A : memref<!tpu.dma_semaphore, #tpu.memory_space<semaphore_mem>>)
      %dma_wait3A = arith.constant 0 : i32
      %dma_wait3A_108 = tpu.memref_slice %arg12[%add3A_36, %dma_wait3A] : memref<10240x128xf32, #tpu.memory_space<vmem_shared>> -> memref<64x128xf32, #tpu.memory_space<vmem_shared>>
      %dma_wait3A_109 = arith.constant 0 : i32
      %dma_wait3A_110 = tpu.memref_slice %arg12[%add3A_36, %dma_wait3A_109] : memref<10240x128xf32, #tpu.memory_space<vmem_shared>> -> memref<64x128xf32, #tpu.memory_space<vmem_shared>>
      tpu.wait_dma2 semaphore(%run_scoped3A : memref<!tpu.dma_semaphore, #tpu.memory_space<semaphore_mem>>) src(%arg11 : memref<64x128xf32, #tpu.memory_space<vmem>>) dst(%dma_wait3A_110 : memref<64x128xf32, #tpu.memory_space<vmem_shared>>)
      tpu.yield
    }) : () -> ()
    %mul3A_37 = arith.constant 640 : i32
    %mul3A_38 = arith.muli %arg1, %mul3A_37 : i32
    %add3A_39 = arith.constant 448 : i32
    %add3A_40 = arith.addi %mul3A_38, %add3A_39 : i32
    "tpu.region"() ({
      %run_scoped3A = tpu.sem_alloc : memref<!tpu.dma_semaphore, #tpu.memory_space<semaphore_mem>>
      %dma_start3A = arith.constant 0 : i32
      %dma_start3A_105 = tpu.memref_slice %arg12[%add3A_40, %dma_start3A] : memref<10240x128xf32, #tpu.memory_space<vmem_shared>> -> memref<64x128xf32, #tpu.memory_space<vmem_shared>>
      %dma_start3A_106 = arith.constant 0 : i32
      %dma_start3A_107 = tpu.memref_slice %arg12[%add3A_40, %dma_start3A_106] : memref<10240x128xf32, #tpu.memory_space<vmem_shared>> -> memref<64x128xf32, #tpu.memory_space<vmem_shared>>
      tpu.enqueue_dma source(%arg11 : memref<64x128xf32, #tpu.memory_space<vmem>>) target(%dma_start3A_107 : memref<64x128xf32, #tpu.memory_space<vmem_shared>>) target_semaphore(%run_scoped3A : memref<!tpu.dma_semaphore, #tpu.memory_space<semaphore_mem>>)
      %dma_wait3A = arith.constant 0 : i32
      %dma_wait3A_108 = tpu.memref_slice %arg12[%add3A_40, %dma_wait3A] : memref<10240x128xf32, #tpu.memory_space<vmem_shared>> -> memref<64x128xf32, #tpu.memory_space<vmem_shared>>
      %dma_wait3A_109 = arith.constant 0 : i32
      %dma_wait3A_110 = tpu.memref_slice %arg12[%add3A_40, %dma_wait3A_109] : memref<10240x128xf32, #tpu.memory_space<vmem_shared>> -> memref<64x128xf32, #tpu.memory_space<vmem_shared>>
      tpu.wait_dma2 semaphore(%run_scoped3A : memref<!tpu.dma_semaphore, #tpu.memory_space<semaphore_mem>>) src(%arg11 : memref<64x128xf32, #tpu.memory_space<vmem>>) dst(%dma_wait3A_110 : memref<64x128xf32, #tpu.memory_space<vmem_shared>>)
      tpu.yield
    }) : () -> ()
    %mul3A_41 = arith.constant 640 : i32
    %mul3A_42 = arith.muli %arg1, %mul3A_41 : i32
    %add3A_43 = arith.constant 512 : i32
    %add3A_44 = arith.addi %mul3A_42, %add3A_43 : i32
    "tpu.region"() ({
      %run_scoped3A = tpu.sem_alloc : memref<!tpu.dma_semaphore, #tpu.memory_space<semaphore_mem>>
      %dma_start3A = arith.constant 0 : i32
      %dma_start3A_105 = tpu.memref_slice %arg12[%add3A_44, %dma_start3A] : memref<10240x128xf32, #tpu.memory_space<vmem_shared>> -> memref<64x128xf32, #tpu.memory_space<vmem_shared>>
      %dma_start3A_106 = arith.constant 0 : i32
      %dma_start3A_107 = tpu.memref_slice %arg12[%add3A_44, %dma_start3A_106] : memref<10240x128xf32, #tpu.memory_space<vmem_shared>> -> memref<64x128xf32, #tpu.memory_space<vmem_shared>>
      tpu.enqueue_dma source(%arg11 : memref<64x128xf32, #tpu.memory_space<vmem>>) target(%dma_start3A_107 : memref<64x128xf32, #tpu.memory_space<vmem_shared>>) target_semaphore(%run_scoped3A : memref<!tpu.dma_semaphore, #tpu.memory_space<semaphore_mem>>)
      %dma_wait3A = arith.constant 0 : i32
      %dma_wait3A_108 = tpu.memref_slice %arg12[%add3A_44, %dma_wait3A] : memref<10240x128xf32, #tpu.memory_space<vmem_shared>> -> memref<64x128xf32, #tpu.memory_space<vmem_shared>>
      %dma_wait3A_109 = arith.constant 0 : i32
      %dma_wait3A_110 = tpu.memref_slice %arg12[%add3A_44, %dma_wait3A_109] : memref<10240x128xf32, #tpu.memory_space<vmem_shared>> -> memref<64x128xf32, #tpu.memory_space<vmem_shared>>
      tpu.wait_dma2 semaphore(%run_scoped3A : memref<!tpu.dma_semaphore, #tpu.memory_space<semaphore_mem>>) src(%arg11 : memref<64x128xf32, #tpu.memory_space<vmem>>) dst(%dma_wait3A_110 : memref<64x128xf32, #tpu.memory_space<vmem_shared>>)
      tpu.yield
    }) : () -> ()
    %mul3A_45 = arith.constant 640 : i32
    %mul3A_46 = arith.muli %arg1, %mul3A_45 : i32
    %add3A_47 = arith.constant 576 : i32
    %add3A_48 = arith.addi %mul3A_46, %add3A_47 : i32
    "tpu.region"() ({
      %run_scoped3A = tpu.sem_alloc : memref<!tpu.dma_semaphore, #tpu.memory_space<semaphore_mem>>
      %dma_start3A = arith.constant 0 : i32
      %dma_start3A_105 = tpu.memref_slice %arg12[%add3A_48, %dma_start3A] : memref<10240x128xf32, #tpu.memory_space<vmem_shared>> -> memref<64x128xf32, #tpu.memory_space<vmem_shared>>
      %dma_start3A_106 = arith.constant 0 : i32
      %dma_start3A_107 = tpu.memref_slice %arg12[%add3A_48, %dma_start3A_106] : memref<10240x128xf32, #tpu.memory_space<vmem_shared>> -> memref<64x128xf32, #tpu.memory_space<vmem_shared>>
      tpu.enqueue_dma source(%arg11 : memref<64x128xf32, #tpu.memory_space<vmem>>) target(%dma_start3A_107 : memref<64x128xf32, #tpu.memory_space<vmem_shared>>) target_semaphore(%run_scoped3A : memref<!tpu.dma_semaphore, #tpu.memory_space<semaphore_mem>>)
      %dma_wait3A = arith.constant 0 : i32
      %dma_wait3A_108 = tpu.memref_slice %arg12[%add3A_48, %dma_wait3A] : memref<10240x128xf32, #tpu.memory_space<vmem_shared>> -> memref<64x128xf32, #tpu.memory_space<vmem_shared>>
      %dma_wait3A_109 = arith.constant 0 : i32
      %dma_wait3A_110 = tpu.memref_slice %arg12[%add3A_48, %dma_wait3A_109] : memref<10240x128xf32, #tpu.memory_space<vmem_shared>> -> memref<64x128xf32, #tpu.memory_space<vmem_shared>>
      tpu.wait_dma2 semaphore(%run_scoped3A : memref<!tpu.dma_semaphore, #tpu.memory_space<semaphore_mem>>) src(%arg11 : memref<64x128xf32, #tpu.memory_space<vmem>>) dst(%dma_wait3A_110 : memref<64x128xf32, #tpu.memory_space<vmem_shared>>)
      tpu.yield
    }) : () -> ()
    %barrier3A = arith.constant 0 : index
    tpu.barrier barrier_id(%barrier3A)
    %broadcast_in_dim3A = arith.constant 0 : i32
    %broadcast_in_dim3A_49 = vector.broadcast %broadcast_in_dim3A : i32 to vector<16xi32>
    %parallel_loop3A = arith.constant 0 : i32
    %parallel_loop3A_50 = arith.constant 10000 : i32
    %parallel_loop3A_51 = arith.constant 16 : i32
    %parallel_loop3A_52 = scf.for %parallel_loop3A_105 = %parallel_loop3A to %parallel_loop3A_50 step %parallel_loop3A_51 iter_args(%parallel_loop3A_106 = %broadcast_in_dim3A_49) -> (vector<16xi32>)  : i32 {
      %parallel_loop3A_107 = arith.index_cast %parallel_loop3A_105 : i32 to index
      %parallel_loop3A_108 = tpu.vector_load %arg6[%parallel_loop3A_107] {strides = array<i32>} : memref<10336xi32, #tpu.memory_space<vmem>>, vector<16xi32>,
      %parallel_loop3A_109 = arith.index_cast %parallel_loop3A_105 : i32 to index
      %parallel_loop3A_110 = tpu.vector_load %arg7[%parallel_loop3A_109] {strides = array<i32>} : memref<10336xi32, #tpu.memory_space<vmem>>, vector<16xi32>,
      %parallel_loop3A_111 = tpu.vector_load_idx %arg8[%parallel_loop3A_110] : memref<10240xf32, #tpu.memory_space<vmem>>[vector<16xi32>], vector<16xf32>,
      %parallel_loop3A_112 = arith.constant 0.000000e+00 : f32
      %parallel_loop3A_113 = vector.broadcast %parallel_loop3A_112 : f32 to vector<16xf32>
      %parallel_loop3A_114 = arith.cmpf olt, %parallel_loop3A_111, %parallel_loop3A_113 : vector<16xf32>
      %parallel_loop3A_115 = arith.extui %parallel_loop3A_114 : vector<16xi1> to vector<16xi32>
      %parallel_loop3A_116 = arith.constant true
      %parallel_loop3A_117 = vector.broadcast %parallel_loop3A_116 : i1 to vector<16xi1>
      %parallel_loop3A_118 = tpu.scan <sum>, %parallel_loop3A_115 masked %parallel_loop3A_117 : vector<16xi32>, vector<16xi1> -> vector<16xi32>
      %parallel_loop3A_119 = arith.addi %parallel_loop3A_106, %parallel_loop3A_118 : vector<16xi32>
      %parallel_loop3A_120 = arith.constant 1 : i32
      %parallel_loop3A_121 = vector.broadcast %parallel_loop3A_120 : i32 to vector<16xi32>
      %parallel_loop3A_122 = arith.subi %parallel_loop3A_119, %parallel_loop3A_121 : vector<16xi32>
      tpu.vector_store_idx %arg6[%parallel_loop3A_122], %parallel_loop3A_108 masked %parallel_loop3A_114 : memref<10336xi32, #tpu.memory_space<vmem>>[vector<16xi32>], vector<16xi32>, vector<16xi1>
      tpu.vector_store_idx %arg7[%parallel_loop3A_122], %parallel_loop3A_110 masked %parallel_loop3A_114 : memref<10336xi32, #tpu.memory_space<vmem>>[vector<16xi32>], vector<16xi32>, vector<16xi1>
      %parallel_loop3A_123 = tpu.all_reduce %parallel_loop3A_114 {dim = 0 : i64, kind = #tpu.reduction_kind<sum>} : vector<16xi1> -> vector<16xi32>
      %parallel_loop3A_124 = arith.addi %parallel_loop3A_106, %parallel_loop3A_123 : vector<16xi32>
      scf.yield %parallel_loop3A_124 : vector<16xi32>
    } {sc.loop_unroll_factor = 8 : i64, sc.parallel_access}
    %mul3A_53 = arith.constant 320 : i32
    %mul3A_54 = arith.muli %add3A, %mul3A_53 : i32
    %scan3A_55 = arith.constant 0 : i32
    %scan3A_56 = arith.constant 20 : i32
    %scan3A_57 = arith.addi %scan3A_55, %scan3A_56 : i32
    %scan3A_58 = arith.constant 1 : i32
    %scan3A_59 = scf.for %scan3A_105 = %scan3A_55 to %scan3A_57 step %scan3A_58 iter_args(%scan3A_106 = %parallel_loop3A_52) -> (vector<16xi32>)  : i32 {
      %mul3A_107 = arith.constant 16 : i32
      %mul3A_108 = arith.muli %scan3A_105, %mul3A_107 : i32
      %add3A_109 = arith.addi %mul3A_54, %mul3A_108 : i32
      %iota3A_110 = tpu.iota {dimensions = array<i32: 0>} : vector<16xi32>
      %add3A_111 = vector.broadcast %add3A_109 : i32 to vector<16xi32>
      %add3A_112 = arith.addi %add3A_111, %iota3A_110 : vector<16xi32>
      %gather3A = tpu.vector_load_idx %arg8[%add3A_112] : memref<10240xf32, #tpu.memory_space<vmem>>[vector<16xi32>], vector<16xf32>,
      %lt3A = arith.constant 0.000000e+00 : f32
      %lt3A_113 = vector.broadcast %lt3A : f32 to vector<16xf32>
      %lt3A_114 = arith.cmpf olt, %gather3A, %lt3A_113 : vector<16xf32>
      %convert_element_type3A = arith.extui %lt3A_114 : vector<16xi1> to vector<16xi32>
      %broadcast_in_dim3A_115 = arith.constant true
      %broadcast_in_dim3A_116 = vector.broadcast %broadcast_in_dim3A_115 : i1 to vector<16xi1>
      %masked_cumsum3A = tpu.scan <sum>, %convert_element_type3A masked %broadcast_in_dim3A_116 : vector<16xi32>, vector<16xi1> -> vector<16xi32>
      %add3A_117 = arith.addi %scan3A_106, %masked_cumsum3A : vector<16xi32>
      %sub3A_118 = arith.constant 1 : i32
      %sub3A_119 = vector.broadcast %sub3A_118 : i32 to vector<16xi32>
      %sub3A_120 = arith.subi %add3A_117, %sub3A_119 : vector<16xi32>
      tpu.vector_store_idx %arg6[%sub3A_120], %add3A_112 masked %lt3A_114 : memref<10336xi32, #tpu.memory_space<vmem>>[vector<16xi32>], vector<16xi32>, vector<16xi1>
      tpu.vector_store_idx %arg7[%sub3A_120], %add3A_112 masked %lt3A_114 : memref<10336xi32, #tpu.memory_space<vmem>>[vector<16xi32>], vector<16xi32>, vector<16xi1>
      %all_reduce_population_count3A = tpu.all_reduce %lt3A_114 {dim = 0 : i64, kind = #tpu.reduction_kind<sum>} : vector<16xi1> -> vector<16xi32>
      %add3A_121 = arith.addi %scan3A_106, %all_reduce_population_count3A : vector<16xi32>
      scf.yield %add3A_121 : vector<16xi32>
    }
    %scan3A_60 = arith.constant 20 : i32
    %reduce_max3A = arith.constant true
    %reduce_max3A_61 = vector.broadcast %reduce_max3A : i1 to vector<16xi1>
    %reduce_max3A_62 = arith.constant -2147483648 : i32
    %reduce_max3A_63 = vector.broadcast %reduce_max3A_62 : i32 to vector<16xi32>
    %reduce_max3A_64 = arith.xori %scan3A_59, %reduce_max3A_63 : vector<16xi32>
    %reduce_max3A_65 = tpu.scan <max>, %reduce_max3A_64 masked %reduce_max3A_61 : vector<16xi32>, vector<16xi1> -> vector<16xi32>
    %reduce_max3A_66 = arith.xori %reduce_max3A_65, %reduce_max3A_63 : vector<16xi32>
    %reduce_max3A_67 = vector.extract %reduce_max3A_66[15] : i32 from vector<16xi32>
    %iota3A = tpu.iota {dimensions = array<i32: 0>} : vector<16xi32>
    %add3A_68 = vector.broadcast %reduce_max3A_67 : i32 to vector<16xi32>
    %add3A_69 = arith.addi %add3A_68, %iota3A : vector<16xi32>
    %broadcast_in_dim3A_70 = arith.constant 0 : i32
    %broadcast_in_dim3A_71 = vector.broadcast %broadcast_in_dim3A_70 : i32 to vector<16xi32>
    tpu.vector_store_idx %arg6[%add3A_69], %broadcast_in_dim3A_71 : memref<10336xi32, #tpu.memory_space<vmem>>[vector<16xi32>], vector<16xi32>,
    %broadcast_in_dim3A_72 = arith.constant 10000 : i32
    %broadcast_in_dim3A_73 = vector.broadcast %broadcast_in_dim3A_72 : i32 to vector<16xi32>
    tpu.vector_store_idx %arg7[%add3A_69], %broadcast_in_dim3A_73 : memref<10336xi32, #tpu.memory_space<vmem>>[vector<16xi32>], vector<16xi32>,
    %add3A_74 = arith.constant 15 : i32
    %add3A_75 = arith.addi %reduce_max3A_67, %add3A_74 : i32
    %jit3A = arith.constant 16 : i32
    %div3A = arith.divsi %add3A_75, %jit3A : i32
    %sign3A = arith.constant 0 : i32
    %sign3A_76 = arith.cmpi sgt, %add3A_75, %sign3A : i32
    %sign3A_77 = arith.extui %sign3A_76 : i1 to i32
    %sign3A_78 = arith.constant 0 : i32
    %sign3A_79 = arith.cmpi slt, %add3A_75, %sign3A_78 : i32
    %sign3A_80 = arith.extui %sign3A_79 : i1 to i32
    %sign3A_81 = arith.subi %sign3A_77, %sign3A_80 : i32
    %sign3A_82 = arith.constant 0 : i32
    %sign3A_83 = arith.cmpi sgt, %jit3A, %sign3A_82 : i32
    %sign3A_84 = arith.extui %sign3A_83 : i1 to i32
    %sign3A_85 = arith.constant 0 : i32
    %sign3A_86 = arith.cmpi slt, %jit3A, %sign3A_85 : i32
    %sign3A_87 = arith.extui %sign3A_86 : i1 to i32
    %sign3A_88 = arith.subi %sign3A_84, %sign3A_87 : i32
    %ne3A = arith.cmpi ne, %sign3A_81, %sign3A_88 : i32
    %rem3A = arith.remsi %add3A_75, %jit3A : i32
    %ne3A_89 = arith.constant 0 : i32
    %ne3A_90 = arith.cmpi ne, %rem3A, %ne3A_89 : i32
    %and3A = arith.andi %ne3A, %ne3A_90 : i1
    %sub3A = arith.constant 1 : i32
    %sub3A_91 = arith.subi %div3A, %sub3A : i32
    %select_n3A = arith.select %and3A, %sub3A_91, %div3A : i32
    %while3A = arith.constant 0 : i32
    %while3A_92 = arith.subi %select_n3A, %while3A : i32
    %while3A_93 = arith.addi %while3A, %while3A_92 : i32
    %while3A_94 = arith.constant 1 : i32
    %while3A_95 = arith.divsi %while3A_92, %while3A_94 : i32
    %while3A_96 = arith.muli %while3A_95, %while3A_94 : i32
    %while3A_97 = arith.addi %while3A, %while3A_96 : i32
    %while3A_98 = arith.constant 1 : i32
    scf.for %while3A_105 = %while3A to %while3A_97 step %while3A_98  : i32 {
      %mul3A_106 = arith.constant 16 : i32
      %mul3A_107 = arith.muli %while3A_105, %mul3A_106 : i32
      %get3A = arith.index_cast %mul3A_107 : i32 to index
      %get3A_108 = tpu.vector_load %arg6[%get3A] {strides = array<i32>} : memref<10336xi32, #tpu.memory_space<vmem>>, vector<16xi32>,
      %mul3A_109 = arith.constant 16 : i32
      %mul3A_110 = arith.muli %while3A_105, %mul3A_109 : i32
      %get3A_111 = arith.index_cast %mul3A_110 : i32 to index
      %get3A_112 = tpu.vector_load %arg7[%get3A_111] {strides = array<i32>} : memref<10336xi32, #tpu.memory_space<vmem>>, vector<16xi32>,
      %gather3A = tpu.vector_load_idx %arg8[%get3A_108] : memref<10240xf32, #tpu.memory_space<vmem>>[vector<16xi32>], vector<16xf32>,
      %gather3A_113 = tpu.vector_load_idx %arg8[%get3A_112] : memref<10240xf32, #tpu.memory_space<vmem>>[vector<16xi32>], vector<16xf32>,
      %abs3A = math.absf %gather3A : vector<16xf32>
      %abs3A_114 = math.absf %gather3A_113 : vector<16xf32>
      %mul3A_115 = arith.mulf %abs3A, %abs3A_114 : vector<16xf32>
      %swap3A = arith.constant 16 : index
      %swap3A_116 = tpu.vector_load %arg10[%swap3A] {strides = array<i32>} : memref<32xf32, #tpu.memory_space<vmem>>, vector<16xf32>,
      tpu.vector_store %arg10[%swap3A], %mul3A_115 {strides = array<i32>} : memref<32xf32, #tpu.memory_space<vmem>>, vector<16xf32>,
      "tpu.region"() ({
        %run_scoped3A = tpu.sem_alloc : memref<!tpu.dma_semaphore, #tpu.memory_space<semaphore_mem>>
        %dma_start3A = arith.constant 0 : i32
        %dma_start3A_1317 = arith.constant 0 : i32
        %dma_start3A_1318 = tpu.memref_slice %arg4[%dma_start3A, %dma_start3A_1317] : memref<10000x128xf32, #tpu.memory_space<hbm>> -> memref<10000x128xf32, #tpu.memory_space<hbm>>
        tpu.enqueue_indirect_dma source(%dma_start3A_1318 : memref<10000x128xf32, #tpu.memory_space<hbm>>) target(%arg9 : memref<16x128xf32, #tpu.memory_space<vmem>>) offsets(%get3A_108 : vector<16xi32>) semaphore(%run_scoped3A : memref<!tpu.dma_semaphore, #tpu.memory_space<semaphore_mem>>)
        %dma_wait3A = arith.constant 0 : i32
        %dma_wait3A_1319 = arith.constant 0 : i32
        %dma_wait3A_1320 = tpu.memref_slice %arg4[%dma_wait3A, %dma_wait3A_1319] : memref<10000x128xf32, #tpu.memory_space<hbm>> -> memref<10000x128xf32, #tpu.memory_space<hbm>>
        tpu.wait_indirect_dma semaphore(%run_scoped3A : memref<!tpu.dma_semaphore, #tpu.memory_space<semaphore_mem>>) src(%dma_wait3A_1320 : memref<10000x128xf32, #tpu.memory_space<hbm>>) dst(%arg9 : memref<16x128xf32, #tpu.memory_space<vmem>>)
        tpu.yield
      }) : () -> ()
      %broadcast_in_dim3A_117 = arith.constant 16 : i32
      %broadcast_in_dim3A_118 = vector.broadcast %broadcast_in_dim3A_117 : i32 to vector<16xi32>
      %gather3A_119 = tpu.vector_load_idx %arg10[%broadcast_in_dim3A_118] : memref<32xf32, #tpu.memory_space<vmem>>[vector<16xi32>], vector<16xf32>,
      %get3A_120 = arith.constant 0 : i32
      %get3A_121 = arith.index_cast %get3A_120 : i32 to index
      %get3A_122 = arith.constant 0 : index
      %get3A_123 = tpu.vector_load %arg9[%get3A_121, %get3A_122] {strides = array<i32>} : memref<16x128xf32, #tpu.memory_space<vmem>>, vector<16xf32>,
      %mul3A_124 = arith.mulf %get3A_123, %gather3A_119 : vector<16xf32>
      %swap3A_125 = arith.constant 0 : i32
      %swap3A_126 = arith.index_cast %swap3A_125 : i32 to index
      %swap3A_127 = arith.constant 0 : index
      %swap3A_128 = tpu.vector_load %arg9[%swap3A_126, %swap3A_127] {strides = array<i32>} : memref<16x128xf32, #tpu.memory_space<vmem>>, vector<16xf32>,
      tpu.vector_store %arg9[%swap3A_126, %swap3A_127], %mul3A_124 {strides = array<i32>} : memref<16x128xf32, #tpu.memory_space<vmem>>, vector<16xf32>,
      %get3A_129 = arith.constant 0 : i32
      %get3A_130 = arith.index_cast %get3A_129 : i32 to index
      %get3A_131 = arith.constant 16 : index
      %get3A_132 = tpu.vector_load %arg9[%get3A_130, %get3A_131] {strides = array<i32>} : memref<16x128xf32, #tpu.memory_space<vmem>>, vector<16xf32>,
      %mul3A_133 = arith.mulf %get3A_132, %gather3A_119 : vector<16xf32>
      %swap3A_134 = arith.constant 0 : i32
      %swap3A_135 = arith.index_cast %swap3A_134 : i32 to index
      %swap3A_136 = arith.constant 16 : index
      %swap3A_137 = tpu.vector_load %arg9[%swap3A_135, %swap3A_136] {strides = array<i32>} : memref<16x128xf32, #tpu.memory_space<vmem>>, vector<16xf32>,
      tpu.vector_store %arg9[%swap3A_135, %swap3A_136], %mul3A_133 {strides = array<i32>} : memref<16x128xf32, #tpu.memory_space<vmem>>, vector<16xf32>,
      %get3A_138 = arith.constant 0 : i32
      %get3A_139 = arith.index_cast %get3A_138 : i32 to index
      %get3A_140 = arith.constant 32 : index
      %get3A_141 = tpu.vector_load %arg9[%get3A_139, %get3A_140] {strides = array<i32>} : memref<16x128xf32, #tpu.memory_space<vmem>>, vector<16xf32>,
      %mul3A_142 = arith.mulf %get3A_141, %gather3A_119 : vector<16xf32>
      %swap3A_143 = arith.constant 0 : i32
      %swap3A_144 = arith.index_cast %swap3A_143 : i32 to index
      %swap3A_145 = arith.constant 32 : index
      %swap3A_146 = tpu.vector_load %arg9[%swap3A_144, %swap3A_145] {strides = array<i32>} : memref<16x128xf32, #tpu.memory_space<vmem>>, vector<16xf32>,
      tpu.vector_store %arg9[%swap3A_144, %swap3A_145], %mul3A_142 {strides = array<i32>} : memref<16x128xf32, #tpu.memory_space<vmem>>, vector<16xf32>,
      %get3A_147 = arith.constant 0 : i32
      %get3A_148 = arith.index_cast %get3A_147 : i32 to index
      %get3A_149 = arith.constant 48 : index
      %get3A_150 = tpu.vector_load %arg9[%get3A_148, %get3A_149] {strides = array<i32>} : memref<16x128xf32, #tpu.memory_space<vmem>>, vector<16xf32>,
      %mul3A_151 = arith.mulf %get3A_150, %gather3A_119 : vector<16xf32>
      %swap3A_152 = arith.constant 0 : i32
      %swap3A_153 = arith.index_cast %swap3A_152 : i32 to index
      %swap3A_154 = arith.constant 48 : index
      %swap3A_155 = tpu.vector_load %arg9[%swap3A_153, %swap3A_154] {strides = array<i32>} : memref<16x128xf32, #tpu.memory_space<vmem>>, vector<16xf32>,
      tpu.vector_store %arg9[%swap3A_153, %swap3A_154], %mul3A_151 {strides = array<i32>} : memref<16x128xf32, #tpu.memory_space<vmem>>, vector<16xf32>,
      %get3A_156 = arith.constant 0 : i32
      %get3A_157 = arith.index_cast %get3A_156 : i32 to index
      %get3A_158 = arith.constant 64 : index
      %get3A_159 = tpu.vector_load %arg9[%get3A_157, %get3A_158] {strides = array<i32>} : memref<16x128xf32, #tpu.memory_space<vmem>>, vector<16xf32>,
      %mul3A_160 = arith.mulf %get3A_159, %gather3A_119 : vector<16xf32>
      %swap3A_161 = arith.constant 0 : i32
      %swap3A_162 = arith.index_cast %swap3A_161 : i32 to index
      %swap3A_163 = arith.constant 64 : index
      %swap3A_164 = tpu.vector_load %arg9[%swap3A_162, %swap3A_163] {strides = array<i32>} : memref<16x128xf32, #tpu.memory_space<vmem>>, vector<16xf32>,
      tpu.vector_store %arg9[%swap3A_162, %swap3A_163], %mul3A_160 {strides = array<i32>} : memref<16x128xf32, #tpu.memory_space<vmem>>, vector<16xf32>,
      %get3A_165 = arith.constant 0 : i32
      %get3A_166 = arith.index_cast %get3A_165 : i32 to index
      %get3A_167 = arith.constant 80 : index
      %get3A_168 = tpu.vector_load %arg9[%get3A_166, %get3A_167] {strides = array<i32>} : memref<16x128xf32, #tpu.memory_space<vmem>>, vector<16xf32>,
      %mul3A_169 = arith.mulf %get3A_168, %gather3A_119 : vector<16xf32>
      %swap3A_170 = arith.constant 0 : i32
      %swap3A_171 = arith.index_cast %swap3A_170 : i32 to index
      %swap3A_172 = arith.constant 80 : index
      %swap3A_173 = tpu.vector_load %arg9[%swap3A_171, %swap3A_172] {strides = array<i32>} : memref<16x128xf32, #tpu.memory_space<vmem>>, vector<16xf32>,
      tpu.vector_store %arg9[%swap3A_171, %swap3A_172], %mul3A_169 {strides = array<i32>} : memref<16x128xf32, #tpu.memory_space<vmem>>, vector<16xf32>,
      %get3A_174 = arith.constant 0 : i32
      %get3A_175 = arith.index_cast %get3A_174 : i32 to index
      %get3A_176 = arith.constant 96 : index
      %get3A_177 = tpu.vector_load %arg9[%get3A_175, %get3A_176] {strides = array<i32>} : memref<16x128xf32, #tpu.memory_space<vmem>>, vector<16xf32>,
      %mul3A_178 = arith.mulf %get3A_177, %gather3A_119 : vector<16xf32>
      %swap3A_179 = arith.constant 0 : i32
      %swap3A_180 = arith.index_cast %swap3A_179 : i32 to index
      %swap3A_181 = arith.constant 96 : index
      %swap3A_182 = tpu.vector_load %arg9[%swap3A_180, %swap3A_181] {strides = array<i32>} : memref<16x128xf32, #tpu.memory_space<vmem>>, vector<16xf32>,
      tpu.vector_store %arg9[%swap3A_180, %swap3A_181], %mul3A_178 {strides = array<i32>} : memref<16x128xf32, #tpu.memory_space<vmem>>, vector<16xf32>,
      %get3A_183 = arith.constant 0 : i32
      %get3A_184 = arith.index_cast %get3A_183 : i32 to index
      %get3A_185 = arith.constant 112 : index
      %get3A_186 = tpu.vector_load %arg9[%get3A_184, %get3A_185] {strides = array<i32>} : memref<16x128xf32, #tpu.memory_space<vmem>>, vector<16xf32>,
      %mul3A_187 = arith.mulf %get3A_186, %gather3A_119 : vector<16xf32>
      %swap3A_188 = arith.constant 0 : i32
      %swap3A_189 = arith.index_cast %swap3A_188 : i32 to index
      %swap3A_190 = arith.constant 112 : index
      %swap3A_191 = tpu.vector_load %arg9[%swap3A_189, %swap3A_190] {strides = array<i32>} : memref<16x128xf32, #tpu.memory_space<vmem>>, vector<16xf32>,
      tpu.vector_store %arg9[%swap3A_189, %swap3A_190], %mul3A_187 {strides = array<i32>} : memref<16x128xf32, #tpu.memory_space<vmem>>, vector<16xf32>,
      %broadcast_in_dim3A_192 = arith.constant 17 : i32
      %broadcast_in_dim3A_193 = vector.broadcast %broadcast_in_dim3A_192 : i32 to vector<16xi32>
      %gather3A_194 = tpu.vector_load_idx %arg10[%broadcast_in_dim3A_193] : memref<32xf32, #tpu.memory_space<vmem>>[vector<16xi32>], vector<16xf32>,
      %get3A_195 = arith.constant 1 : i32
      %get3A_196 = arith.index_cast %get3A_195 : i32 to index
      %get3A_197 = arith.constant 0 : index
      %get3A_198 = tpu.vector_load %arg9[%get3A_196, %get3A_197] {strides = array<i32>} : memref<16x128xf32, #tpu.memory_space<vmem>>, vector<16xf32>,
      %mul3A_199 = arith.mulf %get3A_198, %gather3A_194 : vector<16xf32>
      %swap3A_200 = arith.constant 1 : i32
      %swap3A_201 = arith.index_cast %swap3A_200 : i32 to index
      %swap3A_202 = arith.constant 0 : index
      %swap3A_203 = tpu.vector_load %arg9[%swap3A_201, %swap3A_202] {strides = array<i32>} : memref<16x128xf32, #tpu.memory_space<vmem>>, vector<16xf32>,
      tpu.vector_store %arg9[%swap3A_201, %swap3A_202], %mul3A_199 {strides = array<i32>} : memref<16x128xf32, #tpu.memory_space<vmem>>, vector<16xf32>,
      %get3A_204 = arith.constant 1 : i32
      %get3A_205 = arith.index_cast %get3A_204 : i32 to index
      %get3A_206 = arith.constant 16 : index
      %get3A_207 = tpu.vector_load %arg9[%get3A_205, %get3A_206] {strides = array<i32>} : memref<16x128xf32, #tpu.memory_space<vmem>>, vector<16xf32>,
      %mul3A_208 = arith.mulf %get3A_207, %gather3A_194 : vector<16xf32>
      %swap3A_209 = arith.constant 1 : i32
      %swap3A_210 = arith.index_cast %swap3A_209 : i32 to index
      %swap3A_211 = arith.constant 16 : index
      %swap3A_212 = tpu.vector_load %arg9[%swap3A_210, %swap3A_211] {strides = array<i32>} : memref<16x128xf32, #tpu.memory_space<vmem>>, vector<16xf32>,
      tpu.vector_store %arg9[%swap3A_210, %swap3A_211], %mul3A_208 {strides = array<i32>} : memref<16x128xf32, #tpu.memory_space<vmem>>, vector<16xf32>,
      %get3A_213 = arith.constant 1 : i32
      %get3A_214 = arith.index_cast %get3A_213 : i32 to index
      %get3A_215 = arith.constant 32 : index
      %get3A_216 = tpu.vector_load %arg9[%get3A_214, %get3A_215] {strides = array<i32>} : memref<16x128xf32, #tpu.memory_space<vmem>>, vector<16xf32>,
      %mul3A_217 = arith.mulf %get3A_216, %gather3A_194 : vector<16xf32>
      %swap3A_218 = arith.constant 1 : i32
      %swap3A_219 = arith.index_cast %swap3A_218 : i32 to index
      %swap3A_220 = arith.constant 32 : index
      %swap3A_221 = tpu.vector_load %arg9[%swap3A_219, %swap3A_220] {strides = array<i32>} : memref<16x128xf32, #tpu.memory_space<vmem>>, vector<16xf32>,
      tpu.vector_store %arg9[%swap3A_219, %swap3A_220], %mul3A_217 {strides = array<i32>} : memref<16x128xf32, #tpu.memory_space<vmem>>, vector<16xf32>,
      %get3A_222 = arith.constant 1 : i32
      %get3A_223 = arith.index_cast %get3A_222 : i32 to index
      %get3A_224 = arith.constant 48 : index
      %get3A_225 = tpu.vector_load %arg9[%get3A_223, %get3A_224] {strides = array<i32>} : memref<16x128xf32, #tpu.memory_space<vmem>>, vector<16xf32>,
      %mul3A_226 = arith.mulf %get3A_225, %gather3A_194 : vector<16xf32>
      %swap3A_227 = arith.constant 1 : i32
      %swap3A_228 = arith.index_cast %swap3A_227 : i32 to index
      %swap3A_229 = arith.constant 48 : index
      %swap3A_230 = tpu.vector_load %arg9[%swap3A_228, %swap3A_229] {strides = array<i32>} : memref<16x128xf32, #tpu.memory_space<vmem>>, vector<16xf32>,
      tpu.vector_store %arg9[%swap3A_228, %swap3A_229], %mul3A_226 {strides = array<i32>} : memref<16x128xf32, #tpu.memory_space<vmem>>, vector<16xf32>,
      %get3A_231 = arith.constant 1 : i32
      %get3A_232 = arith.index_cast %get3A_231 : i32 to index
      %get3A_233 = arith.constant 64 : index
      %get3A_234 = tpu.vector_load %arg9[%get3A_232, %get3A_233] {strides = array<i32>} : memref<16x128xf32, #tpu.memory_space<vmem>>, vector<16xf32>,
      %mul3A_235 = arith.mulf %get3A_234, %gather3A_194 : vector<16xf32>
      %swap3A_236 = arith.constant 1 : i32
      %swap3A_237 = arith.index_cast %swap3A_236 : i32 to index
      %swap3A_238 = arith.constant 64 : index
      %swap3A_239 = tpu.vector_load %arg9[%swap3A_237, %swap3A_238] {strides = array<i32>} : memref<16x128xf32, #tpu.memory_space<vmem>>, vector<16xf32>,
      tpu.vector_store %arg9[%swap3A_237, %swap3A_238], %mul3A_235 {strides = array<i32>} : memref<16x128xf32, #tpu.memory_space<vmem>>, vector<16xf32>,
      %get3A_240 = arith.constant 1 : i32
      %get3A_241 = arith.index_cast %get3A_240 : i32 to index
      %get3A_242 = arith.constant 80 : index
      %get3A_243 = tpu.vector_load %arg9[%get3A_241, %get3A_242] {strides = array<i32>} : memref<16x128xf32, #tpu.memory_space<vmem>>, vector<16xf32>,
      %mul3A_244 = arith.mulf %get3A_243, %gather3A_194 : vector<16xf32>
      %swap3A_245 = arith.constant 1 : i32
      %swap3A_246 = arith.index_cast %swap3A_245 : i32 to index
      %swap3A_247 = arith.constant 80 : index
      %swap3A_248 = tpu.vector_load %arg9[%swap3A_246, %swap3A_247] {strides = array<i32>} : memref<16x128xf32, #tpu.memory_space<vmem>>, vector<16xf32>,
      tpu.vector_store %arg9[%swap3A_246, %swap3A_247], %mul3A_244 {strides = array<i32>} : memref<16x128xf32, #tpu.memory_space<vmem>>, vector<16xf32>,
      %get3A_249 = arith.constant 1 : i32
      %get3A_250 = arith.index_cast %get3A_249 : i32 to index
      %get3A_251 = arith.constant 96 : index
      %get3A_252 = tpu.vector_load %arg9[%get3A_250, %get3A_251] {strides = array<i32>} : memref<16x128xf32, #tpu.memory_space<vmem>>, vector<16xf32>,
      %mul3A_253 = arith.mulf %get3A_252, %gather3A_194 : vector<16xf32>
      %swap3A_254 = arith.constant 1 : i32
      %swap3A_255 = arith.index_cast %swap3A_254 : i32 to index
      %swap3A_256 = arith.constant 96 : index
      %swap3A_257 = tpu.vector_load %arg9[%swap3A_255, %swap3A_256] {strides = array<i32>} : memref<16x128xf32, #tpu.memory_space<vmem>>, vector<16xf32>,
      tpu.vector_store %arg9[%swap3A_255, %swap3A_256], %mul3A_253 {strides = array<i32>} : memref<16x128xf32, #tpu.memory_space<vmem>>, vector<16xf32>,
      %get3A_258 = arith.constant 1 : i32
      %get3A_259 = arith.index_cast %get3A_258 : i32 to index
      %get3A_260 = arith.constant 112 : index
      %get3A_261 = tpu.vector_load %arg9[%get3A_259, %get3A_260] {strides = array<i32>} : memref<16x128xf32, #tpu.memory_space<vmem>>, vector<16xf32>,
      %mul3A_262 = arith.mulf %get3A_261, %gather3A_194 : vector<16xf32>
      %swap3A_263 = arith.constant 1 : i32
      %swap3A_264 = arith.index_cast %swap3A_263 : i32 to index
      %swap3A_265 = arith.constant 112 : index
      %swap3A_266 = tpu.vector_load %arg9[%swap3A_264, %swap3A_265] {strides = array<i32>} : memref<16x128xf32, #tpu.memory_space<vmem>>, vector<16xf32>,
      tpu.vector_store %arg9[%swap3A_264, %swap3A_265], %mul3A_262 {strides = array<i32>} : memref<16x128xf32, #tpu.memory_space<vmem>>, vector<16xf32>,
      %broadcast_in_dim3A_267 = arith.constant 18 : i32
      %broadcast_in_dim3A_268 = vector.broadcast %broadcast_in_dim3A_267 : i32 to vector<16xi32>
      %gather3A_269 = tpu.vector_load_idx %arg10[%broadcast_in_dim3A_268] : memref<32xf32, #tpu.memory_space<vmem>>[vector<16xi32>], vector<16xf32>,
      %get3A_270 = arith.constant 2 : i32
      %get3A_271 = arith.index_cast %get3A_270 : i32 to index
      %get3A_272 = arith.constant 0 : index
      %get3A_273 = tpu.vector_load %arg9[%get3A_271, %get3A_272] {strides = array<i32>} : memref<16x128xf32, #tpu.memory_space<vmem>>, vector<16xf32>,
      %mul3A_274 = arith.mulf %get3A_273, %gather3A_269 : vector<16xf32>
      %swap3A_275 = arith.constant 2 : i32
      %swap3A_276 = arith.index_cast %swap3A_275 : i32 to index
      %swap3A_277 = arith.constant 0 : index
      %swap3A_278 = tpu.vector_load %arg9[%swap3A_276, %swap3A_277] {strides = array<i32>} : memref<16x128xf32, #tpu.memory_space<vmem>>, vector<16xf32>,
      tpu.vector_store %arg9[%swap3A_276, %swap3A_277], %mul3A_274 {strides = array<i32>} : memref<16x128xf32, #tpu.memory_space<vmem>>, vector<16xf32>,
      %get3A_279 = arith.constant 2 : i32
      %get3A_280 = arith.index_cast %get3A_279 : i32 to index
      %get3A_281 = arith.constant 16 : index
      %get3A_282 = tpu.vector_load %arg9[%get3A_280, %get3A_281] {strides = array<i32>} : memref<16x128xf32, #tpu.memory_space<vmem>>, vector<16xf32>,
      %mul3A_283 = arith.mulf %get3A_282, %gather3A_269 : vector<16xf32>
      %swap3A_284 = arith.constant 2 : i32
      %swap3A_285 = arith.index_cast %swap3A_284 : i32 to index
      %swap3A_286 = arith.constant 16 : index
      %swap3A_287 = tpu.vector_load %arg9[%swap3A_285, %swap3A_286] {strides = array<i32>} : memref<16x128xf32, #tpu.memory_space<vmem>>, vector<16xf32>,
      tpu.vector_store %arg9[%swap3A_285, %swap3A_286], %mul3A_283 {strides = array<i32>} : memref<16x128xf32, #tpu.memory_space<vmem>>, vector<16xf32>,
      %get3A_288 = arith.constant 2 : i32
      %get3A_289 = arith.index_cast %get3A_288 : i32 to index
      %get3A_290 = arith.constant 32 : index
      %get3A_291 = tpu.vector_load %arg9[%get3A_289, %get3A_290] {strides = array<i32>} : memref<16x128xf32, #tpu.memory_space<vmem>>, vector<16xf32>,
      %mul3A_292 = arith.mulf %get3A_291, %gather3A_269 : vector<16xf32>
      %swap3A_293 = arith.constant 2 : i32
      %swap3A_294 = arith.index_cast %swap3A_293 : i32 to index
      %swap3A_295 = arith.constant 32 : index
      %swap3A_296 = tpu.vector_load %arg9[%swap3A_294, %swap3A_295] {strides = array<i32>} : memref<16x128xf32, #tpu.memory_space<vmem>>, vector<16xf32>,
      tpu.vector_store %arg9[%swap3A_294, %swap3A_295], %mul3A_292 {strides = array<i32>} : memref<16x128xf32, #tpu.memory_space<vmem>>, vector<16xf32>,
      %get3A_297 = arith.constant 2 : i32
      %get3A_298 = arith.index_cast %get3A_297 : i32 to index
      %get3A_299 = arith.constant 48 : index
      %get3A_300 = tpu.vector_load %arg9[%get3A_298, %get3A_299] {strides = array<i32>} : memref<16x128xf32, #tpu.memory_space<vmem>>, vector<16xf32>,
      %mul3A_301 = arith.mulf %get3A_300, %gather3A_269 : vector<16xf32>
      %swap3A_302 = arith.constant 2 : i32
      %swap3A_303 = arith.index_cast %swap3A_302 : i32 to index
      %swap3A_304 = arith.constant 48 : index
      %swap3A_305 = tpu.vector_load %arg9[%swap3A_303, %swap3A_304] {strides = array<i32>} : memref<16x128xf32, #tpu.memory_space<vmem>>, vector<16xf32>,
      tpu.vector_store %arg9[%swap3A_303, %swap3A_304], %mul3A_301 {strides = array<i32>} : memref<16x128xf32, #tpu.memory_space<vmem>>, vector<16xf32>,
      %get3A_306 = arith.constant 2 : i32
      %get3A_307 = arith.index_cast %get3A_306 : i32 to index
      %get3A_308 = arith.constant 64 : index
      %get3A_309 = tpu.vector_load %arg9[%get3A_307, %get3A_308] {strides = array<i32>} : memref<16x128xf32, #tpu.memory_space<vmem>>, vector<16xf32>,
      %mul3A_310 = arith.mulf %get3A_309, %gather3A_269 : vector<16xf32>
      %swap3A_311 = arith.constant 2 : i32
      %swap3A_312 = arith.index_cast %swap3A_311 : i32 to index
      %swap3A_313 = arith.constant 64 : index
      %swap3A_314 = tpu.vector_load %arg9[%swap3A_312, %swap3A_313] {strides = array<i32>} : memref<16x128xf32, #tpu.memory_space<vmem>>, vector<16xf32>,
      tpu.vector_store %arg9[%swap3A_312, %swap3A_313], %mul3A_310 {strides = array<i32>} : memref<16x128xf32, #tpu.memory_space<vmem>>, vector<16xf32>,
      %get3A_315 = arith.constant 2 : i32
      %get3A_316 = arith.index_cast %get3A_315 : i32 to index
      %get3A_317 = arith.constant 80 : index
      %get3A_318 = tpu.vector_load %arg9[%get3A_316, %get3A_317] {strides = array<i32>} : memref<16x128xf32, #tpu.memory_space<vmem>>, vector<16xf32>,
      %mul3A_319 = arith.mulf %get3A_318, %gather3A_269 : vector<16xf32>
      %swap3A_320 = arith.constant 2 : i32
      %swap3A_321 = arith.index_cast %swap3A_320 : i32 to index
      %swap3A_322 = arith.constant 80 : index
      %swap3A_323 = tpu.vector_load %arg9[%swap3A_321, %swap3A_322] {strides = array<i32>} : memref<16x128xf32, #tpu.memory_space<vmem>>, vector<16xf32>,
      tpu.vector_store %arg9[%swap3A_321, %swap3A_322], %mul3A_319 {strides = array<i32>} : memref<16x128xf32, #tpu.memory_space<vmem>>, vector<16xf32>,
      %get3A_324 = arith.constant 2 : i32
      %get3A_325 = arith.index_cast %get3A_324 : i32 to index
      %get3A_326 = arith.constant 96 : index
      %get3A_327 = tpu.vector_load %arg9[%get3A_325, %get3A_326] {strides = array<i32>} : memref<16x128xf32, #tpu.memory_space<vmem>>, vector<16xf32>,
      %mul3A_328 = arith.mulf %get3A_327, %gather3A_269 : vector<16xf32>
      %swap3A_329 = arith.constant 2 : i32
      %swap3A_330 = arith.index_cast %swap3A_329 : i32 to index
      %swap3A_331 = arith.constant 96 : index
      %swap3A_332 = tpu.vector_load %arg9[%swap3A_330, %swap3A_331] {strides = array<i32>} : memref<16x128xf32, #tpu.memory_space<vmem>>, vector<16xf32>,
      tpu.vector_store %arg9[%swap3A_330, %swap3A_331], %mul3A_328 {strides = array<i32>} : memref<16x128xf32, #tpu.memory_space<vmem>>, vector<16xf32>,
      %get3A_333 = arith.constant 2 : i32
      %get3A_334 = arith.index_cast %get3A_333 : i32 to index
      %get3A_335 = arith.constant 112 : index
      %get3A_336 = tpu.vector_load %arg9[%get3A_334, %get3A_335] {strides = array<i32>} : memref<16x128xf32, #tpu.memory_space<vmem>>, vector<16xf32>,
      %mul3A_337 = arith.mulf %get3A_336, %gather3A_269 : vector<16xf32>
      %swap3A_338 = arith.constant 2 : i32
      %swap3A_339 = arith.index_cast %swap3A_338 : i32 to index
      %swap3A_340 = arith.constant 112 : index
      %swap3A_341 = tpu.vector_load %arg9[%swap3A_339, %swap3A_340] {strides = array<i32>} : memref<16x128xf32, #tpu.memory_space<vmem>>, vector<16xf32>,
      tpu.vector_store %arg9[%swap3A_339, %swap3A_340], %mul3A_337 {strides = array<i32>} : memref<16x128xf32, #tpu.memory_space<vmem>>, vector<16xf32>,
      %broadcast_in_dim3A_342 = arith.constant 19 : i32
      %broadcast_in_dim3A_343 = vector.broadcast %broadcast_in_dim3A_342 : i32 to vector<16xi32>
      %gather3A_344 = tpu.vector_load_idx %arg10[%broadcast_in_dim3A_343] : memref<32xf32, #tpu.memory_space<vmem>>[vector<16xi32>], vector<16xf32>,
      %get3A_345 = arith.constant 3 : i32
      %get3A_346 = arith.index_cast %get3A_345 : i32 to index
      %get3A_347 = arith.constant 0 : index
      %get3A_348 = tpu.vector_load %arg9[%get3A_346, %get3A_347] {strides = array<i32>} : memref<16x128xf32, #tpu.memory_space<vmem>>, vector<16xf32>,
      %mul3A_349 = arith.mulf %get3A_348, %gather3A_344 : vector<16xf32>
      %swap3A_350 = arith.constant 3 : i32
      %swap3A_351 = arith.index_cast %swap3A_350 : i32 to index
      %swap3A_352 = arith.constant 0 : index
      %swap3A_353 = tpu.vector_load %arg9[%swap3A_351, %swap3A_352] {strides = array<i32>} : memref<16x128xf32, #tpu.memory_space<vmem>>, vector<16xf32>,
      tpu.vector_store %arg9[%swap3A_351, %swap3A_352], %mul3A_349 {strides = array<i32>} : memref<16x128xf32, #tpu.memory_space<vmem>>, vector<16xf32>,
      %get3A_354 = arith.constant 3 : i32
      %get3A_355 = arith.index_cast %get3A_354 : i32 to index
      %get3A_356 = arith.constant 16 : index
      %get3A_357 = tpu.vector_load %arg9[%get3A_355, %get3A_356] {strides = array<i32>} : memref<16x128xf32, #tpu.memory_space<vmem>>, vector<16xf32>,
      %mul3A_358 = arith.mulf %get3A_357, %gather3A_344 : vector<16xf32>
      %swap3A_359 = arith.constant 3 : i32
      %swap3A_360 = arith.index_cast %swap3A_359 : i32 to index
      %swap3A_361 = arith.constant 16 : index
      %swap3A_362 = tpu.vector_load %arg9[%swap3A_360, %swap3A_361] {strides = array<i32>} : memref<16x128xf32, #tpu.memory_space<vmem>>, vector<16xf32>,
      tpu.vector_store %arg9[%swap3A_360, %swap3A_361], %mul3A_358 {strides = array<i32>} : memref<16x128xf32, #tpu.memory_space<vmem>>, vector<16xf32>,
      %get3A_363 = arith.constant 3 : i32
      %get3A_364 = arith.index_cast %get3A_363 : i32 to index
      %get3A_365 = arith.constant 32 : index
      %get3A_366 = tpu.vector_load %arg9[%get3A_364, %get3A_365] {strides = array<i32>} : memref<16x128xf32, #tpu.memory_space<vmem>>, vector<16xf32>,
      %mul3A_367 = arith.mulf %get3A_366, %gather3A_344 : vector<16xf32>
      %swap3A_368 = arith.constant 3 : i32
      %swap3A_369 = arith.index_cast %swap3A_368 : i32 to index
      %swap3A_370 = arith.constant 32 : index
      %swap3A_371 = tpu.vector_load %arg9[%swap3A_369, %swap3A_370] {strides = array<i32>} : memref<16x128xf32, #tpu.memory_space<vmem>>, vector<16xf32>,
      tpu.vector_store %arg9[%swap3A_369, %swap3A_370], %mul3A_367 {strides = array<i32>} : memref<16x128xf32, #tpu.memory_space<vmem>>, vector<16xf32>,
      %get3A_372 = arith.constant 3 : i32
      %get3A_373 = arith.index_cast %get3A_372 : i32 to index
      %get3A_374 = arith.constant 48 : index
      %get3A_375 = tpu.vector_load %arg9[%get3A_373, %get3A_374] {strides = array<i32>} : memref<16x128xf32, #tpu.memory_space<vmem>>, vector<16xf32>,
      %mul3A_376 = arith.mulf %get3A_375, %gather3A_344 : vector<16xf32>
      %swap3A_377 = arith.constant 3 : i32
      %swap3A_378 = arith.index_cast %swap3A_377 : i32 to index
      %swap3A_379 = arith.constant 48 : index
      %swap3A_380 = tpu.vector_load %arg9[%swap3A_378, %swap3A_379] {strides = array<i32>} : memref<16x128xf32, #tpu.memory_space<vmem>>, vector<16xf32>,
      tpu.vector_store %arg9[%swap3A_378, %swap3A_379], %mul3A_376 {strides = array<i32>} : memref<16x128xf32, #tpu.memory_space<vmem>>, vector<16xf32>,
      %get3A_381 = arith.constant 3 : i32
      %get3A_382 = arith.index_cast %get3A_381 : i32 to index
      %get3A_383 = arith.constant 64 : index
      %get3A_384 = tpu.vector_load %arg9[%get3A_382, %get3A_383] {strides = array<i32>} : memref<16x128xf32, #tpu.memory_space<vmem>>, vector<16xf32>,
      %mul3A_385 = arith.mulf %get3A_384, %gather3A_344 : vector<16xf32>
      %swap3A_386 = arith.constant 3 : i32
      %swap3A_387 = arith.index_cast %swap3A_386 : i32 to index
      %swap3A_388 = arith.constant 64 : index
      %swap3A_389 = tpu.vector_load %arg9[%swap3A_387, %swap3A_388] {strides = array<i32>} : memref<16x128xf32, #tpu.memory_space<vmem>>, vector<16xf32>,
      tpu.vector_store %arg9[%swap3A_387, %swap3A_388], %mul3A_385 {strides = array<i32>} : memref<16x128xf32, #tpu.memory_space<vmem>>, vector<16xf32>,
      %get3A_390 = arith.constant 3 : i32
      %get3A_391 = arith.index_cast %get3A_390 : i32 to index
      %get3A_392 = arith.constant 80 : index
      %get3A_393 = tpu.vector_load %arg9[%get3A_391, %get3A_392] {strides = array<i32>} : memref<16x128xf32, #tpu.memory_space<vmem>>, vector<16xf32>,
      %mul3A_394 = arith.mulf %get3A_393, %gather3A_344 : vector<16xf32>
      %swap3A_395 = arith.constant 3 : i32
      %swap3A_396 = arith.index_cast %swap3A_395 : i32 to index
      %swap3A_397 = arith.constant 80 : index
      %swap3A_398 = tpu.vector_load %arg9[%swap3A_396, %swap3A_397] {strides = array<i32>} : memref<16x128xf32, #tpu.memory_space<vmem>>, vector<16xf32>,
      tpu.vector_store %arg9[%swap3A_396, %swap3A_397], %mul3A_394 {strides = array<i32>} : memref<16x128xf32, #tpu.memory_space<vmem>>, vector<16xf32>,
      %get3A_399 = arith.constant 3 : i32
      %get3A_400 = arith.index_cast %get3A_399 : i32 to index
      %get3A_401 = arith.constant 96 : index
      %get3A_402 = tpu.vector_load %arg9[%get3A_400, %get3A_401] {strides = array<i32>} : memref<16x128xf32, #tpu.memory_space<vmem>>, vector<16xf32>,
      %mul3A_403 = arith.mulf %get3A_402, %gather3A_344 : vector<16xf32>
      %swap3A_404 = arith.constant 3 : i32
      %swap3A_405 = arith.index_cast %swap3A_404 : i32 to index
      %swap3A_406 = arith.constant 96 : index
      %swap3A_407 = tpu.vector_load %arg9[%swap3A_405, %swap3A_406] {strides = array<i32>} : memref<16x128xf32, #tpu.memory_space<vmem>>, vector<16xf32>,
      tpu.vector_store %arg9[%swap3A_405, %swap3A_406], %mul3A_403 {strides = array<i32>} : memref<16x128xf32, #tpu.memory_space<vmem>>, vector<16xf32>,
      %get3A_408 = arith.constant 3 : i32
      %get3A_409 = arith.index_cast %get3A_408 : i32 to index
      %get3A_410 = arith.constant 112 : index
      %get3A_411 = tpu.vector_load %arg9[%get3A_409, %get3A_410] {strides = array<i32>} : memref<16x128xf32, #tpu.memory_space<vmem>>, vector<16xf32>,
      %mul3A_412 = arith.mulf %get3A_411, %gather3A_344 : vector<16xf32>
      %swap3A_413 = arith.constant 3 : i32
      %swap3A_414 = arith.index_cast %swap3A_413 : i32 to index
      %swap3A_415 = arith.constant 112 : index
      %swap3A_416 = tpu.vector_load %arg9[%swap3A_414, %swap3A_415] {strides = array<i32>} : memref<16x128xf32, #tpu.memory_space<vmem>>, vector<16xf32>,
      tpu.vector_store %arg9[%swap3A_414, %swap3A_415], %mul3A_412 {strides = array<i32>} : memref<16x128xf32, #tpu.memory_space<vmem>>, vector<16xf32>,
      %broadcast_in_dim3A_417 = arith.constant 20 : i32
      %broadcast_in_dim3A_418 = vector.broadcast %broadcast_in_dim3A_417 : i32 to vector<16xi32>
      %gather3A_419 = tpu.vector_load_idx %arg10[%broadcast_in_dim3A_418] : memref<32xf32, #tpu.memory_space<vmem>>[vector<16xi32>], vector<16xf32>,
      %get3A_420 = arith.constant 4 : i32
      %get3A_421 = arith.index_cast %get3A_420 : i32 to index
      %get3A_422 = arith.constant 0 : index
      %get3A_423 = tpu.vector_load %arg9[%get3A_421, %get3A_422] {strides = array<i32>} : memref<16x128xf32, #tpu.memory_space<vmem>>, vector<16xf32>,
      %mul3A_424 = arith.mulf %get3A_423, %gather3A_419 : vector<16xf32>
      %swap3A_425 = arith.constant 4 : i32
      %swap3A_426 = arith.index_cast %swap3A_425 : i32 to index
      %swap3A_427 = arith.constant 0 : index
      %swap3A_428 = tpu.vector_load %arg9[%swap3A_426, %swap3A_427] {strides = array<i32>} : memref<16x128xf32, #tpu.memory_space<vmem>>, vector<16xf32>,
      tpu.vector_store %arg9[%swap3A_426, %swap3A_427], %mul3A_424 {strides = array<i32>} : memref<16x128xf32, #tpu.memory_space<vmem>>, vector<16xf32>,
      %get3A_429 = arith.constant 4 : i32
      %get3A_430 = arith.index_cast %get3A_429 : i32 to index
      %get3A_431 = arith.constant 16 : index
      %get3A_432 = tpu.vector_load %arg9[%get3A_430, %get3A_431] {strides = array<i32>} : memref<16x128xf32, #tpu.memory_space<vmem>>, vector<16xf32>,
      %mul3A_433 = arith.mulf %get3A_432, %gather3A_419 : vector<16xf32>
      %swap3A_434 = arith.constant 4 : i32
      %swap3A_435 = arith.index_cast %swap3A_434 : i32 to index
      %swap3A_436 = arith.constant 16 : index
      %swap3A_437 = tpu.vector_load %arg9[%swap3A_435, %swap3A_436] {strides = array<i32>} : memref<16x128xf32, #tpu.memory_space<vmem>>, vector<16xf32>,
      tpu.vector_store %arg9[%swap3A_435, %swap3A_436], %mul3A_433 {strides = array<i32>} : memref<16x128xf32, #tpu.memory_space<vmem>>, vector<16xf32>,
      %get3A_438 = arith.constant 4 : i32
      %get3A_439 = arith.index_cast %get3A_438 : i32 to index
      %get3A_440 = arith.constant 32 : index
      %get3A_441 = tpu.vector_load %arg9[%get3A_439, %get3A_440] {strides = array<i32>} : memref<16x128xf32, #tpu.memory_space<vmem>>, vector<16xf32>,
      %mul3A_442 = arith.mulf %get3A_441, %gather3A_419 : vector<16xf32>
      %swap3A_443 = arith.constant 4 : i32
      %swap3A_444 = arith.index_cast %swap3A_443 : i32 to index
      %swap3A_445 = arith.constant 32 : index
      %swap3A_446 = tpu.vector_load %arg9[%swap3A_444, %swap3A_445] {strides = array<i32>} : memref<16x128xf32, #tpu.memory_space<vmem>>, vector<16xf32>,
      tpu.vector_store %arg9[%swap3A_444, %swap3A_445], %mul3A_442 {strides = array<i32>} : memref<16x128xf32, #tpu.memory_space<vmem>>, vector<16xf32>,
      %get3A_447 = arith.constant 4 : i32
      %get3A_448 = arith.index_cast %get3A_447 : i32 to index
      %get3A_449 = arith.constant 48 : index
      %get3A_450 = tpu.vector_load %arg9[%get3A_448, %get3A_449] {strides = array<i32>} : memref<16x128xf32, #tpu.memory_space<vmem>>, vector<16xf32>,
      %mul3A_451 = arith.mulf %get3A_450, %gather3A_419 : vector<16xf32>
      %swap3A_452 = arith.constant 4 : i32
      %swap3A_453 = arith.index_cast %swap3A_452 : i32 to index
      %swap3A_454 = arith.constant 48 : index
      %swap3A_455 = tpu.vector_load %arg9[%swap3A_453, %swap3A_454] {strides = array<i32>} : memref<16x128xf32, #tpu.memory_space<vmem>>, vector<16xf32>,
      tpu.vector_store %arg9[%swap3A_453, %swap3A_454], %mul3A_451 {strides = array<i32>} : memref<16x128xf32, #tpu.memory_space<vmem>>, vector<16xf32>,
      %get3A_456 = arith.constant 4 : i32
      %get3A_457 = arith.index_cast %get3A_456 : i32 to index
      %get3A_458 = arith.constant 64 : index
      %get3A_459 = tpu.vector_load %arg9[%get3A_457, %get3A_458] {strides = array<i32>} : memref<16x128xf32, #tpu.memory_space<vmem>>, vector<16xf32>,
      %mul3A_460 = arith.mulf %get3A_459, %gather3A_419 : vector<16xf32>
      %swap3A_461 = arith.constant 4 : i32
      %swap3A_462 = arith.index_cast %swap3A_461 : i32 to index
      %swap3A_463 = arith.constant 64 : index
      %swap3A_464 = tpu.vector_load %arg9[%swap3A_462, %swap3A_463] {strides = array<i32>} : memref<16x128xf32, #tpu.memory_space<vmem>>, vector<16xf32>,
      tpu.vector_store %arg9[%swap3A_462, %swap3A_463], %mul3A_460 {strides = array<i32>} : memref<16x128xf32, #tpu.memory_space<vmem>>, vector<16xf32>,
      %get3A_465 = arith.constant 4 : i32
      %get3A_466 = arith.index_cast %get3A_465 : i32 to index
      %get3A_467 = arith.constant 80 : index
      %get3A_468 = tpu.vector_load %arg9[%get3A_466, %get3A_467] {strides = array<i32>} : memref<16x128xf32, #tpu.memory_space<vmem>>, vector<16xf32>,
      %mul3A_469 = arith.mulf %get3A_468, %gather3A_419 : vector<16xf32>
      %swap3A_470 = arith.constant 4 : i32
      %swap3A_471 = arith.index_cast %swap3A_470 : i32 to index
      %swap3A_472 = arith.constant 80 : index
      %swap3A_473 = tpu.vector_load %arg9[%swap3A_471, %swap3A_472] {strides = array<i32>} : memref<16x128xf32, #tpu.memory_space<vmem>>, vector<16xf32>,
      tpu.vector_store %arg9[%swap3A_471, %swap3A_472], %mul3A_469 {strides = array<i32>} : memref<16x128xf32, #tpu.memory_space<vmem>>, vector<16xf32>,
      %get3A_474 = arith.constant 4 : i32
      %get3A_475 = arith.index_cast %get3A_474 : i32 to index
      %get3A_476 = arith.constant 96 : index
      %get3A_477 = tpu.vector_load %arg9[%get3A_475, %get3A_476] {strides = array<i32>} : memref<16x128xf32, #tpu.memory_space<vmem>>, vector<16xf32>,
      %mul3A_478 = arith.mulf %get3A_477, %gather3A_419 : vector<16xf32>
      %swap3A_479 = arith.constant 4 : i32
      %swap3A_480 = arith.index_cast %swap3A_479 : i32 to index
      %swap3A_481 = arith.constant 96 : index
      %swap3A_482 = tpu.vector_load %arg9[%swap3A_480, %swap3A_481] {strides = array<i32>} : memref<16x128xf32, #tpu.memory_space<vmem>>, vector<16xf32>,
      tpu.vector_store %arg9[%swap3A_480, %swap3A_481], %mul3A_478 {strides = array<i32>} : memref<16x128xf32, #tpu.memory_space<vmem>>, vector<16xf32>,
      %get3A_483 = arith.constant 4 : i32
      %get3A_484 = arith.index_cast %get3A_483 : i32 to index
      %get3A_485 = arith.constant 112 : index
      %get3A_486 = tpu.vector_load %arg9[%get3A_484, %get3A_485] {strides = array<i32>} : memref<16x128xf32, #tpu.memory_space<vmem>>, vector<16xf32>,
      %mul3A_487 = arith.mulf %get3A_486, %gather3A_419 : vector<16xf32>
      %swap3A_488 = arith.constant 4 : i32
      %swap3A_489 = arith.index_cast %swap3A_488 : i32 to index
      %swap3A_490 = arith.constant 112 : index
      %swap3A_491 = tpu.vector_load %arg9[%swap3A_489, %swap3A_490] {strides = array<i32>} : memref<16x128xf32, #tpu.memory_space<vmem>>, vector<16xf32>,
      tpu.vector_store %arg9[%swap3A_489, %swap3A_490], %mul3A_487 {strides = array<i32>} : memref<16x128xf32, #tpu.memory_space<vmem>>, vector<16xf32>,
      %broadcast_in_dim3A_492 = arith.constant 21 : i32
      %broadcast_in_dim3A_493 = vector.broadcast %broadcast_in_dim3A_492 : i32 to vector<16xi32>
      %gather3A_494 = tpu.vector_load_idx %arg10[%broadcast_in_dim3A_493] : memref<32xf32, #tpu.memory_space<vmem>>[vector<16xi32>], vector<16xf32>,
      %get3A_495 = arith.constant 5 : i32
      %get3A_496 = arith.index_cast %get3A_495 : i32 to index
      %get3A_497 = arith.constant 0 : index
      %get3A_498 = tpu.vector_load %arg9[%get3A_496, %get3A_497] {strides = array<i32>} : memref<16x128xf32, #tpu.memory_space<vmem>>, vector<16xf32>,
      %mul3A_499 = arith.mulf %get3A_498, %gather3A_494 : vector<16xf32>
      %swap3A_500 = arith.constant 5 : i32
      %swap3A_501 = arith.index_cast %swap3A_500 : i32 to index
      %swap3A_502 = arith.constant 0 : index
      %swap3A_503 = tpu.vector_load %arg9[%swap3A_501, %swap3A_502] {strides = array<i32>} : memref<16x128xf32, #tpu.memory_space<vmem>>, vector<16xf32>,
      tpu.vector_store %arg9[%swap3A_501, %swap3A_502], %mul3A_499 {strides = array<i32>} : memref<16x128xf32, #tpu.memory_space<vmem>>, vector<16xf32>,
      %get3A_504 = arith.constant 5 : i32
      %get3A_505 = arith.index_cast %get3A_504 : i32 to index
      %get3A_506 = arith.constant 16 : index
      %get3A_507 = tpu.vector_load %arg9[%get3A_505, %get3A_506] {strides = array<i32>} : memref<16x128xf32, #tpu.memory_space<vmem>>, vector<16xf32>,
      %mul3A_508 = arith.mulf %get3A_507, %gather3A_494 : vector<16xf32>
      %swap3A_509 = arith.constant 5 : i32
      %swap3A_510 = arith.index_cast %swap3A_509 : i32 to index
      %swap3A_511 = arith.constant 16 : index
      %swap3A_512 = tpu.vector_load %arg9[%swap3A_510, %swap3A_511] {strides = array<i32>} : memref<16x128xf32, #tpu.memory_space<vmem>>, vector<16xf32>,
      tpu.vector_store %arg9[%swap3A_510, %swap3A_511], %mul3A_508 {strides = array<i32>} : memref<16x128xf32, #tpu.memory_space<vmem>>, vector<16xf32>,
      %get3A_513 = arith.constant 5 : i32
      %get3A_514 = arith.index_cast %get3A_513 : i32 to index
      %get3A_515 = arith.constant 32 : index
      %get3A_516 = tpu.vector_load %arg9[%get3A_514, %get3A_515] {strides = array<i32>} : memref<16x128xf32, #tpu.memory_space<vmem>>, vector<16xf32>,
      %mul3A_517 = arith.mulf %get3A_516, %gather3A_494 : vector<16xf32>
      %swap3A_518 = arith.constant 5 : i32
      %swap3A_519 = arith.index_cast %swap3A_518 : i32 to index
      %swap3A_520 = arith.constant 32 : index
      %swap3A_521 = tpu.vector_load %arg9[%swap3A_519, %swap3A_520] {strides = array<i32>} : memref<16x128xf32, #tpu.memory_space<vmem>>, vector<16xf32>,
      tpu.vector_store %arg9[%swap3A_519, %swap3A_520], %mul3A_517 {strides = array<i32>} : memref<16x128xf32, #tpu.memory_space<vmem>>, vector<16xf32>,
      %get3A_522 = arith.constant 5 : i32
      %get3A_523 = arith.index_cast %get3A_522 : i32 to index
      %get3A_524 = arith.constant 48 : index
      %get3A_525 = tpu.vector_load %arg9[%get3A_523, %get3A_524] {strides = array<i32>} : memref<16x128xf32, #tpu.memory_space<vmem>>, vector<16xf32>,
      %mul3A_526 = arith.mulf %get3A_525, %gather3A_494 : vector<16xf32>
      %swap3A_527 = arith.constant 5 : i32
      %swap3A_528 = arith.index_cast %swap3A_527 : i32 to index
      %swap3A_529 = arith.constant 48 : index
      %swap3A_530 = tpu.vector_load %arg9[%swap3A_528, %swap3A_529] {strides = array<i32>} : memref<16x128xf32, #tpu.memory_space<vmem>>, vector<16xf32>,
      tpu.vector_store %arg9[%swap3A_528, %swap3A_529], %mul3A_526 {strides = array<i32>} : memref<16x128xf32, #tpu.memory_space<vmem>>, vector<16xf32>,
      %get3A_531 = arith.constant 5 : i32
      %get3A_532 = arith.index_cast %get3A_531 : i32 to index
      %get3A_533 = arith.constant 64 : index
      %get3A_534 = tpu.vector_load %arg9[%get3A_532, %get3A_533] {strides = array<i32>} : memref<16x128xf32, #tpu.memory_space<vmem>>, vector<16xf32>,
      %mul3A_535 = arith.mulf %get3A_534, %gather3A_494 : vector<16xf32>
      %swap3A_536 = arith.constant 5 : i32
      %swap3A_537 = arith.index_cast %swap3A_536 : i32 to index
      %swap3A_538 = arith.constant 64 : index
      %swap3A_539 = tpu.vector_load %arg9[%swap3A_537, %swap3A_538] {strides = array<i32>} : memref<16x128xf32, #tpu.memory_space<vmem>>, vector<16xf32>,
      tpu.vector_store %arg9[%swap3A_537, %swap3A_538], %mul3A_535 {strides = array<i32>} : memref<16x128xf32, #tpu.memory_space<vmem>>, vector<16xf32>,
      %get3A_540 = arith.constant 5 : i32
      %get3A_541 = arith.index_cast %get3A_540 : i32 to index
      %get3A_542 = arith.constant 80 : index
      %get3A_543 = tpu.vector_load %arg9[%get3A_541, %get3A_542] {strides = array<i32>} : memref<16x128xf32, #tpu.memory_space<vmem>>, vector<16xf32>,
      %mul3A_544 = arith.mulf %get3A_543, %gather3A_494 : vector<16xf32>
      %swap3A_545 = arith.constant 5 : i32
      %swap3A_546 = arith.index_cast %swap3A_545 : i32 to index
      %swap3A_547 = arith.constant 80 : index
      %swap3A_548 = tpu.vector_load %arg9[%swap3A_546, %swap3A_547] {strides = array<i32>} : memref<16x128xf32, #tpu.memory_space<vmem>>, vector<16xf32>,
      tpu.vector_store %arg9[%swap3A_546, %swap3A_547], %mul3A_544 {strides = array<i32>} : memref<16x128xf32, #tpu.memory_space<vmem>>, vector<16xf32>,
      %get3A_549 = arith.constant 5 : i32
      %get3A_550 = arith.index_cast %get3A_549 : i32 to index
      %get3A_551 = arith.constant 96 : index
      %get3A_552 = tpu.vector_load %arg9[%get3A_550, %get3A_551] {strides = array<i32>} : memref<16x128xf32, #tpu.memory_space<vmem>>, vector<16xf32>,
      %mul3A_553 = arith.mulf %get3A_552, %gather3A_494 : vector<16xf32>
      %swap3A_554 = arith.constant 5 : i32
      %swap3A_555 = arith.index_cast %swap3A_554 : i32 to index
      %swap3A_556 = arith.constant 96 : index
      %swap3A_557 = tpu.vector_load %arg9[%swap3A_555, %swap3A_556] {strides = array<i32>} : memref<16x128xf32, #tpu.memory_space<vmem>>, vector<16xf32>,
      tpu.vector_store %arg9[%swap3A_555, %swap3A_556], %mul3A_553 {strides = array<i32>} : memref<16x128xf32, #tpu.memory_space<vmem>>, vector<16xf32>,
      %get3A_558 = arith.constant 5 : i32
      %get3A_559 = arith.index_cast %get3A_558 : i32 to index
      %get3A_560 = arith.constant 112 : index
      %get3A_561 = tpu.vector_load %arg9[%get3A_559, %get3A_560] {strides = array<i32>} : memref<16x128xf32, #tpu.memory_space<vmem>>, vector<16xf32>,
      %mul3A_562 = arith.mulf %get3A_561, %gather3A_494 : vector<16xf32>
      %swap3A_563 = arith.constant 5 : i32
      %swap3A_564 = arith.index_cast %swap3A_563 : i32 to index
      %swap3A_565 = arith.constant 112 : index
      %swap3A_566 = tpu.vector_load %arg9[%swap3A_564, %swap3A_565] {strides = array<i32>} : memref<16x128xf32, #tpu.memory_space<vmem>>, vector<16xf32>,
      tpu.vector_store %arg9[%swap3A_564, %swap3A_565], %mul3A_562 {strides = array<i32>} : memref<16x128xf32, #tpu.memory_space<vmem>>, vector<16xf32>,
      %broadcast_in_dim3A_567 = arith.constant 22 : i32
      %broadcast_in_dim3A_568 = vector.broadcast %broadcast_in_dim3A_567 : i32 to vector<16xi32>
      %gather3A_569 = tpu.vector_load_idx %arg10[%broadcast_in_dim3A_568] : memref<32xf32, #tpu.memory_space<vmem>>[vector<16xi32>], vector<16xf32>,
      %get3A_570 = arith.constant 6 : i32
      %get3A_571 = arith.index_cast %get3A_570 : i32 to index
      %get3A_572 = arith.constant 0 : index
      %get3A_573 = tpu.vector_load %arg9[%get3A_571, %get3A_572] {strides = array<i32>} : memref<16x128xf32, #tpu.memory_space<vmem>>, vector<16xf32>,
      %mul3A_574 = arith.mulf %get3A_573, %gather3A_569 : vector<16xf32>
      %swap3A_575 = arith.constant 6 : i32
      %swap3A_576 = arith.index_cast %swap3A_575 : i32 to index
      %swap3A_577 = arith.constant 0 : index
      %swap3A_578 = tpu.vector_load %arg9[%swap3A_576, %swap3A_577] {strides = array<i32>} : memref<16x128xf32, #tpu.memory_space<vmem>>, vector<16xf32>,
      tpu.vector_store %arg9[%swap3A_576, %swap3A_577], %mul3A_574 {strides = array<i32>} : memref<16x128xf32, #tpu.memory_space<vmem>>, vector<16xf32>,
      %get3A_579 = arith.constant 6 : i32
      %get3A_580 = arith.index_cast %get3A_579 : i32 to index
      %get3A_581 = arith.constant 16 : index
      %get3A_582 = tpu.vector_load %arg9[%get3A_580, %get3A_581] {strides = array<i32>} : memref<16x128xf32, #tpu.memory_space<vmem>>, vector<16xf32>,
      %mul3A_583 = arith.mulf %get3A_582, %gather3A_569 : vector<16xf32>
      %swap3A_584 = arith.constant 6 : i32
      %swap3A_585 = arith.index_cast %swap3A_584 : i32 to index
      %swap3A_586 = arith.constant 16 : index
      %swap3A_587 = tpu.vector_load %arg9[%swap3A_585, %swap3A_586] {strides = array<i32>} : memref<16x128xf32, #tpu.memory_space<vmem>>, vector<16xf32>,
      tpu.vector_store %arg9[%swap3A_585, %swap3A_586], %mul3A_583 {strides = array<i32>} : memref<16x128xf32, #tpu.memory_space<vmem>>, vector<16xf32>,
      %get3A_588 = arith.constant 6 : i32
      %get3A_589 = arith.index_cast %get3A_588 : i32 to index
      %get3A_590 = arith.constant 32 : index
      %get3A_591 = tpu.vector_load %arg9[%get3A_589, %get3A_590] {strides = array<i32>} : memref<16x128xf32, #tpu.memory_space<vmem>>, vector<16xf32>,
      %mul3A_592 = arith.mulf %get3A_591, %gather3A_569 : vector<16xf32>
      %swap3A_593 = arith.constant 6 : i32
      %swap3A_594 = arith.index_cast %swap3A_593 : i32 to index
      %swap3A_595 = arith.constant 32 : index
      %swap3A_596 = tpu.vector_load %arg9[%swap3A_594, %swap3A_595] {strides = array<i32>} : memref<16x128xf32, #tpu.memory_space<vmem>>, vector<16xf32>,
      tpu.vector_store %arg9[%swap3A_594, %swap3A_595], %mul3A_592 {strides = array<i32>} : memref<16x128xf32, #tpu.memory_space<vmem>>, vector<16xf32>,
      %get3A_597 = arith.constant 6 : i32
      %get3A_598 = arith.index_cast %get3A_597 : i32 to index
      %get3A_599 = arith.constant 48 : index
      %get3A_600 = tpu.vector_load %arg9[%get3A_598, %get3A_599] {strides = array<i32>} : memref<16x128xf32, #tpu.memory_space<vmem>>, vector<16xf32>,
      %mul3A_601 = arith.mulf %get3A_600, %gather3A_569 : vector<16xf32>
      %swap3A_602 = arith.constant 6 : i32
      %swap3A_603 = arith.index_cast %swap3A_602 : i32 to index
      %swap3A_604 = arith.constant 48 : index
      %swap3A_605 = tpu.vector_load %arg9[%swap3A_603, %swap3A_604] {strides = array<i32>} : memref<16x128xf32, #tpu.memory_space<vmem>>, vector<16xf32>,
      tpu.vector_store %arg9[%swap3A_603, %swap3A_604], %mul3A_601 {strides = array<i32>} : memref<16x128xf32, #tpu.memory_space<vmem>>, vector<16xf32>,
      %get3A_606 = arith.constant 6 : i32
      %get3A_607 = arith.index_cast %get3A_606 : i32 to index
      %get3A_608 = arith.constant 64 : index
      %get3A_609 = tpu.vector_load %arg9[%get3A_607, %get3A_608] {strides = array<i32>} : memref<16x128xf32, #tpu.memory_space<vmem>>, vector<16xf32>,
      %mul3A_610 = arith.mulf %get3A_609, %gather3A_569 : vector<16xf32>
      %swap3A_611 = arith.constant 6 : i32
      %swap3A_612 = arith.index_cast %swap3A_611 : i32 to index
      %swap3A_613 = arith.constant 64 : index
      %swap3A_614 = tpu.vector_load %arg9[%swap3A_612, %swap3A_613] {strides = array<i32>} : memref<16x128xf32, #tpu.memory_space<vmem>>, vector<16xf32>,
      tpu.vector_store %arg9[%swap3A_612, %swap3A_613], %mul3A_610 {strides = array<i32>} : memref<16x128xf32, #tpu.memory_space<vmem>>, vector<16xf32>,
      %get3A_615 = arith.constant 6 : i32
      %get3A_616 = arith.index_cast %get3A_615 : i32 to index
      %get3A_617 = arith.constant 80 : index
      %get3A_618 = tpu.vector_load %arg9[%get3A_616, %get3A_617] {strides = array<i32>} : memref<16x128xf32, #tpu.memory_space<vmem>>, vector<16xf32>,
      %mul3A_619 = arith.mulf %get3A_618, %gather3A_569 : vector<16xf32>
      %swap3A_620 = arith.constant 6 : i32
      %swap3A_621 = arith.index_cast %swap3A_620 : i32 to index
      %swap3A_622 = arith.constant 80 : index
      %swap3A_623 = tpu.vector_load %arg9[%swap3A_621, %swap3A_622] {strides = array<i32>} : memref<16x128xf32, #tpu.memory_space<vmem>>, vector<16xf32>,
      tpu.vector_store %arg9[%swap3A_621, %swap3A_622], %mul3A_619 {strides = array<i32>} : memref<16x128xf32, #tpu.memory_space<vmem>>, vector<16xf32>,
      %get3A_624 = arith.constant 6 : i32
      %get3A_625 = arith.index_cast %get3A_624 : i32 to index
      %get3A_626 = arith.constant 96 : index
      %get3A_627 = tpu.vector_load %arg9[%get3A_625, %get3A_626] {strides = array<i32>} : memref<16x128xf32, #tpu.memory_space<vmem>>, vector<16xf32>,
      %mul3A_628 = arith.mulf %get3A_627, %gather3A_569 : vector<16xf32>
      %swap3A_629 = arith.constant 6 : i32
      %swap3A_630 = arith.index_cast %swap3A_629 : i32 to index
      %swap3A_631 = arith.constant 96 : index
      %swap3A_632 = tpu.vector_load %arg9[%swap3A_630, %swap3A_631] {strides = array<i32>} : memref<16x128xf32, #tpu.memory_space<vmem>>, vector<16xf32>,
      tpu.vector_store %arg9[%swap3A_630, %swap3A_631], %mul3A_628 {strides = array<i32>} : memref<16x128xf32, #tpu.memory_space<vmem>>, vector<16xf32>,
      %get3A_633 = arith.constant 6 : i32
      %get3A_634 = arith.index_cast %get3A_633 : i32 to index
      %get3A_635 = arith.constant 112 : index
      %get3A_636 = tpu.vector_load %arg9[%get3A_634, %get3A_635] {strides = array<i32>} : memref<16x128xf32, #tpu.memory_space<vmem>>, vector<16xf32>,
      %mul3A_637 = arith.mulf %get3A_636, %gather3A_569 : vector<16xf32>
      %swap3A_638 = arith.constant 6 : i32
      %swap3A_639 = arith.index_cast %swap3A_638 : i32 to index
      %swap3A_640 = arith.constant 112 : index
      %swap3A_641 = tpu.vector_load %arg9[%swap3A_639, %swap3A_640] {strides = array<i32>} : memref<16x128xf32, #tpu.memory_space<vmem>>, vector<16xf32>,
      tpu.vector_store %arg9[%swap3A_639, %swap3A_640], %mul3A_637 {strides = array<i32>} : memref<16x128xf32, #tpu.memory_space<vmem>>, vector<16xf32>,
      %broadcast_in_dim3A_642 = arith.constant 23 : i32
      %broadcast_in_dim3A_643 = vector.broadcast %broadcast_in_dim3A_642 : i32 to vector<16xi32>
      %gather3A_644 = tpu.vector_load_idx %arg10[%broadcast_in_dim3A_643] : memref<32xf32, #tpu.memory_space<vmem>>[vector<16xi32>], vector<16xf32>,
      %get3A_645 = arith.constant 7 : i32
      %get3A_646 = arith.index_cast %get3A_645 : i32 to index
      %get3A_647 = arith.constant 0 : index
      %get3A_648 = tpu.vector_load %arg9[%get3A_646, %get3A_647] {strides = array<i32>} : memref<16x128xf32, #tpu.memory_space<vmem>>, vector<16xf32>,
      %mul3A_649 = arith.mulf %get3A_648, %gather3A_644 : vector<16xf32>
      %swap3A_650 = arith.constant 7 : i32
      %swap3A_651 = arith.index_cast %swap3A_650 : i32 to index
      %swap3A_652 = arith.constant 0 : index
      %swap3A_653 = tpu.vector_load %arg9[%swap3A_651, %swap3A_652] {strides = array<i32>} : memref<16x128xf32, #tpu.memory_space<vmem>>, vector<16xf32>,
      tpu.vector_store %arg9[%swap3A_651, %swap3A_652], %mul3A_649 {strides = array<i32>} : memref<16x128xf32, #tpu.memory_space<vmem>>, vector<16xf32>,
      %get3A_654 = arith.constant 7 : i32
      %get3A_655 = arith.index_cast %get3A_654 : i32 to index
      %get3A_656 = arith.constant 16 : index
      %get3A_657 = tpu.vector_load %arg9[%get3A_655, %get3A_656] {strides = array<i32>} : memref<16x128xf32, #tpu.memory_space<vmem>>, vector<16xf32>,
      %mul3A_658 = arith.mulf %get3A_657, %gather3A_644 : vector<16xf32>
      %swap3A_659 = arith.constant 7 : i32
      %swap3A_660 = arith.index_cast %swap3A_659 : i32 to index
      %swap3A_661 = arith.constant 16 : index
      %swap3A_662 = tpu.vector_load %arg9[%swap3A_660, %swap3A_661] {strides = array<i32>} : memref<16x128xf32, #tpu.memory_space<vmem>>, vector<16xf32>,
      tpu.vector_store %arg9[%swap3A_660, %swap3A_661], %mul3A_658 {strides = array<i32>} : memref<16x128xf32, #tpu.memory_space<vmem>>, vector<16xf32>,
      %get3A_663 = arith.constant 7 : i32
      %get3A_664 = arith.index_cast %get3A_663 : i32 to index
      %get3A_665 = arith.constant 32 : index
      %get3A_666 = tpu.vector_load %arg9[%get3A_664, %get3A_665] {strides = array<i32>} : memref<16x128xf32, #tpu.memory_space<vmem>>, vector<16xf32>,
      %mul3A_667 = arith.mulf %get3A_666, %gather3A_644 : vector<16xf32>
      %swap3A_668 = arith.constant 7 : i32
      %swap3A_669 = arith.index_cast %swap3A_668 : i32 to index
      %swap3A_670 = arith.constant 32 : index
      %swap3A_671 = tpu.vector_load %arg9[%swap3A_669, %swap3A_670] {strides = array<i32>} : memref<16x128xf32, #tpu.memory_space<vmem>>, vector<16xf32>,
      tpu.vector_store %arg9[%swap3A_669, %swap3A_670], %mul3A_667 {strides = array<i32>} : memref<16x128xf32, #tpu.memory_space<vmem>>, vector<16xf32>,
      %get3A_672 = arith.constant 7 : i32
      %get3A_673 = arith.index_cast %get3A_672 : i32 to index
      %get3A_674 = arith.constant 48 : index
      %get3A_675 = tpu.vector_load %arg9[%get3A_673, %get3A_674] {strides = array<i32>} : memref<16x128xf32, #tpu.memory_space<vmem>>, vector<16xf32>,
      %mul3A_676 = arith.mulf %get3A_675, %gather3A_644 : vector<16xf32>
      %swap3A_677 = arith.constant 7 : i32
      %swap3A_678 = arith.index_cast %swap3A_677 : i32 to index
      %swap3A_679 = arith.constant 48 : index
      %swap3A_680 = tpu.vector_load %arg9[%swap3A_678, %swap3A_679] {strides = array<i32>} : memref<16x128xf32, #tpu.memory_space<vmem>>, vector<16xf32>,
      tpu.vector_store %arg9[%swap3A_678, %swap3A_679], %mul3A_676 {strides = array<i32>} : memref<16x128xf32, #tpu.memory_space<vmem>>, vector<16xf32>,
      %get3A_681 = arith.constant 7 : i32
      %get3A_682 = arith.index_cast %get3A_681 : i32 to index
      %get3A_683 = arith.constant 64 : index
      %get3A_684 = tpu.vector_load %arg9[%get3A_682, %get3A_683] {strides = array<i32>} : memref<16x128xf32, #tpu.memory_space<vmem>>, vector<16xf32>,
      %mul3A_685 = arith.mulf %get3A_684, %gather3A_644 : vector<16xf32>
      %swap3A_686 = arith.constant 7 : i32
      %swap3A_687 = arith.index_cast %swap3A_686 : i32 to index
      %swap3A_688 = arith.constant 64 : index
      %swap3A_689 = tpu.vector_load %arg9[%swap3A_687, %swap3A_688] {strides = array<i32>} : memref<16x128xf32, #tpu.memory_space<vmem>>, vector<16xf32>,
      tpu.vector_store %arg9[%swap3A_687, %swap3A_688], %mul3A_685 {strides = array<i32>} : memref<16x128xf32, #tpu.memory_space<vmem>>, vector<16xf32>,
      %get3A_690 = arith.constant 7 : i32
      %get3A_691 = arith.index_cast %get3A_690 : i32 to index
      %get3A_692 = arith.constant 80 : index
      %get3A_693 = tpu.vector_load %arg9[%get3A_691, %get3A_692] {strides = array<i32>} : memref<16x128xf32, #tpu.memory_space<vmem>>, vector<16xf32>,
      %mul3A_694 = arith.mulf %get3A_693, %gather3A_644 : vector<16xf32>
      %swap3A_695 = arith.constant 7 : i32
      %swap3A_696 = arith.index_cast %swap3A_695 : i32 to index
      %swap3A_697 = arith.constant 80 : index
      %swap3A_698 = tpu.vector_load %arg9[%swap3A_696, %swap3A_697] {strides = array<i32>} : memref<16x128xf32, #tpu.memory_space<vmem>>, vector<16xf32>,
      tpu.vector_store %arg9[%swap3A_696, %swap3A_697], %mul3A_694 {strides = array<i32>} : memref<16x128xf32, #tpu.memory_space<vmem>>, vector<16xf32>,
      %get3A_699 = arith.constant 7 : i32
      %get3A_700 = arith.index_cast %get3A_699 : i32 to index
      %get3A_701 = arith.constant 96 : index
      %get3A_702 = tpu.vector_load %arg9[%get3A_700, %get3A_701] {strides = array<i32>} : memref<16x128xf32, #tpu.memory_space<vmem>>, vector<16xf32>,
      %mul3A_703 = arith.mulf %get3A_702, %gather3A_644 : vector<16xf32>
      %swap3A_704 = arith.constant 7 : i32
      %swap3A_705 = arith.index_cast %swap3A_704 : i32 to index
      %swap3A_706 = arith.constant 96 : index
      %swap3A_707 = tpu.vector_load %arg9[%swap3A_705, %swap3A_706] {strides = array<i32>} : memref<16x128xf32, #tpu.memory_space<vmem>>, vector<16xf32>,
      tpu.vector_store %arg9[%swap3A_705, %swap3A_706], %mul3A_703 {strides = array<i32>} : memref<16x128xf32, #tpu.memory_space<vmem>>, vector<16xf32>,
      %get3A_708 = arith.constant 7 : i32
      %get3A_709 = arith.index_cast %get3A_708 : i32 to index
      %get3A_710 = arith.constant 112 : index
      %get3A_711 = tpu.vector_load %arg9[%get3A_709, %get3A_710] {strides = array<i32>} : memref<16x128xf32, #tpu.memory_space<vmem>>, vector<16xf32>,
      %mul3A_712 = arith.mulf %get3A_711, %gather3A_644 : vector<16xf32>
      %swap3A_713 = arith.constant 7 : i32
      %swap3A_714 = arith.index_cast %swap3A_713 : i32 to index
      %swap3A_715 = arith.constant 112 : index
      %swap3A_716 = tpu.vector_load %arg9[%swap3A_714, %swap3A_715] {strides = array<i32>} : memref<16x128xf32, #tpu.memory_space<vmem>>, vector<16xf32>,
      tpu.vector_store %arg9[%swap3A_714, %swap3A_715], %mul3A_712 {strides = array<i32>} : memref<16x128xf32, #tpu.memory_space<vmem>>, vector<16xf32>,
      %broadcast_in_dim3A_717 = arith.constant 24 : i32
      %broadcast_in_dim3A_718 = vector.broadcast %broadcast_in_dim3A_717 : i32 to vector<16xi32>
      %gather3A_719 = tpu.vector_load_idx %arg10[%broadcast_in_dim3A_718] : memref<32xf32, #tpu.memory_space<vmem>>[vector<16xi32>], vector<16xf32>,
      %get3A_720 = arith.constant 8 : i32
      %get3A_721 = arith.index_cast %get3A_720 : i32 to index
      %get3A_722 = arith.constant 0 : index
      %get3A_723 = tpu.vector_load %arg9[%get3A_721, %get3A_722] {strides = array<i32>} : memref<16x128xf32, #tpu.memory_space<vmem>>, vector<16xf32>,
      %mul3A_724 = arith.mulf %get3A_723, %gather3A_719 : vector<16xf32>
      %swap3A_725 = arith.constant 8 : i32
      %swap3A_726 = arith.index_cast %swap3A_725 : i32 to index
      %swap3A_727 = arith.constant 0 : index
      %swap3A_728 = tpu.vector_load %arg9[%swap3A_726, %swap3A_727] {strides = array<i32>} : memref<16x128xf32, #tpu.memory_space<vmem>>, vector<16xf32>,
      tpu.vector_store %arg9[%swap3A_726, %swap3A_727], %mul3A_724 {strides = array<i32>} : memref<16x128xf32, #tpu.memory_space<vmem>>, vector<16xf32>,
      %get3A_729 = arith.constant 8 : i32
      %get3A_730 = arith.index_cast %get3A_729 : i32 to index
      %get3A_731 = arith.constant 16 : index
      %get3A_732 = tpu.vector_load %arg9[%get3A_730, %get3A_731] {strides = array<i32>} : memref<16x128xf32, #tpu.memory_space<vmem>>, vector<16xf32>,
      %mul3A_733 = arith.mulf %get3A_732, %gather3A_719 : vector<16xf32>
      %swap3A_734 = arith.constant 8 : i32
      %swap3A_735 = arith.index_cast %swap3A_734 : i32 to index
      %swap3A_736 = arith.constant 16 : index
      %swap3A_737 = tpu.vector_load %arg9[%swap3A_735, %swap3A_736] {strides = array<i32>} : memref<16x128xf32, #tpu.memory_space<vmem>>, vector<16xf32>,
      tpu.vector_store %arg9[%swap3A_735, %swap3A_736], %mul3A_733 {strides = array<i32>} : memref<16x128xf32, #tpu.memory_space<vmem>>, vector<16xf32>,
      %get3A_738 = arith.constant 8 : i32
      %get3A_739 = arith.index_cast %get3A_738 : i32 to index
      %get3A_740 = arith.constant 32 : index
      %get3A_741 = tpu.vector_load %arg9[%get3A_739, %get3A_740] {strides = array<i32>} : memref<16x128xf32, #tpu.memory_space<vmem>>, vector<16xf32>,
      %mul3A_742 = arith.mulf %get3A_741, %gather3A_719 : vector<16xf32>
      %swap3A_743 = arith.constant 8 : i32
      %swap3A_744 = arith.index_cast %swap3A_743 : i32 to index
      %swap3A_745 = arith.constant 32 : index
      %swap3A_746 = tpu.vector_load %arg9[%swap3A_744, %swap3A_745] {strides = array<i32>} : memref<16x128xf32, #tpu.memory_space<vmem>>, vector<16xf32>,
      tpu.vector_store %arg9[%swap3A_744, %swap3A_745], %mul3A_742 {strides = array<i32>} : memref<16x128xf32, #tpu.memory_space<vmem>>, vector<16xf32>,
      %get3A_747 = arith.constant 8 : i32
      %get3A_748 = arith.index_cast %get3A_747 : i32 to index
      %get3A_749 = arith.constant 48 : index
      %get3A_750 = tpu.vector_load %arg9[%get3A_748, %get3A_749] {strides = array<i32>} : memref<16x128xf32, #tpu.memory_space<vmem>>, vector<16xf32>,
      %mul3A_751 = arith.mulf %get3A_750, %gather3A_719 : vector<16xf32>
      %swap3A_752 = arith.constant 8 : i32
      %swap3A_753 = arith.index_cast %swap3A_752 : i32 to index
      %swap3A_754 = arith.constant 48 : index
      %swap3A_755 = tpu.vector_load %arg9[%swap3A_753, %swap3A_754] {strides = array<i32>} : memref<16x128xf32, #tpu.memory_space<vmem>>, vector<16xf32>,
      tpu.vector_store %arg9[%swap3A_753, %swap3A_754], %mul3A_751 {strides = array<i32>} : memref<16x128xf32, #tpu.memory_space<vmem>>, vector<16xf32>,
      %get3A_756 = arith.constant 8 : i32
      %get3A_757 = arith.index_cast %get3A_756 : i32 to index
      %get3A_758 = arith.constant 64 : index
      %get3A_759 = tpu.vector_load %arg9[%get3A_757, %get3A_758] {strides = array<i32>} : memref<16x128xf32, #tpu.memory_space<vmem>>, vector<16xf32>,
      %mul3A_760 = arith.mulf %get3A_759, %gather3A_719 : vector<16xf32>
      %swap3A_761 = arith.constant 8 : i32
      %swap3A_762 = arith.index_cast %swap3A_761 : i32 to index
      %swap3A_763 = arith.constant 64 : index
      %swap3A_764 = tpu.vector_load %arg9[%swap3A_762, %swap3A_763] {strides = array<i32>} : memref<16x128xf32, #tpu.memory_space<vmem>>, vector<16xf32>,
      tpu.vector_store %arg9[%swap3A_762, %swap3A_763], %mul3A_760 {strides = array<i32>} : memref<16x128xf32, #tpu.memory_space<vmem>>, vector<16xf32>,
      %get3A_765 = arith.constant 8 : i32
      %get3A_766 = arith.index_cast %get3A_765 : i32 to index
      %get3A_767 = arith.constant 80 : index
      %get3A_768 = tpu.vector_load %arg9[%get3A_766, %get3A_767] {strides = array<i32>} : memref<16x128xf32, #tpu.memory_space<vmem>>, vector<16xf32>,
      %mul3A_769 = arith.mulf %get3A_768, %gather3A_719 : vector<16xf32>
      %swap3A_770 = arith.constant 8 : i32
      %swap3A_771 = arith.index_cast %swap3A_770 : i32 to index
      %swap3A_772 = arith.constant 80 : index
      %swap3A_773 = tpu.vector_load %arg9[%swap3A_771, %swap3A_772] {strides = array<i32>} : memref<16x128xf32, #tpu.memory_space<vmem>>, vector<16xf32>,
      tpu.vector_store %arg9[%swap3A_771, %swap3A_772], %mul3A_769 {strides = array<i32>} : memref<16x128xf32, #tpu.memory_space<vmem>>, vector<16xf32>,
      %get3A_774 = arith.constant 8 : i32
      %get3A_775 = arith.index_cast %get3A_774 : i32 to index
      %get3A_776 = arith.constant 96 : index
      %get3A_777 = tpu.vector_load %arg9[%get3A_775, %get3A_776] {strides = array<i32>} : memref<16x128xf32, #tpu.memory_space<vmem>>, vector<16xf32>,
      %mul3A_778 = arith.mulf %get3A_777, %gather3A_719 : vector<16xf32>
      %swap3A_779 = arith.constant 8 : i32
      %swap3A_780 = arith.index_cast %swap3A_779 : i32 to index
      %swap3A_781 = arith.constant 96 : index
      %swap3A_782 = tpu.vector_load %arg9[%swap3A_780, %swap3A_781] {strides = array<i32>} : memref<16x128xf32, #tpu.memory_space<vmem>>, vector<16xf32>,
      tpu.vector_store %arg9[%swap3A_780, %swap3A_781], %mul3A_778 {strides = array<i32>} : memref<16x128xf32, #tpu.memory_space<vmem>>, vector<16xf32>,
      %get3A_783 = arith.constant 8 : i32
      %get3A_784 = arith.index_cast %get3A_783 : i32 to index
      %get3A_785 = arith.constant 112 : index
      %get3A_786 = tpu.vector_load %arg9[%get3A_784, %get3A_785] {strides = array<i32>} : memref<16x128xf32, #tpu.memory_space<vmem>>, vector<16xf32>,
      %mul3A_787 = arith.mulf %get3A_786, %gather3A_719 : vector<16xf32>
      %swap3A_788 = arith.constant 8 : i32
      %swap3A_789 = arith.index_cast %swap3A_788 : i32 to index
      %swap3A_790 = arith.constant 112 : index
      %swap3A_791 = tpu.vector_load %arg9[%swap3A_789, %swap3A_790] {strides = array<i32>} : memref<16x128xf32, #tpu.memory_space<vmem>>, vector<16xf32>,
      tpu.vector_store %arg9[%swap3A_789, %swap3A_790], %mul3A_787 {strides = array<i32>} : memref<16x128xf32, #tpu.memory_space<vmem>>, vector<16xf32>,
      %broadcast_in_dim3A_792 = arith.constant 25 : i32
      %broadcast_in_dim3A_793 = vector.broadcast %broadcast_in_dim3A_792 : i32 to vector<16xi32>
      %gather3A_794 = tpu.vector_load_idx %arg10[%broadcast_in_dim3A_793] : memref<32xf32, #tpu.memory_space<vmem>>[vector<16xi32>], vector<16xf32>,
      %get3A_795 = arith.constant 9 : i32
      %get3A_796 = arith.index_cast %get3A_795 : i32 to index
      %get3A_797 = arith.constant 0 : index
      %get3A_798 = tpu.vector_load %arg9[%get3A_796, %get3A_797] {strides = array<i32>} : memref<16x128xf32, #tpu.memory_space<vmem>>, vector<16xf32>,
      %mul3A_799 = arith.mulf %get3A_798, %gather3A_794 : vector<16xf32>
      %swap3A_800 = arith.constant 9 : i32
      %swap3A_801 = arith.index_cast %swap3A_800 : i32 to index
      %swap3A_802 = arith.constant 0 : index
      %swap3A_803 = tpu.vector_load %arg9[%swap3A_801, %swap3A_802] {strides = array<i32>} : memref<16x128xf32, #tpu.memory_space<vmem>>, vector<16xf32>,
      tpu.vector_store %arg9[%swap3A_801, %swap3A_802], %mul3A_799 {strides = array<i32>} : memref<16x128xf32, #tpu.memory_space<vmem>>, vector<16xf32>,
      %get3A_804 = arith.constant 9 : i32
      %get3A_805 = arith.index_cast %get3A_804 : i32 to index
      %get3A_806 = arith.constant 16 : index
      %get3A_807 = tpu.vector_load %arg9[%get3A_805, %get3A_806] {strides = array<i32>} : memref<16x128xf32, #tpu.memory_space<vmem>>, vector<16xf32>,
      %mul3A_808 = arith.mulf %get3A_807, %gather3A_794 : vector<16xf32>
      %swap3A_809 = arith.constant 9 : i32
      %swap3A_810 = arith.index_cast %swap3A_809 : i32 to index
      %swap3A_811 = arith.constant 16 : index
      %swap3A_812 = tpu.vector_load %arg9[%swap3A_810, %swap3A_811] {strides = array<i32>} : memref<16x128xf32, #tpu.memory_space<vmem>>, vector<16xf32>,
      tpu.vector_store %arg9[%swap3A_810, %swap3A_811], %mul3A_808 {strides = array<i32>} : memref<16x128xf32, #tpu.memory_space<vmem>>, vector<16xf32>,
      %get3A_813 = arith.constant 9 : i32
      %get3A_814 = arith.index_cast %get3A_813 : i32 to index
      %get3A_815 = arith.constant 32 : index
      %get3A_816 = tpu.vector_load %arg9[%get3A_814, %get3A_815] {strides = array<i32>} : memref<16x128xf32, #tpu.memory_space<vmem>>, vector<16xf32>,
      %mul3A_817 = arith.mulf %get3A_816, %gather3A_794 : vector<16xf32>
      %swap3A_818 = arith.constant 9 : i32
      %swap3A_819 = arith.index_cast %swap3A_818 : i32 to index
      %swap3A_820 = arith.constant 32 : index
      %swap3A_821 = tpu.vector_load %arg9[%swap3A_819, %swap3A_820] {strides = array<i32>} : memref<16x128xf32, #tpu.memory_space<vmem>>, vector<16xf32>,
      tpu.vector_store %arg9[%swap3A_819, %swap3A_820], %mul3A_817 {strides = array<i32>} : memref<16x128xf32, #tpu.memory_space<vmem>>, vector<16xf32>,
      %get3A_822 = arith.constant 9 : i32
      %get3A_823 = arith.index_cast %get3A_822 : i32 to index
      %get3A_824 = arith.constant 48 : index
      %get3A_825 = tpu.vector_load %arg9[%get3A_823, %get3A_824] {strides = array<i32>} : memref<16x128xf32, #tpu.memory_space<vmem>>, vector<16xf32>,
      %mul3A_826 = arith.mulf %get3A_825, %gather3A_794 : vector<16xf32>
      %swap3A_827 = arith.constant 9 : i32
      %swap3A_828 = arith.index_cast %swap3A_827 : i32 to index
      %swap3A_829 = arith.constant 48 : index
      %swap3A_830 = tpu.vector_load %arg9[%swap3A_828, %swap3A_829] {strides = array<i32>} : memref<16x128xf32, #tpu.memory_space<vmem>>, vector<16xf32>,
      tpu.vector_store %arg9[%swap3A_828, %swap3A_829], %mul3A_826 {strides = array<i32>} : memref<16x128xf32, #tpu.memory_space<vmem>>, vector<16xf32>,
      %get3A_831 = arith.constant 9 : i32
      %get3A_832 = arith.index_cast %get3A_831 : i32 to index
      %get3A_833 = arith.constant 64 : index
      %get3A_834 = tpu.vector_load %arg9[%get3A_832, %get3A_833] {strides = array<i32>} : memref<16x128xf32, #tpu.memory_space<vmem>>, vector<16xf32>,
      %mul3A_835 = arith.mulf %get3A_834, %gather3A_794 : vector<16xf32>
      %swap3A_836 = arith.constant 9 : i32
      %swap3A_837 = arith.index_cast %swap3A_836 : i32 to index
      %swap3A_838 = arith.constant 64 : index
      %swap3A_839 = tpu.vector_load %arg9[%swap3A_837, %swap3A_838] {strides = array<i32>} : memref<16x128xf32, #tpu.memory_space<vmem>>, vector<16xf32>,
      tpu.vector_store %arg9[%swap3A_837, %swap3A_838], %mul3A_835 {strides = array<i32>} : memref<16x128xf32, #tpu.memory_space<vmem>>, vector<16xf32>,
      %get3A_840 = arith.constant 9 : i32
      %get3A_841 = arith.index_cast %get3A_840 : i32 to index
      %get3A_842 = arith.constant 80 : index
      %get3A_843 = tpu.vector_load %arg9[%get3A_841, %get3A_842] {strides = array<i32>} : memref<16x128xf32, #tpu.memory_space<vmem>>, vector<16xf32>,
      %mul3A_844 = arith.mulf %get3A_843, %gather3A_794 : vector<16xf32>
      %swap3A_845 = arith.constant 9 : i32
      %swap3A_846 = arith.index_cast %swap3A_845 : i32 to index
      %swap3A_847 = arith.constant 80 : index
      %swap3A_848 = tpu.vector_load %arg9[%swap3A_846, %swap3A_847] {strides = array<i32>} : memref<16x128xf32, #tpu.memory_space<vmem>>, vector<16xf32>,
      tpu.vector_store %arg9[%swap3A_846, %swap3A_847], %mul3A_844 {strides = array<i32>} : memref<16x128xf32, #tpu.memory_space<vmem>>, vector<16xf32>,
      %get3A_849 = arith.constant 9 : i32
      %get3A_850 = arith.index_cast %get3A_849 : i32 to index
      %get3A_851 = arith.constant 96 : index
      %get3A_852 = tpu.vector_load %arg9[%get3A_850, %get3A_851] {strides = array<i32>} : memref<16x128xf32, #tpu.memory_space<vmem>>, vector<16xf32>,
      %mul3A_853 = arith.mulf %get3A_852, %gather3A_794 : vector<16xf32>
      %swap3A_854 = arith.constant 9 : i32
      %swap3A_855 = arith.index_cast %swap3A_854 : i32 to index
      %swap3A_856 = arith.constant 96 : index
      %swap3A_857 = tpu.vector_load %arg9[%swap3A_855, %swap3A_856] {strides = array<i32>} : memref<16x128xf32, #tpu.memory_space<vmem>>, vector<16xf32>,
      tpu.vector_store %arg9[%swap3A_855, %swap3A_856], %mul3A_853 {strides = array<i32>} : memref<16x128xf32, #tpu.memory_space<vmem>>, vector<16xf32>,
      %get3A_858 = arith.constant 9 : i32
      %get3A_859 = arith.index_cast %get3A_858 : i32 to index
      %get3A_860 = arith.constant 112 : index
      %get3A_861 = tpu.vector_load %arg9[%get3A_859, %get3A_860] {strides = array<i32>} : memref<16x128xf32, #tpu.memory_space<vmem>>, vector<16xf32>,
      %mul3A_862 = arith.mulf %get3A_861, %gather3A_794 : vector<16xf32>
      %swap3A_863 = arith.constant 9 : i32
      %swap3A_864 = arith.index_cast %swap3A_863 : i32 to index
      %swap3A_865 = arith.constant 112 : index
      %swap3A_866 = tpu.vector_load %arg9[%swap3A_864, %swap3A_865] {strides = array<i32>} : memref<16x128xf32, #tpu.memory_space<vmem>>, vector<16xf32>,
      tpu.vector_store %arg9[%swap3A_864, %swap3A_865], %mul3A_862 {strides = array<i32>} : memref<16x128xf32, #tpu.memory_space<vmem>>, vector<16xf32>,
      %broadcast_in_dim3A_867 = arith.constant 26 : i32
      %broadcast_in_dim3A_868 = vector.broadcast %broadcast_in_dim3A_867 : i32 to vector<16xi32>
      %gather3A_869 = tpu.vector_load_idx %arg10[%broadcast_in_dim3A_868] : memref<32xf32, #tpu.memory_space<vmem>>[vector<16xi32>], vector<16xf32>,
      %get3A_870 = arith.constant 10 : i32
      %get3A_871 = arith.index_cast %get3A_870 : i32 to index
      %get3A_872 = arith.constant 0 : index
      %get3A_873 = tpu.vector_load %arg9[%get3A_871, %get3A_872] {strides = array<i32>} : memref<16x128xf32, #tpu.memory_space<vmem>>, vector<16xf32>,
      %mul3A_874 = arith.mulf %get3A_873, %gather3A_869 : vector<16xf32>
      %swap3A_875 = arith.constant 10 : i32
      %swap3A_876 = arith.index_cast %swap3A_875 : i32 to index
      %swap3A_877 = arith.constant 0 : index
      %swap3A_878 = tpu.vector_load %arg9[%swap3A_876, %swap3A_877] {strides = array<i32>} : memref<16x128xf32, #tpu.memory_space<vmem>>, vector<16xf32>,
      tpu.vector_store %arg9[%swap3A_876, %swap3A_877], %mul3A_874 {strides = array<i32>} : memref<16x128xf32, #tpu.memory_space<vmem>>, vector<16xf32>,
      %get3A_879 = arith.constant 10 : i32
      %get3A_880 = arith.index_cast %get3A_879 : i32 to index
      %get3A_881 = arith.constant 16 : index
      %get3A_882 = tpu.vector_load %arg9[%get3A_880, %get3A_881] {strides = array<i32>} : memref<16x128xf32, #tpu.memory_space<vmem>>, vector<16xf32>,
      %mul3A_883 = arith.mulf %get3A_882, %gather3A_869 : vector<16xf32>
      %swap3A_884 = arith.constant 10 : i32
      %swap3A_885 = arith.index_cast %swap3A_884 : i32 to index
      %swap3A_886 = arith.constant 16 : index
      %swap3A_887 = tpu.vector_load %arg9[%swap3A_885, %swap3A_886] {strides = array<i32>} : memref<16x128xf32, #tpu.memory_space<vmem>>, vector<16xf32>,
      tpu.vector_store %arg9[%swap3A_885, %swap3A_886], %mul3A_883 {strides = array<i32>} : memref<16x128xf32, #tpu.memory_space<vmem>>, vector<16xf32>,
      %get3A_888 = arith.constant 10 : i32
      %get3A_889 = arith.index_cast %get3A_888 : i32 to index
      %get3A_890 = arith.constant 32 : index
      %get3A_891 = tpu.vector_load %arg9[%get3A_889, %get3A_890] {strides = array<i32>} : memref<16x128xf32, #tpu.memory_space<vmem>>, vector<16xf32>,
      %mul3A_892 = arith.mulf %get3A_891, %gather3A_869 : vector<16xf32>
      %swap3A_893 = arith.constant 10 : i32
      %swap3A_894 = arith.index_cast %swap3A_893 : i32 to index
      %swap3A_895 = arith.constant 32 : index
      %swap3A_896 = tpu.vector_load %arg9[%swap3A_894, %swap3A_895] {strides = array<i32>} : memref<16x128xf32, #tpu.memory_space<vmem>>, vector<16xf32>,
      tpu.vector_store %arg9[%swap3A_894, %swap3A_895], %mul3A_892 {strides = array<i32>} : memref<16x128xf32, #tpu.memory_space<vmem>>, vector<16xf32>,
      %get3A_897 = arith.constant 10 : i32
      %get3A_898 = arith.index_cast %get3A_897 : i32 to index
      %get3A_899 = arith.constant 48 : index
      %get3A_900 = tpu.vector_load %arg9[%get3A_898, %get3A_899] {strides = array<i32>} : memref<16x128xf32, #tpu.memory_space<vmem>>, vector<16xf32>,
      %mul3A_901 = arith.mulf %get3A_900, %gather3A_869 : vector<16xf32>
      %swap3A_902 = arith.constant 10 : i32
      %swap3A_903 = arith.index_cast %swap3A_902 : i32 to index
      %swap3A_904 = arith.constant 48 : index
      %swap3A_905 = tpu.vector_load %arg9[%swap3A_903, %swap3A_904] {strides = array<i32>} : memref<16x128xf32, #tpu.memory_space<vmem>>, vector<16xf32>,
      tpu.vector_store %arg9[%swap3A_903, %swap3A_904], %mul3A_901 {strides = array<i32>} : memref<16x128xf32, #tpu.memory_space<vmem>>, vector<16xf32>,
      %get3A_906 = arith.constant 10 : i32
      %get3A_907 = arith.index_cast %get3A_906 : i32 to index
      %get3A_908 = arith.constant 64 : index
      %get3A_909 = tpu.vector_load %arg9[%get3A_907, %get3A_908] {strides = array<i32>} : memref<16x128xf32, #tpu.memory_space<vmem>>, vector<16xf32>,
      %mul3A_910 = arith.mulf %get3A_909, %gather3A_869 : vector<16xf32>
      %swap3A_911 = arith.constant 10 : i32
      %swap3A_912 = arith.index_cast %swap3A_911 : i32 to index
      %swap3A_913 = arith.constant 64 : index
      %swap3A_914 = tpu.vector_load %arg9[%swap3A_912, %swap3A_913] {strides = array<i32>} : memref<16x128xf32, #tpu.memory_space<vmem>>, vector<16xf32>,
      tpu.vector_store %arg9[%swap3A_912, %swap3A_913], %mul3A_910 {strides = array<i32>} : memref<16x128xf32, #tpu.memory_space<vmem>>, vector<16xf32>,
      %get3A_915 = arith.constant 10 : i32
      %get3A_916 = arith.index_cast %get3A_915 : i32 to index
      %get3A_917 = arith.constant 80 : index
      %get3A_918 = tpu.vector_load %arg9[%get3A_916, %get3A_917] {strides = array<i32>} : memref<16x128xf32, #tpu.memory_space<vmem>>, vector<16xf32>,
      %mul3A_919 = arith.mulf %get3A_918, %gather3A_869 : vector<16xf32>
      %swap3A_920 = arith.constant 10 : i32
      %swap3A_921 = arith.index_cast %swap3A_920 : i32 to index
      %swap3A_922 = arith.constant 80 : index
      %swap3A_923 = tpu.vector_load %arg9[%swap3A_921, %swap3A_922] {strides = array<i32>} : memref<16x128xf32, #tpu.memory_space<vmem>>, vector<16xf32>,
      tpu.vector_store %arg9[%swap3A_921, %swap3A_922], %mul3A_919 {strides = array<i32>} : memref<16x128xf32, #tpu.memory_space<vmem>>, vector<16xf32>,
      %get3A_924 = arith.constant 10 : i32
      %get3A_925 = arith.index_cast %get3A_924 : i32 to index
      %get3A_926 = arith.constant 96 : index
      %get3A_927 = tpu.vector_load %arg9[%get3A_925, %get3A_926] {strides = array<i32>} : memref<16x128xf32, #tpu.memory_space<vmem>>, vector<16xf32>,
      %mul3A_928 = arith.mulf %get3A_927, %gather3A_869 : vector<16xf32>
      %swap3A_929 = arith.constant 10 : i32
      %swap3A_930 = arith.index_cast %swap3A_929 : i32 to index
      %swap3A_931 = arith.constant 96 : index
      %swap3A_932 = tpu.vector_load %arg9[%swap3A_930, %swap3A_931] {strides = array<i32>} : memref<16x128xf32, #tpu.memory_space<vmem>>, vector<16xf32>,
      tpu.vector_store %arg9[%swap3A_930, %swap3A_931], %mul3A_928 {strides = array<i32>} : memref<16x128xf32, #tpu.memory_space<vmem>>, vector<16xf32>,
      %get3A_933 = arith.constant 10 : i32
      %get3A_934 = arith.index_cast %get3A_933 : i32 to index
      %get3A_935 = arith.constant 112 : index
      %get3A_936 = tpu.vector_load %arg9[%get3A_934, %get3A_935] {strides = array<i32>} : memref<16x128xf32, #tpu.memory_space<vmem>>, vector<16xf32>,
      %mul3A_937 = arith.mulf %get3A_936, %gather3A_869 : vector<16xf32>
      %swap3A_938 = arith.constant 10 : i32
      %swap3A_939 = arith.index_cast %swap3A_938 : i32 to index
      %swap3A_940 = arith.constant 112 : index
      %swap3A_941 = tpu.vector_load %arg9[%swap3A_939, %swap3A_940] {strides = array<i32>} : memref<16x128xf32, #tpu.memory_space<vmem>>, vector<16xf32>,
      tpu.vector_store %arg9[%swap3A_939, %swap3A_940], %mul3A_937 {strides = array<i32>} : memref<16x128xf32, #tpu.memory_space<vmem>>, vector<16xf32>,
      %broadcast_in_dim3A_942 = arith.constant 27 : i32
      %broadcast_in_dim3A_943 = vector.broadcast %broadcast_in_dim3A_942 : i32 to vector<16xi32>
      %gather3A_944 = tpu.vector_load_idx %arg10[%broadcast_in_dim3A_943] : memref<32xf32, #tpu.memory_space<vmem>>[vector<16xi32>], vector<16xf32>,
      %get3A_945 = arith.constant 11 : i32
      %get3A_946 = arith.index_cast %get3A_945 : i32 to index
      %get3A_947 = arith.constant 0 : index
      %get3A_948 = tpu.vector_load %arg9[%get3A_946, %get3A_947] {strides = array<i32>} : memref<16x128xf32, #tpu.memory_space<vmem>>, vector<16xf32>,
      %mul3A_949 = arith.mulf %get3A_948, %gather3A_944 : vector<16xf32>
      %swap3A_950 = arith.constant 11 : i32
      %swap3A_951 = arith.index_cast %swap3A_950 : i32 to index
      %swap3A_952 = arith.constant 0 : index
      %swap3A_953 = tpu.vector_load %arg9[%swap3A_951, %swap3A_952] {strides = array<i32>} : memref<16x128xf32, #tpu.memory_space<vmem>>, vector<16xf32>,
      tpu.vector_store %arg9[%swap3A_951, %swap3A_952], %mul3A_949 {strides = array<i32>} : memref<16x128xf32, #tpu.memory_space<vmem>>, vector<16xf32>,
      %get3A_954 = arith.constant 11 : i32
      %get3A_955 = arith.index_cast %get3A_954 : i32 to index
      %get3A_956 = arith.constant 16 : index
      %get3A_957 = tpu.vector_load %arg9[%get3A_955, %get3A_956] {strides = array<i32>} : memref<16x128xf32, #tpu.memory_space<vmem>>, vector<16xf32>,
      %mul3A_958 = arith.mulf %get3A_957, %gather3A_944 : vector<16xf32>
      %swap3A_959 = arith.constant 11 : i32
      %swap3A_960 = arith.index_cast %swap3A_959 : i32 to index
      %swap3A_961 = arith.constant 16 : index
      %swap3A_962 = tpu.vector_load %arg9[%swap3A_960, %swap3A_961] {strides = array<i32>} : memref<16x128xf32, #tpu.memory_space<vmem>>, vector<16xf32>,
      tpu.vector_store %arg9[%swap3A_960, %swap3A_961], %mul3A_958 {strides = array<i32>} : memref<16x128xf32, #tpu.memory_space<vmem>>, vector<16xf32>,
      %get3A_963 = arith.constant 11 : i32
      %get3A_964 = arith.index_cast %get3A_963 : i32 to index
      %get3A_965 = arith.constant 32 : index
      %get3A_966 = tpu.vector_load %arg9[%get3A_964, %get3A_965] {strides = array<i32>} : memref<16x128xf32, #tpu.memory_space<vmem>>, vector<16xf32>,
      %mul3A_967 = arith.mulf %get3A_966, %gather3A_944 : vector<16xf32>
      %swap3A_968 = arith.constant 11 : i32
      %swap3A_969 = arith.index_cast %swap3A_968 : i32 to index
      %swap3A_970 = arith.constant 32 : index
      %swap3A_971 = tpu.vector_load %arg9[%swap3A_969, %swap3A_970] {strides = array<i32>} : memref<16x128xf32, #tpu.memory_space<vmem>>, vector<16xf32>,
      tpu.vector_store %arg9[%swap3A_969, %swap3A_970], %mul3A_967 {strides = array<i32>} : memref<16x128xf32, #tpu.memory_space<vmem>>, vector<16xf32>,
      %get3A_972 = arith.constant 11 : i32
      %get3A_973 = arith.index_cast %get3A_972 : i32 to index
      %get3A_974 = arith.constant 48 : index
      %get3A_975 = tpu.vector_load %arg9[%get3A_973, %get3A_974] {strides = array<i32>} : memref<16x128xf32, #tpu.memory_space<vmem>>, vector<16xf32>,
      %mul3A_976 = arith.mulf %get3A_975, %gather3A_944 : vector<16xf32>
      %swap3A_977 = arith.constant 11 : i32
      %swap3A_978 = arith.index_cast %swap3A_977 : i32 to index
      %swap3A_979 = arith.constant 48 : index
      %swap3A_980 = tpu.vector_load %arg9[%swap3A_978, %swap3A_979] {strides = array<i32>} : memref<16x128xf32, #tpu.memory_space<vmem>>, vector<16xf32>,
      tpu.vector_store %arg9[%swap3A_978, %swap3A_979], %mul3A_976 {strides = array<i32>} : memref<16x128xf32, #tpu.memory_space<vmem>>, vector<16xf32>,
      %get3A_981 = arith.constant 11 : i32
      %get3A_982 = arith.index_cast %get3A_981 : i32 to index
      %get3A_983 = arith.constant 64 : index
      %get3A_984 = tpu.vector_load %arg9[%get3A_982, %get3A_983] {strides = array<i32>} : memref<16x128xf32, #tpu.memory_space<vmem>>, vector<16xf32>,
      %mul3A_985 = arith.mulf %get3A_984, %gather3A_944 : vector<16xf32>
      %swap3A_986 = arith.constant 11 : i32
      %swap3A_987 = arith.index_cast %swap3A_986 : i32 to index
      %swap3A_988 = arith.constant 64 : index
      %swap3A_989 = tpu.vector_load %arg9[%swap3A_987, %swap3A_988] {strides = array<i32>} : memref<16x128xf32, #tpu.memory_space<vmem>>, vector<16xf32>,
      tpu.vector_store %arg9[%swap3A_987, %swap3A_988], %mul3A_985 {strides = array<i32>} : memref<16x128xf32, #tpu.memory_space<vmem>>, vector<16xf32>,
      %get3A_990 = arith.constant 11 : i32
      %get3A_991 = arith.index_cast %get3A_990 : i32 to index
      %get3A_992 = arith.constant 80 : index
      %get3A_993 = tpu.vector_load %arg9[%get3A_991, %get3A_992] {strides = array<i32>} : memref<16x128xf32, #tpu.memory_space<vmem>>, vector<16xf32>,
      %mul3A_994 = arith.mulf %get3A_993, %gather3A_944 : vector<16xf32>
      %swap3A_995 = arith.constant 11 : i32
      %swap3A_996 = arith.index_cast %swap3A_995 : i32 to index
      %swap3A_997 = arith.constant 80 : index
      %swap3A_998 = tpu.vector_load %arg9[%swap3A_996, %swap3A_997] {strides = array<i32>} : memref<16x128xf32, #tpu.memory_space<vmem>>, vector<16xf32>,
      tpu.vector_store %arg9[%swap3A_996, %swap3A_997], %mul3A_994 {strides = array<i32>} : memref<16x128xf32, #tpu.memory_space<vmem>>, vector<16xf32>,
      %get3A_999 = arith.constant 11 : i32
      %get3A_1000 = arith.index_cast %get3A_999 : i32 to index
      %get3A_1001 = arith.constant 96 : index
      %get3A_1002 = tpu.vector_load %arg9[%get3A_1000, %get3A_1001] {strides = array<i32>} : memref<16x128xf32, #tpu.memory_space<vmem>>, vector<16xf32>,
      %mul3A_1003 = arith.mulf %get3A_1002, %gather3A_944 : vector<16xf32>
      %swap3A_1004 = arith.constant 11 : i32
      %swap3A_1005 = arith.index_cast %swap3A_1004 : i32 to index
      %swap3A_1006 = arith.constant 96 : index
      %swap3A_1007 = tpu.vector_load %arg9[%swap3A_1005, %swap3A_1006] {strides = array<i32>} : memref<16x128xf32, #tpu.memory_space<vmem>>, vector<16xf32>,
      tpu.vector_store %arg9[%swap3A_1005, %swap3A_1006], %mul3A_1003 {strides = array<i32>} : memref<16x128xf32, #tpu.memory_space<vmem>>, vector<16xf32>,
      %get3A_1008 = arith.constant 11 : i32
      %get3A_1009 = arith.index_cast %get3A_1008 : i32 to index
      %get3A_1010 = arith.constant 112 : index
      %get3A_1011 = tpu.vector_load %arg9[%get3A_1009, %get3A_1010] {strides = array<i32>} : memref<16x128xf32, #tpu.memory_space<vmem>>, vector<16xf32>,
      %mul3A_1012 = arith.mulf %get3A_1011, %gather3A_944 : vector<16xf32>
      %swap3A_1013 = arith.constant 11 : i32
      %swap3A_1014 = arith.index_cast %swap3A_1013 : i32 to index
      %swap3A_1015 = arith.constant 112 : index
      %swap3A_1016 = tpu.vector_load %arg9[%swap3A_1014, %swap3A_1015] {strides = array<i32>} : memref<16x128xf32, #tpu.memory_space<vmem>>, vector<16xf32>,
      tpu.vector_store %arg9[%swap3A_1014, %swap3A_1015], %mul3A_1012 {strides = array<i32>} : memref<16x128xf32, #tpu.memory_space<vmem>>, vector<16xf32>,
      %broadcast_in_dim3A_1017 = arith.constant 28 : i32
      %broadcast_in_dim3A_1018 = vector.broadcast %broadcast_in_dim3A_1017 : i32 to vector<16xi32>
      %gather3A_1019 = tpu.vector_load_idx %arg10[%broadcast_in_dim3A_1018] : memref<32xf32, #tpu.memory_space<vmem>>[vector<16xi32>], vector<16xf32>,
      %get3A_1020 = arith.constant 12 : i32
      %get3A_1021 = arith.index_cast %get3A_1020 : i32 to index
      %get3A_1022 = arith.constant 0 : index
      %get3A_1023 = tpu.vector_load %arg9[%get3A_1021, %get3A_1022] {strides = array<i32>} : memref<16x128xf32, #tpu.memory_space<vmem>>, vector<16xf32>,
      %mul3A_1024 = arith.mulf %get3A_1023, %gather3A_1019 : vector<16xf32>
      %swap3A_1025 = arith.constant 12 : i32
      %swap3A_1026 = arith.index_cast %swap3A_1025 : i32 to index
      %swap3A_1027 = arith.constant 0 : index
      %swap3A_1028 = tpu.vector_load %arg9[%swap3A_1026, %swap3A_1027] {strides = array<i32>} : memref<16x128xf32, #tpu.memory_space<vmem>>, vector<16xf32>,
      tpu.vector_store %arg9[%swap3A_1026, %swap3A_1027], %mul3A_1024 {strides = array<i32>} : memref<16x128xf32, #tpu.memory_space<vmem>>, vector<16xf32>,
      %get3A_1029 = arith.constant 12 : i32
      %get3A_1030 = arith.index_cast %get3A_1029 : i32 to index
      %get3A_1031 = arith.constant 16 : index
      %get3A_1032 = tpu.vector_load %arg9[%get3A_1030, %get3A_1031] {strides = array<i32>} : memref<16x128xf32, #tpu.memory_space<vmem>>, vector<16xf32>,
      %mul3A_1033 = arith.mulf %get3A_1032, %gather3A_1019 : vector<16xf32>
      %swap3A_1034 = arith.constant 12 : i32
      %swap3A_1035 = arith.index_cast %swap3A_1034 : i32 to index
      %swap3A_1036 = arith.constant 16 : index
      %swap3A_1037 = tpu.vector_load %arg9[%swap3A_1035, %swap3A_1036] {strides = array<i32>} : memref<16x128xf32, #tpu.memory_space<vmem>>, vector<16xf32>,
      tpu.vector_store %arg9[%swap3A_1035, %swap3A_1036], %mul3A_1033 {strides = array<i32>} : memref<16x128xf32, #tpu.memory_space<vmem>>, vector<16xf32>,
      %get3A_1038 = arith.constant 12 : i32
      %get3A_1039 = arith.index_cast %get3A_1038 : i32 to index
      %get3A_1040 = arith.constant 32 : index
      %get3A_1041 = tpu.vector_load %arg9[%get3A_1039, %get3A_1040] {strides = array<i32>} : memref<16x128xf32, #tpu.memory_space<vmem>>, vector<16xf32>,
      %mul3A_1042 = arith.mulf %get3A_1041, %gather3A_1019 : vector<16xf32>
      %swap3A_1043 = arith.constant 12 : i32
      %swap3A_1044 = arith.index_cast %swap3A_1043 : i32 to index
      %swap3A_1045 = arith.constant 32 : index
      %swap3A_1046 = tpu.vector_load %arg9[%swap3A_1044, %swap3A_1045] {strides = array<i32>} : memref<16x128xf32, #tpu.memory_space<vmem>>, vector<16xf32>,
      tpu.vector_store %arg9[%swap3A_1044, %swap3A_1045], %mul3A_1042 {strides = array<i32>} : memref<16x128xf32, #tpu.memory_space<vmem>>, vector<16xf32>,
      %get3A_1047 = arith.constant 12 : i32
      %get3A_1048 = arith.index_cast %get3A_1047 : i32 to index
      %get3A_1049 = arith.constant 48 : index
      %get3A_1050 = tpu.vector_load %arg9[%get3A_1048, %get3A_1049] {strides = array<i32>} : memref<16x128xf32, #tpu.memory_space<vmem>>, vector<16xf32>,
      %mul3A_1051 = arith.mulf %get3A_1050, %gather3A_1019 : vector<16xf32>
      %swap3A_1052 = arith.constant 12 : i32
      %swap3A_1053 = arith.index_cast %swap3A_1052 : i32 to index
      %swap3A_1054 = arith.constant 48 : index
      %swap3A_1055 = tpu.vector_load %arg9[%swap3A_1053, %swap3A_1054] {strides = array<i32>} : memref<16x128xf32, #tpu.memory_space<vmem>>, vector<16xf32>,
      tpu.vector_store %arg9[%swap3A_1053, %swap3A_1054], %mul3A_1051 {strides = array<i32>} : memref<16x128xf32, #tpu.memory_space<vmem>>, vector<16xf32>,
      %get3A_1056 = arith.constant 12 : i32
      %get3A_1057 = arith.index_cast %get3A_1056 : i32 to index
      %get3A_1058 = arith.constant 64 : index
      %get3A_1059 = tpu.vector_load %arg9[%get3A_1057, %get3A_1058] {strides = array<i32>} : memref<16x128xf32, #tpu.memory_space<vmem>>, vector<16xf32>,
      %mul3A_1060 = arith.mulf %get3A_1059, %gather3A_1019 : vector<16xf32>
      %swap3A_1061 = arith.constant 12 : i32
      %swap3A_1062 = arith.index_cast %swap3A_1061 : i32 to index
      %swap3A_1063 = arith.constant 64 : index
      %swap3A_1064 = tpu.vector_load %arg9[%swap3A_1062, %swap3A_1063] {strides = array<i32>} : memref<16x128xf32, #tpu.memory_space<vmem>>, vector<16xf32>,
      tpu.vector_store %arg9[%swap3A_1062, %swap3A_1063], %mul3A_1060 {strides = array<i32>} : memref<16x128xf32, #tpu.memory_space<vmem>>, vector<16xf32>,
      %get3A_1065 = arith.constant 12 : i32
      %get3A_1066 = arith.index_cast %get3A_1065 : i32 to index
      %get3A_1067 = arith.constant 80 : index
      %get3A_1068 = tpu.vector_load %arg9[%get3A_1066, %get3A_1067] {strides = array<i32>} : memref<16x128xf32, #tpu.memory_space<vmem>>, vector<16xf32>,
      %mul3A_1069 = arith.mulf %get3A_1068, %gather3A_1019 : vector<16xf32>
      %swap3A_1070 = arith.constant 12 : i32
      %swap3A_1071 = arith.index_cast %swap3A_1070 : i32 to index
      %swap3A_1072 = arith.constant 80 : index
      %swap3A_1073 = tpu.vector_load %arg9[%swap3A_1071, %swap3A_1072] {strides = array<i32>} : memref<16x128xf32, #tpu.memory_space<vmem>>, vector<16xf32>,
      tpu.vector_store %arg9[%swap3A_1071, %swap3A_1072], %mul3A_1069 {strides = array<i32>} : memref<16x128xf32, #tpu.memory_space<vmem>>, vector<16xf32>,
      %get3A_1074 = arith.constant 12 : i32
      %get3A_1075 = arith.index_cast %get3A_1074 : i32 to index
      %get3A_1076 = arith.constant 96 : index
      %get3A_1077 = tpu.vector_load %arg9[%get3A_1075, %get3A_1076] {strides = array<i32>} : memref<16x128xf32, #tpu.memory_space<vmem>>, vector<16xf32>,
      %mul3A_1078 = arith.mulf %get3A_1077, %gather3A_1019 : vector<16xf32>
      %swap3A_1079 = arith.constant 12 : i32
      %swap3A_1080 = arith.index_cast %swap3A_1079 : i32 to index
      %swap3A_1081 = arith.constant 96 : index
      %swap3A_1082 = tpu.vector_load %arg9[%swap3A_1080, %swap3A_1081] {strides = array<i32>} : memref<16x128xf32, #tpu.memory_space<vmem>>, vector<16xf32>,
      tpu.vector_store %arg9[%swap3A_1080, %swap3A_1081], %mul3A_1078 {strides = array<i32>} : memref<16x128xf32, #tpu.memory_space<vmem>>, vector<16xf32>,
      %get3A_1083 = arith.constant 12 : i32
      %get3A_1084 = arith.index_cast %get3A_1083 : i32 to index
      %get3A_1085 = arith.constant 112 : index
      %get3A_1086 = tpu.vector_load %arg9[%get3A_1084, %get3A_1085] {strides = array<i32>} : memref<16x128xf32, #tpu.memory_space<vmem>>, vector<16xf32>,
      %mul3A_1087 = arith.mulf %get3A_1086, %gather3A_1019 : vector<16xf32>
      %swap3A_1088 = arith.constant 12 : i32
      %swap3A_1089 = arith.index_cast %swap3A_1088 : i32 to index
      %swap3A_1090 = arith.constant 112 : index
      %swap3A_1091 = tpu.vector_load %arg9[%swap3A_1089, %swap3A_1090] {strides = array<i32>} : memref<16x128xf32, #tpu.memory_space<vmem>>, vector<16xf32>,
      tpu.vector_store %arg9[%swap3A_1089, %swap3A_1090], %mul3A_1087 {strides = array<i32>} : memref<16x128xf32, #tpu.memory_space<vmem>>, vector<16xf32>,
      %broadcast_in_dim3A_1092 = arith.constant 29 : i32
      %broadcast_in_dim3A_1093 = vector.broadcast %broadcast_in_dim3A_1092 : i32 to vector<16xi32>
      %gather3A_1094 = tpu.vector_load_idx %arg10[%broadcast_in_dim3A_1093] : memref<32xf32, #tpu.memory_space<vmem>>[vector<16xi32>], vector<16xf32>,
      %get3A_1095 = arith.constant 13 : i32
      %get3A_1096 = arith.index_cast %get3A_1095 : i32 to index
      %get3A_1097 = arith.constant 0 : index
      %get3A_1098 = tpu.vector_load %arg9[%get3A_1096, %get3A_1097] {strides = array<i32>} : memref<16x128xf32, #tpu.memory_space<vmem>>, vector<16xf32>,
      %mul3A_1099 = arith.mulf %get3A_1098, %gather3A_1094 : vector<16xf32>
      %swap3A_1100 = arith.constant 13 : i32
      %swap3A_1101 = arith.index_cast %swap3A_1100 : i32 to index
      %swap3A_1102 = arith.constant 0 : index
      %swap3A_1103 = tpu.vector_load %arg9[%swap3A_1101, %swap3A_1102] {strides = array<i32>} : memref<16x128xf32, #tpu.memory_space<vmem>>, vector<16xf32>,
      tpu.vector_store %arg9[%swap3A_1101, %swap3A_1102], %mul3A_1099 {strides = array<i32>} : memref<16x128xf32, #tpu.memory_space<vmem>>, vector<16xf32>,
      %get3A_1104 = arith.constant 13 : i32
      %get3A_1105 = arith.index_cast %get3A_1104 : i32 to index
      %get3A_1106 = arith.constant 16 : index
      %get3A_1107 = tpu.vector_load %arg9[%get3A_1105, %get3A_1106] {strides = array<i32>} : memref<16x128xf32, #tpu.memory_space<vmem>>, vector<16xf32>,
      %mul3A_1108 = arith.mulf %get3A_1107, %gather3A_1094 : vector<16xf32>
      %swap3A_1109 = arith.constant 13 : i32
      %swap3A_1110 = arith.index_cast %swap3A_1109 : i32 to index
      %swap3A_1111 = arith.constant 16 : index
      %swap3A_1112 = tpu.vector_load %arg9[%swap3A_1110, %swap3A_1111] {strides = array<i32>} : memref<16x128xf32, #tpu.memory_space<vmem>>, vector<16xf32>,
      tpu.vector_store %arg9[%swap3A_1110, %swap3A_1111], %mul3A_1108 {strides = array<i32>} : memref<16x128xf32, #tpu.memory_space<vmem>>, vector<16xf32>,
      %get3A_1113 = arith.constant 13 : i32
      %get3A_1114 = arith.index_cast %get3A_1113 : i32 to index
      %get3A_1115 = arith.constant 32 : index
      %get3A_1116 = tpu.vector_load %arg9[%get3A_1114, %get3A_1115] {strides = array<i32>} : memref<16x128xf32, #tpu.memory_space<vmem>>, vector<16xf32>,
      %mul3A_1117 = arith.mulf %get3A_1116, %gather3A_1094 : vector<16xf32>
      %swap3A_1118 = arith.constant 13 : i32
      %swap3A_1119 = arith.index_cast %swap3A_1118 : i32 to index
      %swap3A_1120 = arith.constant 32 : index
      %swap3A_1121 = tpu.vector_load %arg9[%swap3A_1119, %swap3A_1120] {strides = array<i32>} : memref<16x128xf32, #tpu.memory_space<vmem>>, vector<16xf32>,
      tpu.vector_store %arg9[%swap3A_1119, %swap3A_1120], %mul3A_1117 {strides = array<i32>} : memref<16x128xf32, #tpu.memory_space<vmem>>, vector<16xf32>,
      %get3A_1122 = arith.constant 13 : i32
      %get3A_1123 = arith.index_cast %get3A_1122 : i32 to index
      %get3A_1124 = arith.constant 48 : index
      %get3A_1125 = tpu.vector_load %arg9[%get3A_1123, %get3A_1124] {strides = array<i32>} : memref<16x128xf32, #tpu.memory_space<vmem>>, vector<16xf32>,
      %mul3A_1126 = arith.mulf %get3A_1125, %gather3A_1094 : vector<16xf32>
      %swap3A_1127 = arith.constant 13 : i32
      %swap3A_1128 = arith.index_cast %swap3A_1127 : i32 to index
      %swap3A_1129 = arith.constant 48 : index
      %swap3A_1130 = tpu.vector_load %arg9[%swap3A_1128, %swap3A_1129] {strides = array<i32>} : memref<16x128xf32, #tpu.memory_space<vmem>>, vector<16xf32>,
      tpu.vector_store %arg9[%swap3A_1128, %swap3A_1129], %mul3A_1126 {strides = array<i32>} : memref<16x128xf32, #tpu.memory_space<vmem>>, vector<16xf32>,
      %get3A_1131 = arith.constant 13 : i32
      %get3A_1132 = arith.index_cast %get3A_1131 : i32 to index
      %get3A_1133 = arith.constant 64 : index
      %get3A_1134 = tpu.vector_load %arg9[%get3A_1132, %get3A_1133] {strides = array<i32>} : memref<16x128xf32, #tpu.memory_space<vmem>>, vector<16xf32>,
      %mul3A_1135 = arith.mulf %get3A_1134, %gather3A_1094 : vector<16xf32>
      %swap3A_1136 = arith.constant 13 : i32
      %swap3A_1137 = arith.index_cast %swap3A_1136 : i32 to index
      %swap3A_1138 = arith.constant 64 : index
      %swap3A_1139 = tpu.vector_load %arg9[%swap3A_1137, %swap3A_1138] {strides = array<i32>} : memref<16x128xf32, #tpu.memory_space<vmem>>, vector<16xf32>,
      tpu.vector_store %arg9[%swap3A_1137, %swap3A_1138], %mul3A_1135 {strides = array<i32>} : memref<16x128xf32, #tpu.memory_space<vmem>>, vector<16xf32>,
      %get3A_1140 = arith.constant 13 : i32
      %get3A_1141 = arith.index_cast %get3A_1140 : i32 to index
      %get3A_1142 = arith.constant 80 : index
      %get3A_1143 = tpu.vector_load %arg9[%get3A_1141, %get3A_1142] {strides = array<i32>} : memref<16x128xf32, #tpu.memory_space<vmem>>, vector<16xf32>,
      %mul3A_1144 = arith.mulf %get3A_1143, %gather3A_1094 : vector<16xf32>
      %swap3A_1145 = arith.constant 13 : i32
      %swap3A_1146 = arith.index_cast %swap3A_1145 : i32 to index
      %swap3A_1147 = arith.constant 80 : index
      %swap3A_1148 = tpu.vector_load %arg9[%swap3A_1146, %swap3A_1147] {strides = array<i32>} : memref<16x128xf32, #tpu.memory_space<vmem>>, vector<16xf32>,
      tpu.vector_store %arg9[%swap3A_1146, %swap3A_1147], %mul3A_1144 {strides = array<i32>} : memref<16x128xf32, #tpu.memory_space<vmem>>, vector<16xf32>,
      %get3A_1149 = arith.constant 13 : i32
      %get3A_1150 = arith.index_cast %get3A_1149 : i32 to index
      %get3A_1151 = arith.constant 96 : index
      %get3A_1152 = tpu.vector_load %arg9[%get3A_1150, %get3A_1151] {strides = array<i32>} : memref<16x128xf32, #tpu.memory_space<vmem>>, vector<16xf32>,
      %mul3A_1153 = arith.mulf %get3A_1152, %gather3A_1094 : vector<16xf32>
      %swap3A_1154 = arith.constant 13 : i32
      %swap3A_1155 = arith.index_cast %swap3A_1154 : i32 to index
      %swap3A_1156 = arith.constant 96 : index
      %swap3A_1157 = tpu.vector_load %arg9[%swap3A_1155, %swap3A_1156] {strides = array<i32>} : memref<16x128xf32, #tpu.memory_space<vmem>>, vector<16xf32>,
      tpu.vector_store %arg9[%swap3A_1155, %swap3A_1156], %mul3A_1153 {strides = array<i32>} : memref<16x128xf32, #tpu.memory_space<vmem>>, vector<16xf32>,
      %get3A_1158 = arith.constant 13 : i32
      %get3A_1159 = arith.index_cast %get3A_1158 : i32 to index
      %get3A_1160 = arith.constant 112 : index
      %get3A_1161 = tpu.vector_load %arg9[%get3A_1159, %get3A_1160] {strides = array<i32>} : memref<16x128xf32, #tpu.memory_space<vmem>>, vector<16xf32>,
      %mul3A_1162 = arith.mulf %get3A_1161, %gather3A_1094 : vector<16xf32>
      %swap3A_1163 = arith.constant 13 : i32
      %swap3A_1164 = arith.index_cast %swap3A_1163 : i32 to index
      %swap3A_1165 = arith.constant 112 : index
      %swap3A_1166 = tpu.vector_load %arg9[%swap3A_1164, %swap3A_1165] {strides = array<i32>} : memref<16x128xf32, #tpu.memory_space<vmem>>, vector<16xf32>,
      tpu.vector_store %arg9[%swap3A_1164, %swap3A_1165], %mul3A_1162 {strides = array<i32>} : memref<16x128xf32, #tpu.memory_space<vmem>>, vector<16xf32>,
      %broadcast_in_dim3A_1167 = arith.constant 30 : i32
      %broadcast_in_dim3A_1168 = vector.broadcast %broadcast_in_dim3A_1167 : i32 to vector<16xi32>
      %gather3A_1169 = tpu.vector_load_idx %arg10[%broadcast_in_dim3A_1168] : memref<32xf32, #tpu.memory_space<vmem>>[vector<16xi32>], vector<16xf32>,
      %get3A_1170 = arith.constant 14 : i32
      %get3A_1171 = arith.index_cast %get3A_1170 : i32 to index
      %get3A_1172 = arith.constant 0 : index
      %get3A_1173 = tpu.vector_load %arg9[%get3A_1171, %get3A_1172] {strides = array<i32>} : memref<16x128xf32, #tpu.memory_space<vmem>>, vector<16xf32>,
      %mul3A_1174 = arith.mulf %get3A_1173, %gather3A_1169 : vector<16xf32>
      %swap3A_1175 = arith.constant 14 : i32
      %swap3A_1176 = arith.index_cast %swap3A_1175 : i32 to index
      %swap3A_1177 = arith.constant 0 : index
      %swap3A_1178 = tpu.vector_load %arg9[%swap3A_1176, %swap3A_1177] {strides = array<i32>} : memref<16x128xf32, #tpu.memory_space<vmem>>, vector<16xf32>,
      tpu.vector_store %arg9[%swap3A_1176, %swap3A_1177], %mul3A_1174 {strides = array<i32>} : memref<16x128xf32, #tpu.memory_space<vmem>>, vector<16xf32>,
      %get3A_1179 = arith.constant 14 : i32
      %get3A_1180 = arith.index_cast %get3A_1179 : i32 to index
      %get3A_1181 = arith.constant 16 : index
      %get3A_1182 = tpu.vector_load %arg9[%get3A_1180, %get3A_1181] {strides = array<i32>} : memref<16x128xf32, #tpu.memory_space<vmem>>, vector<16xf32>,
      %mul3A_1183 = arith.mulf %get3A_1182, %gather3A_1169 : vector<16xf32>
      %swap3A_1184 = arith.constant 14 : i32
      %swap3A_1185 = arith.index_cast %swap3A_1184 : i32 to index
      %swap3A_1186 = arith.constant 16 : index
      %swap3A_1187 = tpu.vector_load %arg9[%swap3A_1185, %swap3A_1186] {strides = array<i32>} : memref<16x128xf32, #tpu.memory_space<vmem>>, vector<16xf32>,
      tpu.vector_store %arg9[%swap3A_1185, %swap3A_1186], %mul3A_1183 {strides = array<i32>} : memref<16x128xf32, #tpu.memory_space<vmem>>, vector<16xf32>,
      %get3A_1188 = arith.constant 14 : i32
      %get3A_1189 = arith.index_cast %get3A_1188 : i32 to index
      %get3A_1190 = arith.constant 32 : index
      %get3A_1191 = tpu.vector_load %arg9[%get3A_1189, %get3A_1190] {strides = array<i32>} : memref<16x128xf32, #tpu.memory_space<vmem>>, vector<16xf32>,
      %mul3A_1192 = arith.mulf %get3A_1191, %gather3A_1169 : vector<16xf32>
      %swap3A_1193 = arith.constant 14 : i32
      %swap3A_1194 = arith.index_cast %swap3A_1193 : i32 to index
      %swap3A_1195 = arith.constant 32 : index
      %swap3A_1196 = tpu.vector_load %arg9[%swap3A_1194, %swap3A_1195] {strides = array<i32>} : memref<16x128xf32, #tpu.memory_space<vmem>>, vector<16xf32>,
      tpu.vector_store %arg9[%swap3A_1194, %swap3A_1195], %mul3A_1192 {strides = array<i32>} : memref<16x128xf32, #tpu.memory_space<vmem>>, vector<16xf32>,
      %get3A_1197 = arith.constant 14 : i32
      %get3A_1198 = arith.index_cast %get3A_1197 : i32 to index
      %get3A_1199 = arith.constant 48 : index
      %get3A_1200 = tpu.vector_load %arg9[%get3A_1198, %get3A_1199] {strides = array<i32>} : memref<16x128xf32, #tpu.memory_space<vmem>>, vector<16xf32>,
      %mul3A_1201 = arith.mulf %get3A_1200, %gather3A_1169 : vector<16xf32>
      %swap3A_1202 = arith.constant 14 : i32
      %swap3A_1203 = arith.index_cast %swap3A_1202 : i32 to index
      %swap3A_1204 = arith.constant 48 : index
      %swap3A_1205 = tpu.vector_load %arg9[%swap3A_1203, %swap3A_1204] {strides = array<i32>} : memref<16x128xf32, #tpu.memory_space<vmem>>, vector<16xf32>,
      tpu.vector_store %arg9[%swap3A_1203, %swap3A_1204], %mul3A_1201 {strides = array<i32>} : memref<16x128xf32, #tpu.memory_space<vmem>>, vector<16xf32>,
      %get3A_1206 = arith.constant 14 : i32
      %get3A_1207 = arith.index_cast %get3A_1206 : i32 to index
      %get3A_1208 = arith.constant 64 : index
      %get3A_1209 = tpu.vector_load %arg9[%get3A_1207, %get3A_1208] {strides = array<i32>} : memref<16x128xf32, #tpu.memory_space<vmem>>, vector<16xf32>,
      %mul3A_1210 = arith.mulf %get3A_1209, %gather3A_1169 : vector<16xf32>
      %swap3A_1211 = arith.constant 14 : i32
      %swap3A_1212 = arith.index_cast %swap3A_1211 : i32 to index
      %swap3A_1213 = arith.constant 64 : index
      %swap3A_1214 = tpu.vector_load %arg9[%swap3A_1212, %swap3A_1213] {strides = array<i32>} : memref<16x128xf32, #tpu.memory_space<vmem>>, vector<16xf32>,
      tpu.vector_store %arg9[%swap3A_1212, %swap3A_1213], %mul3A_1210 {strides = array<i32>} : memref<16x128xf32, #tpu.memory_space<vmem>>, vector<16xf32>,
      %get3A_1215 = arith.constant 14 : i32
      %get3A_1216 = arith.index_cast %get3A_1215 : i32 to index
      %get3A_1217 = arith.constant 80 : index
      %get3A_1218 = tpu.vector_load %arg9[%get3A_1216, %get3A_1217] {strides = array<i32>} : memref<16x128xf32, #tpu.memory_space<vmem>>, vector<16xf32>,
      %mul3A_1219 = arith.mulf %get3A_1218, %gather3A_1169 : vector<16xf32>
      %swap3A_1220 = arith.constant 14 : i32
      %swap3A_1221 = arith.index_cast %swap3A_1220 : i32 to index
      %swap3A_1222 = arith.constant 80 : index
      %swap3A_1223 = tpu.vector_load %arg9[%swap3A_1221, %swap3A_1222] {strides = array<i32>} : memref<16x128xf32, #tpu.memory_space<vmem>>, vector<16xf32>,
      tpu.vector_store %arg9[%swap3A_1221, %swap3A_1222], %mul3A_1219 {strides = array<i32>} : memref<16x128xf32, #tpu.memory_space<vmem>>, vector<16xf32>,
      %get3A_1224 = arith.constant 14 : i32
      %get3A_1225 = arith.index_cast %get3A_1224 : i32 to index
      %get3A_1226 = arith.constant 96 : index
      %get3A_1227 = tpu.vector_load %arg9[%get3A_1225, %get3A_1226] {strides = array<i32>} : memref<16x128xf32, #tpu.memory_space<vmem>>, vector<16xf32>,
      %mul3A_1228 = arith.mulf %get3A_1227, %gather3A_1169 : vector<16xf32>
      %swap3A_1229 = arith.constant 14 : i32
      %swap3A_1230 = arith.index_cast %swap3A_1229 : i32 to index
      %swap3A_1231 = arith.constant 96 : index
      %swap3A_1232 = tpu.vector_load %arg9[%swap3A_1230, %swap3A_1231] {strides = array<i32>} : memref<16x128xf32, #tpu.memory_space<vmem>>, vector<16xf32>,
      tpu.vector_store %arg9[%swap3A_1230, %swap3A_1231], %mul3A_1228 {strides = array<i32>} : memref<16x128xf32, #tpu.memory_space<vmem>>, vector<16xf32>,
      %get3A_1233 = arith.constant 14 : i32
      %get3A_1234 = arith.index_cast %get3A_1233 : i32 to index
      %get3A_1235 = arith.constant 112 : index
      %get3A_1236 = tpu.vector_load %arg9[%get3A_1234, %get3A_1235] {strides = array<i32>} : memref<16x128xf32, #tpu.memory_space<vmem>>, vector<16xf32>,
      %mul3A_1237 = arith.mulf %get3A_1236, %gather3A_1169 : vector<16xf32>
      %swap3A_1238 = arith.constant 14 : i32
      %swap3A_1239 = arith.index_cast %swap3A_1238 : i32 to index
      %swap3A_1240 = arith.constant 112 : index
      %swap3A_1241 = tpu.vector_load %arg9[%swap3A_1239, %swap3A_1240] {strides = array<i32>} : memref<16x128xf32, #tpu.memory_space<vmem>>, vector<16xf32>,
      tpu.vector_store %arg9[%swap3A_1239, %swap3A_1240], %mul3A_1237 {strides = array<i32>} : memref<16x128xf32, #tpu.memory_space<vmem>>, vector<16xf32>,
      %broadcast_in_dim3A_1242 = arith.constant 31 : i32
      %broadcast_in_dim3A_1243 = vector.broadcast %broadcast_in_dim3A_1242 : i32 to vector<16xi32>
      %gather3A_1244 = tpu.vector_load_idx %arg10[%broadcast_in_dim3A_1243] : memref<32xf32, #tpu.memory_space<vmem>>[vector<16xi32>], vector<16xf32>,
      %get3A_1245 = arith.constant 15 : i32
      %get3A_1246 = arith.index_cast %get3A_1245 : i32 to index
      %get3A_1247 = arith.constant 0 : index
      %get3A_1248 = tpu.vector_load %arg9[%get3A_1246, %get3A_1247] {strides = array<i32>} : memref<16x128xf32, #tpu.memory_space<vmem>>, vector<16xf32>,
      %mul3A_1249 = arith.mulf %get3A_1248, %gather3A_1244 : vector<16xf32>
      %swap3A_1250 = arith.constant 15 : i32
      %swap3A_1251 = arith.index_cast %swap3A_1250 : i32 to index
      %swap3A_1252 = arith.constant 0 : index
      %swap3A_1253 = tpu.vector_load %arg9[%swap3A_1251, %swap3A_1252] {strides = array<i32>} : memref<16x128xf32, #tpu.memory_space<vmem>>, vector<16xf32>,
      tpu.vector_store %arg9[%swap3A_1251, %swap3A_1252], %mul3A_1249 {strides = array<i32>} : memref<16x128xf32, #tpu.memory_space<vmem>>, vector<16xf32>,
      %get3A_1254 = arith.constant 15 : i32
      %get3A_1255 = arith.index_cast %get3A_1254 : i32 to index
      %get3A_1256 = arith.constant 16 : index
      %get3A_1257 = tpu.vector_load %arg9[%get3A_1255, %get3A_1256] {strides = array<i32>} : memref<16x128xf32, #tpu.memory_space<vmem>>, vector<16xf32>,
      %mul3A_1258 = arith.mulf %get3A_1257, %gather3A_1244 : vector<16xf32>
      %swap3A_1259 = arith.constant 15 : i32
      %swap3A_1260 = arith.index_cast %swap3A_1259 : i32 to index
      %swap3A_1261 = arith.constant 16 : index
      %swap3A_1262 = tpu.vector_load %arg9[%swap3A_1260, %swap3A_1261] {strides = array<i32>} : memref<16x128xf32, #tpu.memory_space<vmem>>, vector<16xf32>,
      tpu.vector_store %arg9[%swap3A_1260, %swap3A_1261], %mul3A_1258 {strides = array<i32>} : memref<16x128xf32, #tpu.memory_space<vmem>>, vector<16xf32>,
      %get3A_1263 = arith.constant 15 : i32
      %get3A_1264 = arith.index_cast %get3A_1263 : i32 to index
      %get3A_1265 = arith.constant 32 : index
      %get3A_1266 = tpu.vector_load %arg9[%get3A_1264, %get3A_1265] {strides = array<i32>} : memref<16x128xf32, #tpu.memory_space<vmem>>, vector<16xf32>,
      %mul3A_1267 = arith.mulf %get3A_1266, %gather3A_1244 : vector<16xf32>
      %swap3A_1268 = arith.constant 15 : i32
      %swap3A_1269 = arith.index_cast %swap3A_1268 : i32 to index
      %swap3A_1270 = arith.constant 32 : index
      %swap3A_1271 = tpu.vector_load %arg9[%swap3A_1269, %swap3A_1270] {strides = array<i32>} : memref<16x128xf32, #tpu.memory_space<vmem>>, vector<16xf32>,
      tpu.vector_store %arg9[%swap3A_1269, %swap3A_1270], %mul3A_1267 {strides = array<i32>} : memref<16x128xf32, #tpu.memory_space<vmem>>, vector<16xf32>,
      %get3A_1272 = arith.constant 15 : i32
      %get3A_1273 = arith.index_cast %get3A_1272 : i32 to index
      %get3A_1274 = arith.constant 48 : index
      %get3A_1275 = tpu.vector_load %arg9[%get3A_1273, %get3A_1274] {strides = array<i32>} : memref<16x128xf32, #tpu.memory_space<vmem>>, vector<16xf32>,
      %mul3A_1276 = arith.mulf %get3A_1275, %gather3A_1244 : vector<16xf32>
      %swap3A_1277 = arith.constant 15 : i32
      %swap3A_1278 = arith.index_cast %swap3A_1277 : i32 to index
      %swap3A_1279 = arith.constant 48 : index
      %swap3A_1280 = tpu.vector_load %arg9[%swap3A_1278, %swap3A_1279] {strides = array<i32>} : memref<16x128xf32, #tpu.memory_space<vmem>>, vector<16xf32>,
      tpu.vector_store %arg9[%swap3A_1278, %swap3A_1279], %mul3A_1276 {strides = array<i32>} : memref<16x128xf32, #tpu.memory_space<vmem>>, vector<16xf32>,
      %get3A_1281 = arith.constant 15 : i32
      %get3A_1282 = arith.index_cast %get3A_1281 : i32 to index
      %get3A_1283 = arith.constant 64 : index
      %get3A_1284 = tpu.vector_load %arg9[%get3A_1282, %get3A_1283] {strides = array<i32>} : memref<16x128xf32, #tpu.memory_space<vmem>>, vector<16xf32>,
      %mul3A_1285 = arith.mulf %get3A_1284, %gather3A_1244 : vector<16xf32>
      %swap3A_1286 = arith.constant 15 : i32
      %swap3A_1287 = arith.index_cast %swap3A_1286 : i32 to index
      %swap3A_1288 = arith.constant 64 : index
      %swap3A_1289 = tpu.vector_load %arg9[%swap3A_1287, %swap3A_1288] {strides = array<i32>} : memref<16x128xf32, #tpu.memory_space<vmem>>, vector<16xf32>,
      tpu.vector_store %arg9[%swap3A_1287, %swap3A_1288], %mul3A_1285 {strides = array<i32>} : memref<16x128xf32, #tpu.memory_space<vmem>>, vector<16xf32>,
      %get3A_1290 = arith.constant 15 : i32
      %get3A_1291 = arith.index_cast %get3A_1290 : i32 to index
      %get3A_1292 = arith.constant 80 : index
      %get3A_1293 = tpu.vector_load %arg9[%get3A_1291, %get3A_1292] {strides = array<i32>} : memref<16x128xf32, #tpu.memory_space<vmem>>, vector<16xf32>,
      %mul3A_1294 = arith.mulf %get3A_1293, %gather3A_1244 : vector<16xf32>
      %swap3A_1295 = arith.constant 15 : i32
      %swap3A_1296 = arith.index_cast %swap3A_1295 : i32 to index
      %swap3A_1297 = arith.constant 80 : index
      %swap3A_1298 = tpu.vector_load %arg9[%swap3A_1296, %swap3A_1297] {strides = array<i32>} : memref<16x128xf32, #tpu.memory_space<vmem>>, vector<16xf32>,
      tpu.vector_store %arg9[%swap3A_1296, %swap3A_1297], %mul3A_1294 {strides = array<i32>} : memref<16x128xf32, #tpu.memory_space<vmem>>, vector<16xf32>,
      %get3A_1299 = arith.constant 15 : i32
      %get3A_1300 = arith.index_cast %get3A_1299 : i32 to index
      %get3A_1301 = arith.constant 96 : index
      %get3A_1302 = tpu.vector_load %arg9[%get3A_1300, %get3A_1301] {strides = array<i32>} : memref<16x128xf32, #tpu.memory_space<vmem>>, vector<16xf32>,
      %mul3A_1303 = arith.mulf %get3A_1302, %gather3A_1244 : vector<16xf32>
      %swap3A_1304 = arith.constant 15 : i32
      %swap3A_1305 = arith.index_cast %swap3A_1304 : i32 to index
      %swap3A_1306 = arith.constant 96 : index
      %swap3A_1307 = tpu.vector_load %arg9[%swap3A_1305, %swap3A_1306] {strides = array<i32>} : memref<16x128xf32, #tpu.memory_space<vmem>>, vector<16xf32>,
      tpu.vector_store %arg9[%swap3A_1305, %swap3A_1306], %mul3A_1303 {strides = array<i32>} : memref<16x128xf32, #tpu.memory_space<vmem>>, vector<16xf32>,
      %get3A_1308 = arith.constant 15 : i32
      %get3A_1309 = arith.index_cast %get3A_1308 : i32 to index
      %get3A_1310 = arith.constant 112 : index
      %get3A_1311 = tpu.vector_load %arg9[%get3A_1309, %get3A_1310] {strides = array<i32>} : memref<16x128xf32, #tpu.memory_space<vmem>>, vector<16xf32>,
      %mul3A_1312 = arith.mulf %get3A_1311, %gather3A_1244 : vector<16xf32>
      %swap3A_1313 = arith.constant 15 : i32
      %swap3A_1314 = arith.index_cast %swap3A_1313 : i32 to index
      %swap3A_1315 = arith.constant 112 : index
      %swap3A_1316 = tpu.vector_load %arg9[%swap3A_1314, %swap3A_1315] {strides = array<i32>} : memref<16x128xf32, #tpu.memory_space<vmem>>, vector<16xf32>,
      tpu.vector_store %arg9[%swap3A_1314, %swap3A_1315], %mul3A_1312 {strides = array<i32>} : memref<16x128xf32, #tpu.memory_space<vmem>>, vector<16xf32>,
      "tpu.region"() ({
        %run_scoped3A = tpu.sem_alloc : memref<!tpu.dma_semaphore, #tpu.memory_space<semaphore_mem>>
        %dma_start3A = arith.constant 0 : i32
        %dma_start3A_1317 = arith.constant 0 : i32
        %dma_start3A_1318 = tpu.memref_slice %arg12[%dma_start3A, %dma_start3A_1317] : memref<10240x128xf32, #tpu.memory_space<vmem_shared>> -> memref<10240x128xf32, #tpu.memory_space<vmem_shared>>
        tpu.enqueue_indirect_dma source(%arg9 : memref<16x128xf32, #tpu.memory_space<vmem>>) target(%dma_start3A_1318 : memref<10240x128xf32, #tpu.memory_space<vmem_shared>>) offsets(%get3A_112 : vector<16xi32>) semaphore(%run_scoped3A : memref<!tpu.dma_semaphore, #tpu.memory_space<semaphore_mem>>) {add = true}
        %dma_wait3A = arith.constant 0 : i32
        %dma_wait3A_1319 = arith.constant 0 : i32
        %dma_wait3A_1320 = tpu.memref_slice %arg12[%dma_wait3A, %dma_wait3A_1319] : memref<10240x128xf32, #tpu.memory_space<vmem_shared>> -> memref<10240x128xf32, #tpu.memory_space<vmem_shared>>
        tpu.wait_indirect_dma semaphore(%run_scoped3A : memref<!tpu.dma_semaphore, #tpu.memory_space<semaphore_mem>>) src(%arg9 : memref<16x128xf32, #tpu.memory_space<vmem>>) dst(%dma_wait3A_1320 : memref<10240x128xf32, #tpu.memory_space<vmem_shared>>)
        tpu.yield
      }) : () -> ()
    }
    %while3A_99 = arith.constant 1 : i32
    scf.for %while3A_105 = %while3A_97 to %while3A_93 step %while3A_99  : i32 {
      %mul3A_106 = arith.constant 16 : i32
      %mul3A_107 = arith.muli %while3A_105, %mul3A_106 : i32
      %get3A = arith.index_cast %mul3A_107 : i32 to index
      %get3A_108 = tpu.vector_load %arg6[%get3A] {strides = array<i32>} : memref<10336xi32, #tpu.memory_space<vmem>>, vector<16xi32>,
      %mul3A_109 = arith.constant 16 : i32
      %mul3A_110 = arith.muli %while3A_105, %mul3A_109 : i32
      %get3A_111 = arith.index_cast %mul3A_110 : i32 to index
      %get3A_112 = tpu.vector_load %arg7[%get3A_111] {strides = array<i32>} : memref<10336xi32, #tpu.memory_space<vmem>>, vector<16xi32>,
      %gather3A = tpu.vector_load_idx %arg8[%get3A_108] : memref<10240xf32, #tpu.memory_space<vmem>>[vector<16xi32>], vector<16xf32>,
      %gather3A_113 = tpu.vector_load_idx %arg8[%get3A_112] : memref<10240xf32, #tpu.memory_space<vmem>>[vector<16xi32>], vector<16xf32>,
      %abs3A = math.absf %gather3A : vector<16xf32>
      %abs3A_114 = math.absf %gather3A_113 : vector<16xf32>
      %mul3A_115 = arith.mulf %abs3A, %abs3A_114 : vector<16xf32>
      %swap3A = arith.constant 16 : index
      %swap3A_116 = tpu.vector_load %arg10[%swap3A] {strides = array<i32>} : memref<32xf32, #tpu.memory_space<vmem>>, vector<16xf32>,
      tpu.vector_store %arg10[%swap3A], %mul3A_115 {strides = array<i32>} : memref<32xf32, #tpu.memory_space<vmem>>, vector<16xf32>,
      "tpu.region"() ({
        %run_scoped3A = tpu.sem_alloc : memref<!tpu.dma_semaphore, #tpu.memory_space<semaphore_mem>>
        %dma_start3A = arith.constant 0 : i32
        %dma_start3A_1317 = arith.constant 0 : i32
        %dma_start3A_1318 = tpu.memref_slice %arg4[%dma_start3A, %dma_start3A_1317] : memref<10000x128xf32, #tpu.memory_space<hbm>> -> memref<10000x128xf32, #tpu.memory_space<hbm>>
        tpu.enqueue_indirect_dma source(%dma_start3A_1318 : memref<10000x128xf32, #tpu.memory_space<hbm>>) target(%arg9 : memref<16x128xf32, #tpu.memory_space<vmem>>) offsets(%get3A_108 : vector<16xi32>) semaphore(%run_scoped3A : memref<!tpu.dma_semaphore, #tpu.memory_space<semaphore_mem>>)
        %dma_wait3A = arith.constant 0 : i32
        %dma_wait3A_1319 = arith.constant 0 : i32
        %dma_wait3A_1320 = tpu.memref_slice %arg4[%dma_wait3A, %dma_wait3A_1319] : memref<10000x128xf32, #tpu.memory_space<hbm>> -> memref<10000x128xf32, #tpu.memory_space<hbm>>
        tpu.wait_indirect_dma semaphore(%run_scoped3A : memref<!tpu.dma_semaphore, #tpu.memory_space<semaphore_mem>>) src(%dma_wait3A_1320 : memref<10000x128xf32, #tpu.memory_space<hbm>>) dst(%arg9 : memref<16x128xf32, #tpu.memory_space<vmem>>)
        tpu.yield
      }) : () -> ()
      %broadcast_in_dim3A_117 = arith.constant 16 : i32
      %broadcast_in_dim3A_118 = vector.broadcast %broadcast_in_dim3A_117 : i32 to vector<16xi32>
      %gather3A_119 = tpu.vector_load_idx %arg10[%broadcast_in_dim3A_118] : memref<32xf32, #tpu.memory_space<vmem>>[vector<16xi32>], vector<16xf32>,
      %get3A_120 = arith.constant 0 : i32
      %get3A_121 = arith.index_cast %get3A_120 : i32 to index
      %get3A_122 = arith.constant 0 : index
      %get3A_123 = tpu.vector_load %arg9[%get3A_121, %get3A_122] {strides = array<i32>} : memref<16x128xf32, #tpu.memory_space<vmem>>, vector<16xf32>,
      %mul3A_124 = arith.mulf %get3A_123, %gather3A_119 : vector<16xf32>
      %swap3A_125 = arith.constant 0 : i32
      %swap3A_126 = arith.index_cast %swap3A_125 : i32 to index
      %swap3A_127 = arith.constant 0 : index
      %swap3A_128 = tpu.vector_load %arg9[%swap3A_126, %swap3A_127] {strides = array<i32>} : memref<16x128xf32, #tpu.memory_space<vmem>>, vector<16xf32>,
      tpu.vector_store %arg9[%swap3A_126, %swap3A_127], %mul3A_124 {strides = array<i32>} : memref<16x128xf32, #tpu.memory_space<vmem>>, vector<16xf32>,
      %get3A_129 = arith.constant 0 : i32
      %get3A_130 = arith.index_cast %get3A_129 : i32 to index
      %get3A_131 = arith.constant 16 : index
      %get3A_132 = tpu.vector_load %arg9[%get3A_130, %get3A_131] {strides = array<i32>} : memref<16x128xf32, #tpu.memory_space<vmem>>, vector<16xf32>,
      %mul3A_133 = arith.mulf %get3A_132, %gather3A_119 : vector<16xf32>
      %swap3A_134 = arith.constant 0 : i32
      %swap3A_135 = arith.index_cast %swap3A_134 : i32 to index
      %swap3A_136 = arith.constant 16 : index
      %swap3A_137 = tpu.vector_load %arg9[%swap3A_135, %swap3A_136] {strides = array<i32>} : memref<16x128xf32, #tpu.memory_space<vmem>>, vector<16xf32>,
      tpu.vector_store %arg9[%swap3A_135, %swap3A_136], %mul3A_133 {strides = array<i32>} : memref<16x128xf32, #tpu.memory_space<vmem>>, vector<16xf32>,
      %get3A_138 = arith.constant 0 : i32
      %get3A_139 = arith.index_cast %get3A_138 : i32 to index
      %get3A_140 = arith.constant 32 : index
      %get3A_141 = tpu.vector_load %arg9[%get3A_139, %get3A_140] {strides = array<i32>} : memref<16x128xf32, #tpu.memory_space<vmem>>, vector<16xf32>,
      %mul3A_142 = arith.mulf %get3A_141, %gather3A_119 : vector<16xf32>
      %swap3A_143 = arith.constant 0 : i32
      %swap3A_144 = arith.index_cast %swap3A_143 : i32 to index
      %swap3A_145 = arith.constant 32 : index
      %swap3A_146 = tpu.vector_load %arg9[%swap3A_144, %swap3A_145] {strides = array<i32>} : memref<16x128xf32, #tpu.memory_space<vmem>>, vector<16xf32>,
      tpu.vector_store %arg9[%swap3A_144, %swap3A_145], %mul3A_142 {strides = array<i32>} : memref<16x128xf32, #tpu.memory_space<vmem>>, vector<16xf32>,
      %get3A_147 = arith.constant 0 : i32
      %get3A_148 = arith.index_cast %get3A_147 : i32 to index
      %get3A_149 = arith.constant 48 : index
      %get3A_150 = tpu.vector_load %arg9[%get3A_148, %get3A_149] {strides = array<i32>} : memref<16x128xf32, #tpu.memory_space<vmem>>, vector<16xf32>,
      %mul3A_151 = arith.mulf %get3A_150, %gather3A_119 : vector<16xf32>
      %swap3A_152 = arith.constant 0 : i32
      %swap3A_153 = arith.index_cast %swap3A_152 : i32 to index
      %swap3A_154 = arith.constant 48 : index
      %swap3A_155 = tpu.vector_load %arg9[%swap3A_153, %swap3A_154] {strides = array<i32>} : memref<16x128xf32, #tpu.memory_space<vmem>>, vector<16xf32>,
      tpu.vector_store %arg9[%swap3A_153, %swap3A_154], %mul3A_151 {strides = array<i32>} : memref<16x128xf32, #tpu.memory_space<vmem>>, vector<16xf32>,
      %get3A_156 = arith.constant 0 : i32
      %get3A_157 = arith.index_cast %get3A_156 : i32 to index
      %get3A_158 = arith.constant 64 : index
      %get3A_159 = tpu.vector_load %arg9[%get3A_157, %get3A_158] {strides = array<i32>} : memref<16x128xf32, #tpu.memory_space<vmem>>, vector<16xf32>,
      %mul3A_160 = arith.mulf %get3A_159, %gather3A_119 : vector<16xf32>
      %swap3A_161 = arith.constant 0 : i32
      %swap3A_162 = arith.index_cast %swap3A_161 : i32 to index
      %swap3A_163 = arith.constant 64 : index
      %swap3A_164 = tpu.vector_load %arg9[%swap3A_162, %swap3A_163] {strides = array<i32>} : memref<16x128xf32, #tpu.memory_space<vmem>>, vector<16xf32>,
      tpu.vector_store %arg9[%swap3A_162, %swap3A_163], %mul3A_160 {strides = array<i32>} : memref<16x128xf32, #tpu.memory_space<vmem>>, vector<16xf32>,
      %get3A_165 = arith.constant 0 : i32
      %get3A_166 = arith.index_cast %get3A_165 : i32 to index
      %get3A_167 = arith.constant 80 : index
      %get3A_168 = tpu.vector_load %arg9[%get3A_166, %get3A_167] {strides = array<i32>} : memref<16x128xf32, #tpu.memory_space<vmem>>, vector<16xf32>,
      %mul3A_169 = arith.mulf %get3A_168, %gather3A_119 : vector<16xf32>
      %swap3A_170 = arith.constant 0 : i32
      %swap3A_171 = arith.index_cast %swap3A_170 : i32 to index
      %swap3A_172 = arith.constant 80 : index
      %swap3A_173 = tpu.vector_load %arg9[%swap3A_171, %swap3A_172] {strides = array<i32>} : memref<16x128xf32, #tpu.memory_space<vmem>>, vector<16xf32>,
      tpu.vector_store %arg9[%swap3A_171, %swap3A_172], %mul3A_169 {strides = array<i32>} : memref<16x128xf32, #tpu.memory_space<vmem>>, vector<16xf32>,
      %get3A_174 = arith.constant 0 : i32
      %get3A_175 = arith.index_cast %get3A_174 : i32 to index
      %get3A_176 = arith.constant 96 : index
      %get3A_177 = tpu.vector_load %arg9[%get3A_175, %get3A_176] {strides = array<i32>} : memref<16x128xf32, #tpu.memory_space<vmem>>, vector<16xf32>,
      %mul3A_178 = arith.mulf %get3A_177, %gather3A_119 : vector<16xf32>
      %swap3A_179 = arith.constant 0 : i32
      %swap3A_180 = arith.index_cast %swap3A_179 : i32 to index
      %swap3A_181 = arith.constant 96 : index
      %swap3A_182 = tpu.vector_load %arg9[%swap3A_180, %swap3A_181] {strides = array<i32>} : memref<16x128xf32, #tpu.memory_space<vmem>>, vector<16xf32>,
      tpu.vector_store %arg9[%swap3A_180, %swap3A_181], %mul3A_178 {strides = array<i32>} : memref<16x128xf32, #tpu.memory_space<vmem>>, vector<16xf32>,
      %get3A_183 = arith.constant 0 : i32
      %get3A_184 = arith.index_cast %get3A_183 : i32 to index
      %get3A_185 = arith.constant 112 : index
      %get3A_186 = tpu.vector_load %arg9[%get3A_184, %get3A_185] {strides = array<i32>} : memref<16x128xf32, #tpu.memory_space<vmem>>, vector<16xf32>,
      %mul3A_187 = arith.mulf %get3A_186, %gather3A_119 : vector<16xf32>
      %swap3A_188 = arith.constant 0 : i32
      %swap3A_189 = arith.index_cast %swap3A_188 : i32 to index
      %swap3A_190 = arith.constant 112 : index
      %swap3A_191 = tpu.vector_load %arg9[%swap3A_189, %swap3A_190] {strides = array<i32>} : memref<16x128xf32, #tpu.memory_space<vmem>>, vector<16xf32>,
      tpu.vector_store %arg9[%swap3A_189, %swap3A_190], %mul3A_187 {strides = array<i32>} : memref<16x128xf32, #tpu.memory_space<vmem>>, vector<16xf32>,
      %broadcast_in_dim3A_192 = arith.constant 17 : i32
      %broadcast_in_dim3A_193 = vector.broadcast %broadcast_in_dim3A_192 : i32 to vector<16xi32>
      %gather3A_194 = tpu.vector_load_idx %arg10[%broadcast_in_dim3A_193] : memref<32xf32, #tpu.memory_space<vmem>>[vector<16xi32>], vector<16xf32>,
      %get3A_195 = arith.constant 1 : i32
      %get3A_196 = arith.index_cast %get3A_195 : i32 to index
      %get3A_197 = arith.constant 0 : index
      %get3A_198 = tpu.vector_load %arg9[%get3A_196, %get3A_197] {strides = array<i32>} : memref<16x128xf32, #tpu.memory_space<vmem>>, vector<16xf32>,
      %mul3A_199 = arith.mulf %get3A_198, %gather3A_194 : vector<16xf32>
      %swap3A_200 = arith.constant 1 : i32
      %swap3A_201 = arith.index_cast %swap3A_200 : i32 to index
      %swap3A_202 = arith.constant 0 : index
      %swap3A_203 = tpu.vector_load %arg9[%swap3A_201, %swap3A_202] {strides = array<i32>} : memref<16x128xf32, #tpu.memory_space<vmem>>, vector<16xf32>,
      tpu.vector_store %arg9[%swap3A_201, %swap3A_202], %mul3A_199 {strides = array<i32>} : memref<16x128xf32, #tpu.memory_space<vmem>>, vector<16xf32>,
      %get3A_204 = arith.constant 1 : i32
      %get3A_205 = arith.index_cast %get3A_204 : i32 to index
      %get3A_206 = arith.constant 16 : index
      %get3A_207 = tpu.vector_load %arg9[%get3A_205, %get3A_206] {strides = array<i32>} : memref<16x128xf32, #tpu.memory_space<vmem>>, vector<16xf32>,
      %mul3A_208 = arith.mulf %get3A_207, %gather3A_194 : vector<16xf32>
      %swap3A_209 = arith.constant 1 : i32
      %swap3A_210 = arith.index_cast %swap3A_209 : i32 to index
      %swap3A_211 = arith.constant 16 : index
      %swap3A_212 = tpu.vector_load %arg9[%swap3A_210, %swap3A_211] {strides = array<i32>} : memref<16x128xf32, #tpu.memory_space<vmem>>, vector<16xf32>,
      tpu.vector_store %arg9[%swap3A_210, %swap3A_211], %mul3A_208 {strides = array<i32>} : memref<16x128xf32, #tpu.memory_space<vmem>>, vector<16xf32>,
      %get3A_213 = arith.constant 1 : i32
      %get3A_214 = arith.index_cast %get3A_213 : i32 to index
      %get3A_215 = arith.constant 32 : index
      %get3A_216 = tpu.vector_load %arg9[%get3A_214, %get3A_215] {strides = array<i32>} : memref<16x128xf32, #tpu.memory_space<vmem>>, vector<16xf32>,
      %mul3A_217 = arith.mulf %get3A_216, %gather3A_194 : vector<16xf32>
      %swap3A_218 = arith.constant 1 : i32
      %swap3A_219 = arith.index_cast %swap3A_218 : i32 to index
      %swap3A_220 = arith.constant 32 : index
      %swap3A_221 = tpu.vector_load %arg9[%swap3A_219, %swap3A_220] {strides = array<i32>} : memref<16x128xf32, #tpu.memory_space<vmem>>, vector<16xf32>,
      tpu.vector_store %arg9[%swap3A_219, %swap3A_220], %mul3A_217 {strides = array<i32>} : memref<16x128xf32, #tpu.memory_space<vmem>>, vector<16xf32>,
      %get3A_222 = arith.constant 1 : i32
      %get3A_223 = arith.index_cast %get3A_222 : i32 to index
      %get3A_224 = arith.constant 48 : index
      %get3A_225 = tpu.vector_load %arg9[%get3A_223, %get3A_224] {strides = array<i32>} : memref<16x128xf32, #tpu.memory_space<vmem>>, vector<16xf32>,
      %mul3A_226 = arith.mulf %get3A_225, %gather3A_194 : vector<16xf32>
      %swap3A_227 = arith.constant 1 : i32
      %swap3A_228 = arith.index_cast %swap3A_227 : i32 to index
      %swap3A_229 = arith.constant 48 : index
      %swap3A_230 = tpu.vector_load %arg9[%swap3A_228, %swap3A_229] {strides = array<i32>} : memref<16x128xf32, #tpu.memory_space<vmem>>, vector<16xf32>,
      tpu.vector_store %arg9[%swap3A_228, %swap3A_229], %mul3A_226 {strides = array<i32>} : memref<16x128xf32, #tpu.memory_space<vmem>>, vector<16xf32>,
      %get3A_231 = arith.constant 1 : i32
      %get3A_232 = arith.index_cast %get3A_231 : i32 to index
      %get3A_233 = arith.constant 64 : index
      %get3A_234 = tpu.vector_load %arg9[%get3A_232, %get3A_233] {strides = array<i32>} : memref<16x128xf32, #tpu.memory_space<vmem>>, vector<16xf32>,
      %mul3A_235 = arith.mulf %get3A_234, %gather3A_194 : vector<16xf32>
      %swap3A_236 = arith.constant 1 : i32
      %swap3A_237 = arith.index_cast %swap3A_236 : i32 to index
      %swap3A_238 = arith.constant 64 : index
      %swap3A_239 = tpu.vector_load %arg9[%swap3A_237, %swap3A_238] {strides = array<i32>} : memref<16x128xf32, #tpu.memory_space<vmem>>, vector<16xf32>,
      tpu.vector_store %arg9[%swap3A_237, %swap3A_238], %mul3A_235 {strides = array<i32>} : memref<16x128xf32, #tpu.memory_space<vmem>>, vector<16xf32>,
      %get3A_240 = arith.constant 1 : i32
      %get3A_241 = arith.index_cast %get3A_240 : i32 to index
      %get3A_242 = arith.constant 80 : index
      %get3A_243 = tpu.vector_load %arg9[%get3A_241, %get3A_242] {strides = array<i32>} : memref<16x128xf32, #tpu.memory_space<vmem>>, vector<16xf32>,
      %mul3A_244 = arith.mulf %get3A_243, %gather3A_194 : vector<16xf32>
      %swap3A_245 = arith.constant 1 : i32
      %swap3A_246 = arith.index_cast %swap3A_245 : i32 to index
      %swap3A_247 = arith.constant 80 : index
      %swap3A_248 = tpu.vector_load %arg9[%swap3A_246, %swap3A_247] {strides = array<i32>} : memref<16x128xf32, #tpu.memory_space<vmem>>, vector<16xf32>,
      tpu.vector_store %arg9[%swap3A_246, %swap3A_247], %mul3A_244 {strides = array<i32>} : memref<16x128xf32, #tpu.memory_space<vmem>>, vector<16xf32>,
      %get3A_249 = arith.constant 1 : i32
      %get3A_250 = arith.index_cast %get3A_249 : i32 to index
      %get3A_251 = arith.constant 96 : index
      %get3A_252 = tpu.vector_load %arg9[%get3A_250, %get3A_251] {strides = array<i32>} : memref<16x128xf32, #tpu.memory_space<vmem>>, vector<16xf32>,
      %mul3A_253 = arith.mulf %get3A_252, %gather3A_194 : vector<16xf32>
      %swap3A_254 = arith.constant 1 : i32
      %swap3A_255 = arith.index_cast %swap3A_254 : i32 to index
      %swap3A_256 = arith.constant 96 : index
      %swap3A_257 = tpu.vector_load %arg9[%swap3A_255, %swap3A_256] {strides = array<i32>} : memref<16x128xf32, #tpu.memory_space<vmem>>, vector<16xf32>,
      tpu.vector_store %arg9[%swap3A_255, %swap3A_256], %mul3A_253 {strides = array<i32>} : memref<16x128xf32, #tpu.memory_space<vmem>>, vector<16xf32>,
      %get3A_258 = arith.constant 1 : i32
      %get3A_259 = arith.index_cast %get3A_258 : i32 to index
      %get3A_260 = arith.constant 112 : index
      %get3A_261 = tpu.vector_load %arg9[%get3A_259, %get3A_260] {strides = array<i32>} : memref<16x128xf32, #tpu.memory_space<vmem>>, vector<16xf32>,
      %mul3A_262 = arith.mulf %get3A_261, %gather3A_194 : vector<16xf32>
      %swap3A_263 = arith.constant 1 : i32
      %swap3A_264 = arith.index_cast %swap3A_263 : i32 to index
      %swap3A_265 = arith.constant 112 : index
      %swap3A_266 = tpu.vector_load %arg9[%swap3A_264, %swap3A_265] {strides = array<i32>} : memref<16x128xf32, #tpu.memory_space<vmem>>, vector<16xf32>,
      tpu.vector_store %arg9[%swap3A_264, %swap3A_265], %mul3A_262 {strides = array<i32>} : memref<16x128xf32, #tpu.memory_space<vmem>>, vector<16xf32>,
      %broadcast_in_dim3A_267 = arith.constant 18 : i32
      %broadcast_in_dim3A_268 = vector.broadcast %broadcast_in_dim3A_267 : i32 to vector<16xi32>
      %gather3A_269 = tpu.vector_load_idx %arg10[%broadcast_in_dim3A_268] : memref<32xf32, #tpu.memory_space<vmem>>[vector<16xi32>], vector<16xf32>,
      %get3A_270 = arith.constant 2 : i32
      %get3A_271 = arith.index_cast %get3A_270 : i32 to index
      %get3A_272 = arith.constant 0 : index
      %get3A_273 = tpu.vector_load %arg9[%get3A_271, %get3A_272] {strides = array<i32>} : memref<16x128xf32, #tpu.memory_space<vmem>>, vector<16xf32>,
      %mul3A_274 = arith.mulf %get3A_273, %gather3A_269 : vector<16xf32>
      %swap3A_275 = arith.constant 2 : i32
      %swap3A_276 = arith.index_cast %swap3A_275 : i32 to index
      %swap3A_277 = arith.constant 0 : index
      %swap3A_278 = tpu.vector_load %arg9[%swap3A_276, %swap3A_277] {strides = array<i32>} : memref<16x128xf32, #tpu.memory_space<vmem>>, vector<16xf32>,
      tpu.vector_store %arg9[%swap3A_276, %swap3A_277], %mul3A_274 {strides = array<i32>} : memref<16x128xf32, #tpu.memory_space<vmem>>, vector<16xf32>,
      %get3A_279 = arith.constant 2 : i32
      %get3A_280 = arith.index_cast %get3A_279 : i32 to index
      %get3A_281 = arith.constant 16 : index
      %get3A_282 = tpu.vector_load %arg9[%get3A_280, %get3A_281] {strides = array<i32>} : memref<16x128xf32, #tpu.memory_space<vmem>>, vector<16xf32>,
      %mul3A_283 = arith.mulf %get3A_282, %gather3A_269 : vector<16xf32>
      %swap3A_284 = arith.constant 2 : i32
      %swap3A_285 = arith.index_cast %swap3A_284 : i32 to index
      %swap3A_286 = arith.constant 16 : index
      %swap3A_287 = tpu.vector_load %arg9[%swap3A_285, %swap3A_286] {strides = array<i32>} : memref<16x128xf32, #tpu.memory_space<vmem>>, vector<16xf32>,
      tpu.vector_store %arg9[%swap3A_285, %swap3A_286], %mul3A_283 {strides = array<i32>} : memref<16x128xf32, #tpu.memory_space<vmem>>, vector<16xf32>,
      %get3A_288 = arith.constant 2 : i32
      %get3A_289 = arith.index_cast %get3A_288 : i32 to index
      %get3A_290 = arith.constant 32 : index
      %get3A_291 = tpu.vector_load %arg9[%get3A_289, %get3A_290] {strides = array<i32>} : memref<16x128xf32, #tpu.memory_space<vmem>>, vector<16xf32>,
      %mul3A_292 = arith.mulf %get3A_291, %gather3A_269 : vector<16xf32>
      %swap3A_293 = arith.constant 2 : i32
      %swap3A_294 = arith.index_cast %swap3A_293 : i32 to index
      %swap3A_295 = arith.constant 32 : index
      %swap3A_296 = tpu.vector_load %arg9[%swap3A_294, %swap3A_295] {strides = array<i32>} : memref<16x128xf32, #tpu.memory_space<vmem>>, vector<16xf32>,
      tpu.vector_store %arg9[%swap3A_294, %swap3A_295], %mul3A_292 {strides = array<i32>} : memref<16x128xf32, #tpu.memory_space<vmem>>, vector<16xf32>,
      %get3A_297 = arith.constant 2 : i32
      %get3A_298 = arith.index_cast %get3A_297 : i32 to index
      %get3A_299 = arith.constant 48 : index
      %get3A_300 = tpu.vector_load %arg9[%get3A_298, %get3A_299] {strides = array<i32>} : memref<16x128xf32, #tpu.memory_space<vmem>>, vector<16xf32>,
      %mul3A_301 = arith.mulf %get3A_300, %gather3A_269 : vector<16xf32>
      %swap3A_302 = arith.constant 2 : i32
      %swap3A_303 = arith.index_cast %swap3A_302 : i32 to index
      %swap3A_304 = arith.constant 48 : index
      %swap3A_305 = tpu.vector_load %arg9[%swap3A_303, %swap3A_304] {strides = array<i32>} : memref<16x128xf32, #tpu.memory_space<vmem>>, vector<16xf32>,
      tpu.vector_store %arg9[%swap3A_303, %swap3A_304], %mul3A_301 {strides = array<i32>} : memref<16x128xf32, #tpu.memory_space<vmem>>, vector<16xf32>,
      %get3A_306 = arith.constant 2 : i32
      %get3A_307 = arith.index_cast %get3A_306 : i32 to index
      %get3A_308 = arith.constant 64 : index
      %get3A_309 = tpu.vector_load %arg9[%get3A_307, %get3A_308] {strides = array<i32>} : memref<16x128xf32, #tpu.memory_space<vmem>>, vector<16xf32>,
      %mul3A_310 = arith.mulf %get3A_309, %gather3A_269 : vector<16xf32>
      %swap3A_311 = arith.constant 2 : i32
      %swap3A_312 = arith.index_cast %swap3A_311 : i32 to index
      %swap3A_313 = arith.constant 64 : index
      %swap3A_314 = tpu.vector_load %arg9[%swap3A_312, %swap3A_313] {strides = array<i32>} : memref<16x128xf32, #tpu.memory_space<vmem>>, vector<16xf32>,
      tpu.vector_store %arg9[%swap3A_312, %swap3A_313], %mul3A_310 {strides = array<i32>} : memref<16x128xf32, #tpu.memory_space<vmem>>, vector<16xf32>,
      %get3A_315 = arith.constant 2 : i32
      %get3A_316 = arith.index_cast %get3A_315 : i32 to index
      %get3A_317 = arith.constant 80 : index
      %get3A_318 = tpu.vector_load %arg9[%get3A_316, %get3A_317] {strides = array<i32>} : memref<16x128xf32, #tpu.memory_space<vmem>>, vector<16xf32>,
      %mul3A_319 = arith.mulf %get3A_318, %gather3A_269 : vector<16xf32>
      %swap3A_320 = arith.constant 2 : i32
      %swap3A_321 = arith.index_cast %swap3A_320 : i32 to index
      %swap3A_322 = arith.constant 80 : index
      %swap3A_323 = tpu.vector_load %arg9[%swap3A_321, %swap3A_322] {strides = array<i32>} : memref<16x128xf32, #tpu.memory_space<vmem>>, vector<16xf32>,
      tpu.vector_store %arg9[%swap3A_321, %swap3A_322], %mul3A_319 {strides = array<i32>} : memref<16x128xf32, #tpu.memory_space<vmem>>, vector<16xf32>,
      %get3A_324 = arith.constant 2 : i32
      %get3A_325 = arith.index_cast %get3A_324 : i32 to index
      %get3A_326 = arith.constant 96 : index
      %get3A_327 = tpu.vector_load %arg9[%get3A_325, %get3A_326] {strides = array<i32>} : memref<16x128xf32, #tpu.memory_space<vmem>>, vector<16xf32>,
      %mul3A_328 = arith.mulf %get3A_327, %gather3A_269 : vector<16xf32>
      %swap3A_329 = arith.constant 2 : i32
      %swap3A_330 = arith.index_cast %swap3A_329 : i32 to index
      %swap3A_331 = arith.constant 96 : index
      %swap3A_332 = tpu.vector_load %arg9[%swap3A_330, %swap3A_331] {strides = array<i32>} : memref<16x128xf32, #tpu.memory_space<vmem>>, vector<16xf32>,
      tpu.vector_store %arg9[%swap3A_330, %swap3A_331], %mul3A_328 {strides = array<i32>} : memref<16x128xf32, #tpu.memory_space<vmem>>, vector<16xf32>,
      %get3A_333 = arith.constant 2 : i32
      %get3A_334 = arith.index_cast %get3A_333 : i32 to index
      %get3A_335 = arith.constant 112 : index
      %get3A_336 = tpu.vector_load %arg9[%get3A_334, %get3A_335] {strides = array<i32>} : memref<16x128xf32, #tpu.memory_space<vmem>>, vector<16xf32>,
      %mul3A_337 = arith.mulf %get3A_336, %gather3A_269 : vector<16xf32>
      %swap3A_338 = arith.constant 2 : i32
      %swap3A_339 = arith.index_cast %swap3A_338 : i32 to index
      %swap3A_340 = arith.constant 112 : index
      %swap3A_341 = tpu.vector_load %arg9[%swap3A_339, %swap3A_340] {strides = array<i32>} : memref<16x128xf32, #tpu.memory_space<vmem>>, vector<16xf32>,
      tpu.vector_store %arg9[%swap3A_339, %swap3A_340], %mul3A_337 {strides = array<i32>} : memref<16x128xf32, #tpu.memory_space<vmem>>, vector<16xf32>,
      %broadcast_in_dim3A_342 = arith.constant 19 : i32
      %broadcast_in_dim3A_343 = vector.broadcast %broadcast_in_dim3A_342 : i32 to vector<16xi32>
      %gather3A_344 = tpu.vector_load_idx %arg10[%broadcast_in_dim3A_343] : memref<32xf32, #tpu.memory_space<vmem>>[vector<16xi32>], vector<16xf32>,
      %get3A_345 = arith.constant 3 : i32
      %get3A_346 = arith.index_cast %get3A_345 : i32 to index
      %get3A_347 = arith.constant 0 : index
      %get3A_348 = tpu.vector_load %arg9[%get3A_346, %get3A_347] {strides = array<i32>} : memref<16x128xf32, #tpu.memory_space<vmem>>, vector<16xf32>,
      %mul3A_349 = arith.mulf %get3A_348, %gather3A_344 : vector<16xf32>
      %swap3A_350 = arith.constant 3 : i32
      %swap3A_351 = arith.index_cast %swap3A_350 : i32 to index
      %swap3A_352 = arith.constant 0 : index
      %swap3A_353 = tpu.vector_load %arg9[%swap3A_351, %swap3A_352] {strides = array<i32>} : memref<16x128xf32, #tpu.memory_space<vmem>>, vector<16xf32>,
      tpu.vector_store %arg9[%swap3A_351, %swap3A_352], %mul3A_349 {strides = array<i32>} : memref<16x128xf32, #tpu.memory_space<vmem>>, vector<16xf32>,
      %get3A_354 = arith.constant 3 : i32
      %get3A_355 = arith.index_cast %get3A_354 : i32 to index
      %get3A_356 = arith.constant 16 : index
      %get3A_357 = tpu.vector_load %arg9[%get3A_355, %get3A_356] {strides = array<i32>} : memref<16x128xf32, #tpu.memory_space<vmem>>, vector<16xf32>,
      %mul3A_358 = arith.mulf %get3A_357, %gather3A_344 : vector<16xf32>
      %swap3A_359 = arith.constant 3 : i32
      %swap3A_360 = arith.index_cast %swap3A_359 : i32 to index
      %swap3A_361 = arith.constant 16 : index
      %swap3A_362 = tpu.vector_load %arg9[%swap3A_360, %swap3A_361] {strides = array<i32>} : memref<16x128xf32, #tpu.memory_space<vmem>>, vector<16xf32>,
      tpu.vector_store %arg9[%swap3A_360, %swap3A_361], %mul3A_358 {strides = array<i32>} : memref<16x128xf32, #tpu.memory_space<vmem>>, vector<16xf32>,
      %get3A_363 = arith.constant 3 : i32
      %get3A_364 = arith.index_cast %get3A_363 : i32 to index
      %get3A_365 = arith.constant 32 : index
      %get3A_366 = tpu.vector_load %arg9[%get3A_364, %get3A_365] {strides = array<i32>} : memref<16x128xf32, #tpu.memory_space<vmem>>, vector<16xf32>,
      %mul3A_367 = arith.mulf %get3A_366, %gather3A_344 : vector<16xf32>
      %swap3A_368 = arith.constant 3 : i32
      %swap3A_369 = arith.index_cast %swap3A_368 : i32 to index
      %swap3A_370 = arith.constant 32 : index
      %swap3A_371 = tpu.vector_load %arg9[%swap3A_369, %swap3A_370] {strides = array<i32>} : memref<16x128xf32, #tpu.memory_space<vmem>>, vector<16xf32>,
      tpu.vector_store %arg9[%swap3A_369, %swap3A_370], %mul3A_367 {strides = array<i32>} : memref<16x128xf32, #tpu.memory_space<vmem>>, vector<16xf32>,
      %get3A_372 = arith.constant 3 : i32
      %get3A_373 = arith.index_cast %get3A_372 : i32 to index
      %get3A_374 = arith.constant 48 : index
      %get3A_375 = tpu.vector_load %arg9[%get3A_373, %get3A_374] {strides = array<i32>} : memref<16x128xf32, #tpu.memory_space<vmem>>, vector<16xf32>,
      %mul3A_376 = arith.mulf %get3A_375, %gather3A_344 : vector<16xf32>
      %swap3A_377 = arith.constant 3 : i32
      %swap3A_378 = arith.index_cast %swap3A_377 : i32 to index
      %swap3A_379 = arith.constant 48 : index
      %swap3A_380 = tpu.vector_load %arg9[%swap3A_378, %swap3A_379] {strides = array<i32>} : memref<16x128xf32, #tpu.memory_space<vmem>>, vector<16xf32>,
      tpu.vector_store %arg9[%swap3A_378, %swap3A_379], %mul3A_376 {strides = array<i32>} : memref<16x128xf32, #tpu.memory_space<vmem>>, vector<16xf32>,
      %get3A_381 = arith.constant 3 : i32
      %get3A_382 = arith.index_cast %get3A_381 : i32 to index
      %get3A_383 = arith.constant 64 : index
      %get3A_384 = tpu.vector_load %arg9[%get3A_382, %get3A_383] {strides = array<i32>} : memref<16x128xf32, #tpu.memory_space<vmem>>, vector<16xf32>,
      %mul3A_385 = arith.mulf %get3A_384, %gather3A_344 : vector<16xf32>
      %swap3A_386 = arith.constant 3 : i32
      %swap3A_387 = arith.index_cast %swap3A_386 : i32 to index
      %swap3A_388 = arith.constant 64 : index
      %swap3A_389 = tpu.vector_load %arg9[%swap3A_387, %swap3A_388] {strides = array<i32>} : memref<16x128xf32, #tpu.memory_space<vmem>>, vector<16xf32>,
      tpu.vector_store %arg9[%swap3A_387, %swap3A_388], %mul3A_385 {strides = array<i32>} : memref<16x128xf32, #tpu.memory_space<vmem>>, vector<16xf32>,
      %get3A_390 = arith.constant 3 : i32
      %get3A_391 = arith.index_cast %get3A_390 : i32 to index
      %get3A_392 = arith.constant 80 : index
      %get3A_393 = tpu.vector_load %arg9[%get3A_391, %get3A_392] {strides = array<i32>} : memref<16x128xf32, #tpu.memory_space<vmem>>, vector<16xf32>,
      %mul3A_394 = arith.mulf %get3A_393, %gather3A_344 : vector<16xf32>
      %swap3A_395 = arith.constant 3 : i32
      %swap3A_396 = arith.index_cast %swap3A_395 : i32 to index
      %swap3A_397 = arith.constant 80 : index
      %swap3A_398 = tpu.vector_load %arg9[%swap3A_396, %swap3A_397] {strides = array<i32>} : memref<16x128xf32, #tpu.memory_space<vmem>>, vector<16xf32>,
      tpu.vector_store %arg9[%swap3A_396, %swap3A_397], %mul3A_394 {strides = array<i32>} : memref<16x128xf32, #tpu.memory_space<vmem>>, vector<16xf32>,
      %get3A_399 = arith.constant 3 : i32
      %get3A_400 = arith.index_cast %get3A_399 : i32 to index
      %get3A_401 = arith.constant 96 : index
      %get3A_402 = tpu.vector_load %arg9[%get3A_400, %get3A_401] {strides = array<i32>} : memref<16x128xf32, #tpu.memory_space<vmem>>, vector<16xf32>,
      %mul3A_403 = arith.mulf %get3A_402, %gather3A_344 : vector<16xf32>
      %swap3A_404 = arith.constant 3 : i32
      %swap3A_405 = arith.index_cast %swap3A_404 : i32 to index
      %swap3A_406 = arith.constant 96 : index
      %swap3A_407 = tpu.vector_load %arg9[%swap3A_405, %swap3A_406] {strides = array<i32>} : memref<16x128xf32, #tpu.memory_space<vmem>>, vector<16xf32>,
      tpu.vector_store %arg9[%swap3A_405, %swap3A_406], %mul3A_403 {strides = array<i32>} : memref<16x128xf32, #tpu.memory_space<vmem>>, vector<16xf32>,
      %get3A_408 = arith.constant 3 : i32
      %get3A_409 = arith.index_cast %get3A_408 : i32 to index
      %get3A_410 = arith.constant 112 : index
      %get3A_411 = tpu.vector_load %arg9[%get3A_409, %get3A_410] {strides = array<i32>} : memref<16x128xf32, #tpu.memory_space<vmem>>, vector<16xf32>,
      %mul3A_412 = arith.mulf %get3A_411, %gather3A_344 : vector<16xf32>
      %swap3A_413 = arith.constant 3 : i32
      %swap3A_414 = arith.index_cast %swap3A_413 : i32 to index
      %swap3A_415 = arith.constant 112 : index
      %swap3A_416 = tpu.vector_load %arg9[%swap3A_414, %swap3A_415] {strides = array<i32>} : memref<16x128xf32, #tpu.memory_space<vmem>>, vector<16xf32>,
      tpu.vector_store %arg9[%swap3A_414, %swap3A_415], %mul3A_412 {strides = array<i32>} : memref<16x128xf32, #tpu.memory_space<vmem>>, vector<16xf32>,
      %broadcast_in_dim3A_417 = arith.constant 20 : i32
      %broadcast_in_dim3A_418 = vector.broadcast %broadcast_in_dim3A_417 : i32 to vector<16xi32>
      %gather3A_419 = tpu.vector_load_idx %arg10[%broadcast_in_dim3A_418] : memref<32xf32, #tpu.memory_space<vmem>>[vector<16xi32>], vector<16xf32>,
      %get3A_420 = arith.constant 4 : i32
      %get3A_421 = arith.index_cast %get3A_420 : i32 to index
      %get3A_422 = arith.constant 0 : index
      %get3A_423 = tpu.vector_load %arg9[%get3A_421, %get3A_422] {strides = array<i32>} : memref<16x128xf32, #tpu.memory_space<vmem>>, vector<16xf32>,
      %mul3A_424 = arith.mulf %get3A_423, %gather3A_419 : vector<16xf32>
      %swap3A_425 = arith.constant 4 : i32
      %swap3A_426 = arith.index_cast %swap3A_425 : i32 to index
      %swap3A_427 = arith.constant 0 : index
      %swap3A_428 = tpu.vector_load %arg9[%swap3A_426, %swap3A_427] {strides = array<i32>} : memref<16x128xf32, #tpu.memory_space<vmem>>, vector<16xf32>,
      tpu.vector_store %arg9[%swap3A_426, %swap3A_427], %mul3A_424 {strides = array<i32>} : memref<16x128xf32, #tpu.memory_space<vmem>>, vector<16xf32>,
      %get3A_429 = arith.constant 4 : i32
      %get3A_430 = arith.index_cast %get3A_429 : i32 to index
      %get3A_431 = arith.constant 16 : index
      %get3A_432 = tpu.vector_load %arg9[%get3A_430, %get3A_431] {strides = array<i32>} : memref<16x128xf32, #tpu.memory_space<vmem>>, vector<16xf32>,
      %mul3A_433 = arith.mulf %get3A_432, %gather3A_419 : vector<16xf32>
      %swap3A_434 = arith.constant 4 : i32
      %swap3A_435 = arith.index_cast %swap3A_434 : i32 to index
      %swap3A_436 = arith.constant 16 : index
      %swap3A_437 = tpu.vector_load %arg9[%swap3A_435, %swap3A_436] {strides = array<i32>} : memref<16x128xf32, #tpu.memory_space<vmem>>, vector<16xf32>,
      tpu.vector_store %arg9[%swap3A_435, %swap3A_436], %mul3A_433 {strides = array<i32>} : memref<16x128xf32, #tpu.memory_space<vmem>>, vector<16xf32>,
      %get3A_438 = arith.constant 4 : i32
      %get3A_439 = arith.index_cast %get3A_438 : i32 to index
      %get3A_440 = arith.constant 32 : index
      %get3A_441 = tpu.vector_load %arg9[%get3A_439, %get3A_440] {strides = array<i32>} : memref<16x128xf32, #tpu.memory_space<vmem>>, vector<16xf32>,
      %mul3A_442 = arith.mulf %get3A_441, %gather3A_419 : vector<16xf32>
      %swap3A_443 = arith.constant 4 : i32
      %swap3A_444 = arith.index_cast %swap3A_443 : i32 to index
      %swap3A_445 = arith.constant 32 : index
      %swap3A_446 = tpu.vector_load %arg9[%swap3A_444, %swap3A_445] {strides = array<i32>} : memref<16x128xf32, #tpu.memory_space<vmem>>, vector<16xf32>,
      tpu.vector_store %arg9[%swap3A_444, %swap3A_445], %mul3A_442 {strides = array<i32>} : memref<16x128xf32, #tpu.memory_space<vmem>>, vector<16xf32>,
      %get3A_447 = arith.constant 4 : i32
      %get3A_448 = arith.index_cast %get3A_447 : i32 to index
      %get3A_449 = arith.constant 48 : index
      %get3A_450 = tpu.vector_load %arg9[%get3A_448, %get3A_449] {strides = array<i32>} : memref<16x128xf32, #tpu.memory_space<vmem>>, vector<16xf32>,
      %mul3A_451 = arith.mulf %get3A_450, %gather3A_419 : vector<16xf32>
      %swap3A_452 = arith.constant 4 : i32
      %swap3A_453 = arith.index_cast %swap3A_452 : i32 to index
      %swap3A_454 = arith.constant 48 : index
      %swap3A_455 = tpu.vector_load %arg9[%swap3A_453, %swap3A_454] {strides = array<i32>} : memref<16x128xf32, #tpu.memory_space<vmem>>, vector<16xf32>,
      tpu.vector_store %arg9[%swap3A_453, %swap3A_454], %mul3A_451 {strides = array<i32>} : memref<16x128xf32, #tpu.memory_space<vmem>>, vector<16xf32>,
      %get3A_456 = arith.constant 4 : i32
      %get3A_457 = arith.index_cast %get3A_456 : i32 to index
      %get3A_458 = arith.constant 64 : index
      %get3A_459 = tpu.vector_load %arg9[%get3A_457, %get3A_458] {strides = array<i32>} : memref<16x128xf32, #tpu.memory_space<vmem>>, vector<16xf32>,
      %mul3A_460 = arith.mulf %get3A_459, %gather3A_419 : vector<16xf32>
      %swap3A_461 = arith.constant 4 : i32
      %swap3A_462 = arith.index_cast %swap3A_461 : i32 to index
      %swap3A_463 = arith.constant 64 : index
      %swap3A_464 = tpu.vector_load %arg9[%swap3A_462, %swap3A_463] {strides = array<i32>} : memref<16x128xf32, #tpu.memory_space<vmem>>, vector<16xf32>,
      tpu.vector_store %arg9[%swap3A_462, %swap3A_463], %mul3A_460 {strides = array<i32>} : memref<16x128xf32, #tpu.memory_space<vmem>>, vector<16xf32>,
      %get3A_465 = arith.constant 4 : i32
      %get3A_466 = arith.index_cast %get3A_465 : i32 to index
      %get3A_467 = arith.constant 80 : index
      %get3A_468 = tpu.vector_load %arg9[%get3A_466, %get3A_467] {strides = array<i32>} : memref<16x128xf32, #tpu.memory_space<vmem>>, vector<16xf32>,
      %mul3A_469 = arith.mulf %get3A_468, %gather3A_419 : vector<16xf32>
      %swap3A_470 = arith.constant 4 : i32
      %swap3A_471 = arith.index_cast %swap3A_470 : i32 to index
      %swap3A_472 = arith.constant 80 : index
      %swap3A_473 = tpu.vector_load %arg9[%swap3A_471, %swap3A_472] {strides = array<i32>} : memref<16x128xf32, #tpu.memory_space<vmem>>, vector<16xf32>,
      tpu.vector_store %arg9[%swap3A_471, %swap3A_472], %mul3A_469 {strides = array<i32>} : memref<16x128xf32, #tpu.memory_space<vmem>>, vector<16xf32>,
      %get3A_474 = arith.constant 4 : i32
      %get3A_475 = arith.index_cast %get3A_474 : i32 to index
      %get3A_476 = arith.constant 96 : index
      %get3A_477 = tpu.vector_load %arg9[%get3A_475, %get3A_476] {strides = array<i32>} : memref<16x128xf32, #tpu.memory_space<vmem>>, vector<16xf32>,
      %mul3A_478 = arith.mulf %get3A_477, %gather3A_419 : vector<16xf32>
      %swap3A_479 = arith.constant 4 : i32
      %swap3A_480 = arith.index_cast %swap3A_479 : i32 to index
      %swap3A_481 = arith.constant 96 : index
      %swap3A_482 = tpu.vector_load %arg9[%swap3A_480, %swap3A_481] {strides = array<i32>} : memref<16x128xf32, #tpu.memory_space<vmem>>, vector<16xf32>,
      tpu.vector_store %arg9[%swap3A_480, %swap3A_481], %mul3A_478 {strides = array<i32>} : memref<16x128xf32, #tpu.memory_space<vmem>>, vector<16xf32>,
      %get3A_483 = arith.constant 4 : i32
      %get3A_484 = arith.index_cast %get3A_483 : i32 to index
      %get3A_485 = arith.constant 112 : index
      %get3A_486 = tpu.vector_load %arg9[%get3A_484, %get3A_485] {strides = array<i32>} : memref<16x128xf32, #tpu.memory_space<vmem>>, vector<16xf32>,
      %mul3A_487 = arith.mulf %get3A_486, %gather3A_419 : vector<16xf32>
      %swap3A_488 = arith.constant 4 : i32
      %swap3A_489 = arith.index_cast %swap3A_488 : i32 to index
      %swap3A_490 = arith.constant 112 : index
      %swap3A_491 = tpu.vector_load %arg9[%swap3A_489, %swap3A_490] {strides = array<i32>} : memref<16x128xf32, #tpu.memory_space<vmem>>, vector<16xf32>,
      tpu.vector_store %arg9[%swap3A_489, %swap3A_490], %mul3A_487 {strides = array<i32>} : memref<16x128xf32, #tpu.memory_space<vmem>>, vector<16xf32>,
      %broadcast_in_dim3A_492 = arith.constant 21 : i32
      %broadcast_in_dim3A_493 = vector.broadcast %broadcast_in_dim3A_492 : i32 to vector<16xi32>
      %gather3A_494 = tpu.vector_load_idx %arg10[%broadcast_in_dim3A_493] : memref<32xf32, #tpu.memory_space<vmem>>[vector<16xi32>], vector<16xf32>,
      %get3A_495 = arith.constant 5 : i32
      %get3A_496 = arith.index_cast %get3A_495 : i32 to index
      %get3A_497 = arith.constant 0 : index
      %get3A_498 = tpu.vector_load %arg9[%get3A_496, %get3A_497] {strides = array<i32>} : memref<16x128xf32, #tpu.memory_space<vmem>>, vector<16xf32>,
      %mul3A_499 = arith.mulf %get3A_498, %gather3A_494 : vector<16xf32>
      %swap3A_500 = arith.constant 5 : i32
      %swap3A_501 = arith.index_cast %swap3A_500 : i32 to index
      %swap3A_502 = arith.constant 0 : index
      %swap3A_503 = tpu.vector_load %arg9[%swap3A_501, %swap3A_502] {strides = array<i32>} : memref<16x128xf32, #tpu.memory_space<vmem>>, vector<16xf32>,
      tpu.vector_store %arg9[%swap3A_501, %swap3A_502], %mul3A_499 {strides = array<i32>} : memref<16x128xf32, #tpu.memory_space<vmem>>, vector<16xf32>,
      %get3A_504 = arith.constant 5 : i32
      %get3A_505 = arith.index_cast %get3A_504 : i32 to index
      %get3A_506 = arith.constant 16 : index
      %get3A_507 = tpu.vector_load %arg9[%get3A_505, %get3A_506] {strides = array<i32>} : memref<16x128xf32, #tpu.memory_space<vmem>>, vector<16xf32>,
      %mul3A_508 = arith.mulf %get3A_507, %gather3A_494 : vector<16xf32>
      %swap3A_509 = arith.constant 5 : i32
      %swap3A_510 = arith.index_cast %swap3A_509 : i32 to index
      %swap3A_511 = arith.constant 16 : index
      %swap3A_512 = tpu.vector_load %arg9[%swap3A_510, %swap3A_511] {strides = array<i32>} : memref<16x128xf32, #tpu.memory_space<vmem>>, vector<16xf32>,
      tpu.vector_store %arg9[%swap3A_510, %swap3A_511], %mul3A_508 {strides = array<i32>} : memref<16x128xf32, #tpu.memory_space<vmem>>, vector<16xf32>,
      %get3A_513 = arith.constant 5 : i32
      %get3A_514 = arith.index_cast %get3A_513 : i32 to index
      %get3A_515 = arith.constant 32 : index
      %get3A_516 = tpu.vector_load %arg9[%get3A_514, %get3A_515] {strides = array<i32>} : memref<16x128xf32, #tpu.memory_space<vmem>>, vector<16xf32>,
      %mul3A_517 = arith.mulf %get3A_516, %gather3A_494 : vector<16xf32>
      %swap3A_518 = arith.constant 5 : i32
      %swap3A_519 = arith.index_cast %swap3A_518 : i32 to index
      %swap3A_520 = arith.constant 32 : index
      %swap3A_521 = tpu.vector_load %arg9[%swap3A_519, %swap3A_520] {strides = array<i32>} : memref<16x128xf32, #tpu.memory_space<vmem>>, vector<16xf32>,
      tpu.vector_store %arg9[%swap3A_519, %swap3A_520], %mul3A_517 {strides = array<i32>} : memref<16x128xf32, #tpu.memory_space<vmem>>, vector<16xf32>,
      %get3A_522 = arith.constant 5 : i32
      %get3A_523 = arith.index_cast %get3A_522 : i32 to index
      %get3A_524 = arith.constant 48 : index
      %get3A_525 = tpu.vector_load %arg9[%get3A_523, %get3A_524] {strides = array<i32>} : memref<16x128xf32, #tpu.memory_space<vmem>>, vector<16xf32>,
      %mul3A_526 = arith.mulf %get3A_525, %gather3A_494 : vector<16xf32>
      %swap3A_527 = arith.constant 5 : i32
      %swap3A_528 = arith.index_cast %swap3A_527 : i32 to index
      %swap3A_529 = arith.constant 48 : index
      %swap3A_530 = tpu.vector_load %arg9[%swap3A_528, %swap3A_529] {strides = array<i32>} : memref<16x128xf32, #tpu.memory_space<vmem>>, vector<16xf32>,
      tpu.vector_store %arg9[%swap3A_528, %swap3A_529], %mul3A_526 {strides = array<i32>} : memref<16x128xf32, #tpu.memory_space<vmem>>, vector<16xf32>,
      %get3A_531 = arith.constant 5 : i32
      %get3A_532 = arith.index_cast %get3A_531 : i32 to index
      %get3A_533 = arith.constant 64 : index
      %get3A_534 = tpu.vector_load %arg9[%get3A_532, %get3A_533] {strides = array<i32>} : memref<16x128xf32, #tpu.memory_space<vmem>>, vector<16xf32>,
      %mul3A_535 = arith.mulf %get3A_534, %gather3A_494 : vector<16xf32>
      %swap3A_536 = arith.constant 5 : i32
      %swap3A_537 = arith.index_cast %swap3A_536 : i32 to index
      %swap3A_538 = arith.constant 64 : index
      %swap3A_539 = tpu.vector_load %arg9[%swap3A_537, %swap3A_538] {strides = array<i32>} : memref<16x128xf32, #tpu.memory_space<vmem>>, vector<16xf32>,
      tpu.vector_store %arg9[%swap3A_537, %swap3A_538], %mul3A_535 {strides = array<i32>} : memref<16x128xf32, #tpu.memory_space<vmem>>, vector<16xf32>,
      %get3A_540 = arith.constant 5 : i32
      %get3A_541 = arith.index_cast %get3A_540 : i32 to index
      %get3A_542 = arith.constant 80 : index
      %get3A_543 = tpu.vector_load %arg9[%get3A_541, %get3A_542] {strides = array<i32>} : memref<16x128xf32, #tpu.memory_space<vmem>>, vector<16xf32>,
      %mul3A_544 = arith.mulf %get3A_543, %gather3A_494 : vector<16xf32>
      %swap3A_545 = arith.constant 5 : i32
      %swap3A_546 = arith.index_cast %swap3A_545 : i32 to index
      %swap3A_547 = arith.constant 80 : index
      %swap3A_548 = tpu.vector_load %arg9[%swap3A_546, %swap3A_547] {strides = array<i32>} : memref<16x128xf32, #tpu.memory_space<vmem>>, vector<16xf32>,
      tpu.vector_store %arg9[%swap3A_546, %swap3A_547], %mul3A_544 {strides = array<i32>} : memref<16x128xf32, #tpu.memory_space<vmem>>, vector<16xf32>,
      %get3A_549 = arith.constant 5 : i32
      %get3A_550 = arith.index_cast %get3A_549 : i32 to index
      %get3A_551 = arith.constant 96 : index
      %get3A_552 = tpu.vector_load %arg9[%get3A_550, %get3A_551] {strides = array<i32>} : memref<16x128xf32, #tpu.memory_space<vmem>>, vector<16xf32>,
      %mul3A_553 = arith.mulf %get3A_552, %gather3A_494 : vector<16xf32>
      %swap3A_554 = arith.constant 5 : i32
      %swap3A_555 = arith.index_cast %swap3A_554 : i32 to index
      %swap3A_556 = arith.constant 96 : index
      %swap3A_557 = tpu.vector_load %arg9[%swap3A_555, %swap3A_556] {strides = array<i32>} : memref<16x128xf32, #tpu.memory_space<vmem>>, vector<16xf32>,
      tpu.vector_store %arg9[%swap3A_555, %swap3A_556], %mul3A_553 {strides = array<i32>} : memref<16x128xf32, #tpu.memory_space<vmem>>, vector<16xf32>,
      %get3A_558 = arith.constant 5 : i32
      %get3A_559 = arith.index_cast %get3A_558 : i32 to index
      %get3A_560 = arith.constant 112 : index
      %get3A_561 = tpu.vector_load %arg9[%get3A_559, %get3A_560] {strides = array<i32>} : memref<16x128xf32, #tpu.memory_space<vmem>>, vector<16xf32>,
      %mul3A_562 = arith.mulf %get3A_561, %gather3A_494 : vector<16xf32>
      %swap3A_563 = arith.constant 5 : i32
      %swap3A_564 = arith.index_cast %swap3A_563 : i32 to index
      %swap3A_565 = arith.constant 112 : index
      %swap3A_566 = tpu.vector_load %arg9[%swap3A_564, %swap3A_565] {strides = array<i32>} : memref<16x128xf32, #tpu.memory_space<vmem>>, vector<16xf32>,
      tpu.vector_store %arg9[%swap3A_564, %swap3A_565], %mul3A_562 {strides = array<i32>} : memref<16x128xf32, #tpu.memory_space<vmem>>, vector<16xf32>,
      %broadcast_in_dim3A_567 = arith.constant 22 : i32
      %broadcast_in_dim3A_568 = vector.broadcast %broadcast_in_dim3A_567 : i32 to vector<16xi32>
      %gather3A_569 = tpu.vector_load_idx %arg10[%broadcast_in_dim3A_568] : memref<32xf32, #tpu.memory_space<vmem>>[vector<16xi32>], vector<16xf32>,
      %get3A_570 = arith.constant 6 : i32
      %get3A_571 = arith.index_cast %get3A_570 : i32 to index
      %get3A_572 = arith.constant 0 : index
      %get3A_573 = tpu.vector_load %arg9[%get3A_571, %get3A_572] {strides = array<i32>} : memref<16x128xf32, #tpu.memory_space<vmem>>, vector<16xf32>,
      %mul3A_574 = arith.mulf %get3A_573, %gather3A_569 : vector<16xf32>
      %swap3A_575 = arith.constant 6 : i32
      %swap3A_576 = arith.index_cast %swap3A_575 : i32 to index
      %swap3A_577 = arith.constant 0 : index
      %swap3A_578 = tpu.vector_load %arg9[%swap3A_576, %swap3A_577] {strides = array<i32>} : memref<16x128xf32, #tpu.memory_space<vmem>>, vector<16xf32>,
      tpu.vector_store %arg9[%swap3A_576, %swap3A_577], %mul3A_574 {strides = array<i32>} : memref<16x128xf32, #tpu.memory_space<vmem>>, vector<16xf32>,
      %get3A_579 = arith.constant 6 : i32
      %get3A_580 = arith.index_cast %get3A_579 : i32 to index
      %get3A_581 = arith.constant 16 : index
      %get3A_582 = tpu.vector_load %arg9[%get3A_580, %get3A_581] {strides = array<i32>} : memref<16x128xf32, #tpu.memory_space<vmem>>, vector<16xf32>,
      %mul3A_583 = arith.mulf %get3A_582, %gather3A_569 : vector<16xf32>
      %swap3A_584 = arith.constant 6 : i32
      %swap3A_585 = arith.index_cast %swap3A_584 : i32 to index
      %swap3A_586 = arith.constant 16 : index
      %swap3A_587 = tpu.vector_load %arg9[%swap3A_585, %swap3A_586] {strides = array<i32>} : memref<16x128xf32, #tpu.memory_space<vmem>>, vector<16xf32>,
      tpu.vector_store %arg9[%swap3A_585, %swap3A_586], %mul3A_583 {strides = array<i32>} : memref<16x128xf32, #tpu.memory_space<vmem>>, vector<16xf32>,
      %get3A_588 = arith.constant 6 : i32
      %get3A_589 = arith.index_cast %get3A_588 : i32 to index
      %get3A_590 = arith.constant 32 : index
      %get3A_591 = tpu.vector_load %arg9[%get3A_589, %get3A_590] {strides = array<i32>} : memref<16x128xf32, #tpu.memory_space<vmem>>, vector<16xf32>,
      %mul3A_592 = arith.mulf %get3A_591, %gather3A_569 : vector<16xf32>
      %swap3A_593 = arith.constant 6 : i32
      %swap3A_594 = arith.index_cast %swap3A_593 : i32 to index
      %swap3A_595 = arith.constant 32 : index
      %swap3A_596 = tpu.vector_load %arg9[%swap3A_594, %swap3A_595] {strides = array<i32>} : memref<16x128xf32, #tpu.memory_space<vmem>>, vector<16xf32>,
      tpu.vector_store %arg9[%swap3A_594, %swap3A_595], %mul3A_592 {strides = array<i32>} : memref<16x128xf32, #tpu.memory_space<vmem>>, vector<16xf32>,
      %get3A_597 = arith.constant 6 : i32
      %get3A_598 = arith.index_cast %get3A_597 : i32 to index
      %get3A_599 = arith.constant 48 : index
      %get3A_600 = tpu.vector_load %arg9[%get3A_598, %get3A_599] {strides = array<i32>} : memref<16x128xf32, #tpu.memory_space<vmem>>, vector<16xf32>,
      %mul3A_601 = arith.mulf %get3A_600, %gather3A_569 : vector<16xf32>
      %swap3A_602 = arith.constant 6 : i32
      %swap3A_603 = arith.index_cast %swap3A_602 : i32 to index
      %swap3A_604 = arith.constant 48 : index
      %swap3A_605 = tpu.vector_load %arg9[%swap3A_603, %swap3A_604] {strides = array<i32>} : memref<16x128xf32, #tpu.memory_space<vmem>>, vector<16xf32>,
      tpu.vector_store %arg9[%swap3A_603, %swap3A_604], %mul3A_601 {strides = array<i32>} : memref<16x128xf32, #tpu.memory_space<vmem>>, vector<16xf32>,
      %get3A_606 = arith.constant 6 : i32
      %get3A_607 = arith.index_cast %get3A_606 : i32 to index
      %get3A_608 = arith.constant 64 : index
      %get3A_609 = tpu.vector_load %arg9[%get3A_607, %get3A_608] {strides = array<i32>} : memref<16x128xf32, #tpu.memory_space<vmem>>, vector<16xf32>,
      %mul3A_610 = arith.mulf %get3A_609, %gather3A_569 : vector<16xf32>
      %swap3A_611 = arith.constant 6 : i32
      %swap3A_612 = arith.index_cast %swap3A_611 : i32 to index
      %swap3A_613 = arith.constant 64 : index
      %swap3A_614 = tpu.vector_load %arg9[%swap3A_612, %swap3A_613] {strides = array<i32>} : memref<16x128xf32, #tpu.memory_space<vmem>>, vector<16xf32>,
      tpu.vector_store %arg9[%swap3A_612, %swap3A_613], %mul3A_610 {strides = array<i32>} : memref<16x128xf32, #tpu.memory_space<vmem>>, vector<16xf32>,
      %get3A_615 = arith.constant 6 : i32
      %get3A_616 = arith.index_cast %get3A_615 : i32 to index
      %get3A_617 = arith.constant 80 : index
      %get3A_618 = tpu.vector_load %arg9[%get3A_616, %get3A_617] {strides = array<i32>} : memref<16x128xf32, #tpu.memory_space<vmem>>, vector<16xf32>,
      %mul3A_619 = arith.mulf %get3A_618, %gather3A_569 : vector<16xf32>
      %swap3A_620 = arith.constant 6 : i32
      %swap3A_621 = arith.index_cast %swap3A_620 : i32 to index
      %swap3A_622 = arith.constant 80 : index
      %swap3A_623 = tpu.vector_load %arg9[%swap3A_621, %swap3A_622] {strides = array<i32>} : memref<16x128xf32, #tpu.memory_space<vmem>>, vector<16xf32>,
      tpu.vector_store %arg9[%swap3A_621, %swap3A_622], %mul3A_619 {strides = array<i32>} : memref<16x128xf32, #tpu.memory_space<vmem>>, vector<16xf32>,
      %get3A_624 = arith.constant 6 : i32
      %get3A_625 = arith.index_cast %get3A_624 : i32 to index
      %get3A_626 = arith.constant 96 : index
      %get3A_627 = tpu.vector_load %arg9[%get3A_625, %get3A_626] {strides = array<i32>} : memref<16x128xf32, #tpu.memory_space<vmem>>, vector<16xf32>,
      %mul3A_628 = arith.mulf %get3A_627, %gather3A_569 : vector<16xf32>
      %swap3A_629 = arith.constant 6 : i32
      %swap3A_630 = arith.index_cast %swap3A_629 : i32 to index
      %swap3A_631 = arith.constant 96 : index
      %swap3A_632 = tpu.vector_load %arg9[%swap3A_630, %swap3A_631] {strides = array<i32>} : memref<16x128xf32, #tpu.memory_space<vmem>>, vector<16xf32>,
      tpu.vector_store %arg9[%swap3A_630, %swap3A_631], %mul3A_628 {strides = array<i32>} : memref<16x128xf32, #tpu.memory_space<vmem>>, vector<16xf32>,
      %get3A_633 = arith.constant 6 : i32
      %get3A_634 = arith.index_cast %get3A_633 : i32 to index
      %get3A_635 = arith.constant 112 : index
      %get3A_636 = tpu.vector_load %arg9[%get3A_634, %get3A_635] {strides = array<i32>} : memref<16x128xf32, #tpu.memory_space<vmem>>, vector<16xf32>,
      %mul3A_637 = arith.mulf %get3A_636, %gather3A_569 : vector<16xf32>
      %swap3A_638 = arith.constant 6 : i32
      %swap3A_639 = arith.index_cast %swap3A_638 : i32 to index
      %swap3A_640 = arith.constant 112 : index
      %swap3A_641 = tpu.vector_load %arg9[%swap3A_639, %swap3A_640] {strides = array<i32>} : memref<16x128xf32, #tpu.memory_space<vmem>>, vector<16xf32>,
      tpu.vector_store %arg9[%swap3A_639, %swap3A_640], %mul3A_637 {strides = array<i32>} : memref<16x128xf32, #tpu.memory_space<vmem>>, vector<16xf32>,
      %broadcast_in_dim3A_642 = arith.constant 23 : i32
      %broadcast_in_dim3A_643 = vector.broadcast %broadcast_in_dim3A_642 : i32 to vector<16xi32>
      %gather3A_644 = tpu.vector_load_idx %arg10[%broadcast_in_dim3A_643] : memref<32xf32, #tpu.memory_space<vmem>>[vector<16xi32>], vector<16xf32>,
      %get3A_645 = arith.constant 7 : i32
      %get3A_646 = arith.index_cast %get3A_645 : i32 to index
      %get3A_647 = arith.constant 0 : index
      %get3A_648 = tpu.vector_load %arg9[%get3A_646, %get3A_647] {strides = array<i32>} : memref<16x128xf32, #tpu.memory_space<vmem>>, vector<16xf32>,
      %mul3A_649 = arith.mulf %get3A_648, %gather3A_644 : vector<16xf32>
      %swap3A_650 = arith.constant 7 : i32
      %swap3A_651 = arith.index_cast %swap3A_650 : i32 to index
      %swap3A_652 = arith.constant 0 : index
      %swap3A_653 = tpu.vector_load %arg9[%swap3A_651, %swap3A_652] {strides = array<i32>} : memref<16x128xf32, #tpu.memory_space<vmem>>, vector<16xf32>,
      tpu.vector_store %arg9[%swap3A_651, %swap3A_652], %mul3A_649 {strides = array<i32>} : memref<16x128xf32, #tpu.memory_space<vmem>>, vector<16xf32>,
      %get3A_654 = arith.constant 7 : i32
      %get3A_655 = arith.index_cast %get3A_654 : i32 to index
      %get3A_656 = arith.constant 16 : index
      %get3A_657 = tpu.vector_load %arg9[%get3A_655, %get3A_656] {strides = array<i32>} : memref<16x128xf32, #tpu.memory_space<vmem>>, vector<16xf32>,
      %mul3A_658 = arith.mulf %get3A_657, %gather3A_644 : vector<16xf32>
      %swap3A_659 = arith.constant 7 : i32
      %swap3A_660 = arith.index_cast %swap3A_659 : i32 to index
      %swap3A_661 = arith.constant 16 : index
      %swap3A_662 = tpu.vector_load %arg9[%swap3A_660, %swap3A_661] {strides = array<i32>} : memref<16x128xf32, #tpu.memory_space<vmem>>, vector<16xf32>,
      tpu.vector_store %arg9[%swap3A_660, %swap3A_661], %mul3A_658 {strides = array<i32>} : memref<16x128xf32, #tpu.memory_space<vmem>>, vector<16xf32>,
      %get3A_663 = arith.constant 7 : i32
      %get3A_664 = arith.index_cast %get3A_663 : i32 to index
      %get3A_665 = arith.constant 32 : index
      %get3A_666 = tpu.vector_load %arg9[%get3A_664, %get3A_665] {strides = array<i32>} : memref<16x128xf32, #tpu.memory_space<vmem>>, vector<16xf32>,
      %mul3A_667 = arith.mulf %get3A_666, %gather3A_644 : vector<16xf32>
      %swap3A_668 = arith.constant 7 : i32
      %swap3A_669 = arith.index_cast %swap3A_668 : i32 to index
      %swap3A_670 = arith.constant 32 : index
      %swap3A_671 = tpu.vector_load %arg9[%swap3A_669, %swap3A_670] {strides = array<i32>} : memref<16x128xf32, #tpu.memory_space<vmem>>, vector<16xf32>,
      tpu.vector_store %arg9[%swap3A_669, %swap3A_670], %mul3A_667 {strides = array<i32>} : memref<16x128xf32, #tpu.memory_space<vmem>>, vector<16xf32>,
      %get3A_672 = arith.constant 7 : i32
      %get3A_673 = arith.index_cast %get3A_672 : i32 to index
      %get3A_674 = arith.constant 48 : index
      %get3A_675 = tpu.vector_load %arg9[%get3A_673, %get3A_674] {strides = array<i32>} : memref<16x128xf32, #tpu.memory_space<vmem>>, vector<16xf32>,
      %mul3A_676 = arith.mulf %get3A_675, %gather3A_644 : vector<16xf32>
      %swap3A_677 = arith.constant 7 : i32
      %swap3A_678 = arith.index_cast %swap3A_677 : i32 to index
      %swap3A_679 = arith.constant 48 : index
      %swap3A_680 = tpu.vector_load %arg9[%swap3A_678, %swap3A_679] {strides = array<i32>} : memref<16x128xf32, #tpu.memory_space<vmem>>, vector<16xf32>,
      tpu.vector_store %arg9[%swap3A_678, %swap3A_679], %mul3A_676 {strides = array<i32>} : memref<16x128xf32, #tpu.memory_space<vmem>>, vector<16xf32>,
      %get3A_681 = arith.constant 7 : i32
      %get3A_682 = arith.index_cast %get3A_681 : i32 to index
      %get3A_683 = arith.constant 64 : index
      %get3A_684 = tpu.vector_load %arg9[%get3A_682, %get3A_683] {strides = array<i32>} : memref<16x128xf32, #tpu.memory_space<vmem>>, vector<16xf32>,
      %mul3A_685 = arith.mulf %get3A_684, %gather3A_644 : vector<16xf32>
      %swap3A_686 = arith.constant 7 : i32
      %swap3A_687 = arith.index_cast %swap3A_686 : i32 to index
      %swap3A_688 = arith.constant 64 : index
      %swap3A_689 = tpu.vector_load %arg9[%swap3A_687, %swap3A_688] {strides = array<i32>} : memref<16x128xf32, #tpu.memory_space<vmem>>, vector<16xf32>,
      tpu.vector_store %arg9[%swap3A_687, %swap3A_688], %mul3A_685 {strides = array<i32>} : memref<16x128xf32, #tpu.memory_space<vmem>>, vector<16xf32>,
      %get3A_690 = arith.constant 7 : i32
      %get3A_691 = arith.index_cast %get3A_690 : i32 to index
      %get3A_692 = arith.constant 80 : index
      %get3A_693 = tpu.vector_load %arg9[%get3A_691, %get3A_692] {strides = array<i32>} : memref<16x128xf32, #tpu.memory_space<vmem>>, vector<16xf32>,
      %mul3A_694 = arith.mulf %get3A_693, %gather3A_644 : vector<16xf32>
      %swap3A_695 = arith.constant 7 : i32
      %swap3A_696 = arith.index_cast %swap3A_695 : i32 to index
      %swap3A_697 = arith.constant 80 : index
      %swap3A_698 = tpu.vector_load %arg9[%swap3A_696, %swap3A_697] {strides = array<i32>} : memref<16x128xf32, #tpu.memory_space<vmem>>, vector<16xf32>,
      tpu.vector_store %arg9[%swap3A_696, %swap3A_697], %mul3A_694 {strides = array<i32>} : memref<16x128xf32, #tpu.memory_space<vmem>>, vector<16xf32>,
      %get3A_699 = arith.constant 7 : i32
      %get3A_700 = arith.index_cast %get3A_699 : i32 to index
      %get3A_701 = arith.constant 96 : index
      %get3A_702 = tpu.vector_load %arg9[%get3A_700, %get3A_701] {strides = array<i32>} : memref<16x128xf32, #tpu.memory_space<vmem>>, vector<16xf32>,
      %mul3A_703 = arith.mulf %get3A_702, %gather3A_644 : vector<16xf32>
      %swap3A_704 = arith.constant 7 : i32
      %swap3A_705 = arith.index_cast %swap3A_704 : i32 to index
      %swap3A_706 = arith.constant 96 : index
      %swap3A_707 = tpu.vector_load %arg9[%swap3A_705, %swap3A_706] {strides = array<i32>} : memref<16x128xf32, #tpu.memory_space<vmem>>, vector<16xf32>,
      tpu.vector_store %arg9[%swap3A_705, %swap3A_706], %mul3A_703 {strides = array<i32>} : memref<16x128xf32, #tpu.memory_space<vmem>>, vector<16xf32>,
      %get3A_708 = arith.constant 7 : i32
      %get3A_709 = arith.index_cast %get3A_708 : i32 to index
      %get3A_710 = arith.constant 112 : index
      %get3A_711 = tpu.vector_load %arg9[%get3A_709, %get3A_710] {strides = array<i32>} : memref<16x128xf32, #tpu.memory_space<vmem>>, vector<16xf32>,
      %mul3A_712 = arith.mulf %get3A_711, %gather3A_644 : vector<16xf32>
      %swap3A_713 = arith.constant 7 : i32
      %swap3A_714 = arith.index_cast %swap3A_713 : i32 to index
      %swap3A_715 = arith.constant 112 : index
      %swap3A_716 = tpu.vector_load %arg9[%swap3A_714, %swap3A_715] {strides = array<i32>} : memref<16x128xf32, #tpu.memory_space<vmem>>, vector<16xf32>,
      tpu.vector_store %arg9[%swap3A_714, %swap3A_715], %mul3A_712 {strides = array<i32>} : memref<16x128xf32, #tpu.memory_space<vmem>>, vector<16xf32>,
      %broadcast_in_dim3A_717 = arith.constant 24 : i32
      %broadcast_in_dim3A_718 = vector.broadcast %broadcast_in_dim3A_717 : i32 to vector<16xi32>
      %gather3A_719 = tpu.vector_load_idx %arg10[%broadcast_in_dim3A_718] : memref<32xf32, #tpu.memory_space<vmem>>[vector<16xi32>], vector<16xf32>,
      %get3A_720 = arith.constant 8 : i32
      %get3A_721 = arith.index_cast %get3A_720 : i32 to index
      %get3A_722 = arith.constant 0 : index
      %get3A_723 = tpu.vector_load %arg9[%get3A_721, %get3A_722] {strides = array<i32>} : memref<16x128xf32, #tpu.memory_space<vmem>>, vector<16xf32>,
      %mul3A_724 = arith.mulf %get3A_723, %gather3A_719 : vector<16xf32>
      %swap3A_725 = arith.constant 8 : i32
      %swap3A_726 = arith.index_cast %swap3A_725 : i32 to index
      %swap3A_727 = arith.constant 0 : index
      %swap3A_728 = tpu.vector_load %arg9[%swap3A_726, %swap3A_727] {strides = array<i32>} : memref<16x128xf32, #tpu.memory_space<vmem>>, vector<16xf32>,
      tpu.vector_store %arg9[%swap3A_726, %swap3A_727], %mul3A_724 {strides = array<i32>} : memref<16x128xf32, #tpu.memory_space<vmem>>, vector<16xf32>,
      %get3A_729 = arith.constant 8 : i32
      %get3A_730 = arith.index_cast %get3A_729 : i32 to index
      %get3A_731 = arith.constant 16 : index
      %get3A_732 = tpu.vector_load %arg9[%get3A_730, %get3A_731] {strides = array<i32>} : memref<16x128xf32, #tpu.memory_space<vmem>>, vector<16xf32>,
      %mul3A_733 = arith.mulf %get3A_732, %gather3A_719 : vector<16xf32>
      %swap3A_734 = arith.constant 8 : i32
      %swap3A_735 = arith.index_cast %swap3A_734 : i32 to index
      %swap3A_736 = arith.constant 16 : index
      %swap3A_737 = tpu.vector_load %arg9[%swap3A_735, %swap3A_736] {strides = array<i32>} : memref<16x128xf32, #tpu.memory_space<vmem>>, vector<16xf32>,
      tpu.vector_store %arg9[%swap3A_735, %swap3A_736], %mul3A_733 {strides = array<i32>} : memref<16x128xf32, #tpu.memory_space<vmem>>, vector<16xf32>,
      %get3A_738 = arith.constant 8 : i32
      %get3A_739 = arith.index_cast %get3A_738 : i32 to index
      %get3A_740 = arith.constant 32 : index
      %get3A_741 = tpu.vector_load %arg9[%get3A_739, %get3A_740] {strides = array<i32>} : memref<16x128xf32, #tpu.memory_space<vmem>>, vector<16xf32>,
      %mul3A_742 = arith.mulf %get3A_741, %gather3A_719 : vector<16xf32>
      %swap3A_743 = arith.constant 8 : i32
      %swap3A_744 = arith.index_cast %swap3A_743 : i32 to index
      %swap3A_745 = arith.constant 32 : index
      %swap3A_746 = tpu.vector_load %arg9[%swap3A_744, %swap3A_745] {strides = array<i32>} : memref<16x128xf32, #tpu.memory_space<vmem>>, vector<16xf32>,
      tpu.vector_store %arg9[%swap3A_744, %swap3A_745], %mul3A_742 {strides = array<i32>} : memref<16x128xf32, #tpu.memory_space<vmem>>, vector<16xf32>,
      %get3A_747 = arith.constant 8 : i32
      %get3A_748 = arith.index_cast %get3A_747 : i32 to index
      %get3A_749 = arith.constant 48 : index
      %get3A_750 = tpu.vector_load %arg9[%get3A_748, %get3A_749] {strides = array<i32>} : memref<16x128xf32, #tpu.memory_space<vmem>>, vector<16xf32>,
      %mul3A_751 = arith.mulf %get3A_750, %gather3A_719 : vector<16xf32>
      %swap3A_752 = arith.constant 8 : i32
      %swap3A_753 = arith.index_cast %swap3A_752 : i32 to index
      %swap3A_754 = arith.constant 48 : index
      %swap3A_755 = tpu.vector_load %arg9[%swap3A_753, %swap3A_754] {strides = array<i32>} : memref<16x128xf32, #tpu.memory_space<vmem>>, vector<16xf32>,
      tpu.vector_store %arg9[%swap3A_753, %swap3A_754], %mul3A_751 {strides = array<i32>} : memref<16x128xf32, #tpu.memory_space<vmem>>, vector<16xf32>,
      %get3A_756 = arith.constant 8 : i32
      %get3A_757 = arith.index_cast %get3A_756 : i32 to index
      %get3A_758 = arith.constant 64 : index
      %get3A_759 = tpu.vector_load %arg9[%get3A_757, %get3A_758] {strides = array<i32>} : memref<16x128xf32, #tpu.memory_space<vmem>>, vector<16xf32>,
      %mul3A_760 = arith.mulf %get3A_759, %gather3A_719 : vector<16xf32>
      %swap3A_761 = arith.constant 8 : i32
      %swap3A_762 = arith.index_cast %swap3A_761 : i32 to index
      %swap3A_763 = arith.constant 64 : index
      %swap3A_764 = tpu.vector_load %arg9[%swap3A_762, %swap3A_763] {strides = array<i32>} : memref<16x128xf32, #tpu.memory_space<vmem>>, vector<16xf32>,
      tpu.vector_store %arg9[%swap3A_762, %swap3A_763], %mul3A_760 {strides = array<i32>} : memref<16x128xf32, #tpu.memory_space<vmem>>, vector<16xf32>,
      %get3A_765 = arith.constant 8 : i32
      %get3A_766 = arith.index_cast %get3A_765 : i32 to index
      %get3A_767 = arith.constant 80 : index
      %get3A_768 = tpu.vector_load %arg9[%get3A_766, %get3A_767] {strides = array<i32>} : memref<16x128xf32, #tpu.memory_space<vmem>>, vector<16xf32>,
      %mul3A_769 = arith.mulf %get3A_768, %gather3A_719 : vector<16xf32>
      %swap3A_770 = arith.constant 8 : i32
      %swap3A_771 = arith.index_cast %swap3A_770 : i32 to index
      %swap3A_772 = arith.constant 80 : index
      %swap3A_773 = tpu.vector_load %arg9[%swap3A_771, %swap3A_772] {strides = array<i32>} : memref<16x128xf32, #tpu.memory_space<vmem>>, vector<16xf32>,
      tpu.vector_store %arg9[%swap3A_771, %swap3A_772], %mul3A_769 {strides = array<i32>} : memref<16x128xf32, #tpu.memory_space<vmem>>, vector<16xf32>,
      %get3A_774 = arith.constant 8 : i32
      %get3A_775 = arith.index_cast %get3A_774 : i32 to index
      %get3A_776 = arith.constant 96 : index
      %get3A_777 = tpu.vector_load %arg9[%get3A_775, %get3A_776] {strides = array<i32>} : memref<16x128xf32, #tpu.memory_space<vmem>>, vector<16xf32>,
      %mul3A_778 = arith.mulf %get3A_777, %gather3A_719 : vector<16xf32>
      %swap3A_779 = arith.constant 8 : i32
      %swap3A_780 = arith.index_cast %swap3A_779 : i32 to index
      %swap3A_781 = arith.constant 96 : index
      %swap3A_782 = tpu.vector_load %arg9[%swap3A_780, %swap3A_781] {strides = array<i32>} : memref<16x128xf32, #tpu.memory_space<vmem>>, vector<16xf32>,
      tpu.vector_store %arg9[%swap3A_780, %swap3A_781], %mul3A_778 {strides = array<i32>} : memref<16x128xf32, #tpu.memory_space<vmem>>, vector<16xf32>,
      %get3A_783 = arith.constant 8 : i32
      %get3A_784 = arith.index_cast %get3A_783 : i32 to index
      %get3A_785 = arith.constant 112 : index
      %get3A_786 = tpu.vector_load %arg9[%get3A_784, %get3A_785] {strides = array<i32>} : memref<16x128xf32, #tpu.memory_space<vmem>>, vector<16xf32>,
      %mul3A_787 = arith.mulf %get3A_786, %gather3A_719 : vector<16xf32>
      %swap3A_788 = arith.constant 8 : i32
      %swap3A_789 = arith.index_cast %swap3A_788 : i32 to index
      %swap3A_790 = arith.constant 112 : index
      %swap3A_791 = tpu.vector_load %arg9[%swap3A_789, %swap3A_790] {strides = array<i32>} : memref<16x128xf32, #tpu.memory_space<vmem>>, vector<16xf32>,
      tpu.vector_store %arg9[%swap3A_789, %swap3A_790], %mul3A_787 {strides = array<i32>} : memref<16x128xf32, #tpu.memory_space<vmem>>, vector<16xf32>,
      %broadcast_in_dim3A_792 = arith.constant 25 : i32
      %broadcast_in_dim3A_793 = vector.broadcast %broadcast_in_dim3A_792 : i32 to vector<16xi32>
      %gather3A_794 = tpu.vector_load_idx %arg10[%broadcast_in_dim3A_793] : memref<32xf32, #tpu.memory_space<vmem>>[vector<16xi32>], vector<16xf32>,
      %get3A_795 = arith.constant 9 : i32
      %get3A_796 = arith.index_cast %get3A_795 : i32 to index
      %get3A_797 = arith.constant 0 : index
      %get3A_798 = tpu.vector_load %arg9[%get3A_796, %get3A_797] {strides = array<i32>} : memref<16x128xf32, #tpu.memory_space<vmem>>, vector<16xf32>,
      %mul3A_799 = arith.mulf %get3A_798, %gather3A_794 : vector<16xf32>
      %swap3A_800 = arith.constant 9 : i32
      %swap3A_801 = arith.index_cast %swap3A_800 : i32 to index
      %swap3A_802 = arith.constant 0 : index
      %swap3A_803 = tpu.vector_load %arg9[%swap3A_801, %swap3A_802] {strides = array<i32>} : memref<16x128xf32, #tpu.memory_space<vmem>>, vector<16xf32>,
      tpu.vector_store %arg9[%swap3A_801, %swap3A_802], %mul3A_799 {strides = array<i32>} : memref<16x128xf32, #tpu.memory_space<vmem>>, vector<16xf32>,
      %get3A_804 = arith.constant 9 : i32
      %get3A_805 = arith.index_cast %get3A_804 : i32 to index
      %get3A_806 = arith.constant 16 : index
      %get3A_807 = tpu.vector_load %arg9[%get3A_805, %get3A_806] {strides = array<i32>} : memref<16x128xf32, #tpu.memory_space<vmem>>, vector<16xf32>,
      %mul3A_808 = arith.mulf %get3A_807, %gather3A_794 : vector<16xf32>
      %swap3A_809 = arith.constant 9 : i32
      %swap3A_810 = arith.index_cast %swap3A_809 : i32 to index
      %swap3A_811 = arith.constant 16 : index
      %swap3A_812 = tpu.vector_load %arg9[%swap3A_810, %swap3A_811] {strides = array<i32>} : memref<16x128xf32, #tpu.memory_space<vmem>>, vector<16xf32>,
      tpu.vector_store %arg9[%swap3A_810, %swap3A_811], %mul3A_808 {strides = array<i32>} : memref<16x128xf32, #tpu.memory_space<vmem>>, vector<16xf32>,
      %get3A_813 = arith.constant 9 : i32
      %get3A_814 = arith.index_cast %get3A_813 : i32 to index
      %get3A_815 = arith.constant 32 : index
      %get3A_816 = tpu.vector_load %arg9[%get3A_814, %get3A_815] {strides = array<i32>} : memref<16x128xf32, #tpu.memory_space<vmem>>, vector<16xf32>,
      %mul3A_817 = arith.mulf %get3A_816, %gather3A_794 : vector<16xf32>
      %swap3A_818 = arith.constant 9 : i32
      %swap3A_819 = arith.index_cast %swap3A_818 : i32 to index
      %swap3A_820 = arith.constant 32 : index
      %swap3A_821 = tpu.vector_load %arg9[%swap3A_819, %swap3A_820] {strides = array<i32>} : memref<16x128xf32, #tpu.memory_space<vmem>>, vector<16xf32>,
      tpu.vector_store %arg9[%swap3A_819, %swap3A_820], %mul3A_817 {strides = array<i32>} : memref<16x128xf32, #tpu.memory_space<vmem>>, vector<16xf32>,
      %get3A_822 = arith.constant 9 : i32
      %get3A_823 = arith.index_cast %get3A_822 : i32 to index
      %get3A_824 = arith.constant 48 : index
      %get3A_825 = tpu.vector_load %arg9[%get3A_823, %get3A_824] {strides = array<i32>} : memref<16x128xf32, #tpu.memory_space<vmem>>, vector<16xf32>,
      %mul3A_826 = arith.mulf %get3A_825, %gather3A_794 : vector<16xf32>
      %swap3A_827 = arith.constant 9 : i32
      %swap3A_828 = arith.index_cast %swap3A_827 : i32 to index
      %swap3A_829 = arith.constant 48 : index
      %swap3A_830 = tpu.vector_load %arg9[%swap3A_828, %swap3A_829] {strides = array<i32>} : memref<16x128xf32, #tpu.memory_space<vmem>>, vector<16xf32>,
      tpu.vector_store %arg9[%swap3A_828, %swap3A_829], %mul3A_826 {strides = array<i32>} : memref<16x128xf32, #tpu.memory_space<vmem>>, vector<16xf32>,
      %get3A_831 = arith.constant 9 : i32
      %get3A_832 = arith.index_cast %get3A_831 : i32 to index
      %get3A_833 = arith.constant 64 : index
      %get3A_834 = tpu.vector_load %arg9[%get3A_832, %get3A_833] {strides = array<i32>} : memref<16x128xf32, #tpu.memory_space<vmem>>, vector<16xf32>,
      %mul3A_835 = arith.mulf %get3A_834, %gather3A_794 : vector<16xf32>
      %swap3A_836 = arith.constant 9 : i32
      %swap3A_837 = arith.index_cast %swap3A_836 : i32 to index
      %swap3A_838 = arith.constant 64 : index
      %swap3A_839 = tpu.vector_load %arg9[%swap3A_837, %swap3A_838] {strides = array<i32>} : memref<16x128xf32, #tpu.memory_space<vmem>>, vector<16xf32>,
      tpu.vector_store %arg9[%swap3A_837, %swap3A_838], %mul3A_835 {strides = array<i32>} : memref<16x128xf32, #tpu.memory_space<vmem>>, vector<16xf32>,
      %get3A_840 = arith.constant 9 : i32
      %get3A_841 = arith.index_cast %get3A_840 : i32 to index
      %get3A_842 = arith.constant 80 : index
      %get3A_843 = tpu.vector_load %arg9[%get3A_841, %get3A_842] {strides = array<i32>} : memref<16x128xf32, #tpu.memory_space<vmem>>, vector<16xf32>,
      %mul3A_844 = arith.mulf %get3A_843, %gather3A_794 : vector<16xf32>
      %swap3A_845 = arith.constant 9 : i32
      %swap3A_846 = arith.index_cast %swap3A_845 : i32 to index
      %swap3A_847 = arith.constant 80 : index
      %swap3A_848 = tpu.vector_load %arg9[%swap3A_846, %swap3A_847] {strides = array<i32>} : memref<16x128xf32, #tpu.memory_space<vmem>>, vector<16xf32>,
      tpu.vector_store %arg9[%swap3A_846, %swap3A_847], %mul3A_844 {strides = array<i32>} : memref<16x128xf32, #tpu.memory_space<vmem>>, vector<16xf32>,
      %get3A_849 = arith.constant 9 : i32
      %get3A_850 = arith.index_cast %get3A_849 : i32 to index
      %get3A_851 = arith.constant 96 : index
      %get3A_852 = tpu.vector_load %arg9[%get3A_850, %get3A_851] {strides = array<i32>} : memref<16x128xf32, #tpu.memory_space<vmem>>, vector<16xf32>,
      %mul3A_853 = arith.mulf %get3A_852, %gather3A_794 : vector<16xf32>
      %swap3A_854 = arith.constant 9 : i32
      %swap3A_855 = arith.index_cast %swap3A_854 : i32 to index
      %swap3A_856 = arith.constant 96 : index
      %swap3A_857 = tpu.vector_load %arg9[%swap3A_855, %swap3A_856] {strides = array<i32>} : memref<16x128xf32, #tpu.memory_space<vmem>>, vector<16xf32>,
      tpu.vector_store %arg9[%swap3A_855, %swap3A_856], %mul3A_853 {strides = array<i32>} : memref<16x128xf32, #tpu.memory_space<vmem>>, vector<16xf32>,
      %get3A_858 = arith.constant 9 : i32
      %get3A_859 = arith.index_cast %get3A_858 : i32 to index
      %get3A_860 = arith.constant 112 : index
      %get3A_861 = tpu.vector_load %arg9[%get3A_859, %get3A_860] {strides = array<i32>} : memref<16x128xf32, #tpu.memory_space<vmem>>, vector<16xf32>,
      %mul3A_862 = arith.mulf %get3A_861, %gather3A_794 : vector<16xf32>
      %swap3A_863 = arith.constant 9 : i32
      %swap3A_864 = arith.index_cast %swap3A_863 : i32 to index
      %swap3A_865 = arith.constant 112 : index
      %swap3A_866 = tpu.vector_load %arg9[%swap3A_864, %swap3A_865] {strides = array<i32>} : memref<16x128xf32, #tpu.memory_space<vmem>>, vector<16xf32>,
      tpu.vector_store %arg9[%swap3A_864, %swap3A_865], %mul3A_862 {strides = array<i32>} : memref<16x128xf32, #tpu.memory_space<vmem>>, vector<16xf32>,
      %broadcast_in_dim3A_867 = arith.constant 26 : i32
      %broadcast_in_dim3A_868 = vector.broadcast %broadcast_in_dim3A_867 : i32 to vector<16xi32>
      %gather3A_869 = tpu.vector_load_idx %arg10[%broadcast_in_dim3A_868] : memref<32xf32, #tpu.memory_space<vmem>>[vector<16xi32>], vector<16xf32>,
      %get3A_870 = arith.constant 10 : i32
      %get3A_871 = arith.index_cast %get3A_870 : i32 to index
      %get3A_872 = arith.constant 0 : index
      %get3A_873 = tpu.vector_load %arg9[%get3A_871, %get3A_872] {strides = array<i32>} : memref<16x128xf32, #tpu.memory_space<vmem>>, vector<16xf32>,
      %mul3A_874 = arith.mulf %get3A_873, %gather3A_869 : vector<16xf32>
      %swap3A_875 = arith.constant 10 : i32
      %swap3A_876 = arith.index_cast %swap3A_875 : i32 to index
      %swap3A_877 = arith.constant 0 : index
      %swap3A_878 = tpu.vector_load %arg9[%swap3A_876, %swap3A_877] {strides = array<i32>} : memref<16x128xf32, #tpu.memory_space<vmem>>, vector<16xf32>,
      tpu.vector_store %arg9[%swap3A_876, %swap3A_877], %mul3A_874 {strides = array<i32>} : memref<16x128xf32, #tpu.memory_space<vmem>>, vector<16xf32>,
      %get3A_879 = arith.constant 10 : i32
      %get3A_880 = arith.index_cast %get3A_879 : i32 to index
      %get3A_881 = arith.constant 16 : index
      %get3A_882 = tpu.vector_load %arg9[%get3A_880, %get3A_881] {strides = array<i32>} : memref<16x128xf32, #tpu.memory_space<vmem>>, vector<16xf32>,
      %mul3A_883 = arith.mulf %get3A_882, %gather3A_869 : vector<16xf32>
      %swap3A_884 = arith.constant 10 : i32
      %swap3A_885 = arith.index_cast %swap3A_884 : i32 to index
      %swap3A_886 = arith.constant 16 : index
      %swap3A_887 = tpu.vector_load %arg9[%swap3A_885, %swap3A_886] {strides = array<i32>} : memref<16x128xf32, #tpu.memory_space<vmem>>, vector<16xf32>,
      tpu.vector_store %arg9[%swap3A_885, %swap3A_886], %mul3A_883 {strides = array<i32>} : memref<16x128xf32, #tpu.memory_space<vmem>>, vector<16xf32>,
      %get3A_888 = arith.constant 10 : i32
      %get3A_889 = arith.index_cast %get3A_888 : i32 to index
      %get3A_890 = arith.constant 32 : index
      %get3A_891 = tpu.vector_load %arg9[%get3A_889, %get3A_890] {strides = array<i32>} : memref<16x128xf32, #tpu.memory_space<vmem>>, vector<16xf32>,
      %mul3A_892 = arith.mulf %get3A_891, %gather3A_869 : vector<16xf32>
      %swap3A_893 = arith.constant 10 : i32
      %swap3A_894 = arith.index_cast %swap3A_893 : i32 to index
      %swap3A_895 = arith.constant 32 : index
      %swap3A_896 = tpu.vector_load %arg9[%swap3A_894, %swap3A_895] {strides = array<i32>} : memref<16x128xf32, #tpu.memory_space<vmem>>, vector<16xf32>,
      tpu.vector_store %arg9[%swap3A_894, %swap3A_895], %mul3A_892 {strides = array<i32>} : memref<16x128xf32, #tpu.memory_space<vmem>>, vector<16xf32>,
      %get3A_897 = arith.constant 10 : i32
      %get3A_898 = arith.index_cast %get3A_897 : i32 to index
      %get3A_899 = arith.constant 48 : index
      %get3A_900 = tpu.vector_load %arg9[%get3A_898, %get3A_899] {strides = array<i32>} : memref<16x128xf32, #tpu.memory_space<vmem>>, vector<16xf32>,
      %mul3A_901 = arith.mulf %get3A_900, %gather3A_869 : vector<16xf32>
      %swap3A_902 = arith.constant 10 : i32
      %swap3A_903 = arith.index_cast %swap3A_902 : i32 to index
      %swap3A_904 = arith.constant 48 : index
      %swap3A_905 = tpu.vector_load %arg9[%swap3A_903, %swap3A_904] {strides = array<i32>} : memref<16x128xf32, #tpu.memory_space<vmem>>, vector<16xf32>,
      tpu.vector_store %arg9[%swap3A_903, %swap3A_904], %mul3A_901 {strides = array<i32>} : memref<16x128xf32, #tpu.memory_space<vmem>>, vector<16xf32>,
      %get3A_906 = arith.constant 10 : i32
      %get3A_907 = arith.index_cast %get3A_906 : i32 to index
      %get3A_908 = arith.constant 64 : index
      %get3A_909 = tpu.vector_load %arg9[%get3A_907, %get3A_908] {strides = array<i32>} : memref<16x128xf32, #tpu.memory_space<vmem>>, vector<16xf32>,
      %mul3A_910 = arith.mulf %get3A_909, %gather3A_869 : vector<16xf32>
      %swap3A_911 = arith.constant 10 : i32
      %swap3A_912 = arith.index_cast %swap3A_911 : i32 to index
      %swap3A_913 = arith.constant 64 : index
      %swap3A_914 = tpu.vector_load %arg9[%swap3A_912, %swap3A_913] {strides = array<i32>} : memref<16x128xf32, #tpu.memory_space<vmem>>, vector<16xf32>,
      tpu.vector_store %arg9[%swap3A_912, %swap3A_913], %mul3A_910 {strides = array<i32>} : memref<16x128xf32, #tpu.memory_space<vmem>>, vector<16xf32>,
      %get3A_915 = arith.constant 10 : i32
      %get3A_916 = arith.index_cast %get3A_915 : i32 to index
      %get3A_917 = arith.constant 80 : index
      %get3A_918 = tpu.vector_load %arg9[%get3A_916, %get3A_917] {strides = array<i32>} : memref<16x128xf32, #tpu.memory_space<vmem>>, vector<16xf32>,
      %mul3A_919 = arith.mulf %get3A_918, %gather3A_869 : vector<16xf32>
      %swap3A_920 = arith.constant 10 : i32
      %swap3A_921 = arith.index_cast %swap3A_920 : i32 to index
      %swap3A_922 = arith.constant 80 : index
      %swap3A_923 = tpu.vector_load %arg9[%swap3A_921, %swap3A_922] {strides = array<i32>} : memref<16x128xf32, #tpu.memory_space<vmem>>, vector<16xf32>,
      tpu.vector_store %arg9[%swap3A_921, %swap3A_922], %mul3A_919 {strides = array<i32>} : memref<16x128xf32, #tpu.memory_space<vmem>>, vector<16xf32>,
      %get3A_924 = arith.constant 10 : i32
      %get3A_925 = arith.index_cast %get3A_924 : i32 to index
      %get3A_926 = arith.constant 96 : index
      %get3A_927 = tpu.vector_load %arg9[%get3A_925, %get3A_926] {strides = array<i32>} : memref<16x128xf32, #tpu.memory_space<vmem>>, vector<16xf32>,
      %mul3A_928 = arith.mulf %get3A_927, %gather3A_869 : vector<16xf32>
      %swap3A_929 = arith.constant 10 : i32
      %swap3A_930 = arith.index_cast %swap3A_929 : i32 to index
      %swap3A_931 = arith.constant 96 : index
      %swap3A_932 = tpu.vector_load %arg9[%swap3A_930, %swap3A_931] {strides = array<i32>} : memref<16x128xf32, #tpu.memory_space<vmem>>, vector<16xf32>,
      tpu.vector_store %arg9[%swap3A_930, %swap3A_931], %mul3A_928 {strides = array<i32>} : memref<16x128xf32, #tpu.memory_space<vmem>>, vector<16xf32>,
      %get3A_933 = arith.constant 10 : i32
      %get3A_934 = arith.index_cast %get3A_933 : i32 to index
      %get3A_935 = arith.constant 112 : index
      %get3A_936 = tpu.vector_load %arg9[%get3A_934, %get3A_935] {strides = array<i32>} : memref<16x128xf32, #tpu.memory_space<vmem>>, vector<16xf32>,
      %mul3A_937 = arith.mulf %get3A_936, %gather3A_869 : vector<16xf32>
      %swap3A_938 = arith.constant 10 : i32
      %swap3A_939 = arith.index_cast %swap3A_938 : i32 to index
      %swap3A_940 = arith.constant 112 : index
      %swap3A_941 = tpu.vector_load %arg9[%swap3A_939, %swap3A_940] {strides = array<i32>} : memref<16x128xf32, #tpu.memory_space<vmem>>, vector<16xf32>,
      tpu.vector_store %arg9[%swap3A_939, %swap3A_940], %mul3A_937 {strides = array<i32>} : memref<16x128xf32, #tpu.memory_space<vmem>>, vector<16xf32>,
      %broadcast_in_dim3A_942 = arith.constant 27 : i32
      %broadcast_in_dim3A_943 = vector.broadcast %broadcast_in_dim3A_942 : i32 to vector<16xi32>
      %gather3A_944 = tpu.vector_load_idx %arg10[%broadcast_in_dim3A_943] : memref<32xf32, #tpu.memory_space<vmem>>[vector<16xi32>], vector<16xf32>,
      %get3A_945 = arith.constant 11 : i32
      %get3A_946 = arith.index_cast %get3A_945 : i32 to index
      %get3A_947 = arith.constant 0 : index
      %get3A_948 = tpu.vector_load %arg9[%get3A_946, %get3A_947] {strides = array<i32>} : memref<16x128xf32, #tpu.memory_space<vmem>>, vector<16xf32>,
      %mul3A_949 = arith.mulf %get3A_948, %gather3A_944 : vector<16xf32>
      %swap3A_950 = arith.constant 11 : i32
      %swap3A_951 = arith.index_cast %swap3A_950 : i32 to index
      %swap3A_952 = arith.constant 0 : index
      %swap3A_953 = tpu.vector_load %arg9[%swap3A_951, %swap3A_952] {strides = array<i32>} : memref<16x128xf32, #tpu.memory_space<vmem>>, vector<16xf32>,
      tpu.vector_store %arg9[%swap3A_951, %swap3A_952], %mul3A_949 {strides = array<i32>} : memref<16x128xf32, #tpu.memory_space<vmem>>, vector<16xf32>,
      %get3A_954 = arith.constant 11 : i32
      %get3A_955 = arith.index_cast %get3A_954 : i32 to index
      %get3A_956 = arith.constant 16 : index
      %get3A_957 = tpu.vector_load %arg9[%get3A_955, %get3A_956] {strides = array<i32>} : memref<16x128xf32, #tpu.memory_space<vmem>>, vector<16xf32>,
      %mul3A_958 = arith.mulf %get3A_957, %gather3A_944 : vector<16xf32>
      %swap3A_959 = arith.constant 11 : i32
      %swap3A_960 = arith.index_cast %swap3A_959 : i32 to index
      %swap3A_961 = arith.constant 16 : index
      %swap3A_962 = tpu.vector_load %arg9[%swap3A_960, %swap3A_961] {strides = array<i32>} : memref<16x128xf32, #tpu.memory_space<vmem>>, vector<16xf32>,
      tpu.vector_store %arg9[%swap3A_960, %swap3A_961], %mul3A_958 {strides = array<i32>} : memref<16x128xf32, #tpu.memory_space<vmem>>, vector<16xf32>,
      %get3A_963 = arith.constant 11 : i32
      %get3A_964 = arith.index_cast %get3A_963 : i32 to index
      %get3A_965 = arith.constant 32 : index
      %get3A_966 = tpu.vector_load %arg9[%get3A_964, %get3A_965] {strides = array<i32>} : memref<16x128xf32, #tpu.memory_space<vmem>>, vector<16xf32>,
      %mul3A_967 = arith.mulf %get3A_966, %gather3A_944 : vector<16xf32>
      %swap3A_968 = arith.constant 11 : i32
      %swap3A_969 = arith.index_cast %swap3A_968 : i32 to index
      %swap3A_970 = arith.constant 32 : index
      %swap3A_971 = tpu.vector_load %arg9[%swap3A_969, %swap3A_970] {strides = array<i32>} : memref<16x128xf32, #tpu.memory_space<vmem>>, vector<16xf32>,
      tpu.vector_store %arg9[%swap3A_969, %swap3A_970], %mul3A_967 {strides = array<i32>} : memref<16x128xf32, #tpu.memory_space<vmem>>, vector<16xf32>,
      %get3A_972 = arith.constant 11 : i32
      %get3A_973 = arith.index_cast %get3A_972 : i32 to index
      %get3A_974 = arith.constant 48 : index
      %get3A_975 = tpu.vector_load %arg9[%get3A_973, %get3A_974] {strides = array<i32>} : memref<16x128xf32, #tpu.memory_space<vmem>>, vector<16xf32>,
      %mul3A_976 = arith.mulf %get3A_975, %gather3A_944 : vector<16xf32>
      %swap3A_977 = arith.constant 11 : i32
      %swap3A_978 = arith.index_cast %swap3A_977 : i32 to index
      %swap3A_979 = arith.constant 48 : index
      %swap3A_980 = tpu.vector_load %arg9[%swap3A_978, %swap3A_979] {strides = array<i32>} : memref<16x128xf32, #tpu.memory_space<vmem>>, vector<16xf32>,
      tpu.vector_store %arg9[%swap3A_978, %swap3A_979], %mul3A_976 {strides = array<i32>} : memref<16x128xf32, #tpu.memory_space<vmem>>, vector<16xf32>,
      %get3A_981 = arith.constant 11 : i32
      %get3A_982 = arith.index_cast %get3A_981 : i32 to index
      %get3A_983 = arith.constant 64 : index
      %get3A_984 = tpu.vector_load %arg9[%get3A_982, %get3A_983] {strides = array<i32>} : memref<16x128xf32, #tpu.memory_space<vmem>>, vector<16xf32>,
      %mul3A_985 = arith.mulf %get3A_984, %gather3A_944 : vector<16xf32>
      %swap3A_986 = arith.constant 11 : i32
      %swap3A_987 = arith.index_cast %swap3A_986 : i32 to index
      %swap3A_988 = arith.constant 64 : index
      %swap3A_989 = tpu.vector_load %arg9[%swap3A_987, %swap3A_988] {strides = array<i32>} : memref<16x128xf32, #tpu.memory_space<vmem>>, vector<16xf32>,
      tpu.vector_store %arg9[%swap3A_987, %swap3A_988], %mul3A_985 {strides = array<i32>} : memref<16x128xf32, #tpu.memory_space<vmem>>, vector<16xf32>,
      %get3A_990 = arith.constant 11 : i32
      %get3A_991 = arith.index_cast %get3A_990 : i32 to index
      %get3A_992 = arith.constant 80 : index
      %get3A_993 = tpu.vector_load %arg9[%get3A_991, %get3A_992] {strides = array<i32>} : memref<16x128xf32, #tpu.memory_space<vmem>>, vector<16xf32>,
      %mul3A_994 = arith.mulf %get3A_993, %gather3A_944 : vector<16xf32>
      %swap3A_995 = arith.constant 11 : i32
      %swap3A_996 = arith.index_cast %swap3A_995 : i32 to index
      %swap3A_997 = arith.constant 80 : index
      %swap3A_998 = tpu.vector_load %arg9[%swap3A_996, %swap3A_997] {strides = array<i32>} : memref<16x128xf32, #tpu.memory_space<vmem>>, vector<16xf32>,
      tpu.vector_store %arg9[%swap3A_996, %swap3A_997], %mul3A_994 {strides = array<i32>} : memref<16x128xf32, #tpu.memory_space<vmem>>, vector<16xf32>,
      %get3A_999 = arith.constant 11 : i32
      %get3A_1000 = arith.index_cast %get3A_999 : i32 to index
      %get3A_1001 = arith.constant 96 : index
      %get3A_1002 = tpu.vector_load %arg9[%get3A_1000, %get3A_1001] {strides = array<i32>} : memref<16x128xf32, #tpu.memory_space<vmem>>, vector<16xf32>,
      %mul3A_1003 = arith.mulf %get3A_1002, %gather3A_944 : vector<16xf32>
      %swap3A_1004 = arith.constant 11 : i32
      %swap3A_1005 = arith.index_cast %swap3A_1004 : i32 to index
      %swap3A_1006 = arith.constant 96 : index
      %swap3A_1007 = tpu.vector_load %arg9[%swap3A_1005, %swap3A_1006] {strides = array<i32>} : memref<16x128xf32, #tpu.memory_space<vmem>>, vector<16xf32>,
      tpu.vector_store %arg9[%swap3A_1005, %swap3A_1006], %mul3A_1003 {strides = array<i32>} : memref<16x128xf32, #tpu.memory_space<vmem>>, vector<16xf32>,
      %get3A_1008 = arith.constant 11 : i32
      %get3A_1009 = arith.index_cast %get3A_1008 : i32 to index
      %get3A_1010 = arith.constant 112 : index
      %get3A_1011 = tpu.vector_load %arg9[%get3A_1009, %get3A_1010] {strides = array<i32>} : memref<16x128xf32, #tpu.memory_space<vmem>>, vector<16xf32>,
      %mul3A_1012 = arith.mulf %get3A_1011, %gather3A_944 : vector<16xf32>
      %swap3A_1013 = arith.constant 11 : i32
      %swap3A_1014 = arith.index_cast %swap3A_1013 : i32 to index
      %swap3A_1015 = arith.constant 112 : index
      %swap3A_1016 = tpu.vector_load %arg9[%swap3A_1014, %swap3A_1015] {strides = array<i32>} : memref<16x128xf32, #tpu.memory_space<vmem>>, vector<16xf32>,
      tpu.vector_store %arg9[%swap3A_1014, %swap3A_1015], %mul3A_1012 {strides = array<i32>} : memref<16x128xf32, #tpu.memory_space<vmem>>, vector<16xf32>,
      %broadcast_in_dim3A_1017 = arith.constant 28 : i32
      %broadcast_in_dim3A_1018 = vector.broadcast %broadcast_in_dim3A_1017 : i32 to vector<16xi32>
      %gather3A_1019 = tpu.vector_load_idx %arg10[%broadcast_in_dim3A_1018] : memref<32xf32, #tpu.memory_space<vmem>>[vector<16xi32>], vector<16xf32>,
      %get3A_1020 = arith.constant 12 : i32
      %get3A_1021 = arith.index_cast %get3A_1020 : i32 to index
      %get3A_1022 = arith.constant 0 : index
      %get3A_1023 = tpu.vector_load %arg9[%get3A_1021, %get3A_1022] {strides = array<i32>} : memref<16x128xf32, #tpu.memory_space<vmem>>, vector<16xf32>,
      %mul3A_1024 = arith.mulf %get3A_1023, %gather3A_1019 : vector<16xf32>
      %swap3A_1025 = arith.constant 12 : i32
      %swap3A_1026 = arith.index_cast %swap3A_1025 : i32 to index
      %swap3A_1027 = arith.constant 0 : index
      %swap3A_1028 = tpu.vector_load %arg9[%swap3A_1026, %swap3A_1027] {strides = array<i32>} : memref<16x128xf32, #tpu.memory_space<vmem>>, vector<16xf32>,
      tpu.vector_store %arg9[%swap3A_1026, %swap3A_1027], %mul3A_1024 {strides = array<i32>} : memref<16x128xf32, #tpu.memory_space<vmem>>, vector<16xf32>,
      %get3A_1029 = arith.constant 12 : i32
      %get3A_1030 = arith.index_cast %get3A_1029 : i32 to index
      %get3A_1031 = arith.constant 16 : index
      %get3A_1032 = tpu.vector_load %arg9[%get3A_1030, %get3A_1031] {strides = array<i32>} : memref<16x128xf32, #tpu.memory_space<vmem>>, vector<16xf32>,
      %mul3A_1033 = arith.mulf %get3A_1032, %gather3A_1019 : vector<16xf32>
      %swap3A_1034 = arith.constant 12 : i32
      %swap3A_1035 = arith.index_cast %swap3A_1034 : i32 to index
      %swap3A_1036 = arith.constant 16 : index
      %swap3A_1037 = tpu.vector_load %arg9[%swap3A_1035, %swap3A_1036] {strides = array<i32>} : memref<16x128xf32, #tpu.memory_space<vmem>>, vector<16xf32>,
      tpu.vector_store %arg9[%swap3A_1035, %swap3A_1036], %mul3A_1033 {strides = array<i32>} : memref<16x128xf32, #tpu.memory_space<vmem>>, vector<16xf32>,
      %get3A_1038 = arith.constant 12 : i32
      %get3A_1039 = arith.index_cast %get3A_1038 : i32 to index
      %get3A_1040 = arith.constant 32 : index
      %get3A_1041 = tpu.vector_load %arg9[%get3A_1039, %get3A_1040] {strides = array<i32>} : memref<16x128xf32, #tpu.memory_space<vmem>>, vector<16xf32>,
      %mul3A_1042 = arith.mulf %get3A_1041, %gather3A_1019 : vector<16xf32>
      %swap3A_1043 = arith.constant 12 : i32
      %swap3A_1044 = arith.index_cast %swap3A_1043 : i32 to index
      %swap3A_1045 = arith.constant 32 : index
      %swap3A_1046 = tpu.vector_load %arg9[%swap3A_1044, %swap3A_1045] {strides = array<i32>} : memref<16x128xf32, #tpu.memory_space<vmem>>, vector<16xf32>,
      tpu.vector_store %arg9[%swap3A_1044, %swap3A_1045], %mul3A_1042 {strides = array<i32>} : memref<16x128xf32, #tpu.memory_space<vmem>>, vector<16xf32>,
      %get3A_1047 = arith.constant 12 : i32
      %get3A_1048 = arith.index_cast %get3A_1047 : i32 to index
      %get3A_1049 = arith.constant 48 : index
      %get3A_1050 = tpu.vector_load %arg9[%get3A_1048, %get3A_1049] {strides = array<i32>} : memref<16x128xf32, #tpu.memory_space<vmem>>, vector<16xf32>,
      %mul3A_1051 = arith.mulf %get3A_1050, %gather3A_1019 : vector<16xf32>
      %swap3A_1052 = arith.constant 12 : i32
      %swap3A_1053 = arith.index_cast %swap3A_1052 : i32 to index
      %swap3A_1054 = arith.constant 48 : index
      %swap3A_1055 = tpu.vector_load %arg9[%swap3A_1053, %swap3A_1054] {strides = array<i32>} : memref<16x128xf32, #tpu.memory_space<vmem>>, vector<16xf32>,
      tpu.vector_store %arg9[%swap3A_1053, %swap3A_1054], %mul3A_1051 {strides = array<i32>} : memref<16x128xf32, #tpu.memory_space<vmem>>, vector<16xf32>,
      %get3A_1056 = arith.constant 12 : i32
      %get3A_1057 = arith.index_cast %get3A_1056 : i32 to index
      %get3A_1058 = arith.constant 64 : index
      %get3A_1059 = tpu.vector_load %arg9[%get3A_1057, %get3A_1058] {strides = array<i32>} : memref<16x128xf32, #tpu.memory_space<vmem>>, vector<16xf32>,
      %mul3A_1060 = arith.mulf %get3A_1059, %gather3A_1019 : vector<16xf32>
      %swap3A_1061 = arith.constant 12 : i32
      %swap3A_1062 = arith.index_cast %swap3A_1061 : i32 to index
      %swap3A_1063 = arith.constant 64 : index
      %swap3A_1064 = tpu.vector_load %arg9[%swap3A_1062, %swap3A_1063] {strides = array<i32>} : memref<16x128xf32, #tpu.memory_space<vmem>>, vector<16xf32>,
      tpu.vector_store %arg9[%swap3A_1062, %swap3A_1063], %mul3A_1060 {strides = array<i32>} : memref<16x128xf32, #tpu.memory_space<vmem>>, vector<16xf32>,
      %get3A_1065 = arith.constant 12 : i32
      %get3A_1066 = arith.index_cast %get3A_1065 : i32 to index
      %get3A_1067 = arith.constant 80 : index
      %get3A_1068 = tpu.vector_load %arg9[%get3A_1066, %get3A_1067] {strides = array<i32>} : memref<16x128xf32, #tpu.memory_space<vmem>>, vector<16xf32>,
      %mul3A_1069 = arith.mulf %get3A_1068, %gather3A_1019 : vector<16xf32>
      %swap3A_1070 = arith.constant 12 : i32
      %swap3A_1071 = arith.index_cast %swap3A_1070 : i32 to index
      %swap3A_1072 = arith.constant 80 : index
      %swap3A_1073 = tpu.vector_load %arg9[%swap3A_1071, %swap3A_1072] {strides = array<i32>} : memref<16x128xf32, #tpu.memory_space<vmem>>, vector<16xf32>,
      tpu.vector_store %arg9[%swap3A_1071, %swap3A_1072], %mul3A_1069 {strides = array<i32>} : memref<16x128xf32, #tpu.memory_space<vmem>>, vector<16xf32>,
      %get3A_1074 = arith.constant 12 : i32
      %get3A_1075 = arith.index_cast %get3A_1074 : i32 to index
      %get3A_1076 = arith.constant 96 : index
      %get3A_1077 = tpu.vector_load %arg9[%get3A_1075, %get3A_1076] {strides = array<i32>} : memref<16x128xf32, #tpu.memory_space<vmem>>, vector<16xf32>,
      %mul3A_1078 = arith.mulf %get3A_1077, %gather3A_1019 : vector<16xf32>
      %swap3A_1079 = arith.constant 12 : i32
      %swap3A_1080 = arith.index_cast %swap3A_1079 : i32 to index
      %swap3A_1081 = arith.constant 96 : index
      %swap3A_1082 = tpu.vector_load %arg9[%swap3A_1080, %swap3A_1081] {strides = array<i32>} : memref<16x128xf32, #tpu.memory_space<vmem>>, vector<16xf32>,
      tpu.vector_store %arg9[%swap3A_1080, %swap3A_1081], %mul3A_1078 {strides = array<i32>} : memref<16x128xf32, #tpu.memory_space<vmem>>, vector<16xf32>,
      %get3A_1083 = arith.constant 12 : i32
      %get3A_1084 = arith.index_cast %get3A_1083 : i32 to index
      %get3A_1085 = arith.constant 112 : index
      %get3A_1086 = tpu.vector_load %arg9[%get3A_1084, %get3A_1085] {strides = array<i32>} : memref<16x128xf32, #tpu.memory_space<vmem>>, vector<16xf32>,
      %mul3A_1087 = arith.mulf %get3A_1086, %gather3A_1019 : vector<16xf32>
      %swap3A_1088 = arith.constant 12 : i32
      %swap3A_1089 = arith.index_cast %swap3A_1088 : i32 to index
      %swap3A_1090 = arith.constant 112 : index
      %swap3A_1091 = tpu.vector_load %arg9[%swap3A_1089, %swap3A_1090] {strides = array<i32>} : memref<16x128xf32, #tpu.memory_space<vmem>>, vector<16xf32>,
      tpu.vector_store %arg9[%swap3A_1089, %swap3A_1090], %mul3A_1087 {strides = array<i32>} : memref<16x128xf32, #tpu.memory_space<vmem>>, vector<16xf32>,
      %broadcast_in_dim3A_1092 = arith.constant 29 : i32
      %broadcast_in_dim3A_1093 = vector.broadcast %broadcast_in_dim3A_1092 : i32 to vector<16xi32>
      %gather3A_1094 = tpu.vector_load_idx %arg10[%broadcast_in_dim3A_1093] : memref<32xf32, #tpu.memory_space<vmem>>[vector<16xi32>], vector<16xf32>,
      %get3A_1095 = arith.constant 13 : i32
      %get3A_1096 = arith.index_cast %get3A_1095 : i32 to index
      %get3A_1097 = arith.constant 0 : index
      %get3A_1098 = tpu.vector_load %arg9[%get3A_1096, %get3A_1097] {strides = array<i32>} : memref<16x128xf32, #tpu.memory_space<vmem>>, vector<16xf32>,
      %mul3A_1099 = arith.mulf %get3A_1098, %gather3A_1094 : vector<16xf32>
      %swap3A_1100 = arith.constant 13 : i32
      %swap3A_1101 = arith.index_cast %swap3A_1100 : i32 to index
      %swap3A_1102 = arith.constant 0 : index
      %swap3A_1103 = tpu.vector_load %arg9[%swap3A_1101, %swap3A_1102] {strides = array<i32>} : memref<16x128xf32, #tpu.memory_space<vmem>>, vector<16xf32>,
      tpu.vector_store %arg9[%swap3A_1101, %swap3A_1102], %mul3A_1099 {strides = array<i32>} : memref<16x128xf32, #tpu.memory_space<vmem>>, vector<16xf32>,
      %get3A_1104 = arith.constant 13 : i32
      %get3A_1105 = arith.index_cast %get3A_1104 : i32 to index
      %get3A_1106 = arith.constant 16 : index
      %get3A_1107 = tpu.vector_load %arg9[%get3A_1105, %get3A_1106] {strides = array<i32>} : memref<16x128xf32, #tpu.memory_space<vmem>>, vector<16xf32>,
      %mul3A_1108 = arith.mulf %get3A_1107, %gather3A_1094 : vector<16xf32>
      %swap3A_1109 = arith.constant 13 : i32
      %swap3A_1110 = arith.index_cast %swap3A_1109 : i32 to index
      %swap3A_1111 = arith.constant 16 : index
      %swap3A_1112 = tpu.vector_load %arg9[%swap3A_1110, %swap3A_1111] {strides = array<i32>} : memref<16x128xf32, #tpu.memory_space<vmem>>, vector<16xf32>,
      tpu.vector_store %arg9[%swap3A_1110, %swap3A_1111], %mul3A_1108 {strides = array<i32>} : memref<16x128xf32, #tpu.memory_space<vmem>>, vector<16xf32>,
      %get3A_1113 = arith.constant 13 : i32
      %get3A_1114 = arith.index_cast %get3A_1113 : i32 to index
      %get3A_1115 = arith.constant 32 : index
      %get3A_1116 = tpu.vector_load %arg9[%get3A_1114, %get3A_1115] {strides = array<i32>} : memref<16x128xf32, #tpu.memory_space<vmem>>, vector<16xf32>,
      %mul3A_1117 = arith.mulf %get3A_1116, %gather3A_1094 : vector<16xf32>
      %swap3A_1118 = arith.constant 13 : i32
      %swap3A_1119 = arith.index_cast %swap3A_1118 : i32 to index
      %swap3A_1120 = arith.constant 32 : index
      %swap3A_1121 = tpu.vector_load %arg9[%swap3A_1119, %swap3A_1120] {strides = array<i32>} : memref<16x128xf32, #tpu.memory_space<vmem>>, vector<16xf32>,
      tpu.vector_store %arg9[%swap3A_1119, %swap3A_1120], %mul3A_1117 {strides = array<i32>} : memref<16x128xf32, #tpu.memory_space<vmem>>, vector<16xf32>,
      %get3A_1122 = arith.constant 13 : i32
      %get3A_1123 = arith.index_cast %get3A_1122 : i32 to index
      %get3A_1124 = arith.constant 48 : index
      %get3A_1125 = tpu.vector_load %arg9[%get3A_1123, %get3A_1124] {strides = array<i32>} : memref<16x128xf32, #tpu.memory_space<vmem>>, vector<16xf32>,
      %mul3A_1126 = arith.mulf %get3A_1125, %gather3A_1094 : vector<16xf32>
      %swap3A_1127 = arith.constant 13 : i32
      %swap3A_1128 = arith.index_cast %swap3A_1127 : i32 to index
      %swap3A_1129 = arith.constant 48 : index
      %swap3A_1130 = tpu.vector_load %arg9[%swap3A_1128, %swap3A_1129] {strides = array<i32>} : memref<16x128xf32, #tpu.memory_space<vmem>>, vector<16xf32>,
      tpu.vector_store %arg9[%swap3A_1128, %swap3A_1129], %mul3A_1126 {strides = array<i32>} : memref<16x128xf32, #tpu.memory_space<vmem>>, vector<16xf32>,
      %get3A_1131 = arith.constant 13 : i32
      %get3A_1132 = arith.index_cast %get3A_1131 : i32 to index
      %get3A_1133 = arith.constant 64 : index
      %get3A_1134 = tpu.vector_load %arg9[%get3A_1132, %get3A_1133] {strides = array<i32>} : memref<16x128xf32, #tpu.memory_space<vmem>>, vector<16xf32>,
      %mul3A_1135 = arith.mulf %get3A_1134, %gather3A_1094 : vector<16xf32>
      %swap3A_1136 = arith.constant 13 : i32
      %swap3A_1137 = arith.index_cast %swap3A_1136 : i32 to index
      %swap3A_1138 = arith.constant 64 : index
      %swap3A_1139 = tpu.vector_load %arg9[%swap3A_1137, %swap3A_1138] {strides = array<i32>} : memref<16x128xf32, #tpu.memory_space<vmem>>, vector<16xf32>,
      tpu.vector_store %arg9[%swap3A_1137, %swap3A_1138], %mul3A_1135 {strides = array<i32>} : memref<16x128xf32, #tpu.memory_space<vmem>>, vector<16xf32>,
      %get3A_1140 = arith.constant 13 : i32
      %get3A_1141 = arith.index_cast %get3A_1140 : i32 to index
      %get3A_1142 = arith.constant 80 : index
      %get3A_1143 = tpu.vector_load %arg9[%get3A_1141, %get3A_1142] {strides = array<i32>} : memref<16x128xf32, #tpu.memory_space<vmem>>, vector<16xf32>,
      %mul3A_1144 = arith.mulf %get3A_1143, %gather3A_1094 : vector<16xf32>
      %swap3A_1145 = arith.constant 13 : i32
      %swap3A_1146 = arith.index_cast %swap3A_1145 : i32 to index
      %swap3A_1147 = arith.constant 80 : index
      %swap3A_1148 = tpu.vector_load %arg9[%swap3A_1146, %swap3A_1147] {strides = array<i32>} : memref<16x128xf32, #tpu.memory_space<vmem>>, vector<16xf32>,
      tpu.vector_store %arg9[%swap3A_1146, %swap3A_1147], %mul3A_1144 {strides = array<i32>} : memref<16x128xf32, #tpu.memory_space<vmem>>, vector<16xf32>,
      %get3A_1149 = arith.constant 13 : i32
      %get3A_1150 = arith.index_cast %get3A_1149 : i32 to index
      %get3A_1151 = arith.constant 96 : index
      %get3A_1152 = tpu.vector_load %arg9[%get3A_1150, %get3A_1151] {strides = array<i32>} : memref<16x128xf32, #tpu.memory_space<vmem>>, vector<16xf32>,
      %mul3A_1153 = arith.mulf %get3A_1152, %gather3A_1094 : vector<16xf32>
      %swap3A_1154 = arith.constant 13 : i32
      %swap3A_1155 = arith.index_cast %swap3A_1154 : i32 to index
      %swap3A_1156 = arith.constant 96 : index
      %swap3A_1157 = tpu.vector_load %arg9[%swap3A_1155, %swap3A_1156] {strides = array<i32>} : memref<16x128xf32, #tpu.memory_space<vmem>>, vector<16xf32>,
      tpu.vector_store %arg9[%swap3A_1155, %swap3A_1156], %mul3A_1153 {strides = array<i32>} : memref<16x128xf32, #tpu.memory_space<vmem>>, vector<16xf32>,
      %get3A_1158 = arith.constant 13 : i32
      %get3A_1159 = arith.index_cast %get3A_1158 : i32 to index
      %get3A_1160 = arith.constant 112 : index
      %get3A_1161 = tpu.vector_load %arg9[%get3A_1159, %get3A_1160] {strides = array<i32>} : memref<16x128xf32, #tpu.memory_space<vmem>>, vector<16xf32>,
      %mul3A_1162 = arith.mulf %get3A_1161, %gather3A_1094 : vector<16xf32>
      %swap3A_1163 = arith.constant 13 : i32
      %swap3A_1164 = arith.index_cast %swap3A_1163 : i32 to index
      %swap3A_1165 = arith.constant 112 : index
      %swap3A_1166 = tpu.vector_load %arg9[%swap3A_1164, %swap3A_1165] {strides = array<i32>} : memref<16x128xf32, #tpu.memory_space<vmem>>, vector<16xf32>,
      tpu.vector_store %arg9[%swap3A_1164, %swap3A_1165], %mul3A_1162 {strides = array<i32>} : memref<16x128xf32, #tpu.memory_space<vmem>>, vector<16xf32>,
      %broadcast_in_dim3A_1167 = arith.constant 30 : i32
      %broadcast_in_dim3A_1168 = vector.broadcast %broadcast_in_dim3A_1167 : i32 to vector<16xi32>
      %gather3A_1169 = tpu.vector_load_idx %arg10[%broadcast_in_dim3A_1168] : memref<32xf32, #tpu.memory_space<vmem>>[vector<16xi32>], vector<16xf32>,
      %get3A_1170 = arith.constant 14 : i32
      %get3A_1171 = arith.index_cast %get3A_1170 : i32 to index
      %get3A_1172 = arith.constant 0 : index
      %get3A_1173 = tpu.vector_load %arg9[%get3A_1171, %get3A_1172] {strides = array<i32>} : memref<16x128xf32, #tpu.memory_space<vmem>>, vector<16xf32>,
      %mul3A_1174 = arith.mulf %get3A_1173, %gather3A_1169 : vector<16xf32>
      %swap3A_1175 = arith.constant 14 : i32
      %swap3A_1176 = arith.index_cast %swap3A_1175 : i32 to index
      %swap3A_1177 = arith.constant 0 : index
      %swap3A_1178 = tpu.vector_load %arg9[%swap3A_1176, %swap3A_1177] {strides = array<i32>} : memref<16x128xf32, #tpu.memory_space<vmem>>, vector<16xf32>,
      tpu.vector_store %arg9[%swap3A_1176, %swap3A_1177], %mul3A_1174 {strides = array<i32>} : memref<16x128xf32, #tpu.memory_space<vmem>>, vector<16xf32>,
      %get3A_1179 = arith.constant 14 : i32
      %get3A_1180 = arith.index_cast %get3A_1179 : i32 to index
      %get3A_1181 = arith.constant 16 : index
      %get3A_1182 = tpu.vector_load %arg9[%get3A_1180, %get3A_1181] {strides = array<i32>} : memref<16x128xf32, #tpu.memory_space<vmem>>, vector<16xf32>,
      %mul3A_1183 = arith.mulf %get3A_1182, %gather3A_1169 : vector<16xf32>
      %swap3A_1184 = arith.constant 14 : i32
      %swap3A_1185 = arith.index_cast %swap3A_1184 : i32 to index
      %swap3A_1186 = arith.constant 16 : index
      %swap3A_1187 = tpu.vector_load %arg9[%swap3A_1185, %swap3A_1186] {strides = array<i32>} : memref<16x128xf32, #tpu.memory_space<vmem>>, vector<16xf32>,
      tpu.vector_store %arg9[%swap3A_1185, %swap3A_1186], %mul3A_1183 {strides = array<i32>} : memref<16x128xf32, #tpu.memory_space<vmem>>, vector<16xf32>,
      %get3A_1188 = arith.constant 14 : i32
      %get3A_1189 = arith.index_cast %get3A_1188 : i32 to index
      %get3A_1190 = arith.constant 32 : index
      %get3A_1191 = tpu.vector_load %arg9[%get3A_1189, %get3A_1190] {strides = array<i32>} : memref<16x128xf32, #tpu.memory_space<vmem>>, vector<16xf32>,
      %mul3A_1192 = arith.mulf %get3A_1191, %gather3A_1169 : vector<16xf32>
      %swap3A_1193 = arith.constant 14 : i32
      %swap3A_1194 = arith.index_cast %swap3A_1193 : i32 to index
      %swap3A_1195 = arith.constant 32 : index
      %swap3A_1196 = tpu.vector_load %arg9[%swap3A_1194, %swap3A_1195] {strides = array<i32>} : memref<16x128xf32, #tpu.memory_space<vmem>>, vector<16xf32>,
      tpu.vector_store %arg9[%swap3A_1194, %swap3A_1195], %mul3A_1192 {strides = array<i32>} : memref<16x128xf32, #tpu.memory_space<vmem>>, vector<16xf32>,
      %get3A_1197 = arith.constant 14 : i32
      %get3A_1198 = arith.index_cast %get3A_1197 : i32 to index
      %get3A_1199 = arith.constant 48 : index
      %get3A_1200 = tpu.vector_load %arg9[%get3A_1198, %get3A_1199] {strides = array<i32>} : memref<16x128xf32, #tpu.memory_space<vmem>>, vector<16xf32>,
      %mul3A_1201 = arith.mulf %get3A_1200, %gather3A_1169 : vector<16xf32>
      %swap3A_1202 = arith.constant 14 : i32
      %swap3A_1203 = arith.index_cast %swap3A_1202 : i32 to index
      %swap3A_1204 = arith.constant 48 : index
      %swap3A_1205 = tpu.vector_load %arg9[%swap3A_1203, %swap3A_1204] {strides = array<i32>} : memref<16x128xf32, #tpu.memory_space<vmem>>, vector<16xf32>,
      tpu.vector_store %arg9[%swap3A_1203, %swap3A_1204], %mul3A_1201 {strides = array<i32>} : memref<16x128xf32, #tpu.memory_space<vmem>>, vector<16xf32>,
      %get3A_1206 = arith.constant 14 : i32
      %get3A_1207 = arith.index_cast %get3A_1206 : i32 to index
      %get3A_1208 = arith.constant 64 : index
      %get3A_1209 = tpu.vector_load %arg9[%get3A_1207, %get3A_1208] {strides = array<i32>} : memref<16x128xf32, #tpu.memory_space<vmem>>, vector<16xf32>,
      %mul3A_1210 = arith.mulf %get3A_1209, %gather3A_1169 : vector<16xf32>
      %swap3A_1211 = arith.constant 14 : i32
      %swap3A_1212 = arith.index_cast %swap3A_1211 : i32 to index
      %swap3A_1213 = arith.constant 64 : index
      %swap3A_1214 = tpu.vector_load %arg9[%swap3A_1212, %swap3A_1213] {strides = array<i32>} : memref<16x128xf32, #tpu.memory_space<vmem>>, vector<16xf32>,
      tpu.vector_store %arg9[%swap3A_1212, %swap3A_1213], %mul3A_1210 {strides = array<i32>} : memref<16x128xf32, #tpu.memory_space<vmem>>, vector<16xf32>,
      %get3A_1215 = arith.constant 14 : i32
      %get3A_1216 = arith.index_cast %get3A_1215 : i32 to index
      %get3A_1217 = arith.constant 80 : index
      %get3A_1218 = tpu.vector_load %arg9[%get3A_1216, %get3A_1217] {strides = array<i32>} : memref<16x128xf32, #tpu.memory_space<vmem>>, vector<16xf32>,
      %mul3A_1219 = arith.mulf %get3A_1218, %gather3A_1169 : vector<16xf32>
      %swap3A_1220 = arith.constant 14 : i32
      %swap3A_1221 = arith.index_cast %swap3A_1220 : i32 to index
      %swap3A_1222 = arith.constant 80 : index
      %swap3A_1223 = tpu.vector_load %arg9[%swap3A_1221, %swap3A_1222] {strides = array<i32>} : memref<16x128xf32, #tpu.memory_space<vmem>>, vector<16xf32>,
      tpu.vector_store %arg9[%swap3A_1221, %swap3A_1222], %mul3A_1219 {strides = array<i32>} : memref<16x128xf32, #tpu.memory_space<vmem>>, vector<16xf32>,
      %get3A_1224 = arith.constant 14 : i32
      %get3A_1225 = arith.index_cast %get3A_1224 : i32 to index
      %get3A_1226 = arith.constant 96 : index
      %get3A_1227 = tpu.vector_load %arg9[%get3A_1225, %get3A_1226] {strides = array<i32>} : memref<16x128xf32, #tpu.memory_space<vmem>>, vector<16xf32>,
      %mul3A_1228 = arith.mulf %get3A_1227, %gather3A_1169 : vector<16xf32>
      %swap3A_1229 = arith.constant 14 : i32
      %swap3A_1230 = arith.index_cast %swap3A_1229 : i32 to index
      %swap3A_1231 = arith.constant 96 : index
      %swap3A_1232 = tpu.vector_load %arg9[%swap3A_1230, %swap3A_1231] {strides = array<i32>} : memref<16x128xf32, #tpu.memory_space<vmem>>, vector<16xf32>,
      tpu.vector_store %arg9[%swap3A_1230, %swap3A_1231], %mul3A_1228 {strides = array<i32>} : memref<16x128xf32, #tpu.memory_space<vmem>>, vector<16xf32>,
      %get3A_1233 = arith.constant 14 : i32
      %get3A_1234 = arith.index_cast %get3A_1233 : i32 to index
      %get3A_1235 = arith.constant 112 : index
      %get3A_1236 = tpu.vector_load %arg9[%get3A_1234, %get3A_1235] {strides = array<i32>} : memref<16x128xf32, #tpu.memory_space<vmem>>, vector<16xf32>,
      %mul3A_1237 = arith.mulf %get3A_1236, %gather3A_1169 : vector<16xf32>
      %swap3A_1238 = arith.constant 14 : i32
      %swap3A_1239 = arith.index_cast %swap3A_1238 : i32 to index
      %swap3A_1240 = arith.constant 112 : index
      %swap3A_1241 = tpu.vector_load %arg9[%swap3A_1239, %swap3A_1240] {strides = array<i32>} : memref<16x128xf32, #tpu.memory_space<vmem>>, vector<16xf32>,
      tpu.vector_store %arg9[%swap3A_1239, %swap3A_1240], %mul3A_1237 {strides = array<i32>} : memref<16x128xf32, #tpu.memory_space<vmem>>, vector<16xf32>,
      %broadcast_in_dim3A_1242 = arith.constant 31 : i32
      %broadcast_in_dim3A_1243 = vector.broadcast %broadcast_in_dim3A_1242 : i32 to vector<16xi32>
      %gather3A_1244 = tpu.vector_load_idx %arg10[%broadcast_in_dim3A_1243] : memref<32xf32, #tpu.memory_space<vmem>>[vector<16xi32>], vector<16xf32>,
      %get3A_1245 = arith.constant 15 : i32
      %get3A_1246 = arith.index_cast %get3A_1245 : i32 to index
      %get3A_1247 = arith.constant 0 : index
      %get3A_1248 = tpu.vector_load %arg9[%get3A_1246, %get3A_1247] {strides = array<i32>} : memref<16x128xf32, #tpu.memory_space<vmem>>, vector<16xf32>,
      %mul3A_1249 = arith.mulf %get3A_1248, %gather3A_1244 : vector<16xf32>
      %swap3A_1250 = arith.constant 15 : i32
      %swap3A_1251 = arith.index_cast %swap3A_1250 : i32 to index
      %swap3A_1252 = arith.constant 0 : index
      %swap3A_1253 = tpu.vector_load %arg9[%swap3A_1251, %swap3A_1252] {strides = array<i32>} : memref<16x128xf32, #tpu.memory_space<vmem>>, vector<16xf32>,
      tpu.vector_store %arg9[%swap3A_1251, %swap3A_1252], %mul3A_1249 {strides = array<i32>} : memref<16x128xf32, #tpu.memory_space<vmem>>, vector<16xf32>,
      %get3A_1254 = arith.constant 15 : i32
      %get3A_1255 = arith.index_cast %get3A_1254 : i32 to index
      %get3A_1256 = arith.constant 16 : index
      %get3A_1257 = tpu.vector_load %arg9[%get3A_1255, %get3A_1256] {strides = array<i32>} : memref<16x128xf32, #tpu.memory_space<vmem>>, vector<16xf32>,
      %mul3A_1258 = arith.mulf %get3A_1257, %gather3A_1244 : vector<16xf32>
      %swap3A_1259 = arith.constant 15 : i32
      %swap3A_1260 = arith.index_cast %swap3A_1259 : i32 to index
      %swap3A_1261 = arith.constant 16 : index
      %swap3A_1262 = tpu.vector_load %arg9[%swap3A_1260, %swap3A_1261] {strides = array<i32>} : memref<16x128xf32, #tpu.memory_space<vmem>>, vector<16xf32>,
      tpu.vector_store %arg9[%swap3A_1260, %swap3A_1261], %mul3A_1258 {strides = array<i32>} : memref<16x128xf32, #tpu.memory_space<vmem>>, vector<16xf32>,
      %get3A_1263 = arith.constant 15 : i32
      %get3A_1264 = arith.index_cast %get3A_1263 : i32 to index
      %get3A_1265 = arith.constant 32 : index
      %get3A_1266 = tpu.vector_load %arg9[%get3A_1264, %get3A_1265] {strides = array<i32>} : memref<16x128xf32, #tpu.memory_space<vmem>>, vector<16xf32>,
      %mul3A_1267 = arith.mulf %get3A_1266, %gather3A_1244 : vector<16xf32>
      %swap3A_1268 = arith.constant 15 : i32
      %swap3A_1269 = arith.index_cast %swap3A_1268 : i32 to index
      %swap3A_1270 = arith.constant 32 : index
      %swap3A_1271 = tpu.vector_load %arg9[%swap3A_1269, %swap3A_1270] {strides = array<i32>} : memref<16x128xf32, #tpu.memory_space<vmem>>, vector<16xf32>,
      tpu.vector_store %arg9[%swap3A_1269, %swap3A_1270], %mul3A_1267 {strides = array<i32>} : memref<16x128xf32, #tpu.memory_space<vmem>>, vector<16xf32>,
      %get3A_1272 = arith.constant 15 : i32
      %get3A_1273 = arith.index_cast %get3A_1272 : i32 to index
      %get3A_1274 = arith.constant 48 : index
      %get3A_1275 = tpu.vector_load %arg9[%get3A_1273, %get3A_1274] {strides = array<i32>} : memref<16x128xf32, #tpu.memory_space<vmem>>, vector<16xf32>,
      %mul3A_1276 = arith.mulf %get3A_1275, %gather3A_1244 : vector<16xf32>
      %swap3A_1277 = arith.constant 15 : i32
      %swap3A_1278 = arith.index_cast %swap3A_1277 : i32 to index
      %swap3A_1279 = arith.constant 48 : index
      %swap3A_1280 = tpu.vector_load %arg9[%swap3A_1278, %swap3A_1279] {strides = array<i32>} : memref<16x128xf32, #tpu.memory_space<vmem>>, vector<16xf32>,
      tpu.vector_store %arg9[%swap3A_1278, %swap3A_1279], %mul3A_1276 {strides = array<i32>} : memref<16x128xf32, #tpu.memory_space<vmem>>, vector<16xf32>,
      %get3A_1281 = arith.constant 15 : i32
      %get3A_1282 = arith.index_cast %get3A_1281 : i32 to index
      %get3A_1283 = arith.constant 64 : index
      %get3A_1284 = tpu.vector_load %arg9[%get3A_1282, %get3A_1283] {strides = array<i32>} : memref<16x128xf32, #tpu.memory_space<vmem>>, vector<16xf32>,
      %mul3A_1285 = arith.mulf %get3A_1284, %gather3A_1244 : vector<16xf32>
      %swap3A_1286 = arith.constant 15 : i32
      %swap3A_1287 = arith.index_cast %swap3A_1286 : i32 to index
      %swap3A_1288 = arith.constant 64 : index
      %swap3A_1289 = tpu.vector_load %arg9[%swap3A_1287, %swap3A_1288] {strides = array<i32>} : memref<16x128xf32, #tpu.memory_space<vmem>>, vector<16xf32>,
      tpu.vector_store %arg9[%swap3A_1287, %swap3A_1288], %mul3A_1285 {strides = array<i32>} : memref<16x128xf32, #tpu.memory_space<vmem>>, vector<16xf32>,
      %get3A_1290 = arith.constant 15 : i32
      %get3A_1291 = arith.index_cast %get3A_1290 : i32 to index
      %get3A_1292 = arith.constant 80 : index
      %get3A_1293 = tpu.vector_load %arg9[%get3A_1291, %get3A_1292] {strides = array<i32>} : memref<16x128xf32, #tpu.memory_space<vmem>>, vector<16xf32>,
      %mul3A_1294 = arith.mulf %get3A_1293, %gather3A_1244 : vector<16xf32>
      %swap3A_1295 = arith.constant 15 : i32
      %swap3A_1296 = arith.index_cast %swap3A_1295 : i32 to index
      %swap3A_1297 = arith.constant 80 : index
      %swap3A_1298 = tpu.vector_load %arg9[%swap3A_1296, %swap3A_1297] {strides = array<i32>} : memref<16x128xf32, #tpu.memory_space<vmem>>, vector<16xf32>,
      tpu.vector_store %arg9[%swap3A_1296, %swap3A_1297], %mul3A_1294 {strides = array<i32>} : memref<16x128xf32, #tpu.memory_space<vmem>>, vector<16xf32>,
      %get3A_1299 = arith.constant 15 : i32
      %get3A_1300 = arith.index_cast %get3A_1299 : i32 to index
      %get3A_1301 = arith.constant 96 : index
      %get3A_1302 = tpu.vector_load %arg9[%get3A_1300, %get3A_1301] {strides = array<i32>} : memref<16x128xf32, #tpu.memory_space<vmem>>, vector<16xf32>,
      %mul3A_1303 = arith.mulf %get3A_1302, %gather3A_1244 : vector<16xf32>
      %swap3A_1304 = arith.constant 15 : i32
      %swap3A_1305 = arith.index_cast %swap3A_1304 : i32 to index
      %swap3A_1306 = arith.constant 96 : index
      %swap3A_1307 = tpu.vector_load %arg9[%swap3A_1305, %swap3A_1306] {strides = array<i32>} : memref<16x128xf32, #tpu.memory_space<vmem>>, vector<16xf32>,
      tpu.vector_store %arg9[%swap3A_1305, %swap3A_1306], %mul3A_1303 {strides = array<i32>} : memref<16x128xf32, #tpu.memory_space<vmem>>, vector<16xf32>,
      %get3A_1308 = arith.constant 15 : i32
      %get3A_1309 = arith.index_cast %get3A_1308 : i32 to index
      %get3A_1310 = arith.constant 112 : index
      %get3A_1311 = tpu.vector_load %arg9[%get3A_1309, %get3A_1310] {strides = array<i32>} : memref<16x128xf32, #tpu.memory_space<vmem>>, vector<16xf32>,
      %mul3A_1312 = arith.mulf %get3A_1311, %gather3A_1244 : vector<16xf32>
      %swap3A_1313 = arith.constant 15 : i32
      %swap3A_1314 = arith.index_cast %swap3A_1313 : i32 to index
      %swap3A_1315 = arith.constant 112 : index
      %swap3A_1316 = tpu.vector_load %arg9[%swap3A_1314, %swap3A_1315] {strides = array<i32>} : memref<16x128xf32, #tpu.memory_space<vmem>>, vector<16xf32>,
      tpu.vector_store %arg9[%swap3A_1314, %swap3A_1315], %mul3A_1312 {strides = array<i32>} : memref<16x128xf32, #tpu.memory_space<vmem>>, vector<16xf32>,
      "tpu.region"() ({
        %run_scoped3A = tpu.sem_alloc : memref<!tpu.dma_semaphore, #tpu.memory_space<semaphore_mem>>
        %dma_start3A = arith.constant 0 : i32
        %dma_start3A_1317 = arith.constant 0 : i32
        %dma_start3A_1318 = tpu.memref_slice %arg12[%dma_start3A, %dma_start3A_1317] : memref<10240x128xf32, #tpu.memory_space<vmem_shared>> -> memref<10240x128xf32, #tpu.memory_space<vmem_shared>>
        tpu.enqueue_indirect_dma source(%arg9 : memref<16x128xf32, #tpu.memory_space<vmem>>) target(%dma_start3A_1318 : memref<10240x128xf32, #tpu.memory_space<vmem_shared>>) offsets(%get3A_112 : vector<16xi32>) semaphore(%run_scoped3A : memref<!tpu.dma_semaphore, #tpu.memory_space<semaphore_mem>>) {add = true}
        %dma_wait3A = arith.constant 0 : i32
        %dma_wait3A_1319 = arith.constant 0 : i32
        %dma_wait3A_1320 = tpu.memref_slice %arg12[%dma_wait3A, %dma_wait3A_1319] : memref<10240x128xf32, #tpu.memory_space<vmem_shared>> -> memref<10240x128xf32, #tpu.memory_space<vmem_shared>>
        tpu.wait_indirect_dma semaphore(%run_scoped3A : memref<!tpu.dma_semaphore, #tpu.memory_space<semaphore_mem>>) src(%arg9 : memref<16x128xf32, #tpu.memory_space<vmem>>) dst(%dma_wait3A_1320 : memref<10240x128xf32, #tpu.memory_space<vmem_shared>>)
        tpu.yield
      }) : () -> ()
    }
    %barrier3A_100 = arith.constant 0 : index
    tpu.barrier barrier_id(%barrier3A_100)
    %mul3A_101 = arith.constant 640 : i32
    %mul3A_102 = arith.muli %arg1, %mul3A_101 : i32
    %mul3A_103 = arith.constant 640 : i32
    %mul3A_104 = arith.muli %arg1, %mul3A_103 : i32
    "tpu.region"() ({
      %run_scoped3A = tpu.sem_alloc : memref<!tpu.dma_semaphore, #tpu.memory_space<semaphore_mem>>
      %dma_start3A = arith.constant 0 : i32
      %dma_start3A_105 = tpu.memref_slice %arg5[%arg0, %mul3A_104, %dma_start3A] : memref<2x10240x128xf32, #tpu.memory_space<hbm>> -> memref<1x640x128xf32, #tpu.memory_space<hbm>>
      %dma_start3A_106 = tpu.memref_squeeze %dma_start3A_105 : memref<1x640x128xf32, #tpu.memory_space<hbm>> -> memref<640x128xf32, #tpu.memory_space<hbm>>
      %dma_start3A_107 = arith.constant 0 : i32
      %dma_start3A_108 = tpu.memref_slice %arg12[%mul3A_102, %dma_start3A_107] : memref<10240x128xf32, #tpu.memory_space<vmem_shared>> -> memref<640x128xf32, #tpu.memory_space<vmem_shared>>
      tpu.enqueue_dma source(%dma_start3A_108 : memref<640x128xf32, #tpu.memory_space<vmem_shared>>) target(%dma_start3A_106 : memref<640x128xf32, #tpu.memory_space<hbm>>) target_semaphore(%run_scoped3A : memref<!tpu.dma_semaphore, #tpu.memory_space<semaphore_mem>>)
      %dma_wait3A = arith.constant 0 : i32
      %dma_wait3A_109 = tpu.memref_slice %arg5[%arg0, %mul3A_104, %dma_wait3A] : memref<2x10240x128xf32, #tpu.memory_space<hbm>> -> memref<1x640x128xf32, #tpu.memory_space<hbm>>
      %dma_wait3A_110 = tpu.memref_squeeze %dma_wait3A_109 : memref<1x640x128xf32, #tpu.memory_space<hbm>> -> memref<640x128xf32, #tpu.memory_space<hbm>>
      %dma_wait3A_111 = arith.constant 0 : i32
      %dma_wait3A_112 = tpu.memref_slice %arg12[%mul3A_102, %dma_wait3A_111] : memref<10240x128xf32, #tpu.memory_space<vmem_shared>> -> memref<640x128xf32, #tpu.memory_space<vmem_shared>>
      tpu.wait_dma2 semaphore(%run_scoped3A : memref<!tpu.dma_semaphore, #tpu.memory_space<semaphore_mem>>) src(%dma_wait3A_112 : memref<640x128xf32, #tpu.memory_space<vmem_shared>>) dst(%dma_wait3A_110 : memref<640x128xf32, #tpu.memory_space<hbm>>)
      tpu.yield
    }) : () -> ()
    return
  }
}

#map = affine_map<(d0, d1) -> (0)>
#map1 = affine_map<(d0, d1) -> (0, 0)>
module attributes {stable_mosaic.version = 14 : i64} {
  func.func @_hist_body(%arg0: i32, %arg1: i32, %arg2: memref<640000xi32, #tpu.memory_space<hbm>>, %arg3: memref<2x20480xf32, #tpu.memory_space<hbm>>, %arg4: memref<10000xi32, #tpu.memory_space<vmem>>, %arg5: memref<10000xi32, #tpu.memory_space<vmem>>, %arg6: memref<20480xf32, #tpu.memory_space<vmem>>, %arg7: memref<16x1280xf32, #tpu.memory_space<vmem>>, %arg8: memref<1280xf32, #tpu.memory_space<vmem>>, %arg9: memref<16x20480xf32, #tpu.memory_space<vmem_shared>>) attributes {dimension_semantics = [#tpu.dimension_semantics<core_parallel>, #tpu.dimension_semantics<subcore_parallel>], iteration_bounds = array<i64: 2, 16>, scalar_prefetch = 0 : i64, scratch_operands = 6 : i64, tpu.core_type = #tpu.core_type<sc_vector_subcore>, window_params = [{transform_indices = #map}, {transform_indices = #map1}]} {
    %mul3A = arith.constant 16 : i32
    %mul3A_0 = arith.muli %arg0, %mul3A : i32
    %add3A = arith.addi %mul3A_0, %arg1 : i32
    %mul3A_1 = arith.constant 10000 : i32
    %mul3A_2 = arith.muli %add3A, %mul3A_1 : i32
    "tpu.region"() ({
      %run_scoped3A = tpu.sem_alloc : memref<!tpu.dma_semaphore, #tpu.memory_space<semaphore_mem>>
      %dma_start3A = tpu.memref_slice %arg2[%mul3A_2] : memref<640000xi32, #tpu.memory_space<hbm>> -> memref<10000xi32, #tpu.memory_space<hbm>>
      %dma_start3A_19 = tpu.memref_slice %arg2[%mul3A_2] : memref<640000xi32, #tpu.memory_space<hbm>> -> memref<10000xi32, #tpu.memory_space<hbm>>
      tpu.enqueue_dma source(%dma_start3A_19 : memref<10000xi32, #tpu.memory_space<hbm>>) target(%arg4 : memref<10000xi32, #tpu.memory_space<vmem>>) target_semaphore(%run_scoped3A : memref<!tpu.dma_semaphore, #tpu.memory_space<semaphore_mem>>)
      %dma_wait3A = tpu.memref_slice %arg2[%mul3A_2] : memref<640000xi32, #tpu.memory_space<hbm>> -> memref<10000xi32, #tpu.memory_space<hbm>>
      %dma_wait3A_20 = tpu.memref_slice %arg2[%mul3A_2] : memref<640000xi32, #tpu.memory_space<hbm>> -> memref<10000xi32, #tpu.memory_space<hbm>>
      tpu.wait_dma2 semaphore(%run_scoped3A : memref<!tpu.dma_semaphore, #tpu.memory_space<semaphore_mem>>) src(%dma_wait3A_20 : memref<10000xi32, #tpu.memory_space<hbm>>) dst(%arg4 : memref<10000xi32, #tpu.memory_space<vmem>>)
      tpu.yield
    }) : () -> ()
    %add3A_3 = arith.constant 320000 : i32
    %add3A_4 = arith.addi %add3A_3, %mul3A_2 : i32
    "tpu.region"() ({
      %run_scoped3A = tpu.sem_alloc : memref<!tpu.dma_semaphore, #tpu.memory_space<semaphore_mem>>
      %dma_start3A = tpu.memref_slice %arg2[%add3A_4] : memref<640000xi32, #tpu.memory_space<hbm>> -> memref<10000xi32, #tpu.memory_space<hbm>>
      %dma_start3A_19 = tpu.memref_slice %arg2[%add3A_4] : memref<640000xi32, #tpu.memory_space<hbm>> -> memref<10000xi32, #tpu.memory_space<hbm>>
      tpu.enqueue_dma source(%dma_start3A_19 : memref<10000xi32, #tpu.memory_space<hbm>>) target(%arg5 : memref<10000xi32, #tpu.memory_space<vmem>>) target_semaphore(%run_scoped3A : memref<!tpu.dma_semaphore, #tpu.memory_space<semaphore_mem>>)
      %dma_wait3A = tpu.memref_slice %arg2[%add3A_4] : memref<640000xi32, #tpu.memory_space<hbm>> -> memref<10000xi32, #tpu.memory_space<hbm>>
      %dma_wait3A_20 = tpu.memref_slice %arg2[%add3A_4] : memref<640000xi32, #tpu.memory_space<hbm>> -> memref<10000xi32, #tpu.memory_space<hbm>>
      tpu.wait_dma2 semaphore(%run_scoped3A : memref<!tpu.dma_semaphore, #tpu.memory_space<semaphore_mem>>) src(%dma_wait3A_20 : memref<10000xi32, #tpu.memory_space<hbm>>) dst(%arg5 : memref<10000xi32, #tpu.memory_space<vmem>>)
      tpu.yield
    }) : () -> ()
    %scan3A = arith.constant 0 : i32
    %scan3A_5 = arith.constant 1280 : i32
    %scan3A_6 = arith.addi %scan3A, %scan3A_5 : i32
    %scan3A_7 = arith.constant 1 : i32
    scf.for %scan3A_19 = %scan3A to %scan3A_6 step %scan3A_7  : i32 {
      %broadcast_in_dim3A_20 = arith.constant 0.000000e+00 : f32
      %broadcast_in_dim3A_21 = vector.broadcast %broadcast_in_dim3A_20 : f32 to vector<16xf32>
      %mul3A_22 = arith.constant 16 : i32
      %mul3A_23 = arith.muli %scan3A_19, %mul3A_22 : i32
      %swap3A = arith.index_cast %mul3A_23 : i32 to index
      %swap3A_24 = tpu.vector_load %arg6[%swap3A] {strides = array<i32>} : memref<20480xf32, #tpu.memory_space<vmem>>, vector<16xf32>,
      tpu.vector_store %arg6[%swap3A], %broadcast_in_dim3A_21 {strides = array<i32>} : memref<20480xf32, #tpu.memory_space<vmem>>, vector<16xf32>,
    }
    %scan3A_8 = arith.constant 1280 : i32
    %broadcast_in_dim3A = arith.constant 1.000000e+00 : f32
    %broadcast_in_dim3A_9 = vector.broadcast %broadcast_in_dim3A : f32 to vector<16xf32>
    %parallel_loop3A = arith.constant 0 : i32
    %parallel_loop3A_10 = arith.constant 10000 : i32
    %parallel_loop3A_11 = arith.constant 16 : i32
    scf.for %parallel_loop3A_19 = %parallel_loop3A to %parallel_loop3A_10 step %parallel_loop3A_11  : i32 {
      %parallel_loop3A_20 = arith.index_cast %parallel_loop3A_19 : i32 to index
      %parallel_loop3A_21 = tpu.vector_load %arg4[%parallel_loop3A_20] {strides = array<i32>} : memref<10000xi32, #tpu.memory_space<vmem>>, vector<16xi32>,
      %parallel_loop3A_22 = arith.index_cast %parallel_loop3A_19 : i32 to index
      %parallel_loop3A_23 = tpu.vector_load %arg5[%parallel_loop3A_22] {strides = array<i32>} : memref<10000xi32, #tpu.memory_space<vmem>>, vector<16xi32>,
      tpu.vector_store_idx %arg6[%parallel_loop3A_23], %broadcast_in_dim3A_9 {add = true} : memref<20480xf32, #tpu.memory_space<vmem>>[vector<16xi32>], vector<16xf32>,
      %parallel_loop3A_24 = arith.constant 10240 : i32
      %parallel_loop3A_25 = vector.broadcast %parallel_loop3A_24 : i32 to vector<16xi32>
      %parallel_loop3A_26 = arith.addi %parallel_loop3A_21, %parallel_loop3A_25 : vector<16xi32>
      %parallel_loop3A_27 = arith.constant 0 : i32
      %parallel_loop3A_28 = vector.broadcast %parallel_loop3A_27 : i32 to vector<16xi32>
      %parallel_loop3A_29 = arith.cmpi eq, %parallel_loop3A_23, %parallel_loop3A_28 : vector<16xi32>
      tpu.vector_store_idx %arg6[%parallel_loop3A_26], %broadcast_in_dim3A_9 masked %parallel_loop3A_29 {add = true} : memref<20480xf32, #tpu.memory_space<vmem>>[vector<16xi32>], vector<16xf32>, vector<16xi1>
    } {sc.loop_unroll_factor = 8 : i64, sc.parallel_access}
    "tpu.region"() ({
      %run_scoped3A = tpu.sem_alloc : memref<!tpu.dma_semaphore, #tpu.memory_space<semaphore_mem>>
      %dma_start3A = arith.constant 0 : i32
      %dma_start3A_19 = tpu.memref_slice %arg9[%arg1, %dma_start3A] : memref<16x20480xf32, #tpu.memory_space<vmem_shared>> -> memref<1x20480xf32, #tpu.memory_space<vmem_shared>>
      %dma_start3A_20 = tpu.memref_squeeze %dma_start3A_19 : memref<1x20480xf32, #tpu.memory_space<vmem_shared>> -> memref<20480xf32, #tpu.memory_space<vmem_shared>>
      %dma_start3A_21 = arith.constant 0 : i32
      %dma_start3A_22 = tpu.memref_slice %arg9[%arg1, %dma_start3A_21] : memref<16x20480xf32, #tpu.memory_space<vmem_shared>> -> memref<1x20480xf32, #tpu.memory_space<vmem_shared>>
      %dma_start3A_23 = tpu.memref_squeeze %dma_start3A_22 : memref<1x20480xf32, #tpu.memory_space<vmem_shared>> -> memref<20480xf32, #tpu.memory_space<vmem_shared>>
      tpu.enqueue_dma source(%arg6 : memref<20480xf32, #tpu.memory_space<vmem>>) target(%dma_start3A_23 : memref<20480xf32, #tpu.memory_space<vmem_shared>>) target_semaphore(%run_scoped3A : memref<!tpu.dma_semaphore, #tpu.memory_space<semaphore_mem>>)
      %dma_wait3A = arith.constant 0 : i32
      %dma_wait3A_24 = tpu.memref_slice %arg9[%arg1, %dma_wait3A] : memref<16x20480xf32, #tpu.memory_space<vmem_shared>> -> memref<1x20480xf32, #tpu.memory_space<vmem_shared>>
      %dma_wait3A_25 = tpu.memref_squeeze %dma_wait3A_24 : memref<1x20480xf32, #tpu.memory_space<vmem_shared>> -> memref<20480xf32, #tpu.memory_space<vmem_shared>>
      %dma_wait3A_26 = arith.constant 0 : i32
      %dma_wait3A_27 = tpu.memref_slice %arg9[%arg1, %dma_wait3A_26] : memref<16x20480xf32, #tpu.memory_space<vmem_shared>> -> memref<1x20480xf32, #tpu.memory_space<vmem_shared>>
      %dma_wait3A_28 = tpu.memref_squeeze %dma_wait3A_27 : memref<1x20480xf32, #tpu.memory_space<vmem_shared>> -> memref<20480xf32, #tpu.memory_space<vmem_shared>>
      tpu.wait_dma2 semaphore(%run_scoped3A : memref<!tpu.dma_semaphore, #tpu.memory_space<semaphore_mem>>) src(%arg6 : memref<20480xf32, #tpu.memory_space<vmem>>) dst(%dma_wait3A_28 : memref<20480xf32, #tpu.memory_space<vmem_shared>>)
      tpu.yield
    }) : () -> ()
    %barrier3A = arith.constant 0 : index
    tpu.barrier barrier_id(%barrier3A)
    %mul3A_12 = arith.constant 1280 : i32
    %mul3A_13 = arith.muli %arg1, %mul3A_12 : i32
    "tpu.region"() ({
      %run_scoped3A = tpu.sem_alloc : memref<!tpu.dma_semaphore, #tpu.memory_space<semaphore_mem>>
      %dma_start3A = arith.constant 0 : i32
      %dma_start3A_19 = tpu.memref_slice %arg9[%dma_start3A, %mul3A_13] : memref<16x20480xf32, #tpu.memory_space<vmem_shared>> -> memref<16x1280xf32, #tpu.memory_space<vmem_shared>>
      %dma_start3A_20 = arith.constant 0 : i32
      %dma_start3A_21 = tpu.memref_slice %arg9[%dma_start3A_20, %mul3A_13] : memref<16x20480xf32, #tpu.memory_space<vmem_shared>> -> memref<16x1280xf32, #tpu.memory_space<vmem_shared>>
      tpu.enqueue_dma source(%dma_start3A_21 : memref<16x1280xf32, #tpu.memory_space<vmem_shared>>) target(%arg7 : memref<16x1280xf32, #tpu.memory_space<vmem>>) target_semaphore(%run_scoped3A : memref<!tpu.dma_semaphore, #tpu.memory_space<semaphore_mem>>)
      %dma_wait3A = arith.constant 0 : i32
      %dma_wait3A_22 = tpu.memref_slice %arg9[%dma_wait3A, %mul3A_13] : memref<16x20480xf32, #tpu.memory_space<vmem_shared>> -> memref<16x1280xf32, #tpu.memory_space<vmem_shared>>
      %dma_wait3A_23 = arith.constant 0 : i32
      %dma_wait3A_24 = tpu.memref_slice %arg9[%dma_wait3A_23, %mul3A_13] : memref<16x20480xf32, #tpu.memory_space<vmem_shared>> -> memref<16x1280xf32, #tpu.memory_space<vmem_shared>>
      tpu.wait_dma2 semaphore(%run_scoped3A : memref<!tpu.dma_semaphore, #tpu.memory_space<semaphore_mem>>) src(%dma_wait3A_24 : memref<16x1280xf32, #tpu.memory_space<vmem_shared>>) dst(%arg7 : memref<16x1280xf32, #tpu.memory_space<vmem>>)
      tpu.yield
    }) : () -> ()
    %scan3A_14 = arith.constant 0 : i32
    %scan3A_15 = arith.constant 80 : i32
    %scan3A_16 = arith.addi %scan3A_14, %scan3A_15 : i32
    %scan3A_17 = arith.constant 1 : i32
    scf.for %scan3A_19 = %scan3A_14 to %scan3A_16 step %scan3A_17  : i32 {
      %mul3A_20 = arith.constant 16 : i32
      %mul3A_21 = arith.muli %scan3A_19, %mul3A_20 : i32
      %get3A = arith.constant 0 : i32
      %get3A_22 = arith.index_cast %get3A : i32 to index
      %get3A_23 = arith.index_cast %mul3A_21 : i32 to index
      %get3A_24 = tpu.vector_load %arg7[%get3A_22, %get3A_23] {strides = array<i32>} : memref<16x1280xf32, #tpu.memory_space<vmem>>, vector<16xf32>,
      %mul3A_25 = arith.constant 16 : i32
      %mul3A_26 = arith.muli %scan3A_19, %mul3A_25 : i32
      %get3A_27 = arith.constant 1 : i32
      %get3A_28 = arith.index_cast %get3A_27 : i32 to index
      %get3A_29 = arith.index_cast %mul3A_26 : i32 to index
      %get3A_30 = tpu.vector_load %arg7[%get3A_28, %get3A_29] {strides = array<i32>} : memref<16x1280xf32, #tpu.memory_space<vmem>>, vector<16xf32>,
      %add3A_31 = arith.addf %get3A_24, %get3A_30 : vector<16xf32>
      %mul3A_32 = arith.constant 16 : i32
      %mul3A_33 = arith.muli %scan3A_19, %mul3A_32 : i32
      %get3A_34 = arith.constant 2 : i32
      %get3A_35 = arith.index_cast %get3A_34 : i32 to index
      %get3A_36 = arith.index_cast %mul3A_33 : i32 to index
      %get3A_37 = tpu.vector_load %arg7[%get3A_35, %get3A_36] {strides = array<i32>} : memref<16x1280xf32, #tpu.memory_space<vmem>>, vector<16xf32>,
      %add3A_38 = arith.addf %add3A_31, %get3A_37 : vector<16xf32>
      %mul3A_39 = arith.constant 16 : i32
      %mul3A_40 = arith.muli %scan3A_19, %mul3A_39 : i32
      %get3A_41 = arith.constant 3 : i32
      %get3A_42 = arith.index_cast %get3A_41 : i32 to index
      %get3A_43 = arith.index_cast %mul3A_40 : i32 to index
      %get3A_44 = tpu.vector_load %arg7[%get3A_42, %get3A_43] {strides = array<i32>} : memref<16x1280xf32, #tpu.memory_space<vmem>>, vector<16xf32>,
      %add3A_45 = arith.addf %add3A_38, %get3A_44 : vector<16xf32>
      %mul3A_46 = arith.constant 16 : i32
      %mul3A_47 = arith.muli %scan3A_19, %mul3A_46 : i32
      %get3A_48 = arith.constant 4 : i32
      %get3A_49 = arith.index_cast %get3A_48 : i32 to index
      %get3A_50 = arith.index_cast %mul3A_47 : i32 to index
      %get3A_51 = tpu.vector_load %arg7[%get3A_49, %get3A_50] {strides = array<i32>} : memref<16x1280xf32, #tpu.memory_space<vmem>>, vector<16xf32>,
      %add3A_52 = arith.addf %add3A_45, %get3A_51 : vector<16xf32>
      %mul3A_53 = arith.constant 16 : i32
      %mul3A_54 = arith.muli %scan3A_19, %mul3A_53 : i32
      %get3A_55 = arith.constant 5 : i32
      %get3A_56 = arith.index_cast %get3A_55 : i32 to index
      %get3A_57 = arith.index_cast %mul3A_54 : i32 to index
      %get3A_58 = tpu.vector_load %arg7[%get3A_56, %get3A_57] {strides = array<i32>} : memref<16x1280xf32, #tpu.memory_space<vmem>>, vector<16xf32>,
      %add3A_59 = arith.addf %add3A_52, %get3A_58 : vector<16xf32>
      %mul3A_60 = arith.constant 16 : i32
      %mul3A_61 = arith.muli %scan3A_19, %mul3A_60 : i32
      %get3A_62 = arith.constant 6 : i32
      %get3A_63 = arith.index_cast %get3A_62 : i32 to index
      %get3A_64 = arith.index_cast %mul3A_61 : i32 to index
      %get3A_65 = tpu.vector_load %arg7[%get3A_63, %get3A_64] {strides = array<i32>} : memref<16x1280xf32, #tpu.memory_space<vmem>>, vector<16xf32>,
      %add3A_66 = arith.addf %add3A_59, %get3A_65 : vector<16xf32>
      %mul3A_67 = arith.constant 16 : i32
      %mul3A_68 = arith.muli %scan3A_19, %mul3A_67 : i32
      %get3A_69 = arith.constant 7 : i32
      %get3A_70 = arith.index_cast %get3A_69 : i32 to index
      %get3A_71 = arith.index_cast %mul3A_68 : i32 to index
      %get3A_72 = tpu.vector_load %arg7[%get3A_70, %get3A_71] {strides = array<i32>} : memref<16x1280xf32, #tpu.memory_space<vmem>>, vector<16xf32>,
      %add3A_73 = arith.addf %add3A_66, %get3A_72 : vector<16xf32>
      %mul3A_74 = arith.constant 16 : i32
      %mul3A_75 = arith.muli %scan3A_19, %mul3A_74 : i32
      %get3A_76 = arith.constant 8 : i32
      %get3A_77 = arith.index_cast %get3A_76 : i32 to index
      %get3A_78 = arith.index_cast %mul3A_75 : i32 to index
      %get3A_79 = tpu.vector_load %arg7[%get3A_77, %get3A_78] {strides = array<i32>} : memref<16x1280xf32, #tpu.memory_space<vmem>>, vector<16xf32>,
      %add3A_80 = arith.addf %add3A_73, %get3A_79 : vector<16xf32>
      %mul3A_81 = arith.constant 16 : i32
      %mul3A_82 = arith.muli %scan3A_19, %mul3A_81 : i32
      %get3A_83 = arith.constant 9 : i32
      %get3A_84 = arith.index_cast %get3A_83 : i32 to index
      %get3A_85 = arith.index_cast %mul3A_82 : i32 to index
      %get3A_86 = tpu.vector_load %arg7[%get3A_84, %get3A_85] {strides = array<i32>} : memref<16x1280xf32, #tpu.memory_space<vmem>>, vector<16xf32>,
      %add3A_87 = arith.addf %add3A_80, %get3A_86 : vector<16xf32>
      %mul3A_88 = arith.constant 16 : i32
      %mul3A_89 = arith.muli %scan3A_19, %mul3A_88 : i32
      %get3A_90 = arith.constant 10 : i32
      %get3A_91 = arith.index_cast %get3A_90 : i32 to index
      %get3A_92 = arith.index_cast %mul3A_89 : i32 to index
      %get3A_93 = tpu.vector_load %arg7[%get3A_91, %get3A_92] {strides = array<i32>} : memref<16x1280xf32, #tpu.memory_space<vmem>>, vector<16xf32>,
      %add3A_94 = arith.addf %add3A_87, %get3A_93 : vector<16xf32>
      %mul3A_95 = arith.constant 16 : i32
      %mul3A_96 = arith.muli %scan3A_19, %mul3A_95 : i32
      %get3A_97 = arith.constant 11 : i32
      %get3A_98 = arith.index_cast %get3A_97 : i32 to index
      %get3A_99 = arith.index_cast %mul3A_96 : i32 to index
      %get3A_100 = tpu.vector_load %arg7[%get3A_98, %get3A_99] {strides = array<i32>} : memref<16x1280xf32, #tpu.memory_space<vmem>>, vector<16xf32>,
      %add3A_101 = arith.addf %add3A_94, %get3A_100 : vector<16xf32>
      %mul3A_102 = arith.constant 16 : i32
      %mul3A_103 = arith.muli %scan3A_19, %mul3A_102 : i32
      %get3A_104 = arith.constant 12 : i32
      %get3A_105 = arith.index_cast %get3A_104 : i32 to index
      %get3A_106 = arith.index_cast %mul3A_103 : i32 to index
      %get3A_107 = tpu.vector_load %arg7[%get3A_105, %get3A_106] {strides = array<i32>} : memref<16x1280xf32, #tpu.memory_space<vmem>>, vector<16xf32>,
      %add3A_108 = arith.addf %add3A_101, %get3A_107 : vector<16xf32>
      %mul3A_109 = arith.constant 16 : i32
      %mul3A_110 = arith.muli %scan3A_19, %mul3A_109 : i32
      %get3A_111 = arith.constant 13 : i32
      %get3A_112 = arith.index_cast %get3A_111 : i32 to index
      %get3A_113 = arith.index_cast %mul3A_110 : i32 to index
      %get3A_114 = tpu.vector_load %arg7[%get3A_112, %get3A_113] {strides = array<i32>} : memref<16x1280xf32, #tpu.memory_space<vmem>>, vector<16xf32>,
      %add3A_115 = arith.addf %add3A_108, %get3A_114 : vector<16xf32>
      %mul3A_116 = arith.constant 16 : i32
      %mul3A_117 = arith.muli %scan3A_19, %mul3A_116 : i32
      %get3A_118 = arith.constant 14 : i32
      %get3A_119 = arith.index_cast %get3A_118 : i32 to index
      %get3A_120 = arith.index_cast %mul3A_117 : i32 to index
      %get3A_121 = tpu.vector_load %arg7[%get3A_119, %get3A_120] {strides = array<i32>} : memref<16x1280xf32, #tpu.memory_space<vmem>>, vector<16xf32>,
      %add3A_122 = arith.addf %add3A_115, %get3A_121 : vector<16xf32>
      %mul3A_123 = arith.constant 16 : i32
      %mul3A_124 = arith.muli %scan3A_19, %mul3A_123 : i32
      %get3A_125 = arith.constant 15 : i32
      %get3A_126 = arith.index_cast %get3A_125 : i32 to index
      %get3A_127 = arith.index_cast %mul3A_124 : i32 to index
      %get3A_128 = tpu.vector_load %arg7[%get3A_126, %get3A_127] {strides = array<i32>} : memref<16x1280xf32, #tpu.memory_space<vmem>>, vector<16xf32>,
      %add3A_129 = arith.addf %add3A_122, %get3A_128 : vector<16xf32>
      %mul3A_130 = arith.constant 16 : i32
      %mul3A_131 = arith.muli %scan3A_19, %mul3A_130 : i32
      %swap3A = arith.index_cast %mul3A_131 : i32 to index
      %swap3A_132 = tpu.vector_load %arg8[%swap3A] {strides = array<i32>} : memref<1280xf32, #tpu.memory_space<vmem>>, vector<16xf32>,
      tpu.vector_store %arg8[%swap3A], %add3A_129 {strides = array<i32>} : memref<1280xf32, #tpu.memory_space<vmem>>, vector<16xf32>,
    }
    %scan3A_18 = arith.constant 80 : i32
    "tpu.region"() ({
      %run_scoped3A = tpu.sem_alloc : memref<!tpu.dma_semaphore, #tpu.memory_space<semaphore_mem>>
      %dma_start3A = tpu.memref_slice %arg3[%arg0, %mul3A_13] : memref<2x20480xf32, #tpu.memory_space<hbm>> -> memref<1x1280xf32, #tpu.memory_space<hbm>>
      %dma_start3A_19 = tpu.memref_squeeze %dma_start3A : memref<1x1280xf32, #tpu.memory_space<hbm>> -> memref<1280xf32, #tpu.memory_space<hbm>>
      %dma_start3A_20 = tpu.memref_slice %arg3[%arg0, %mul3A_13] : memref<2x20480xf32, #tpu.memory_space<hbm>> -> memref<1x1280xf32, #tpu.memory_space<hbm>>
      %dma_start3A_21 = tpu.memref_squeeze %dma_start3A_20 : memref<1x1280xf32, #tpu.memory_space<hbm>> -> memref<1280xf32, #tpu.memory_space<hbm>>
      tpu.enqueue_dma source(%arg8 : memref<1280xf32, #tpu.memory_space<vmem>>) target(%dma_start3A_21 : memref<1280xf32, #tpu.memory_space<hbm>>) target_semaphore(%run_scoped3A : memref<!tpu.dma_semaphore, #tpu.memory_space<semaphore_mem>>)
      %dma_wait3A = tpu.memref_slice %arg3[%arg0, %mul3A_13] : memref<2x20480xf32, #tpu.memory_space<hbm>> -> memref<1x1280xf32, #tpu.memory_space<hbm>>
      %dma_wait3A_22 = tpu.memref_squeeze %dma_wait3A : memref<1x1280xf32, #tpu.memory_space<hbm>> -> memref<1280xf32, #tpu.memory_space<hbm>>
      %dma_wait3A_23 = tpu.memref_slice %arg3[%arg0, %mul3A_13] : memref<2x20480xf32, #tpu.memory_space<hbm>> -> memref<1x1280xf32, #tpu.memory_space<hbm>>
      %dma_wait3A_24 = tpu.memref_squeeze %dma_wait3A_23 : memref<1x1280xf32, #tpu.memory_space<hbm>> -> memref<1280xf32, #tpu.memory_space<hbm>>
      tpu.wait_dma2 semaphore(%run_scoped3A : memref<!tpu.dma_semaphore, #tpu.memory_space<semaphore_mem>>) src(%arg8 : memref<1280xf32, #tpu.memory_space<vmem>>) dst(%dma_wait3A_24 : memref<1280xf32, #tpu.memory_space<hbm>>)
      tpu.yield
    }) : () -> ()
    return
  }
}

module attributes {stable_mosaic.version = 14 : i64} {
  func.func @_norm_body(%arg0: memref<2x160x128xf32, #tpu.memory_space<vmem>>, %arg1: memref<2x80x128xf32, #tpu.memory_space<vmem>>) attributes {dimension_semantics = [], scalar_prefetch = 0 : i64, scratch_operands = 0 : i64, tpu.core_type = #tpu.core_type<tc>} {
    %get3A = arith.constant 0 : index
    %get3A_0 = arith.constant 0 : index
    %get3A_1 = arith.constant 0 : index
    %get3A_2 = vector.load %arg0[%get3A, %get3A_0, %get3A_1] : memref<2x160x128xf32, #tpu.memory_space<vmem>>, vector<1x160x128xf32>
    %get3A_3 = vector.shape_cast %get3A_2 : vector<1x160x128xf32> to vector<160x128xf32>
    %get3A_4 = arith.constant 1 : index
    %get3A_5 = arith.constant 0 : index
    %get3A_6 = arith.constant 0 : index
    %get3A_7 = vector.load %arg0[%get3A_4, %get3A_5, %get3A_6] : memref<2x160x128xf32, #tpu.memory_space<vmem>>, vector<1x160x128xf32>
    %get3A_8 = vector.shape_cast %get3A_7 : vector<1x160x128xf32> to vector<160x128xf32>
    %add3A = arith.addf %get3A_3, %get3A_8 : vector<160x128xf32>
    %iota3A = tpu.iota {dimensions = array<i32: 0>} : vector<80x128xi32>
    %iota3A_9 = tpu.iota {dimensions = array<i32: 1>} : vector<80x128xi32>
    %eq3A = arith.constant 0 : i32
    %eq3A_10 = vector.broadcast %eq3A : i32 to vector<80x128xi32>
    %eq3A_11 = arith.cmpi eq, %iota3A, %eq3A_10 : vector<80x128xi32>
    %eq3A_12 = arith.constant 0 : i32
    %eq3A_13 = vector.broadcast %eq3A_12 : i32 to vector<80x128xi32>
    %eq3A_14 = arith.cmpi eq, %iota3A_9, %eq3A_13 : vector<80x128xi32>
    %and3A = arith.andi %eq3A_11, %eq3A_14 : vector<80x128xi1>
    %convert_element_type3A = arith.extui %and3A : vector<80x128xi1> to vector<80x128xi32>
    %convert_element_type3A_15 = arith.sitofp %convert_element_type3A : vector<80x128xi32> to vector<80x128xf32>
    %slice3A = vector.extract_strided_slice %add3A {offsets = [0, 0], sizes = [80, 128], strides = [1, 1]} : vector<160x128xf32> to vector<80x128xf32>
    %add3A_16 = arith.constant 1.000000e+00 : f32
    %add3A_17 = vector.broadcast %add3A_16 : f32 to vector<80x128xf32>
    %add3A_18 = arith.addf %slice3A, %add3A_17 : vector<80x128xf32>
    %slice3A_19 = vector.extract_strided_slice %add3A {offsets = [80, 0], sizes = [80, 128], strides = [1, 1]} : vector<160x128xf32> to vector<80x128xf32>
    %add3A_20 = arith.addf %slice3A_19, %convert_element_type3A_15 : vector<80x128xf32>
    %rsqrt3A = math.rsqrt %add3A_18 : vector<80x128xf32>
    %slice3A_21 = vector.extract_strided_slice %rsqrt3A {offsets = [0, 0], sizes = [1, 1], strides = [1, 1]} : vector<80x128xf32> to vector<1x1xf32>
    %mul3A = arith.mulf %add3A_20, %rsqrt3A : vector<80x128xf32>
    %mul3A_22 = vector.broadcast %slice3A_21 : vector<1x1xf32> to vector<80x128xf32>
    %mul3A_23 = arith.mulf %mul3A, %mul3A_22 : vector<80x128xf32>
    %gt3A = arith.constant 0.000000e+00 : f32
    %gt3A_24 = vector.broadcast %gt3A : f32 to vector<80x128xf32>
    %gt3A_25 = arith.cmpf ogt, %mul3A_23, %gt3A_24 : vector<80x128xf32>
    %neg3A = arith.constant 0.000000e+00 : f32
    %neg3A_26 = vector.broadcast %neg3A : f32 to vector<80x128xf32>
    %neg3A_27 = arith.subf %neg3A_26, %rsqrt3A : vector<80x128xf32>
    %select_n3A = arith.select %gt3A_25, %neg3A_27, %rsqrt3A : vector<80x128xi1>, vector<80x128xf32>
    %swap3A = arith.constant 0 : index
    %swap3A_28 = arith.constant 0 : index
    %swap3A_29 = arith.constant 0 : index
    %swap3A_30 = vector.load %arg1[%swap3A, %swap3A_28, %swap3A_29] : memref<2x80x128xf32, #tpu.memory_space<vmem>>, vector<1x80x128xf32>
    %swap3A_31 = vector.shape_cast %swap3A_30 : vector<1x80x128xf32> to vector<80x128xf32>
    %swap3A_32 = vector.shape_cast %select_n3A : vector<80x128xf32> to vector<1x80x128xf32>
    tpu.vector_store %arg1[%swap3A, %swap3A_28, %swap3A_29], %swap3A_32 {strides = array<i32>} : memref<2x80x128xf32, #tpu.memory_space<vmem>>, vector<1x80x128xf32>,
    %swap3A_33 = arith.constant 1 : index
    %swap3A_34 = arith.constant 0 : index
    %swap3A_35 = arith.constant 0 : index
    %swap3A_36 = vector.load %arg1[%swap3A_33, %swap3A_34, %swap3A_35] : memref<2x80x128xf32, #tpu.memory_space<vmem>>, vector<1x80x128xf32>
    %swap3A_37 = vector.shape_cast %swap3A_36 : vector<1x80x128xf32> to vector<80x128xf32>
    %swap3A_38 = vector.shape_cast %mul3A_23 : vector<80x128xf32> to vector<1x80x128xf32>
    tpu.vector_store %arg1[%swap3A_33, %swap3A_34, %swap3A_35], %swap3A_38 {strides = array<i32>} : memref<2x80x128xf32, #tpu.memory_space<vmem>>, vector<1x80x128xf32>,
    return
  }
}

module attributes {stable_mosaic.version = 14 : i64} {
  func.func @_final_body(%arg0: i32, %arg1: memref<1x1024x128xf32, #tpu.memory_space<vmem>>, %arg2: memref<1x1024x128xf32, #tpu.memory_space<vmem>>, %arg3: memref<1024x8xf32, #tpu.memory_space<vmem>>, %arg4: memref<128x16xf32, #tpu.memory_space<vmem>>, %arg5: memref<1x16xf32, #tpu.memory_space<vmem>>, %arg6: memref<16x10xf32, #tpu.memory_space<vmem>>, %arg7: memref<1x10xf32, #tpu.memory_space<vmem>>, %arg8: memref<8x10xf32, #tpu.memory_space<vmem>>, %arg9: memref<8x16xf32, #tpu.memory_space<vmem>>) attributes {dimension_semantics = [#tpu.dimension_semantics<arbitrary>], iteration_bounds = array<i64: 10>, scalar_prefetch = 0 : i64, scratch_operands = 1 : i64, tpu.core_type = #tpu.core_type<tc>, window_params = [{transform_indices = @transform_0, window_bounds = array<i64: 1, 1024, 128>}, {transform_indices = @transform_1, window_bounds = array<i64: 1, 1024, 128>}, {transform_indices = @transform_2, window_bounds = array<i64: 1024, 8>}, {pipeline_mode = #tpu.pipeline_mode<synchronous>, transform_indices = @transform_3, window_bounds = array<i64: 128, 16>}, {pipeline_mode = #tpu.pipeline_mode<synchronous>, transform_indices = @transform_4, window_bounds = array<i64: 1, 16>}, {pipeline_mode = #tpu.pipeline_mode<synchronous>, transform_indices = @transform_5, window_bounds = array<i64: 16, 10>}, {pipeline_mode = #tpu.pipeline_mode<synchronous>, transform_indices = @transform_6, window_bounds = array<i64: 1, 10>}, {pipeline_mode = #tpu.pipeline_mode<synchronous>, transform_indices = @transform_7, window_bounds = array<i64: 8, 10>}]} {
    %eq3A = arith.constant 0 : i32
    %eq3A_0 = arith.cmpi eq, %arg0, %eq3A : i32
    %convert_element_type3A = arith.extui %eq3A_0 : i1 to i32
    %cond3A = arith.constant 0 : i32
    %cond3A_1 = arith.cmpi ne, %convert_element_type3A, %cond3A : i32
    scf.if %cond3A_1 {
      %broadcast_in_dim3A = arith.constant 0.000000e+00 : f32
      %broadcast_in_dim3A_38 = vector.broadcast %broadcast_in_dim3A : f32 to vector<8x16xf32>
      %swap3A_39 = arith.constant 0 : index
      %swap3A_40 = arith.constant 0 : index
      %swap3A_41 = vector.load %arg9[%swap3A_39, %swap3A_40] : memref<8x16xf32, #tpu.memory_space<vmem>>, vector<8x16xf32>
      tpu.vector_store %arg9[%swap3A_39, %swap3A_40], %broadcast_in_dim3A_38 {strides = array<i32>} : memref<8x16xf32, #tpu.memory_space<vmem>>, vector<8x16xf32>,
    } else {
    }
    %get3A = arith.constant 0 : index
    %get3A_2 = arith.constant 0 : index
    %get3A_3 = arith.constant 0 : index
    %get3A_4 = vector.load %arg1[%get3A, %get3A_2, %get3A_3] : memref<1x1024x128xf32, #tpu.memory_space<vmem>>, vector<1x1024x128xf32>
    %get3A_5 = vector.shape_cast %get3A_4 : vector<1x1024x128xf32> to vector<1024x128xf32>
    %get3A_6 = arith.constant 0 : index
    %get3A_7 = arith.constant 0 : index
    %get3A_8 = arith.constant 0 : index
    %get3A_9 = vector.load %arg2[%get3A_6, %get3A_7, %get3A_8] : memref<1x1024x128xf32, #tpu.memory_space<vmem>>, vector<1x1024x128xf32>
    %get3A_10 = vector.shape_cast %get3A_9 : vector<1x1024x128xf32> to vector<1024x128xf32>
    %add3A = arith.addf %get3A_5, %get3A_10 : vector<1024x128xf32>
    %get3A_11 = arith.constant 0 : index
    %get3A_12 = arith.constant 0 : index
    %get3A_13 = vector.load %arg4[%get3A_11, %get3A_12] : memref<128x16xf32, #tpu.memory_space<vmem>>, vector<128x16xf32>
    %dot_general3A = arith.constant dense<0.000000e+00> : vector<1024x16xf32>
    %dot_general3A_14 = tpu.matmul %add3A, %get3A_13, %dot_general3A {dimension_numbers = #tpu.dot_dimension_numbers<[1], [0], [0], [1], [0, 0, 1, 1], [], []>, transpose_lhs_hint = false} : vector<1024x128xf32>, vector<128x16xf32>, vector<1024x16xf32> -> vector<1024x16xf32>
    %get3A_15 = arith.constant 0 : index
    %get3A_16 = arith.constant 0 : index
    %get3A_17 = vector.load %arg5[%get3A_15, %get3A_16] : memref<1x16xf32, #tpu.memory_space<vmem>>, vector<1x16xf32>
    %add3A_18 = vector.broadcast %get3A_17 : vector<1x16xf32> to vector<1024x16xf32>
    %add3A_19 = arith.addf %dot_general3A_14, %add3A_18 : vector<1024x16xf32>
    %max3A = arith.constant 0.000000e+00 : f32
    %max3A_20 = vector.broadcast %max3A : f32 to vector<1024x16xf32>
    %max3A_21 = arith.maximumf %add3A_19, %max3A_20 : vector<1024x16xf32>
    %get3A_22 = arith.constant 0 : index
    %get3A_23 = arith.constant 0 : index
    %get3A_24 = vector.load %arg9[%get3A_22, %get3A_23] : memref<8x16xf32, #tpu.memory_space<vmem>>, vector<8x16xf32>
    %get3A_25 = arith.constant 0 : index
    %get3A_26 = arith.constant 0 : index
    %get3A_27 = vector.load %arg3[%get3A_25, %get3A_26] : memref<1024x8xf32, #tpu.memory_space<vmem>>, vector<1024x8xf32>
    %dot_general3A_28 = arith.constant dense<0.000000e+00> : vector<8x16xf32>
    %dot_general3A_29 = tpu.matmul %get3A_27, %max3A_21, %dot_general3A_28 {dimension_numbers = #tpu.dot_dimension_numbers<[0], [0], [1], [1], [0, 1, 1, 1], [], []>, transpose_lhs_hint = false} : vector<1024x8xf32>, vector<1024x16xf32>, vector<8x16xf32> -> vector<8x16xf32>
    %add3A_30 = arith.addf %get3A_24, %dot_general3A_29 : vector<8x16xf32>
    %swap3A = arith.constant 0 : index
    %swap3A_31 = arith.constant 0 : index
    %swap3A_32 = vector.load %arg9[%swap3A, %swap3A_31] : memref<8x16xf32, #tpu.memory_space<vmem>>, vector<8x16xf32>
    tpu.vector_store %arg9[%swap3A, %swap3A_31], %add3A_30 {strides = array<i32>} : memref<8x16xf32, #tpu.memory_space<vmem>>, vector<8x16xf32>,
    %eq3A_33 = arith.constant 9 : i32
    %eq3A_34 = arith.cmpi eq, %arg0, %eq3A_33 : i32
    %convert_element_type3A_35 = arith.extui %eq3A_34 : i1 to i32
    %cond3A_36 = arith.constant 0 : i32
    %cond3A_37 = arith.cmpi ne, %convert_element_type3A_35, %cond3A_36 : i32
    scf.if %cond3A_37 {
      %get3A_38 = arith.constant 0 : index
      %get3A_39 = arith.constant 0 : index
      %get3A_40 = vector.load %arg9[%get3A_38, %get3A_39] : memref<8x16xf32, #tpu.memory_space<vmem>>, vector<8x16xf32>
      %get3A_41 = arith.constant 0 : index
      %get3A_42 = arith.constant 0 : index
      %get3A_43 = vector.load %arg6[%get3A_41, %get3A_42] : memref<16x10xf32, #tpu.memory_space<vmem>>, vector<16x10xf32>
      %dot_general3A_44 = arith.constant dense<0.000000e+00> : vector<8x10xf32>
      %dot_general3A_45 = tpu.matmul %get3A_40, %get3A_43, %dot_general3A_44 {dimension_numbers = #tpu.dot_dimension_numbers<[1], [0], [0], [1], [0, 0, 1, 1], [], []>, transpose_lhs_hint = false} : vector<8x16xf32>, vector<16x10xf32>, vector<8x10xf32> -> vector<8x10xf32>
      %get3A_46 = arith.constant 0 : index
      %get3A_47 = arith.constant 0 : index
      %get3A_48 = vector.load %arg7[%get3A_46, %get3A_47] : memref<1x10xf32, #tpu.memory_space<vmem>>, vector<1x10xf32>
      %add3A_49 = vector.broadcast %get3A_48 : vector<1x10xf32> to vector<8x10xf32>
      %add3A_50 = arith.addf %dot_general3A_45, %add3A_49 : vector<8x10xf32>
      %reduce_max3A = arith.constant dense<0xFF800000> : vector<8xf32>
      %reduce_max3A_51 = vector.multi_reduction <maximumf>, %add3A_50, %reduce_max3A [1] : vector<8x10xf32> to vector<8xf32>
      %broadcast_in_dim3A = vector.shape_cast %reduce_max3A_51 : vector<8xf32> to vector<8x1xf32>
      %sub3A = vector.broadcast %broadcast_in_dim3A : vector<8x1xf32> to vector<8x10xf32>
      %sub3A_52 = arith.subf %add3A_50, %sub3A : vector<8x10xf32>
      %exp3A = math.exp %sub3A_52 : vector<8x10xf32>
      %reduce_sum3A = arith.constant dense<0.000000e+00> : vector<8xf32>
      %reduce_sum3A_53 = vector.multi_reduction <add>, %exp3A, %reduce_sum3A [1] : vector<8x10xf32> to vector<8xf32>
      %broadcast_in_dim3A_54 = vector.shape_cast %reduce_sum3A_53 : vector<8xf32> to vector<8x1xf32>
      %sub3A_55 = vector.broadcast %broadcast_in_dim3A : vector<8x1xf32> to vector<8x10xf32>
      %sub3A_56 = arith.subf %add3A_50, %sub3A_55 : vector<8x10xf32>
      %log3A = math.log %broadcast_in_dim3A_54 : vector<8x1xf32>
      %sub3A_57 = vector.broadcast %log3A : vector<8x1xf32> to vector<8x10xf32>
      %sub3A_58 = arith.subf %sub3A_56, %sub3A_57 : vector<8x10xf32>
      %swap3A_59 = arith.constant 0 : index
      %swap3A_60 = arith.constant 0 : index
      %swap3A_61 = vector.load %arg8[%swap3A_59, %swap3A_60] : memref<8x10xf32, #tpu.memory_space<vmem>>, vector<8x10xf32>
      tpu.vector_store %arg8[%swap3A_59, %swap3A_60], %sub3A_58 {strides = array<i32>} : memref<8x10xf32, #tpu.memory_space<vmem>>, vector<8x10xf32>,
    } else {
    }
    return
  }
  func.func @transform_0(%arg0: i32) -> (i32, i32, i32) {
    %c0_i32 = arith.constant 0 : i32
    %c0_i32_0 = arith.constant 0 : i32
    %c0_i32_1 = arith.constant 0 : i32
    return %c0_i32, %arg0, %c0_i32_0 : i32, i32, i32
  }
  func.func @transform_1(%arg0: i32) -> (i32, i32, i32) {
    %c1_i32 = arith.constant 1 : i32
    %c0_i32 = arith.constant 0 : i32
    %c0_i32_0 = arith.constant 0 : i32
    return %c1_i32, %arg0, %c0_i32 : i32, i32, i32
  }
  func.func @transform_2(%arg0: i32) -> (i32, i32) {
    %c0_i32 = arith.constant 0 : i32
    %c0_i32_0 = arith.constant 0 : i32
    return %arg0, %c0_i32 : i32, i32
  }
  func.func @transform_3(%arg0: i32) -> (i32, i32) {
    %c0_i32 = arith.constant 0 : i32
    %c0_i32_0 = arith.constant 0 : i32
    %c0_i32_1 = arith.constant 0 : i32
    return %c0_i32, %c0_i32_0 : i32, i32
  }
  func.func @transform_4(%arg0: i32) -> (i32, i32) {
    %c0_i32 = arith.constant 0 : i32
    %c0_i32_0 = arith.constant 0 : i32
    %c0_i32_1 = arith.constant 0 : i32
    return %c0_i32, %c0_i32_0 : i32, i32
  }
  func.func @transform_5(%arg0: i32) -> (i32, i32) {
    %c0_i32 = arith.constant 0 : i32
    %c0_i32_0 = arith.constant 0 : i32
    %c0_i32_1 = arith.constant 0 : i32
    return %c0_i32, %c0_i32_0 : i32, i32
  }
  func.func @transform_6(%arg0: i32) -> (i32, i32) {
    %c0_i32 = arith.constant 0 : i32
    %c0_i32_0 = arith.constant 0 : i32
    %c0_i32_1 = arith.constant 0 : i32
    return %c0_i32, %c0_i32_0 : i32, i32
  }
  func.func @transform_7(%arg0: i32) -> (i32, i32) {
    %c0_i32 = arith.constant 0 : i32
    %c0_i32_0 = arith.constant 0 : i32
    %c0_i32_1 = arith.constant 0 : i32
    return %c0_i32, %c0_i32_0 : i32, i32
  }
}

</mosaic_0001>

<sc_bundles>
// kernel: kernel.6.cloned.1.call-start
scs
__scs_entry_jumppad:
0x0: {  	(pc) =	sbr.rel $0x88, $3  }
0x1: {  	(tag) =	ssettag $0x0;
	lr =	simm.s32 $0x1  }
0x2: {  	[smem:$0x3F9B] =	sst lr;
	_ =	strace $0xD0000000  }
0x3: {  	_ = 	snop  }
0x4: {  	_ = 	snop  }
0x5: {  	_ = 	snop  }
0x6: {  	_ = 	snop  }
0x7: {  	_ = 	snop  }
__scs_overlays_trampoline_lowered:
0x8: {  	[smem:$0x3FAA] =	sst s0  }
0x9: {  	[smem:$0x3FAB] =	sst s1  }
0xa: {  	[smem:$0x3FAC] =	sst s2  }
0xb: {  	[smem:$0x3FAD] =	sst s3  }
0xc: {  	[smem:$0x3FAE] =	sst s4  }
0xd: {  	[smem:$0x3FAF] =	sst s5  }
0xe: {  	[smem:$0x3FB0] =	sst s6  }
0xf: {  	[smem:$0x3FB1] =	sst s7  }
0x10: {  	[smem:$0x3FB2] =	sst s8  }
0x11: {  	[smem:$0x3FB3] =	sst s9;
	s0 =	simm.s32 @!p0 $0x0  }
0x12: {  	s1 =	sld [smem:$0x3F99];
	s0 =	simm.s32 @p0 $0x1  }
0x13: {  	[smem:$0x3FB4] =	sst s0;
	s0 =	simm.s32 @!p1 $0x0  }
0x14: {  	s2 =	sld [smem:$0x3F98];
	s0 =	simm.s32 @p1 $0x1  }
0x15: {  	[smem:$0x3FB5] =	sst s0;
	s0 =	simm.s32 @!p2 $0x0  }
0x16: {  	s3 =	sld [smem:$0x3FDB];
	s0 =	simm.s32 @p2 $0x1  }
0x17: {  	s4 =	simm.s32 $0x1BF5;
	[smem:$0x3FB7] =	sst s0  }
0x18: {  	s0 =	sld [smem:$0x3F9A];
	_ =	swait.ge [sflag:s4], $0x0  }
0x19: {  	s7 =	sld [smem:$0x3F9B]  }
0x1a: {  	s8 =	sadd.s32 $0xFFFFE003, lr  }
0x1b: {  	s9 =	sadd.s32 $0xFFFFFEF7, lr;
	s5 =	simm.s32 $0xFFFFFFFF;
	p2 =	slt.u32 s8, $0xFFFFF086  }
0x1c: {  	p1 =	slt.u32 s9, $0xF7A;
	s5 =	simm.s32 @!p2 $0x0  }
0x1d: {  	s5 =	simm.s32 @p1 $0x1;
	p0 =	seq.s32 s7, s2  }
0x1e: {  	s7 =	smul.u32 @!p0 $0xF7A, s2;
	p2 =	seq.s32 @!p0 s5, $0x0  }
0x1f: {  	s9 =	smul.u32 $0xF7A, s1;
	s8 =	simm.s32 @!p0 $0x1BF5;
	p2 =	por !p2, p0  }
0x20: {  	[sflag:s8] =	ssyncset.s32 @!p0 $0xFFFFF086;
	s6 =	sadd.s32 @!p0 s3, s7;
	s7 =	simm.s32 @!p0 $0x108  }
0x21: {  	s3 =	sadd.s32 s3, s9;
	s6 =	sadd.s32 @!p0 $0x88, s6;
	s7 =	simm.s32 @p2 $0x1082  }
0x22: {  	[simem:s7], [sflag:s8] =	dma.local @!p0 [hbm:s6], $0xF7A  }
0x23: {  	s9 =	sor.u32 $0xD0000000, s2;
	s6 =	simm.s32 $0x108;
	_ =	swait.ge @!p0 [sflag:s8], $0x0  }
0x24: {  	s3 =	sadd.s32 $0x88, s3;
	s6 =	simm.s32 @!p1 $0x1082;
	[sflag:s4] =	ssyncset.s32 $0xFFFFF086  }
0x25: {  	[simem:s6], [sflag:s4] =	dma.local [hbm:s3], $0xF7A  }
0x26: {  	[smem:$0x3F9B] =	sst s1;
	(tag) =	ssettag s2;
	_ =	strace s9  }
0x27: {  	s1 =	sld [smem:$0x3FAB]  }
0x28: {  	s2 =	sld [smem:$0x3FAC]  }
0x29: {  	s4 =	sld [smem:$0x3FAE]  }
0x2a: {  	p0 =	seq.s32 s5, $0x0;
	s5 =	sld [smem:$0x3FAF]  }
0x2b: {  	s6 =	sld [smem:$0x3FB0]  }
0x2c: {  	s7 =	sld [smem:$0x3FB1]  }
0x2d: {  	s3 =	simm.s32 $0x108;
	s8 =	sld [smem:$0x3FB2]  }
0x2e: {  	s3 =	simm.s32 @!p0 $0x1082;
	s9 =	sld [smem:$0x3FB3]  }
0x2f: {  	lr =	sadd.s32 s0, s3;
	s0 =	sld [smem:$0x3FAA]  }
0x30: {  	s3 =	sld [smem:$0x3FAD]  }
0x31: {  	[smem:$0x3FB6] =	sst s10  }
0x32: {  	s10 =	sld [smem:$0x3FB4];
	_ =	sdelay $0x3  }
0x33: {  	p0 =	seq.s32 s10, $0x1;
	s10 =	sld [smem:$0x3FB6];
	_ =	sdelay $0x3  }
0x34: {  	[smem:$0x3FB6] =	sst s10  }
0x35: {  	s10 =	sld [smem:$0x3FB5];
	_ =	sdelay $0x3  }
0x36: {  	p1 =	seq.s32 s10, $0x1;
	s10 =	sld [smem:$0x3FB6];
	_ =	sdelay $0x3  }
0x37: {  	[smem:$0x3FB6] =	sst s10  }
0x38: {  	s10 =	sld [smem:$0x3FB7]  }
0x39: {  	_ = 	snop;
	(pc) =	sbr.ind lr, $3  }
0x3a: {  	_ = 	snop  }
0x3b: {  	_ = 	snop  }
0x3c: {  	p2 =	seq.s32 s10, $0x1;
	s10 =	sld [smem:$0x3FB6]  }
0x3d: {  	_ =	shalt  }
0x3e: {  	_ =	shalt  }
0x3f: {  	_ =	shalt  }
0x40: {  	_ =	shalt  }
0x41: {  	_ =	shalt  }
0x42: {  	_ =	shalt  }
0x43: {  	_ =	shalt  }
0x44: {  	_ =	shalt  }
0x45: {  	_ =	shalt  }
0x46: {  	_ =	shalt  }
0x47: {  	_ =	shalt  }
0x48: {  	_ =	shalt  }
0x49: {  	_ =	shalt  }
0x4a: {  	_ =	shalt  }
0x4b: {  	_ =	shalt  }
0x4c: {  	_ =	shalt  }
0x4d: {  	_ =	shalt  }
0x4e: {  	_ =	shalt  }
0x4f: {  	_ =	shalt  }
0x50: {  	_ =	shalt  }
0x51: {  	_ =	shalt  }
0x52: {  	_ =	shalt  }
0x53: {  	_ =	shalt  }
0x54: {  	_ =	shalt  }
0x55: {  	_ =	shalt  }
0x56: {  	_ =	shalt  }
0x57: {  	_ =	shalt  }
0x58: {  	_ =	shalt  }
0x59: {  	_ =	shalt  }
0x5a: {  	_ =	shalt  }
0x5b: {  	_ =	shalt  }
0x5c: {  	_ =	shalt  }
0x5d: {  	_ =	shalt  }
0x5e: {  	_ =	shalt  }
0x5f: {  	_ =	shalt  }
0x60: {  	_ =	shalt  }
0x61: {  	_ =	shalt  }
0x62: {  	_ =	shalt  }
0x63: {  	_ =	shalt  }
0x64: {  	_ =	shalt  }
0x65: {  	_ =	shalt  }
0x66: {  	_ =	shalt  }
0x67: {  	_ =	shalt  }
0x68: {  	_ =	shalt  }
0x69: {  	_ =	shalt  }
0x6a: {  	_ =	shalt  }
0x6b: {  	_ =	shalt  }
0x6c: {  	_ =	shalt  }
0x6d: {  	_ =	shalt  }
0x6e: {  	_ =	shalt  }
0x6f: {  	_ =	shalt  }
0x70: {  	_ =	shalt  }
0x71: {  	_ =	shalt  }
0x72: {  	_ =	shalt  }
0x73: {  	_ =	shalt  }
0x74: {  	_ =	shalt  }
0x75: {  	_ =	shalt  }
0x76: {  	_ =	shalt  }
0x77: {  	_ =	shalt  }
0x78: {  	_ =	shalt  }
0x79: {  	_ =	shalt  }
0x7a: {  	_ =	shalt  }
0x7b: {  	_ =	shalt  }
0x7c: {  	_ =	shalt  }
0x7d: {  	_ =	shalt  }
0x7e: {  	_ =	shalt  }
0x7f: {  	_ =	shalt  }
0x80: {  	_ =	shalt  }
0x81: {  	_ =	shalt  }
0x82: {  	_ =	shalt  }
0x83: {  	_ =	shalt  }
0x84: {  	_ =	shalt  }
0x85: {  	_ =	shalt  }
0x86: {  	_ =	shalt  }
0x87: {  	_ =	shalt  }
.Lfunc_end0:
.L_simem_size_0:
called_computation_lowered:
.L_overlay_start_0:
0x88: {  	s2 =	sld [smem:$0x3FD9]  }
0x89: {  	s3 =	sld [smem:$0x3FFE];
	_ =	sdelay $0x1  }
0x8a: {  	s1 =	srdreg.scid  }
0x8b: {  	s0 =	sand.u32 $0x1, s1  }
0x8c: {  	s16 =	sshll.u32 s0, $0xA;
	s2 =	sadd.s32 s3, s2  }
0x8d: {  	s2 =	sadd.s32 s2, s16  }
0x8e: {  	[smem:$0x3FC2] =	sst s2  }
0x8f: {  	_ = 	snop  }
0x90: {  	(tm) =	ssettm $0x1  }
0x91: {  	s17 =	sld [smem:$0x3FFB];
	_ =	sdelay $0x3  }
0x92: {  	_ =	strace s17  }
0x93: {  	s2 =	sld [smem:$0x3FFC];
	_ =	sdelay $0x3  }
0x94: {  	_ =	strace s2  }
0x95: {  	s2 =	sld [smem:$0x3FFD];
	_ =	sdelay $0x3  }
0x96: {  	_ =	strace s2  }
0x97: {  	_ =	strace $0x8FFFFFFF  }
0x98: {  	s18 =	sld [smem:$0x3FDB];
	_ =	sdelay $0x1  }
0x99: {  	s19 =	simm.s32 $_scs_section_size  }
0x9a: {  	s4 =	simm.s32 $_size__tile_overlayer_lowered;
	s5 =	simm.s32 $_tile_overlayer_lowered  }
0x9b: {  	s22 =	simm.s32 $0x1BFF;
	s21 =	sshll.u32 s5, $0x1;
	s2 =	sadd.s32 s19, s18  }
0x9c: {  	s6 =	simm.s32 $0x0;
	s20 =	sshll.u32 s4, $0x1;
	s4 =	sadd.s32 s21, s2  }
0x9d: {  	[timem:s6], [sflag:s22] =	dma.local [hbm:s4], s20  }
0x9e: {  	_ =	swait.ge [sflag:s22], s20  }
0x9f: {  	s3 =	ssub.s32 $0x0, s20;
	[sflag:s22] =	ssyncset.done $0x0  }
0xa0: {  	[sflag:s22] =	ssyncadd.s32 s3;
	_ =	sdelay $0x1  }
0xa1: {  	s23 =	simm.s32 $0x1B8B  }
0xa2: {  	_ =	swait.ge [sflag:s23], $0x1  }
0xa3: {  	[sflag:s23] =	ssyncset.done $0x0  }
0xa4: {  	s25 =	simm.s32 $0x1B8E;
	s24 =	sld [smem:$0x3FFE];
	[sflag:s23] =	ssyncadd.s32 $0xFFFFFFFF  }
0xa5: {  	s26 =	simm.s32 $execute0_lowered;
	[smem:$0x3FD2] =	sst s25  }
0xa6: {  	s4 =	sshll.u32 s26, $0x1;
	_ =	strace $0x80000046;
	[dreg:$0x1] =	wrdreg $0xFFFFFFFF  }
0xa7: {  	s28 =	simm.s32 $_size_execute0_lowered;
	s2 =	sadd.s32 s2, s4;
	[dreg:$0x0] =	wrdreg $0x0  }
0xa8: {  	s4 =	sshll.u32 s28, $0x1;
	[dreg:$0x2] =	wrdreg s2  }
0xa9: {  	[dreg:$0x3] =	wrdreg s4  }
0xaa: {  	[dreg:$0x4] =	wrdreg $0xC0  }
0xab: {  	_ =	task [dreg:s6], $0x5FFFF  }
0xac: {  	[dreg:$0x1] =	wrdreg $0xFFFFFFFF  }
0xad: {  	[dreg:$0x0] =	wrdreg $0x60  }
0xae: {  	[dreg:$0x2] =	wrdreg s24  }
0xaf: {  	[dreg:$0x3] =	wrdreg $0xF4000  }
0xb0: {  	[dreg:$0x4] =	wrdreg $0x9  }
0xb1: {  	_ =	task.clear_ibuf [dreg:s6], $0x5FFFF;
	_ =	strace $0x90000046  }
0xb2: {  	s29 =	simm.s32 $0x9;
	_ =	strace $0x80000048  }
0xb3: {  	_ =	swait.ge [sflag:s29], $0x1  }
0xb4: {  	[sflag:s29] =	ssyncadd.s32 $0xFFFFFFFF  }
0xb5: {  	_ =	strace $0x90000048  }
0xb6: {  	_ =	sfence  }
0xb7: {  	s30 =	sld [smem:$0x0];
	_ =	sdelay $0x2  }
0xb8: {  	s31 =	sshll.u32 s1, $0xD;
	s1 =	sshrl.u32 s1, $0x2  }
0xb9: {  	s3 =	sand.u32 $0x4000, s31;
	s1 =	sadd.s32 s1, s30  }
0xba: {  	s0 =	sor.u32 s3, s0;
	s1 =	sshll.u32 s1, $0x11  }
0xbb: {  	s0 =	sor.u32 s1, s0  }
0xbc: {  	s0 =	sadd.s32 $0x8F2B, s0  }
0xbd: {  	[sflag:s0] =	ssyncadd.remote.s32 $0x1  }
0xbe: {  	_ =	sfence.sel $0xFFFF  }
0xbf: {  	[dreg:$0x0] =	wrdreg $0xFFFFFFFF;
	(pc) =	sbr.abs _section_cstart, $3  }
0xc0: {  	[dreg:$0x1] =	wrdreg $0xFFFFFFFF  }
0xc1: {  	_ =	task.clear_ibuf [dreg:s6], $0x2FFFF;
	_ =	strace $0x9FFFFFFF  }
0xc2: {  	(tm) =	ssettm $0x7FFFFFFF  }
0xc3: {  	_ =	shalt  }
tec
execute0_lowered:
.L_overlay_start_1:
0x0: {  	(tag) =	ssettag $0x1  }
0x1: {  	s0 =	srdreg.scid;
	s4 =	rddreg [dreg:$0x0]  }
0x2: {  	s6 =	rddreg [dreg:$0x1];
	s2 =	simm.s32 $0x0;
	s11 =	simm.s32 $0x4F00  }
0x3: {  	s12 =	simm.s32 $0x80;
	s13 =	simm.s32 $0x400;
	s14 =	simm.s32 $0x2800  }
0x4: {  	s15 =	simm.s32 $0x28000;
	s16 =	simm.s32 $0x9F00;
	s17 =	simm.s32 $0x100  }
0x5: {  	s18 =	simm.s32 $0xEF00;
	s19 =	simm.s32 $0x0;
	s3 =	sand.u32 $0x1, s0  }
0x6: {  	s0 =	stileid.u32;
	[smem:$0x7FF] =	sst s2;
	s1 =	sshll.u32 s3, $0x4  }
0x7: {  	s7 =	smul.u32 $0xA00, s0;
	s8 =	sshll.u32 s3, $0x7;
	s3 =	ssub.s32 $0x2, s3  }
0x8: {  	s29 =	sshrl.u32 s0, $0x3;
	s10 =	smul.u32 $0xA000, s0;
	s1 =	sor.u32 s0, s1  }
0x9: {  	s31 =	sshll.u32 s0, $0x7;
	s30 =	sshrl.u32 s3, $0x1;
	s5 =	smul.u32 $0x2710, s1  }
0xa: {  	s1 =	rddreg [dreg:$0x2];
	s7 =	sor.u32 s8, s7;
	s8 =	smul.u32 $0xA0000, s29  }
0xb: {  	_ =	strace $0x80000047;
	s9 =	ssub.s32 s3, s30;
	s10 =	sshrl.u32 s10, $0x2  }
0xc: {  	s7 =	sshrl.u32 s7, $0x3;
	s5 =	sshrl.u32 s5, $0x3;
	s8 =	sshrl.u32 s8, $0x2  }
0xd: {  	s7 =	sadd.s32 s7, s4;
	s5 =	sadd.s32 s5, s4;
	s8 =	sadd.s32 s8, s6  }
0xe: {  	s6 =	sadd.s32 s10, s6;
	s7 =	sadd.s32 $0x14A00, s7;
	s10 =	simm.s32 $0x2780  }
0xf: {  	s3 =	sadd.s32 $0x1000, s5;
	s4 =	sadd.s32 $0xAC40, s5;
	s5 =	sand.u32 $0x380, s31  }
0x10: {  	v0 =	vimm.f32 $0.0e+00;
	v1 =	vimm.f32 $1.000000000e+00;
	s5 =	sadd.s32 s5, s8;
	s8 =	smax.u32 s9, $0x1;
	s9 =	simm.s32 $0x1  }
.LBB2_1:
0x11: {  	[tilespmem:s2], [sflag:$0x1] =	stream.linear.gather [hbm4b:s3+s2], $0x2710, $0x38;
	[tilespmem:$0x14400] =	vst v63  }
0x12: {  	_ =	swait.ge [sflag:s9], $0x2710  }
0x13: {  	[sflag:s9] =	ssyncset.done $0x0  }
0x14: {  	[sflag:s9] =	ssyncadd.s32 $0xFFFFD8F0  }
0x15: {  	[tilespmem:s10], [sflag:$0x1] =	stream.linear.gather [hbm4b:s4+s2], $0x2710, $0x38;
	[tilespmem:$0x14400] =	vst v63  }
0x16: {  	_ =	swait.ge [sflag:s9], $0x2710  }
0x17: {  	[sflag:s9] =	ssyncset.done $0x0  }
0x18: {  	s20 =	simm.s32 $0x0;
	[sflag:s9] =	ssyncadd.s32 $0xFFFFD8F0  }
.LBB2_2:
0x19: {  	p0 =	sne.s32 s20, $0x13FC0  }
.Ltmp0:
0x1a: {  	_ = 	snop;
	(pc) =	sbr.rel @p0 .LBB2_2-.Ltmp0, $3  }
0x1b: {  	_ =	sdelay $0x1  }
0x1c: {  	s21 =	sshra.s32 s20, $0x2  }
0x1d: {  	s20 =	sadd.s32 $0x40, s20;
	[tilespmem:s21+$0x4F00] =	vst v0  }
0x1e: {  	s20 =	simm.s32 $0x40  }
0x1f: {  	v3 =	vld [tilespmem:s20+$0xFFFFFFC0]  }
0x20: {  	s21 =	simm.s32 $0x27C0;
	v5 =	vld [tilespmem:s20+$0xFFFFFFE0]  }
0x21: {  	v4 =	vld [tilespmem:s21+$0x0]  }
0x22: {  	v2 =	vld [tilespmem:s20+$0x30]  }
0x23: {  	v6 =	vld [tilespmem:s21+$0x30]  }
0x24: {  	v7 =	vld [tilespmem:s20+$0x0]  }
0x25: {  	v8 =	vld [tilespmem:s20+$0x10]  }
0x26: {  	v9 =	vld [tilespmem:s20+$0x20]  }
0x27: {  	v10 =	vld [tilespmem:s20+$0xFFFFFFF0]  }
0x28: {  	v11 =	vld [tilespmem:s21+$0x20]  }
0x29: {  	v12 =	vld [tilespmem:s21+$0x10]  }
0x2a: {  	v13 =	vld [tilespmem:s20+$0xFFFFFFD0]  }
0x2b: {  	v14 =	vld [tilespmem:s21+$0xFFFFFFF0]  }
0x2c: {  	v16 =	vld [tilespmem:s21+$0xFFFFFFD0]  }
0x2d: {  	v15 =	vadd.s32 $0x2800, v2;
	v2 =	vld [tilespmem:s21+$0xFFFFFFC0]  }
0x2e: {  	vm1 =	veq.s32 v11, $0x0;
	[tilespmem:v6+s11+$0x0] =	vst.idx.add.f32.msk $0xffff, v1  }
0x2f: {  	vm0 =	veq.s32 v6, $0x0;
	v9 =	vadd.s32 $0x2800, v9;
	v6 =	vld [tilespmem:s21+$0xFFFFFFE0]  }
0x30: {  	[tilespmem:v11+s11+$0x0] =	vst.idx.add.f32.msk $0xffff, v1  }
0x31: {  	[tilespmem:v12+s11+$0x0] =	vst.idx.add.f32.msk $0xffff, v1  }
0x32: {  	vm2 =	veq.s32 v12, $0x0;
	[tilespmem:v4+s11+$0x0] =	vst.idx.add.f32.msk $0xffff, v1  }
0x33: {  	vm4 =	veq.s32 v4, $0x0;
	v8 =	vadd.s32 $0x2800, v8;
	[tilespmem:v14+s11+$0x0] =	vst.idx.add.f32.msk $0xffff, v1  }
0x34: {  	v7 =	vadd.s32 $0x2800, v7;
	[tilespmem:v9+s11+$0x0] =	vst.idx.add.f32.msk vm1, v1;
	vm1 =	veq.s32 v14, $0x0  }
0x35: {  	v4 =	vadd.s32 $0x2800, v10;
	[tilespmem:v15+s11+$0x0] =	vst.idx.add.f32.msk vm0, v1;
	vm0 =	veq.s32 v6, $0x0  }
0x36: {  	vm3 =	veq.s32 v16, $0x0;
	v5 =	vadd.s32 $0x2800, v5;
	[tilespmem:v16+s11+$0x0] =	vst.idx.add.f32.msk $0xffff, v1  }
0x37: {  	[tilespmem:v6+s11+$0x0] =	vst.idx.add.f32.msk $0xffff, v1;
	v6 =	vadd.s32 $0x2800, v13  }
0x38: {  	[tilespmem:v8+s11+$0x0] =	vst.idx.add.f32.msk vm2, v1;
	vm2 =	veq.s32 v2, $0x0  }
0x39: {  	s22 =	simm.s32 $0x0;
	v3 =	vadd.s32 $0x2800, v3;
	[tilespmem:v7+s11+$0x0] =	vst.idx.add.f32.msk vm4, v1  }
.LBB2_4:
0x3a: {  	s22 =	sadd.s32 $0x80, s22;
	[tilespmem:v4+s11+$0x0] =	vst.idx.add.f32.msk vm1, v1;
	s20 =	sadd.s32 $0x80, s20;
	s21 =	sadd.s32 $0x80, s21  }
0x3b: {  	p0 =	slt.u32 s22, $0x2680;
	[tilespmem:v5+s11+$0x0] =	vst.idx.add.f32.msk vm0, v1  }
0x3c: {  	[tilespmem:v6+s11+$0x0] =	vst.idx.add.f32.msk vm3, v1  }
0x3d: {  	[tilespmem:v2+s11+$0x0] =	vst.idx.add.f32.msk $0xffff, v1  }
0x3e: {  	[tilespmem:v3+s11+$0x0] =	vst.idx.add.f32.msk vm2, v1  }
0x3f: {  	v3 =	vld [tilespmem:s20+$0xFFFFFFC0]  }
0x40: {  	v5 =	vld [tilespmem:s20+$0xFFFFFFE0]  }
0x41: {  	v4 =	vld [tilespmem:s21+$0x0]  }
0x42: {  	v2 =	vld [tilespmem:s20+$0x30]  }
0x43: {  	v6 =	vld [tilespmem:s21+$0x30]  }
0x44: {  	v7 =	vld [tilespmem:s20+$0x0]  }
0x45: {  	v8 =	vld [tilespmem:s20+$0x10]  }
0x46: {  	v9 =	vld [tilespmem:s20+$0x20]  }
0x47: {  	v10 =	vld [tilespmem:s20+$0xFFFFFFF0]  }
0x48: {  	v11 =	vld [tilespmem:s21+$0x20]  }
0x49: {  	v12 =	vld [tilespmem:s21+$0x10]  }
0x4a: {  	v13 =	vld [tilespmem:s20+$0xFFFFFFD0]  }
0x4b: {  	[tilespmem:v6+s11+$0x0] =	vst.idx.add.f32.msk $0xffff, v1  }
0x4c: {  	vm2 =	veq.s32 v6, $0x0;
	v14 =	vld [tilespmem:s21+$0xFFFFFFF0]  }
0x4d: {  	v15 =	vadd.s32 $0x2800, v2;
	v6 =	vld [tilespmem:s21+$0xFFFFFFE0];
	vm4 =	veq.s32 v11, $0x0  }
0x4e: {  	v16 =	vld [tilespmem:s21+$0xFFFFFFD0];
	vm5 =	veq.s32 v12, $0x0  }
0x4f: {  	v9 =	vadd.s32 $0x2800, v9;
	v2 =	vld [tilespmem:s21+$0xFFFFFFC0]  }
0x50: {  	vm6 =	veq.s32 v4, $0x0;
	[tilespmem:v11+s11+$0x0] =	vst.idx.add.f32.msk $0xffff, v1  }
0x51: {  	vm1 =	veq.s32 v14, $0x0;
	[tilespmem:v12+s11+$0x0] =	vst.idx.add.f32.msk $0xffff, v1  }
0x52: {  	v8 =	vadd.s32 $0x2800, v8;
	vm0 =	veq.s32 v6, $0x0;
	[tilespmem:v15+s11+$0x0] =	vst.idx.add.f32.msk vm2, v1  }
0x53: {  	v7 =	vadd.s32 $0x2800, v7;
	vm3 =	veq.s32 v16, $0x0;
	[tilespmem:v4+s11+$0x0] =	vst.idx.add.f32.msk $0xffff, v1  }
0x54: {  	vm2 =	veq.s32 v2, $0x0;
	[tilespmem:v9+s11+$0x0] =	vst.idx.add.f32.msk vm4, v1  }
.Ltmp1:
0x55: {  	v4 =	vadd.s32 $0x2800, v10;
	[tilespmem:v14+s11+$0x0] =	vst.idx.add.f32.msk $0xffff, v1;
	(pc) =	sbr.rel @p0 .LBB2_4-.Ltmp1, $4  }
0x56: {  	v5 =	vadd.s32 $0x2800, v5;
	[tilespmem:v6+s11+$0x0] =	vst.idx.add.f32.msk $0xffff, v1  }
0x57: {  	v6 =	vadd.s32 $0x2800, v13;
	[tilespmem:v8+s11+$0x0] =	vst.idx.add.f32.msk vm5, v1  }
0x58: {  	v3 =	vadd.s32 $0x2800, v3;
	[tilespmem:v7+s11+$0x0] =	vst.idx.add.f32.msk vm6, v1  }
0x59: {  	[tilespmem:v16+s11+$0x0] =	vst.idx.add.f32.msk $0xffff, v1  }
0x5a: {  	_ =	sdelay $0x4  }
0x5b: {  	[tilespmem:v4+s11+$0x0] =	vst.idx.add.f32.msk vm1, v1  }
0x5c: {  	[tilespmem:v5+s11+$0x0] =	vst.idx.add.f32.msk vm0, v1  }
0x5d: {  	[tilespmem:v6+s11+$0x0] =	vst.idx.add.f32.msk vm3, v1  }
0x5e: {  	[tilespmem:v2+s11+$0x0] =	vst.idx.add.f32.msk $0xffff, v1  }
0x5f: {  	[tilespmem:v3+s11+$0x0] =	vst.idx.add.f32.msk vm2, v1  }
0x60: {  	v2 =	vld [tilespmem:$0x4E80]  }
0x61: {  	v3 =	vld [tilespmem:$0x2700];
	_ =	sdelay $0x3  }
0x62: {  	vm15 =	veq.s32 v2, $0x0  }
0x63: {  	v3 =	vadd.s32 $0x2800, v3;
	_ =	sdelay $0x3  }
0x64: {  	[tilespmem:v2+s11+$0x0] =	vst.idx.add.f32.msk $0xffff, v1  }
0x65: {  	[tilespmem:v3+s11+$0x0] =	vst.idx.add.f32.msk vm15, v1  }
0x66: {  	[spmem:s5] =	stream.strided.scatter [tilespmem:s11], [sflag:$0x1], $0x5000, s13, s12, $0x38;
	[tilespmem:$0x14400] =	vst v63  }
0x67: {  	_ =	swait.ge [sflag:s9], $0x5000  }
0x68: {  	[sflag:s9] =	ssyncset.done $0x0  }
0x69: {  	[sflag:s9] =	ssyncadd.s32 $0xFFFFB000  }
0x6a: {  	[bflag:$0x0] =	sbarrier.arrive $0xFFFF  }
0x6b: {  	[tilespmem:s16], [sflag:$0x1] =	stream.strided.gather [spmem:s6], $0x5000, s15, s14, $0x38;
	[tilespmem:$0x14400] =	vst v63  }
0x6c: {  	s20 =	simm.s32 $0x0;
	_ =	swait.ge [sflag:s9], $0x5000  }
0x6d: {  	s21 =	sand.u32 $0x70, s20;
	s20 =	sand.u32 $0x3C00, s20;
	[sflag:s9] =	ssyncset.done $0x0  }
0x6e: {  	s20 =	sor.u32 s21, s20;
	[sflag:s9] =	ssyncadd.s32 $0xFFFFB000  }
0x6f: {  	v2 =	vld [tilespmem:s20+$0x9F80]  }
0x70: {  	v3 =	vld [tilespmem:s20+$0x9F00];
	_ =	sdelay $0x1  }
0x71: {  	v54 =	vld [tilespmem:s20+$0xA000];
	_ =	sdelay $0x1  }
0x72: {  	v55 =	vld [tilespmem:s20+$0xA080]  }
0x73: {  	v2 =	vadd.f32 v2, v3  }
0x74: {  	v3 =	vld [tilespmem:s20+$0xA100]  }
0x75: {  	v2 =	vadd.f32 v54, v2  }
0x76: {  	v56 =	vld [tilespmem:s20+$0xA180]  }
0x77: {  	v2 =	vadd.f32 v55, v2  }
0x78: {  	v57 =	vld [tilespmem:s20+$0xA200]  }
0x79: {  	v2 =	vadd.f32 v3, v2  }
0x7a: {  	v3 =	vld [tilespmem:s20+$0xA280]  }
0x7b: {  	v2 =	vadd.f32 v56, v2  }
0x7c: {  	v58 =	vld [tilespmem:s20+$0xC700]  }
0x7d: {  	v2 =	vadd.f32 v57, v2  }
0x7e: {  	v59 =	vld [tilespmem:s20+$0xC780]  }
0x7f: {  	v2 =	vadd.f32 v3, v2  }
0x80: {  	v3 =	vld [tilespmem:s20+$0xC800]  }
0x81: {  	v2 =	vadd.f32 v58, v2  }
0x82: {  	v60 =	vld [tilespmem:s20+$0xC880]  }
0x83: {  	v2 =	vadd.f32 v59, v2  }
0x84: {  	v61 =	vld [tilespmem:s20+$0xC900]  }
0x85: {  	v2 =	vadd.f32 v3, v2  }
0x86: {  	v3 =	vld [tilespmem:s20+$0xC980]  }
0x87: {  	v2 =	vadd.f32 v60, v2  }
0x88: {  	v62 =	vld [tilespmem:s20+$0xCA00]  }
0x89: {  	v2 =	vadd.f32 v61, v2  }
0x8a: {  	v63 =	vld [tilespmem:s20+$0xCA80]  }
0x8b: {  	v2 =	vadd.f32 v3, v2;
	_ =	sdelay $0x1  }
0x8c: {  	v2 =	vadd.f32 v62, v2;
	_ =	sdelay $0x1  }
0x8d: {  	s31 =	simm.s32 $0x10;
	s22 =	simm.s32 $0x80;
	v2 =	vadd.f32 v63, v2  }
0x8e: {  	s23 =	sand.u32 $0x3C00, s22;
	s21 =	sand.u32 $0x70, s31;
	s20 =	simm.s32 $0xEF00  }
0x8f: {  	s21 =	sor.u32 s21, s23;
	s23 =	simm.s32 $0x20;
	[tilespmem:s20+$0x0] =	vst v2  }
.LBB2_6:
0x90: {  	p0 =	sne.s32 s23, $0x4F0;
	v2 =	vld [tilespmem:s21+$0x9F80]  }
0x91: {  	v3 =	vld [tilespmem:s21+$0x9F00];
	_ =	sdelay $0x1  }
0x92: {  	v4 =	vld [tilespmem:s21+$0xA000];
	_ =	sdelay $0x1  }
0x93: {  	v5 =	vld [tilespmem:s21+$0xA080]  }
0x94: {  	v2 =	vadd.f32 v2, v3  }
0x95: {  	v3 =	vld [tilespmem:s21+$0xA100]  }
0x96: {  	v2 =	vadd.f32 v4, v2  }
0x97: {  	v4 =	vld [tilespmem:s21+$0xA180]  }
0x98: {  	v2 =	vadd.f32 v5, v2  }
0x99: {  	v5 =	vld [tilespmem:s21+$0xA200]  }
0x9a: {  	v2 =	vadd.f32 v3, v2  }
0x9b: {  	v3 =	vld [tilespmem:s21+$0xA280]  }
0x9c: {  	v2 =	vadd.f32 v4, v2  }
0x9d: {  	v4 =	vld [tilespmem:s21+$0xC700]  }
0x9e: {  	v2 =	vadd.f32 v5, v2  }
0x9f: {  	v5 =	vld [tilespmem:s21+$0xC780]  }
0xa0: {  	v2 =	vadd.f32 v3, v2  }
0xa1: {  	v3 =	vld [tilespmem:s21+$0xC800]  }
0xa2: {  	v2 =	vadd.f32 v4, v2  }
0xa3: {  	v4 =	vld [tilespmem:s21+$0xC880]  }
0xa4: {  	v2 =	vadd.f32 v5, v2  }
0xa5: {  	v5 =	vld [tilespmem:s21+$0xC900]  }
0xa6: {  	v2 =	vadd.f32 v3, v2  }
0xa7: {  	v3 =	vld [tilespmem:s21+$0xC980]  }
0xa8: {  	v2 =	vadd.f32 v4, v2  }
0xa9: {  	v4 =	vld [tilespmem:s21+$0xCA00]  }
0xaa: {  	v2 =	vadd.f32 v5, v2  }
0xab: {  	v5 =	vld [tilespmem:s21+$0xCA80]  }
0xac: {  	v2 =	vadd.f32 v3, v2;
	_ =	sdelay $0x1  }
.Ltmp2:
0xad: {  	v2 =	vadd.f32 v4, v2;
	(pc) =	sbr.rel @p0 .LBB2_6-.Ltmp2, $4  }
0xae: {  	_ = 	snop  }
0xaf: {  	s22 =	sadd.s32 $0x80, s22;
	v2 =	vadd.f32 v5, v2  }
0xb0: {  	s20 =	sadd.s32 $0x10, s20;
	s24 =	sand.u32 $0x3C00, s22;
	s21 =	sand.u32 $0x70, s23  }
0xb1: {  	s23 =	sadd.s32 $0x10, s23;
	s21 =	sor.u32 s21, s24;
	[tilespmem:s20+$0x0] =	vst v2  }
0xb2: {  	v2 =	vld [tilespmem:s21+$0x9F80]  }
0xb3: {  	v3 =	vld [tilespmem:s21+$0x9F00];
	_ =	sdelay $0x1  }
0xb4: {  	v4 =	vld [tilespmem:s21+$0xA000];
	_ =	sdelay $0x1  }
0xb5: {  	v5 =	vld [tilespmem:s21+$0xA080]  }
0xb6: {  	v2 =	vadd.f32 v2, v3  }
0xb7: {  	v3 =	vld [tilespmem:s21+$0xA100]  }
0xb8: {  	v2 =	vadd.f32 v4, v2  }
0xb9: {  	v56 =	vld [tilespmem:s21+$0xA180]  }
0xba: {  	v2 =	vadd.f32 v5, v2  }
0xbb: {  	v57 =	vld [tilespmem:s21+$0xA200]  }
0xbc: {  	v2 =	vadd.f32 v3, v2  }
0xbd: {  	v3 =	vld [tilespmem:s21+$0xA280]  }
0xbe: {  	v2 =	vadd.f32 v56, v2  }
0xbf: {  	v58 =	vld [tilespmem:s21+$0xC700]  }
0xc0: {  	v2 =	vadd.f32 v57, v2  }
0xc1: {  	v59 =	vld [tilespmem:s21+$0xC780]  }
0xc2: {  	v2 =	vadd.f32 v3, v2  }
0xc3: {  	v3 =	vld [tilespmem:s21+$0xC800]  }
0xc4: {  	v2 =	vadd.f32 v58, v2  }
0xc5: {  	v60 =	vld [tilespmem:s21+$0xC880]  }
0xc6: {  	v2 =	vadd.f32 v59, v2  }
0xc7: {  	v61 =	vld [tilespmem:s21+$0xC900]  }
0xc8: {  	v2 =	vadd.f32 v3, v2  }
0xc9: {  	v3 =	vld [tilespmem:s21+$0xC980]  }
0xca: {  	v2 =	vadd.f32 v60, v2  }
0xcb: {  	v62 =	vld [tilespmem:s21+$0xCA00]  }
0xcc: {  	v2 =	vadd.f32 v61, v2  }
0xcd: {  	v63 =	vld [tilespmem:s21+$0xCA80]  }
0xce: {  	v2 =	vadd.f32 v3, v2;
	_ =	sdelay $0x1  }
0xcf: {  	v2 =	vadd.f32 v62, v2;
	_ =	sdelay $0x1  }
0xd0: {  	s19 =	sadd.s32 $0x1, s19;
	v2 =	vadd.f32 v63, v2  }
0xd1: {  	s20 =	sadd.s32 $0x10, s20;
	p0 =	sne.s32 s19, s8  }
.Ltmp3:
0xd2: {  	[tilespmem:s20+$0x0] =	vst v2;
	(pc) =	sbr.rel @p0 .LBB2_1-.Ltmp3, $4  }
0xd3: {  	[hbm4b:s7+s12] =	stream.strided.scatter [tilespmem:s18], [sflag:$0x1], $0x500, s17, s12, $0x38;
	[tilespmem:$0x14400] =	vst v63  }
0xd4: {  	_ =	swait.ge [sflag:s9], $0x500  }
0xd5: {  	[sflag:s9] =	ssyncset.done $0x0  }
0xd6: {  	[sflag:s9] =	ssyncadd.s32 $0xFFFFFB00  }
0xd7: {  	_ =	sfence.sel $0x180000  }
0xd8: {  	[bflag:$0x0] =	sbarrier.arrive $0xFFFF  }
0xd9: {  	p0 =	sne.s32 s0, $0x0;
	_ =	strace $0x90000047  }
0xda: {  	s0 =	sadd.s32 @!p0 $0x100000, s1;
	[bflag:$0x2] =	sbarrier.arrive $0xFFFF  }
0xdb: {  	[sflag:s0] =	ssyncadd.tile.s32 @!p0 $0x1;
	_ =	shalt  }
.Lfunc_end2:
_tile_overlayer_lowered:
.L_overlay_start_2:
0xdc: {  	(tag) =	ssettag $0x2  }
0xdd: {  	s0 =	rddreg [dreg:$0x0];
	s2 =	stileid.u32  }
0xde: {  	s1 =	rddreg [dreg:$0x1];
	p0 =	sne.s32 s2, $0x0  }
0xdf: {  	s3 =	rddreg [dreg:$0x2];
	[bflag:$0x3] =	sbarrier.arrive $0xFFFF;
	s2 =	simm.s32 @!p0 $0x1C01  }
0xe0: {  	[timem:s3], [sflag:s2] =	dma.local @!p0 [hbm:s0], s1  }
0xe1: {  	s0 =	simm.s32 @!p0 $0x1  }
0xe2: {  	_ =	swait.ge @!p0 [sflag:s0], s1  }
0xe3: {  	s1 =	ssub.s32 @!p0 $0x0, s1;
	[sflag:s0] =	ssyncset.done @!p0 $0x0  }
0xe4: {  	[sflag:s0] =	ssyncadd.s32 @!p0 s1  }
0xe5: {  	[bflag:$0x3] =	sbarrier.arrive $0xFFFF  }
0xe6: {  	_ =	shalt  }

// kernel: kernel.9.cloned.1.call-start
scs
__scs_entry_jumppad:
0x0: {  	(pc) =	sbr.rel $0x88, $3  }
0x1: {  	(tag) =	ssettag $0x0;
	lr =	simm.s32 $0x1  }
0x2: {  	[smem:$0x3F9B] =	sst lr;
	_ =	strace $0xD0000000  }
0x3: {  	_ = 	snop  }
0x4: {  	_ = 	snop  }
0x5: {  	_ = 	snop  }
0x6: {  	_ = 	snop  }
0x7: {  	_ = 	snop  }
__scs_overlays_trampoline_lowered:
0x8: {  	[smem:$0x3FAA] =	sst s0  }
0x9: {  	[smem:$0x3FAB] =	sst s1  }
0xa: {  	[smem:$0x3FAC] =	sst s2  }
0xb: {  	[smem:$0x3FAD] =	sst s3  }
0xc: {  	[smem:$0x3FAE] =	sst s4  }
0xd: {  	[smem:$0x3FAF] =	sst s5  }
0xe: {  	[smem:$0x3FB0] =	sst s6  }
0xf: {  	[smem:$0x3FB1] =	sst s7  }
0x10: {  	[smem:$0x3FB2] =	sst s8  }
0x11: {  	[smem:$0x3FB3] =	sst s9;
	s0 =	simm.s32 @!p0 $0x0  }
0x12: {  	s1 =	sld [smem:$0x3F99];
	s0 =	simm.s32 @p0 $0x1  }
0x13: {  	[smem:$0x3FB4] =	sst s0;
	s0 =	simm.s32 @!p1 $0x0  }
0x14: {  	s2 =	sld [smem:$0x3F98];
	s0 =	simm.s32 @p1 $0x1  }
0x15: {  	[smem:$0x3FB5] =	sst s0;
	s0 =	simm.s32 @!p2 $0x0  }
0x16: {  	s3 =	sld [smem:$0x3FDB];
	s0 =	simm.s32 @p2 $0x1  }
0x17: {  	s4 =	simm.s32 $0x1BF5;
	[smem:$0x3FB7] =	sst s0  }
0x18: {  	s0 =	sld [smem:$0x3F9A];
	_ =	swait.ge [sflag:s4], $0x0  }
0x19: {  	s7 =	sld [smem:$0x3F9B]  }
0x1a: {  	s8 =	sadd.s32 $0xFFFFE003, lr  }
0x1b: {  	s9 =	sadd.s32 $0xFFFFFEF7, lr;
	s5 =	simm.s32 $0xFFFFFFFF;
	p2 =	slt.u32 s8, $0xFFFFF086  }
0x1c: {  	p1 =	slt.u32 s9, $0xF7A;
	s5 =	simm.s32 @!p2 $0x0  }
0x1d: {  	s5 =	simm.s32 @p1 $0x1;
	p0 =	seq.s32 s7, s2  }
0x1e: {  	s7 =	smul.u32 @!p0 $0xF7A, s2;
	p2 =	seq.s32 @!p0 s5, $0x0  }
0x1f: {  	s9 =	smul.u32 $0xF7A, s1;
	s8 =	simm.s32 @!p0 $0x1BF5;
	p2 =	por !p2, p0  }
0x20: {  	[sflag:s8] =	ssyncset.s32 @!p0 $0xFFFFF086;
	s6 =	sadd.s32 @!p0 s3, s7;
	s7 =	simm.s32 @!p0 $0x108  }
0x21: {  	s3 =	sadd.s32 s3, s9;
	s6 =	sadd.s32 @!p0 $0x88, s6;
	s7 =	simm.s32 @p2 $0x1082  }
0x22: {  	[simem:s7], [sflag:s8] =	dma.local @!p0 [hbm:s6], $0xF7A  }
0x23: {  	s9 =	sor.u32 $0xD0000000, s2;
	s6 =	simm.s32 $0x108;
	_ =	swait.ge @!p0 [sflag:s8], $0x0  }
0x24: {  	s3 =	sadd.s32 $0x88, s3;
	s6 =	simm.s32 @!p1 $0x1082;
	[sflag:s4] =	ssyncset.s32 $0xFFFFF086  }
0x25: {  	[simem:s6], [sflag:s4] =	dma.local [hbm:s3], $0xF7A  }
0x26: {  	[smem:$0x3F9B] =	sst s1;
	(tag) =	ssettag s2;
	_ =	strace s9  }
0x27: {  	s1 =	sld [smem:$0x3FAB]  }
0x28: {  	s2 =	sld [smem:$0x3FAC]  }
0x29: {  	s4 =	sld [smem:$0x3FAE]  }
0x2a: {  	p0 =	seq.s32 s5, $0x0;
	s5 =	sld [smem:$0x3FAF]  }
0x2b: {  	s6 =	sld [smem:$0x3FB0]  }
0x2c: {  	s7 =	sld [smem:$0x3FB1]  }
0x2d: {  	s3 =	simm.s32 $0x108;
	s8 =	sld [smem:$0x3FB2]  }
0x2e: {  	s3 =	simm.s32 @!p0 $0x1082;
	s9 =	sld [smem:$0x3FB3]  }
0x2f: {  	lr =	sadd.s32 s0, s3;
	s0 =	sld [smem:$0x3FAA]  }
0x30: {  	s3 =	sld [smem:$0x3FAD]  }
0x31: {  	[smem:$0x3FB6] =	sst s10  }
0x32: {  	s10 =	sld [smem:$0x3FB4];
	_ =	sdelay $0x3  }
0x33: {  	p0 =	seq.s32 s10, $0x1;
	s10 =	sld [smem:$0x3FB6];
	_ =	sdelay $0x3  }
0x34: {  	[smem:$0x3FB6] =	sst s10  }
0x35: {  	s10 =	sld [smem:$0x3FB5];
	_ =	sdelay $0x3  }
0x36: {  	p1 =	seq.s32 s10, $0x1;
	s10 =	sld [smem:$0x3FB6];
	_ =	sdelay $0x3  }
0x37: {  	[smem:$0x3FB6] =	sst s10  }
0x38: {  	s10 =	sld [smem:$0x3FB7]  }
0x39: {  	_ = 	snop;
	(pc) =	sbr.ind lr, $3  }
0x3a: {  	_ = 	snop  }
0x3b: {  	_ = 	snop  }
0x3c: {  	p2 =	seq.s32 s10, $0x1;
	s10 =	sld [smem:$0x3FB6]  }
0x3d: {  	_ =	shalt  }
0x3e: {  	_ =	shalt  }
0x3f: {  	_ =	shalt  }
0x40: {  	_ =	shalt  }
0x41: {  	_ =	shalt  }
0x42: {  	_ =	shalt  }
0x43: {  	_ =	shalt  }
0x44: {  	_ =	shalt  }
0x45: {  	_ =	shalt  }
0x46: {  	_ =	shalt  }
0x47: {  	_ =	shalt  }
0x48: {  	_ =	shalt  }
0x49: {  	_ =	shalt  }
0x4a: {  	_ =	shalt  }
0x4b: {  	_ =	shalt  }
0x4c: {  	_ =	shalt  }
0x4d: {  	_ =	shalt  }
0x4e: {  	_ =	shalt  }
0x4f: {  	_ =	shalt  }
0x50: {  	_ =	shalt  }
0x51: {  	_ =	shalt  }
0x52: {  	_ =	shalt  }
0x53: {  	_ =	shalt  }
0x54: {  	_ =	shalt  }
0x55: {  	_ =	shalt  }
0x56: {  	_ =	shalt  }
0x57: {  	_ =	shalt  }
0x58: {  	_ =	shalt  }
0x59: {  	_ =	shalt  }
0x5a: {  	_ =	shalt  }
0x5b: {  	_ =	shalt  }
0x5c: {  	_ =	shalt  }
0x5d: {  	_ =	shalt  }
0x5e: {  	_ =	shalt  }
0x5f: {  	_ =	shalt  }
0x60: {  	_ =	shalt  }
0x61: {  	_ =	shalt  }
0x62: {  	_ =	shalt  }
0x63: {  	_ =	shalt  }
0x64: {  	_ =	shalt  }
0x65: {  	_ =	shalt  }
0x66: {  	_ =	shalt  }
0x67: {  	_ =	shalt  }
0x68: {  	_ =	shalt  }
0x69: {  	_ =	shalt  }
0x6a: {  	_ =	shalt  }
0x6b: {  	_ =	shalt  }
0x6c: {  	_ =	shalt  }
0x6d: {  	_ =	shalt  }
0x6e: {  	_ =	shalt  }
0x6f: {  	_ =	shalt  }
0x70: {  	_ =	shalt  }
0x71: {  	_ =	shalt  }
0x72: {  	_ =	shalt  }
0x73: {  	_ =	shalt  }
0x74: {  	_ =	shalt  }
0x75: {  	_ =	shalt  }
0x76: {  	_ =	shalt  }
0x77: {  	_ =	shalt  }
0x78: {  	_ =	shalt  }
0x79: {  	_ =	shalt  }
0x7a: {  	_ =	shalt  }
0x7b: {  	_ =	shalt  }
0x7c: {  	_ =	shalt  }
0x7d: {  	_ =	shalt  }
0x7e: {  	_ =	shalt  }
0x7f: {  	_ =	shalt  }
0x80: {  	_ =	shalt  }
0x81: {  	_ =	shalt  }
0x82: {  	_ =	shalt  }
0x83: {  	_ =	shalt  }
0x84: {  	_ =	shalt  }
0x85: {  	_ =	shalt  }
0x86: {  	_ =	shalt  }
0x87: {  	_ =	shalt  }
.Lfunc_end0:
.L_simem_size_0:
called_computation.1_lowered:
.L_overlay_start_0:
0x88: {  	s2 =	sld [smem:$0x3FD9]  }
0x89: {  	s3 =	sld [smem:$0x3FFE];
	_ =	sdelay $0x1  }
0x8a: {  	s1 =	srdreg.scid  }
0x8b: {  	s0 =	sand.u32 $0x1, s1  }
0x8c: {  	s17 =	sshll.u32 s0, $0xA;
	s2 =	sadd.s32 s3, s2  }
0x8d: {  	s2 =	sadd.s32 s2, s17  }
0x8e: {  	[smem:$0x3FC2] =	sst s2  }
0x8f: {  	_ = 	snop  }
0x90: {  	s2 =	sld [smem:$0x3FC8];
	(tm) =	ssettm $0x1  }
0x91: {  	s18 =	sld [smem:$0x3FFB];
	_ =	sdelay $0x3  }
0x92: {  	_ =	strace s18  }
0x93: {  	s3 =	sld [smem:$0x3FFC];
	_ =	sdelay $0x3  }
0x94: {  	_ =	strace s3  }
0x95: {  	s3 =	sld [smem:$0x3FFD];
	_ =	sdelay $0x3  }
0x96: {  	_ =	strace s3  }
0x97: {  	_ =	strace $0x8FFFFFFF  }
0x98: {  	s19 =	sld [smem:$0x3FDB];
	_ =	sdelay $0x1  }
0x99: {  	s4 =	simm.s32 $_scs_section_size  }
0x9a: {  	s5 =	simm.s32 $_size__tile_overlayer_lowered;
	s6 =	simm.s32 $_tile_overlayer_lowered  }
0x9b: {  	s22 =	simm.s32 $0x1BFF;
	s21 =	sshll.u32 s6, $0x1;
	s3 =	sadd.s32 s4, s19  }
0x9c: {  	s7 =	simm.s32 $0x0;
	s20 =	sshll.u32 s5, $0x1;
	s5 =	sadd.s32 s21, s3  }
0x9d: {  	[timem:s7], [sflag:s22] =	dma.local [hbm:s5], s20  }
0x9e: {  	_ =	swait.ge [sflag:s22], s20  }
0x9f: {  	s4 =	ssub.s32 $0x0, s20;
	[sflag:s22] =	ssyncset.done $0x0  }
0xa0: {  	[sflag:s22] =	ssyncadd.s32 s4;
	_ =	sdelay $0x1  }
0xa1: {  	s23 =	simm.s32 $0x1B8B  }
0xa2: {  	_ =	swait.ge [sflag:s23], $0x1  }
0xa3: {  	[sflag:s23] =	ssyncset.done $0x0  }
0xa4: {  	s25 =	simm.s32 $0x1B8E;
	s24 =	sld [smem:$0x3FFE];
	[sflag:s23] =	ssyncadd.s32 $0xFFFFFFFF  }
0xa5: {  	s26 =	simm.s32 $execute0_lowered;
	[smem:$0x3FD2] =	sst s25  }
0xa6: {  	s5 =	sshll.u32 s26, $0x1;
	_ =	strace $0x80000049;
	[dreg:$0x1] =	wrdreg $0xFFFFFFFF  }
0xa7: {  	s28 =	simm.s32 $_size_execute0_lowered;
	s3 =	sadd.s32 s3, s5;
	[dreg:$0x0] =	wrdreg $0x0  }
0xa8: {  	s5 =	sshll.u32 s28, $0x1;
	[dreg:$0x2] =	wrdreg s3  }
0xa9: {  	[dreg:$0x3] =	wrdreg s5  }
0xaa: {  	[dreg:$0x4] =	wrdreg $0xC0  }
0xab: {  	_ =	task [dreg:s7], $0x5FFFF  }
0xac: {  	[dreg:$0x1] =	wrdreg $0xFFFFFFFF  }
0xad: {  	[dreg:$0x0] =	wrdreg $0x60  }
0xae: {  	[dreg:$0x2] =	wrdreg s24  }
0xaf: {  	[dreg:$0x3] =	wrdreg s2  }
0xb0: {  	[dreg:$0x4] =	wrdreg $0xA1800  }
0xb1: {  	[dreg:$0x5] =	wrdreg $0x9  }
0xb2: {  	_ =	task.clear_ibuf [dreg:s7], $0x6FFFF;
	_ =	strace $0x90000049  }
0xb3: {  	s29 =	simm.s32 $0x9;
	_ =	strace $0x8000004B  }
0xb4: {  	_ =	swait.ge [sflag:s29], $0x1  }
0xb5: {  	[sflag:s29] =	ssyncadd.s32 $0xFFFFFFFF  }
0xb6: {  	_ =	strace $0x9000004B  }
0xb7: {  	_ =	sfence  }
0xb8: {  	s30 =	sld [smem:$0x0];
	_ =	sdelay $0x2  }
0xb9: {  	s31 =	sshll.u32 s1, $0xD;
	s1 =	sshrl.u32 s1, $0x2  }
0xba: {  	s3 =	sand.u32 $0x4000, s31;
	s1 =	sadd.s32 s1, s30  }
0xbb: {  	s0 =	sor.u32 s3, s0;
	s1 =	sshll.u32 s1, $0x11  }
0xbc: {  	s0 =	sor.u32 s1, s0  }
0xbd: {  	s0 =	sadd.s32 $0x8F2B, s0  }
0xbe: {  	[sflag:s0] =	ssyncadd.remote.s32 $0x1  }
0xbf: {  	_ =	sfence.sel $0xFFFF  }
0xc0: {  	[dreg:$0x0] =	wrdreg $0xFFFFFFFF;
	(pc) =	sbr.abs _section_cstart, $3  }
0xc1: {  	[dreg:$0x1] =	wrdreg $0xFFFFFFFF  }
0xc2: {  	_ =	task.clear_ibuf [dreg:s7], $0x2FFFF;
	_ =	strace $0x9FFFFFFF  }
0xc3: {  	(tm) =	ssettm $0x7FFFFFFF  }
tec
execute0_lowered:
.L_overlay_start_1:
0x0: {  	(tag) =	ssettag $0x1  }
0x1: {  	s0 =	srdreg.scid;
	s6 =	rddreg [dreg:$0x0]  }
0x2: {  	s2 =	rddreg [dreg:$0x1];
	s21 =	simm.s32 $0x1;
	s1 =	sand.u32 $0x1, s0  }
0x3: {  	s22 =	simm.s32 $0x2880;
	s0 =	stileid.u32;
	s7 =	smul.u32 $0x140000, s1  }
0x4: {  	s23 =	simm.s32 $0x5100;
	s24 =	simm.s32 $0x8180;
	s8 =	smul.u32 $0x14000, s0  }
0x5: {  	s25 =	simm.s32 $0x7900;
	s26 =	simm.s32 $0x8100;
	s10 =	smul.u32 $0x50000, s0  }
0x6: {  	s3 =	sshll.u32 s1, $0x4;
	s30 =	ssub.s32 $0x2, s1;
	s1 =	smul.u32 $0x1400, s1  }
0x7: {  	s28 =	simm.s32 $0x0;
	s20 =	smul.u32 $0x140, s0;
	s4 =	sor.u32 s0, s3  }
0x8: {  	s3 =	rddreg [dreg:$0x2];
	s11 =	sshrl.u32 s30, $0x1;
	s5 =	smul.u32 $0x2710, s4  }
0x9: {  	s4 =	simm.s32 $0x0;
	s7 =	sadd.s32 s8, s7;
	s19 =	ssub.s32 s30, s11  }
0xa: {  	s31 =	sshrl.u32 s10, $0x2;
	s20 =	sadd.s32 s20, s1;
	[smem:$0x7FF] =	sst s4  }
0xb: {  	v0 =	vimm.f32 $0.0e+00;
	v1 =	vimm.s32 $0x0;
	v2 =	vlaneseq.u32;
	s7 =	sshrl.u32 s7, $0x3;
	s8 =	sadd.s32 s31, s3;
	s19 =	smax.u32 s19, $0x1  }
0xc: {  	v3 =	vimm.s32 $0x2710;
	vm0 =	vmmov $0xffff;
	v4 =	vimm.s32 $0x10;
	s5 =	sshrl.u32 s5, $0x3;
	_ =	strace $0x8000004A;
	s18 =	sadd.s32 s7, s6  }
.Ltmp0:
0xd: {  	v5 =	vimm.s32 $0x11;
	v6 =	vimm.s32 $0x12;
	v7 =	vimm.s32 $0x13;
	s10 =	sadd.s32 $0x4000, s8;
	s11 =	sadd.s32 $0x6000, s8;
	(pc) =	sbr.rel .LBB2_1-.Ltmp0, $4  }
0xe: {  	v8 =	vimm.s32 $0x14;
	v9 =	vimm.s32 $0x15;
	v10 =	vimm.s32 $0x16;
	s12 =	sadd.s32 $0x8000, s8;
	s13 =	sadd.s32 $0xA000, s8;
	s14 =	sadd.s32 $0xC000, s8  }
0xf: {  	v11 =	vimm.s32 $0x17;
	v12 =	vimm.s32 $0x18;
	v13 =	vimm.s32 $0x19;
	s15 =	sadd.s32 $0xE000, s8;
	s16 =	sadd.s32 $0x10000, s8;
	s17 =	sadd.s32 $0x12000, s8  }
0x10: {  	v14 =	vimm.s32 $0x1A;
	v15 =	vimm.s32 $0x1B;
	v16 =	vimm.s32 $0x1C;
	s9 =	sadd.s32 s5, s6;
	s5 =	sadd.s32 $0x14A00, s6;
	s18 =	sadd.s32 $0x15000, s18  }
0x11: {  	v17 =	vimm.s32 $0x1D;
	v18 =	vimm.s32 $0x1E;
	v19 =	vimm.s32 $0x1F;
	s6 =	sadd.s32 $0x1000, s9;
	s7 =	sadd.s32 $0xAC40, s9;
	s9 =	sadd.s32 $0x2000, s8  }
.LBB2_9:
0x12: {  	s28 =	sadd.s32 $0x1, s28  }
0x13: {  	s1 =	sshll.u32 s0, $0x6;
	[bflag:$0x0] =	sbarrier.arrive $0xFFFF;
	p0 =	sne.s32 s28, s19  }
.Ltmp1:
0x14: {  	s29 =	sshrl.u32 s8, $0x3;
	s1 =	sor.u32 $0x1C01, s1;
	(pc) =	sbr.rel @!p0 .LBB2_10-.Ltmp1, $4  }
0x15: {  	[hbm:s18], [sflag:s1] =	dma.local [spmem:s29], $0x2800  }
0x16: {  	_ =	swait.ge [sflag:s21], $0x2800  }
0x17: {  	[sflag:s21] =	ssyncset.done $0x0  }
0x18: {  	[sflag:s21] =	ssyncadd.s32 $0xFFFFD800  }
.LBB2_1:
0x19: {  	[tilespmem:s4], [sflag:$0x1] =	stream.linear.gather [hbm4b:s6+s4], $0x2710, $0x38;
	[tilespmem:$0x1E180] =	vst v63  }
0x1a: {  	_ =	swait.ge [sflag:s21], $0x2710  }
0x1b: {  	[sflag:s21] =	ssyncset.done $0x0  }
0x1c: {  	[sflag:s21] =	ssyncadd.s32 $0xFFFFD8F0  }
0x1d: {  	[tilespmem:s22], [sflag:$0x1] =	stream.linear.gather [hbm4b:s7+s4], $0x2710, $0x38;
	[tilespmem:$0x1E180] =	vst v63  }
0x1e: {  	_ =	swait.ge [sflag:s21], $0x2710  }
0x1f: {  	[sflag:s21] =	ssyncset.done $0x0  }
0x20: {  	[sflag:s21] =	ssyncadd.s32 $0xFFFFD8F0  }
0x21: {  	[tilespmem:s23], [sflag:$0x1] =	stream.linear.gather [hbm4b:s5+s4], $0x2800, $0x38;
	[tilespmem:$0x1E180] =	vst v63  }
0x22: {  	_ =	swait.ge [sflag:s21], $0x2800  }
0x23: {  	[sflag:s21] =	ssyncset.done $0x0  }
0x24: {  	s1 =	simm.s32 $0x0;
	s29 =	simm.s32 $0x200;
	[sflag:s21] =	ssyncadd.s32 $0xFFFFD800  }
.LBB2_2:
0x25: {  	p0 =	sne.s32 s29, $0x7E00;
	[tilespmem:s1+$0x81F0] =	vst v0  }
0x26: {  	[tilespmem:s1+$0x8180] =	vst v0  }
0x27: {  	[tilespmem:s1+$0x8190] =	vst v0  }
.Ltmp2:
0x28: {  	[tilespmem:s1+$0x81A0] =	vst v0;
	(pc) =	sbr.rel @p0 .LBB2_2-.Ltmp2, $4  }
0x29: {  	[tilespmem:s1+$0x81B0] =	vst v0  }
0x2a: {  	[tilespmem:s1+$0x81C0] =	vst v0  }
0x2b: {  	[tilespmem:s1+$0x81D0] =	vst v0  }
0x2c: {  	[tilespmem:s1+$0x81E0] =	vst v0;
	s1 =	sshra.s32 s29, $0x2;
	s29 =	sadd.s32 $0x200, s29  }
0x2d: {  	[tilespmem:s1+$0x81F0] =	vst v0  }
0x2e: {  	[tilespmem:s1+$0x8180] =	vst v0  }
0x2f: {  	[tilespmem:s1+$0x8190] =	vst v0  }
0x30: {  	[tilespmem:s1+$0x81A0] =	vst v0  }
0x31: {  	[tilespmem:s1+$0x81B0] =	vst v0  }
0x32: {  	[tilespmem:s1+$0x81C0] =	vst v0  }
0x33: {  	[tilespmem:s1+$0x81D0] =	vst v0  }
0x34: {  	[tilespmem:s1+$0x81E0] =	vst v0  }
0x35: {  	[spmem:s8] =	stream.linear.scatter [tilespmem:s24], [sflag:$0x1], $0x2000, $0x38;
	[tilespmem:$0x1E180] =	vst v63  }
0x36: {  	_ =	swait.ge [sflag:s21], $0x2000  }
0x37: {  	[sflag:s21] =	ssyncset.done $0x0  }
0x38: {  	[sflag:s21] =	ssyncadd.s32 $0xFFFFE000  }
0x39: {  	[spmem:s9] =	stream.linear.scatter [tilespmem:s24], [sflag:$0x1], $0x2000, $0x38;
	[tilespmem:$0x1E180] =	vst v63  }
0x3a: {  	_ =	swait.ge [sflag:s21], $0x2000  }
0x3b: {  	[sflag:s21] =	ssyncset.done $0x0  }
0x3c: {  	[sflag:s21] =	ssyncadd.s32 $0xFFFFE000  }
0x3d: {  	[spmem:s10] =	stream.linear.scatter [tilespmem:s24], [sflag:$0x1], $0x2000, $0x38;
	[tilespmem:$0x1E180] =	vst v63  }
0x3e: {  	_ =	swait.ge [sflag:s21], $0x2000  }
0x3f: {  	[sflag:s21] =	ssyncset.done $0x0  }
0x40: {  	[sflag:s21] =	ssyncadd.s32 $0xFFFFE000  }
0x41: {  	[spmem:s11] =	stream.linear.scatter [tilespmem:s24], [sflag:$0x1], $0x2000, $0x38;
	[tilespmem:$0x1E180] =	vst v63  }
0x42: {  	_ =	swait.ge [sflag:s21], $0x2000  }
0x43: {  	[sflag:s21] =	ssyncset.done $0x0  }
0x44: {  	[sflag:s21] =	ssyncadd.s32 $0xFFFFE000  }
0x45: {  	[spmem:s12] =	stream.linear.scatter [tilespmem:s24], [sflag:$0x1], $0x2000, $0x38;
	[tilespmem:$0x1E180] =	vst v63  }
0x46: {  	_ =	swait.ge [sflag:s21], $0x2000  }
0x47: {  	[sflag:s21] =	ssyncset.done $0x0  }
0x48: {  	[sflag:s21] =	ssyncadd.s32 $0xFFFFE000  }
0x49: {  	[spmem:s13] =	stream.linear.scatter [tilespmem:s24], [sflag:$0x1], $0x2000, $0x38;
	[tilespmem:$0x1E180] =	vst v63  }
0x4a: {  	_ =	swait.ge [sflag:s21], $0x2000  }
0x4b: {  	[sflag:s21] =	ssyncset.done $0x0  }
0x4c: {  	[sflag:s21] =	ssyncadd.s32 $0xFFFFE000  }
0x4d: {  	[spmem:s14] =	stream.linear.scatter [tilespmem:s24], [sflag:$0x1], $0x2000, $0x38;
	[tilespmem:$0x1E180] =	vst v63  }
0x4e: {  	_ =	swait.ge [sflag:s21], $0x2000  }
0x4f: {  	[sflag:s21] =	ssyncset.done $0x0  }
0x50: {  	[sflag:s21] =	ssyncadd.s32 $0xFFFFE000  }
0x51: {  	[spmem:s15] =	stream.linear.scatter [tilespmem:s24], [sflag:$0x1], $0x2000, $0x38;
	[tilespmem:$0x1E180] =	vst v63  }
0x52: {  	_ =	swait.ge [sflag:s21], $0x2000  }
0x53: {  	[sflag:s21] =	ssyncset.done $0x0  }
0x54: {  	[sflag:s21] =	ssyncadd.s32 $0xFFFFE000  }
0x55: {  	[spmem:s16] =	stream.linear.scatter [tilespmem:s24], [sflag:$0x1], $0x2000, $0x38;
	[tilespmem:$0x1E180] =	vst v63  }
0x56: {  	_ =	swait.ge [sflag:s21], $0x2000  }
0x57: {  	[sflag:s21] =	ssyncset.done $0x0  }
0x58: {  	[sflag:s21] =	ssyncadd.s32 $0xFFFFE000  }
0x59: {  	[spmem:s17] =	stream.linear.scatter [tilespmem:s24], [sflag:$0x1], $0x2000, $0x38;
	[tilespmem:$0x1E180] =	vst v63  }
0x5a: {  	_ =	swait.ge [sflag:s21], $0x2000  }
0x5b: {  	[sflag:s21] =	ssyncset.done $0x0  }
0x5c: {  	[sflag:s21] =	ssyncadd.s32 $0xFFFFE000  }
0x5d: {  	s1 =	simm.s32 $0x28C0;
	[bflag:$0x0] =	sbarrier.arrive $0xFFFF  }
0x5e: {  	v34 =	vld [tilespmem:s1+$0xFFFFFFC0]  }
0x5f: {  	v35 =	vld [tilespmem:s1+$0xFFFFFFD0]  }
0x60: {  	v37 =	vld [tilespmem:s1+$0xFFFFFFE0]  }
0x61: {  	v39 =	vld [tilespmem:s1+$0xFFFFFFF0]  }
0x62: {  	v22 =	vld [tilespmem:s1+$0x0]  }
0x63: {  	v21 =	vld [tilespmem:s1+$0x10]  }
0x64: {  	v20 =	vld [tilespmem:s1+$0x20]  }
0x65: {  	s29 =	simm.s32 $0x40;
	v28 =	vld [tilespmem:s1+$0x30]  }
0x66: {  	v36 =	vld [tilespmem:s29+$0xFFFFFFC0]  }
0x67: {  	v38 =	vld [tilespmem:s29+$0xFFFFFFD0]  }
0x68: {  	v23 =	vld.idx.msk [tilespmem:v34+s23+$0x0], $0xffff  }
0x69: {  	v24 =	vld.idx.msk [tilespmem:v35+s23+$0x0], $0xffff  }
0x6a: {  	v40 =	vld [tilespmem:s29+$0xFFFFFFE0]  }
0x6b: {  	v25 =	vld.idx.msk [tilespmem:v37+s23+$0x0], $0xffff  }
0x6c: {  	v43 =	vld [tilespmem:s29+$0xFFFFFFF0]  }
0x6d: {  	v26 =	vld.idx.msk [tilespmem:v39+s23+$0x0], $0xffff;
	vm3 =	vlt.f32 v23, $0.0e+00  }
0x6e: {  	v27 =	vld.idx.msk [tilespmem:v22+s23+$0x0], $0xffff;
	vm1 =	vlt.f32 v24, $0.0e+00;
	v23 =	vsel vm3, $0x1, v1  }
0x6f: {  	v33 =	vld.idx.msk [tilespmem:v28+s23+$0x0], $0xffff;
	v24 =	vsel vm1, $0x1, v1;
	(xrf0) =	vadd.scan.msk.s32 $0xffff, v23  }
0x70: {  	v29 =	vld.idx.msk [tilespmem:v21+s23+$0x0], $0xffff;
	vm5 =	vlt.f32 v25, $0.0e+00;
	v23 =	vmpcnt.ones.xlane vm3;
	(xrf0) =	vadd.scan.msk.s32 $0xffff, v24  }
0x71: {  	v41 =	vimm.s32 $0x0;
	v31 =	vld.idx.msk [tilespmem:v20+s23+$0x0], $0xffff;
	v32 =	vmpcnt.ones.xlane vm1;
	v24 =	vmpcnt.ones.xlane vm5  }
0x72: {  	s30 =	simm.s32 $0x2940;
	v30 =	vld [tilespmem:s29+$0x0];
	vm4 =	vlt.f32 v26, $0.0e+00;
	v42 =	vadd.s32 v41, v23;
	v23 =	vsel vm5, $0x1, v1  }
0x73: {  	vm6 =	vlt.f32 v27, $0.0e+00;
	v25 =	vld [tilespmem:s30+$0xFFFFFFC0];
	v44 =	vadd.s32 v42, v32;
	(xrf0) =	vadd.scan.msk.s32 $0xffff, v23;
	v23 =	vmpcnt.ones.xlane vm4  }
0x74: {  	vm2 =	vlt.f32 v33, $0.0e+00;
	v33 =	vld [tilespmem:s30+$0x30];
	v26 =	vsel vm4, $0x1, v1;
	v45 =	vadd.s32 v44, v24  }
0x75: {  	vm9 =	vlt.f32 v29, $0.0e+00;
	v29 =	vsel vm6, $0x1, v1;
	v46 =	vadd.s32 v45, v23;
	v23 =	vld [tilespmem:s30+$0xFFFFFFE0];
	v24, _, _ =	vpop (xrf0);
	(xrf0) =	vadd.scan.msk.s32 $0xffff, v26  }
0x76: {  	vm7 =	vlt.f32 v31, $0.0e+00;
	v52 =	vsel vm9, $0x1, v1;
	v26 =	vld [tilespmem:s30+$0xFFFFFFD0];
	v24 =	vadd.s32 v24, v41;
	v31, _, _ =	vpop (xrf0);
	(xrf0) =	vadd.scan.msk.s32 $0xffff, v29  }
0x77: {  	v27 =	vmpcnt.ones.xlane vm6;
	v29 =	vsel vm7, $0x1, v1;
	v47 =	vadd.s32 $0xFFFFFFFF, v24;
	v24 =	vld [tilespmem:s30+$0xFFFFFFF0];
	(xrf0) =	vadd.scan.msk.s32 $0xffff, v52  }
0x78: {  	v55 =	vsel vm2, $0x1, v1;
	v53 =	vadd.s32 v31, v42;
	v31 =	vld [tilespmem:s30+$0x0];
	(xrf0) =	vadd.scan.msk.s32 $0xffff, v29  }
0x79: {  	v49 =	vadd.s32 v46, v27;
	v27 =	vld [tilespmem:s30+$0x20];
	v56, _, _ =	vpop (xrf0);
	(xrf0) =	vadd.scan.msk.s32 $0xffff, v55  }
0x7a: {  	v54 =	vmpcnt.ones.xlane vm9;
	v48 =	vadd.s32 $0xFFFFFFFF, v53;
	v29 =	vld [tilespmem:s30+$0x10]  }
0x7b: {  	v58 =	vmpcnt.ones.xlane vm7;
	v59 =	vmpcnt.ones.xlane vm2;
	v32 =	vld [tilespmem:s29+$0x30];
	v57 =	vadd.s32 v56, v44;
	v50, _, _ =	vpop (xrf0)  }
0x7c: {  	v41 =	vadd.s32 v49, v54;
	v51 =	vadd.s32 $0xFFFFFFFF, v57;
	v60 =	vadd.s32 v50, v45;
	v45 =	vld.idx.msk [tilespmem:v25+s23+$0x0], $0xffff;
	v62, _, _ =	vpop (xrf0)  }
0x7d: {  	vm8 =	vmmov vm6;
	v61 =	vadd.s32 v41, v58;
	[tilespmem:v47+s4+$0x0] =	vst.idx.msk vm3, v36;
	v53 =	vld.idx.msk [tilespmem:v23+s23+$0x0], $0xffff;
	v42, _, _ =	vpop (xrf0)  }
0x7e: {  	[tilespmem:v47+s22+$0x0] =	vst.idx.msk vm3, v34;
	v63 =	vadd.s32 $0xFFFFFFFF, v60;
	v52 =	vld.idx.msk [tilespmem:v26+s23+$0x0], $0xffff;
	v34 =	vadd.s32 v61, v59;
	vm3 =	vmmov vm9;
	v57, _, _ =	vpop (xrf0)  }
0x7f: {  	[tilespmem:v48+s4+$0x0] =	vst.idx.msk vm1, v38;
	v56 =	vadd.s32 v62, v46;
	v36 =	vadd.s32 v42, v49;
	v58 =	vld.idx.msk [tilespmem:v24+s23+$0x0], $0xffff;
	v59, _, _ =	vpop (xrf0)  }
0x80: {  	[tilespmem:v48+s22+$0x0] =	vst.idx.msk vm1, v35;
	vm1 =	vmmov vm7;
	v38 =	vadd.s32 $0xFFFFFFFF, v56;
	v44 =	vld.idx.msk [tilespmem:v31+s23+$0x0], $0xffff;
	v61 =	vadd.s32 v59, v61  }
0x81: {  	v36 =	vadd.s32 $0xFFFFFFFF, v36;
	[tilespmem:v51+s4+$0x0] =	vst.idx.msk vm5, v40;
	v60 =	vadd.s32 v57, v41;
	v41 =	vld.idx.msk [tilespmem:v27+s23+$0x0], $0xffff;
	v40 =	vadd.s32 $0xFFFFFFFF, v61  }
0x82: {  	s31 =	simm.s32 $0xC0;
	v42 =	vld.idx.msk [tilespmem:v29+s23+$0x0], $0xffff;
	[tilespmem:v51+s22+$0x0] =	vst.idx.msk vm5, v37;
	v35 =	vadd.s32 $0xFFFFFFFF, v60;
	vm7 =	vlt.f32 v45, $0.0e+00;
	vm5 =	vlt.f32 v53, $0.0e+00  }
0x83: {  	v37 =	vld [tilespmem:s31+$0xFFFFFFC0];
	[tilespmem:v63+s4+$0x0] =	vst.idx.msk vm4, v43;
	v45 =	vsel vm7, $0x1, v1;
	v62 =	vmpcnt.ones.xlane vm7;
	vm6 =	vlt.f32 v52, $0.0e+00  }
0x84: {  	v43 =	vld.idx.msk [tilespmem:v33+s23+$0x0], $0xffff;
	[tilespmem:v63+s22+$0x0] =	vst.idx.msk vm4, v39;
	v63 =	vsel vm6, $0x1, v1;
	v47 =	vmpcnt.ones.xlane vm6;
	(xrf0) =	vadd.scan.msk.s32 $0xffff, v45  }
0x85: {  	s1 =	simm.s32 $0x80;
	v46 =	vmpcnt.ones.xlane vm5;
	v45 =	vld [tilespmem:s29+$0x10];
	v39 =	vadd.s32 v34, v62;
	vm4 =	vlt.f32 v58, $0.0e+00;
	(xrf0) =	vadd.scan.msk.s32 $0xffff, v63  }
.LBB2_4:
0x86: {  	s1 =	sadd.s32 $0x80, s1;
	v48 =	vld [tilespmem:s31+$0xFFFFFFD0];
	v47 =	vadd.s32 v39, v47;
	v49 =	vmpcnt.ones.xlane vm4;
	vm9 =	vlt.f32 v44, $0.0e+00;
	[tilespmem:v40+s4+$0x0] =	vst.idx.msk vm2, v32  }
0x87: {  	vm10 =	vlt.f32 v42, $0.0e+00;
	p0 =	slt.u32 s1, $0x2680;
	v50 =	vld [tilespmem:s31+$0xFFFFFFE0];
	v44 =	vadd.s32 v47, v46;
	v32 =	vmpcnt.ones.xlane vm9;
	[tilespmem:v40+s22+$0x0] =	vst.idx.msk vm2, v28;
	v28 =	vmovc v33  }
0x88: {  	v33 =	vmpcnt.ones.xlane vm10;
	vm11 =	vlt.f32 v41, $0.0e+00;
	v46 =	vld [tilespmem:s31+$0xFFFFFFF0];
	v40 =	vadd.s32 v44, v49;
	[tilespmem:v38+s4+$0x0] =	vst.idx.msk vm8, v30  }
0x89: {  	vm2 =	vlt.f32 v43, $0.0e+00;
	v30 =	vld [tilespmem:s31+$0x0];
	v41 =	vadd.s32 v40, v32;
	v32 =	vmpcnt.ones.xlane vm11;
	[tilespmem:v38+s22+$0x0] =	vst.idx.msk vm8, v22;
	v22 =	vmovc v31  }
0x8a: {  	v31 =	vsel vm5, $0x1, v1;
	v42 =	vadd.s32 v41, v33;
	v33 =	vmpcnt.ones.xlane vm2;
	v38, _, _ =	vpop (xrf0);
	[tilespmem:v36+s4+$0x0] =	vst.idx.msk vm3, v45;
	v43 =	vld [tilespmem:s29+$0x20];
	s29 =	smov.u32 s31  }
0x8b: {  	s30 =	sadd.s32 $0x80, s30;
	v49 =	vsel vm9, $0x1, v1;
	v45 =	vsel vm4, $0x1, v1;
	v51 =	vadd.s32 v42, v32;
	v32 =	vld [tilespmem:s31+$0x30];
	v52, _, _ =	vpop (xrf0);
	(xrf0) =	vadd.scan.msk.s32 $0xffff, v31  }
0x8c: {  	v54 =	vsel vm11, $0x1, v1;
	v31 =	vsel vm10, $0x1, v1;
	v53 =	vld [tilespmem:s30+$0xFFFFFFC0];
	v55 =	vadd.s32 v51, v33;
	(xrf0) =	vadd.scan.msk.s32 $0xffff, v45  }
0x8d: {  	v33 =	vadd.s32 v38, v34;
	v38 =	vadd.s32 v52, v39;
	v39 =	vsel vm2, $0x1, v1;
	v45 =	vld [tilespmem:s30+$0xFFFFFFD0];
	(xrf0) =	vadd.scan.msk.s32 $0xffff, v49;
	v34 =	vmovc v55  }
0x8e: {  	v52 =	vadd.s32 $0xFFFFFFFF, v33;
	v56 =	vadd.s32 $0xFFFFFFFF, v38;
	v49 =	vld [tilespmem:s30+$0xFFFFFFE0];
	(xrf0) =	vadd.scan.msk.s32 $0xffff, v31;
	[tilespmem:v36+s22+$0x0] =	vst.idx.msk vm3, v21;
	v21 =	vmovc v29  }
0x8f: {  	vm8 =	vmmov vm9;
	vm3 =	vmmov vm10;
	v57 =	vld [tilespmem:s30+$0xFFFFFFF0];
	(xrf0) =	vadd.scan.msk.s32 $0xffff, v54;
	[tilespmem:v35+s4+$0x0] =	vst.idx.msk vm1, v43  }
0x90: {  	v31 =	vld [tilespmem:s30+$0x0];
	(xrf0) =	vadd.scan.msk.s32 $0xffff, v39;
	[tilespmem:v35+s22+$0x0] =	vst.idx.msk vm1, v20;
	v20 =	vmov v27;
	vm1 =	vmmov vm11  }
0x91: {  	v29 =	vld [tilespmem:s30+$0x10];
	v33, _, _ =	vpop (xrf0)  }
0x92: {  	v27 =	vld [tilespmem:s30+$0x20];
	v35 =	vadd.s32 v33, v47;
	v36, _, _ =	vpop (xrf0)  }
0x93: {  	v33 =	vld [tilespmem:s30+$0x30];
	[tilespmem:v52+s4+$0x0] =	vst.idx.msk vm7, v37;
	v37 =	vadd.s32 $0xFFFFFFFF, v35;
	v35 =	vadd.s32 v36, v44;
	v36, _, _ =	vpop (xrf0)  }
0x94: {  	v39 =	vld.idx.msk [tilespmem:v53+s23+$0x0], $0xffff;
	[tilespmem:v52+s22+$0x0] =	vst.idx.msk vm7, v25;
	v47 =	vadd.s32 $0xFFFFFFFF, v35;
	v35 =	vadd.s32 v36, v40;
	v36, _, _ =	vpop (xrf0);
	v25 =	vmov v53  }
0x95: {  	v43 =	vld.idx.msk [tilespmem:v45+s23+$0x0], $0xffff;
	[tilespmem:v56+s4+$0x0] =	vst.idx.msk vm6, v48;
	v38 =	vadd.s32 $0xFFFFFFFF, v35;
	v35 =	vadd.s32 v36, v41;
	v40, _, _ =	vpop (xrf0)  }
0x96: {  	v48 =	vld.idx.msk [tilespmem:v49+s23+$0x0], $0xffff;
	[tilespmem:v56+s22+$0x0] =	vst.idx.msk vm6, v26;
	v36 =	vadd.s32 $0xFFFFFFFF, v35;
	v35 =	vadd.s32 v40, v42;
	v40, _, _ =	vpop (xrf0);
	v26 =	vmov v45  }
0x97: {  	v45 =	vld.idx.msk [tilespmem:v57+s23+$0x0], $0xffff;
	v35 =	vadd.s32 $0xFFFFFFFF, v35;
	v40 =	vadd.s32 v40, v51  }
0x98: {  	v44 =	vld.idx.msk [tilespmem:v31+s23+$0x0], $0xffff;
	[tilespmem:v37+s4+$0x0] =	vst.idx.msk vm5, v50;
	v40 =	vadd.s32 $0xFFFFFFFF, v40  }
.Ltmp3:
0x99: {  	v42 =	vld.idx.msk [tilespmem:v29+s23+$0x0], $0xffff;
	[tilespmem:v37+s22+$0x0] =	vst.idx.msk vm5, v23;
	v23 =	vmov v49;
	(pc) =	sbr.rel @p0 .LBB2_4-.Ltmp3, $4  }
0x9a: {  	vm7 =	vlt.f32 v39, $0.0e+00;
	v41 =	vld.idx.msk [tilespmem:v27+s23+$0x0], $0xffff;
	[tilespmem:v47+s4+$0x0] =	vst.idx.msk vm4, v46  }
0x9b: {  	s31 =	sadd.s32 $0x80, s31;
	v39 =	vsel vm7, $0x1, v1;
	v46 =	vmpcnt.ones.xlane vm7;
	vm6 =	vlt.f32 v43, $0.0e+00;
	v43 =	vld.idx.msk [tilespmem:v33+s23+$0x0], $0xffff;
	[tilespmem:v47+s22+$0x0] =	vst.idx.msk vm4, v24;
	v24 =	vmovc v57  }
0x9c: {  	v49 =	vsel vm6, $0x1, v1;
	v47 =	vmpcnt.ones.xlane vm6;
	vm5 =	vlt.f32 v48, $0.0e+00;
	v37 =	vld [tilespmem:s31+$0xFFFFFFC0];
	(xrf0) =	vadd.scan.msk.s32 $0xffff, v39  }
0x9d: {  	v39 =	vadd.s32 v55, v46;
	v46 =	vmpcnt.ones.xlane vm5;
	vm4 =	vlt.f32 v45, $0.0e+00;
	(xrf0) =	vadd.scan.msk.s32 $0xffff, v49;
	v45 =	vld [tilespmem:s29+$0x10]  }
0x9e: {  	_ =	sdelay $0x1  }
0x9f: {  	v48 =	vsel vm5, $0x1, v1  }
0xa0: {  	vm11 =	vlt.f32 v44, $0.0e+00;
	v59 =	vsel vm4, $0x1, v1;
	(xrf0) =	vadd.scan.msk.s32 $0xffff, v48  }
0xa1: {  	vm10 =	vlt.f32 v42, $0.0e+00;
	v60 =	vsel vm11, $0x1, v1;
	(xrf0) =	vadd.scan.msk.s32 $0xffff, v59  }
0xa2: {  	[tilespmem:v40+s4+$0x0] =	vst.idx.msk vm2, v32;
	vm9 =	vlt.f32 v41, $0.0e+00;
	v61 =	vsel vm10, $0x1, v1;
	(xrf0) =	vadd.scan.msk.s32 $0xffff, v60  }
0xa3: {  	v63 =	vld [tilespmem:s29+$0x20];
	[tilespmem:v40+s22+$0x0] =	vst.idx.msk vm2, v28;
	vm2 =	vlt.f32 v43, $0.0e+00;
	v41 =	vsel vm9, $0x1, v1;
	v62, _, _ =	vpop (xrf0);
	(xrf0) =	vadd.scan.msk.s32 $0xffff, v61  }
0xa4: {  	[tilespmem:v38+s4+$0x0] =	vst.idx.msk vm8, v30;
	v44 =	vsel vm2, $0x1, v1;
	v28 =	vadd.s32 v62, v34;
	(xrf0) =	vadd.scan.msk.s32 $0xffff, v41  }
0xa5: {  	[tilespmem:v38+s22+$0x0] =	vst.idx.msk vm8, v22;
	v22, _, _ =	vpop (xrf0);
	v28 =	vadd.s32 $0xFFFFFFFF, v28;
	(xrf0) =	vadd.scan.msk.s32 $0xffff, v44  }
0xa6: {  	v49 =	vmpcnt.ones.xlane vm4;
	v48 =	vadd.s32 v39, v47;
	[tilespmem:v36+s4+$0x0] =	vst.idx.msk vm3, v45;
	v22 =	vadd.s32 v22, v39;
	v50, _, _ =	vpop (xrf0)  }
0xa7: {  	v51 =	vld [tilespmem:s31+$0xFFFFFFD0];
	v53 =	vmpcnt.ones.xlane vm11;
	v52 =	vadd.s32 v48, v46;
	[tilespmem:v36+s22+$0x0] =	vst.idx.msk vm3, v21;
	v22 =	vadd.s32 $0xFFFFFFFF, v22;
	v21, _, _ =	vpop (xrf0)  }
0xa8: {  	v54 =	vmpcnt.ones.xlane vm10;
	v32 =	vadd.s32 v52, v49;
	[tilespmem:v35+s4+$0x0] =	vst.idx.msk vm1, v63;
	v30 =	vadd.s32 v50, v48;
	v55, _, _ =	vpop (xrf0)  }
0xa9: {  	v56 =	vld [tilespmem:s31+$0xFFFFFFE0];
	v57 =	vmpcnt.ones.xlane vm9;
	v41 =	vadd.s32 v32, v53;
	[tilespmem:v35+s22+$0x0] =	vst.idx.msk vm1, v20;
	v20 =	vadd.s32 $0xFFFFFFFF, v30;
	v58, _, _ =	vpop (xrf0)  }
0xaa: {  	v59 =	vadd.s32 v41, v54;
	v21 =	vadd.s32 v21, v52;
	[tilespmem:v28+s4+$0x0] =	vst.idx.msk vm7, v37;
	v60, _, _ =	vpop (xrf0)  }
0xab: {  	v61 =	vld [tilespmem:s31+$0xFFFFFFF0];
	v62 =	vadd.s32 v59, v57;
	v21 =	vadd.s32 $0xFFFFFFFF, v21;
	[tilespmem:v28+s22+$0x0] =	vst.idx.msk vm7, v25;
	v25, _, _ =	vpop (xrf0)  }
0xac: {  	[tilespmem:v22+s4+$0x0] =	vst.idx.msk vm6, v51;
	v25 =	vadd.s32 v25, v62  }
0xad: {  	v63 =	vld [tilespmem:s31+$0x30];
	[tilespmem:v22+s22+$0x0] =	vst.idx.msk vm6, v26;
	v22 =	vadd.s32 $0xFFFFFFFF, v25  }
0xae: {  	v25 =	vadd.s32 v55, v32;
	[tilespmem:v20+s4+$0x0] =	vst.idx.msk vm5, v56  }
0xaf: {  	v26 =	vld [tilespmem:s31+$0x0];
	v25 =	vadd.s32 $0xFFFFFFFF, v25;
	[tilespmem:v20+s22+$0x0] =	vst.idx.msk vm5, v23  }
0xb0: {  	v20 =	vadd.s32 v58, v41;
	[tilespmem:v21+s4+$0x0] =	vst.idx.msk vm4, v61  }
0xb1: {  	v20 =	vadd.s32 $0xFFFFFFFF, v20;
	[tilespmem:v21+s22+$0x0] =	vst.idx.msk vm4, v24;
	v21 =	vld [tilespmem:s31+$0x10]  }
0xb2: {  	v23 =	vadd.s32 v60, v59;
	[tilespmem:v22+s4+$0x0] =	vst.idx.msk vm2, v63  }
0xb3: {  	v23 =	vadd.s32 $0xFFFFFFFF, v23;
	[tilespmem:v22+s22+$0x0] =	vst.idx.msk vm2, v33;
	v22 =	vld [tilespmem:s31+$0x20]  }
0xb4: {  	[tilespmem:v25+s4+$0x0] =	vst.idx.msk vm11, v26  }
0xb5: {  	[tilespmem:v25+s22+$0x0] =	vst.idx.msk vm11, v31  }
0xb6: {  	[tilespmem:v20+s4+$0x0] =	vst.idx.msk vm10, v21  }
0xb7: {  	[tilespmem:v20+s22+$0x0] =	vst.idx.msk vm10, v29  }
0xb8: {  	[tilespmem:v23+s4+$0x0] =	vst.idx.msk vm9, v22  }
0xb9: {  	[tilespmem:v23+s22+$0x0] =	vst.idx.msk vm9, v27  }
0xba: {  	v21 =	vld [tilespmem:$0x4F80];
	_ =	sdelay $0x7  }
0xbb: {  	v20 =	vld.idx.msk [tilespmem:v21+s23+$0x0], $0xffff;
	_ =	sdelay $0x3  }
0xbc: {  	vm3 =	vmmov vm10  }
0xbd: {  	vm3 =	vlt.f32 v20, $0.0e+00  }
0xbe: {  	v20 =	vsel vm3, $0x1, v1  }
0xbf: {  	(xrf0) =	vadd.scan.msk.s32 $0xffff, v20;
	_ =	sdelay $0x1  }
0xc0: {  	v20 =	vmpcnt.ones.xlane vm2;
	_ =	sdelay $0x3  }
0xc1: {  	v22 =	vadd.s32 v62, v20;
	v20, _, _ =	vpop (xrf0)  }
0xc2: {  	v20 =	vadd.s32 v20, v22  }
0xc3: {  	v23 =	vld [tilespmem:$0x2700];
	v24 =	vadd.s32 $0xFFFFFFFF, v20  }
0xc4: {  	s1 =	sadd.s32 $0x0, s20  }
0xc5: {  	v20 =	vor.u32 s1, v2;
	_ =	sdelay $0x1  }
0xc6: {  	s30 =	simm.s32 $0x0  }
0xc7: {  	[tilespmem:v24+s30+$0x0] =	vst.idx.msk vm3, v23  }
0xc8: {  	[tilespmem:v24+s22+$0x0] =	vst.idx.msk vm3, v21  }
0xc9: {  	v21 =	vld.idx.msk [tilespmem:v20+s23+$0x0], $0xffff;
	_ =	sdelay $0x3  }
0xca: {  	vm1 =	vmmov vm11  }
0xcb: {  	vm1 =	vlt.f32 v21, $0.0e+00  }
0xcc: {  	v21 =	vsel vm1, $0x1, v1  }
0xcd: {  	(xrf0) =	vadd.scan.msk.s32 $0xffff, v21;
	_ =	sdelay $0x3  }
0xce: {  	v21 =	vmpcnt.ones.xlane vm3  }
0xcf: {  	v23 =	vmpcnt.ones.xlane vm1  }
0xd0: {  	v21 =	vadd.s32 v22, v21;
	v24, _, _ =	vpop (xrf0)  }
0xd1: {  	v22 =	vadd.s32 v21, v23;
	v21 =	vadd.s32 v24, v21  }
0xd2: {  	v24 =	vadd.s32 $0xFFFFFFFF, v21  }
0xd3: {  	s31 =	sadd.s32 $0x10, s20  }
0xd4: {  	vm15 =	vmmov vm9;
	s1 =	simm.s32 $0x20;
	v23 =	vor.u32 s31, v2;
	v21 =	vmov v22  }
.LBB2_6:
0xd5: {  	p0 =	sne.s32 s1, $0x130;
	_ =	sdelay $0x1  }
0xd6: {  	[tilespmem:v24+s4+$0x0] =	vst.idx.msk vm1, v20  }
0xd7: {  	[tilespmem:v24+s22+$0x0] =	vst.idx.msk vm1, v20;
	v20 =	vmov v23  }
0xd8: {  	v23 =	vld.idx.msk [tilespmem:v23+s23+$0x0], $0xffff;
	_ =	sdelay $0x5  }
0xd9: {  	vm1 =	vlt.f32 v23, $0.0e+00  }
0xda: {  	v23 =	vsel vm1, $0x1, v1;
	v24 =	vmpcnt.ones.xlane vm1  }
0xdb: {  	(xrf0) =	vadd.scan.msk.s32 $0xffff, v23  }
0xdc: {  	v22 =	vadd.s32 v22, v24;
	_ =	sdelay $0x4  }
.Ltmp4:
0xdd: {  	v23, _, _ =	vpop (xrf0);
	(pc) =	sbr.rel @p0 .LBB2_6-.Ltmp4, $4  }
0xde: {  	v23 =	vadd.s32 v23, v21;
	v21 =	vmov v22  }
0xdf: {  	v24 =	vadd.s32 $0xFFFFFFFF, v23  }
0xe0: {  	s29 =	sadd.s32 s1, s20  }
0xe1: {  	s1 =	sadd.s32 $0x10, s1;
	v23 =	vor.u32 s29, v2  }
0xe2: {  	_ =	sdelay $0x4  }
0xe3: {  	[tilespmem:v24+s4+$0x0] =	vst.idx.msk vm1, v20  }
0xe4: {  	[tilespmem:v24+s22+$0x0] =	vst.idx.msk vm1, v20  }
0xe5: {  	v20 =	vld.idx.msk [tilespmem:v23+s23+$0x0], $0xffff;
	_ =	sdelay $0x4  }
0xe6: {  	vm1 =	vlt.f32 v20, $0.0e+00  }
0xe7: {  	v20 =	vmpcnt.ones.xlane vm1;
	_ =	sdelay $0x1  }
0xe8: {  	v61 =	vsel vm1, $0x1, v1;
	v20 =	vadd.s32 v22, v20  }
0xe9: {  	(xrf0) =	vadd.scan.msk.s32 $0xffff, v61;
	v20 =	vxor.u32 $0x80000000, v20  }
0xea: {  	(xrf0) =	vmax.scan.msk.u32 $0xffff, v20;
	_ =	sdelay $0x4  }
0xeb: {  	v20, _, _ =	vpop (xrf0)  }
0xec: {  	v62, _, _ =	vpop (xrf0)  }
0xed: {  	(v2sf) =	vpush v62, $0xF;
	_ =	sdelay $0xe  }
0xee: {  	s1 =	spop (v2sf)  }
0xef: {  	s29 =	sadd.s32 $0x8000000F, s1  }
0xf0: {  	s1 =	sxor.u32 $0x80000000, s1;
	s30 =	sand.u32 $0xF, s29  }
0xf1: {  	v63 =	vadd.s32 s1, v2;
	s1 =	sshra.s32 s29, $0x1F;
	p0 =	slt.s32 s29, $0x1;
	p1 =	sne.s32 s30, $0x0  }
0xf2: {  	v20 =	vadd.s32 v20, v21;
	s1 =	sshrl.u32 s1, $0x1C;
	p0 =	por !p0, !p1  }
0xf3: {  	v20 =	vadd.s32 $0xFFFFFFFF, v20;
	s30 =	simm.s32 $0x1;
	s1 =	sadd.s32 s1, s29;
	p0 =	por !p0, !p0  }
0xf4: {  	s1 =	sshra.s32 s1, $0x4;
	s30 =	simm.s32 @!p0 $0x0  }
0xf5: {  	s30 =	ssub.s32 s1, s30  }
0xf6: {  	p0 =	slt.s32 s30, $0x1  }
.Ltmp5:
0xf7: {  	_ = 	snop;
	(pc) =	sbr.rel @p0 .LBB2_9-.Ltmp5, $4  }
0xf8: {  	[tilespmem:v20+s4+$0x0] =	vst.idx.msk vm1, v23  }
0xf9: {  	[tilespmem:v20+s22+$0x0] =	vst.idx.msk vm1, v23;
	s29 =	simm.s32 $0x0  }
0xfa: {  	s31 =	simm.s32 $0x2880;
	[tilespmem:v63+s29+$0x0] =	vst.idx.msk $0xffff, v1  }
0xfb: {  	[tilespmem:v63+s31+$0x0] =	vst.idx.msk $0xffff, v3  }
.LBB2_8:
0xfc: {  	v21 =	vld [tilespmem:s29+$0x0]  }
0xfd: {  	v20 =	vld [tilespmem:s31+$0x0];
	_ =	sdelay $0x6  }
0xfe: {  	v22 =	vld.idx.msk [tilespmem:v21+s23+$0x0], $0xffff  }
0xff: {  	v23 =	vld.idx.msk [tilespmem:v20+s23+$0x0], $0xffff;
	_ =	sdelay $0x4  }
0x100: {  	v22 =	vmul.f32 v23, v22;
	_ =	sdelay $0x1  }
0x101: {  	v22 =	vand.u32 $0x7FFFFFFF, v22  }
0x102: {  	[tilespmem:$0x8110] =	vst v22  }
0x103: {  	[tilespmem:s25], [sflag:$0x1] =	stream.indirect_vreg.gather [hbm4b:s2+s4], $0x80, v21, vm0, $0xb8;
	[tilespmem:$0x1E180] =	vst v63  }
0x104: {  	_ =	swait.ge [sflag:s21], $0x800  }
0x105: {  	[sflag:s21] =	ssyncset.done $0x0  }
0x106: {  	[sflag:s21] =	ssyncadd.s32 $0xFFFFF800  }
0x107: {  	v33 =	vld.idx.msk [tilespmem:v4+s26+$0x0], $0xffff  }
0x108: {  	v34 =	vld [tilespmem:$0x7900]  }
0x109: {  	v35 =	vld [tilespmem:$0x7910]  }
0x10a: {  	v24 =	vld [tilespmem:$0x7920]  }
0x10b: {  	v25 =	vld [tilespmem:$0x7930]  }
0x10c: {  	v26 =	vld [tilespmem:$0x7940]  }
0x10d: {  	v27 =	vld [tilespmem:$0x7950];
	v22 =	vmul.f32 v34, v33  }
0x10e: {  	v28 =	vld [tilespmem:$0x7960];
	v23 =	vmul.f32 v35, v33  }
0x10f: {  	v37 =	vld [tilespmem:$0x7970];
	v36 =	vmul.f32 v24, v33;
	[tilespmem:$0x7900] =	vst v22  }
0x110: {  	v38 =	vmul.f32 v25, v33;
	[tilespmem:$0x7910] =	vst v23  }
0x111: {  	v39 =	vmul.f32 v26, v33;
	[tilespmem:$0x7920] =	vst v36  }
0x112: {  	v40 =	vmul.f32 v27, v33;
	[tilespmem:$0x7930] =	vst v38  }
0x113: {  	v41 =	vmul.f32 v28, v33;
	[tilespmem:$0x7940] =	vst v39  }
0x114: {  	v21 =	vmul.f32 v37, v33;
	[tilespmem:$0x7950] =	vst v40  }
0x115: {  	[tilespmem:$0x7960] =	vst v41  }
0x116: {  	v42 =	vld [tilespmem:$0x7980];
	[tilespmem:$0x7970] =	vst v21  }
0x117: {  	v21 =	vld.idx.msk [tilespmem:v5+s26+$0x0], $0xffff  }
0x118: {  	v43 =	vld [tilespmem:$0x7990]  }
0x119: {  	v44 =	vld [tilespmem:$0x79A0]  }
0x11a: {  	v45 =	vld [tilespmem:$0x79B0]  }
0x11b: {  	v46 =	vld [tilespmem:$0x79C0]  }
0x11c: {  	v47 =	vld [tilespmem:$0x79D0];
	v22 =	vmul.f32 v42, v21  }
0x11d: {  	v48 =	vld [tilespmem:$0x79E0];
	v23 =	vmul.f32 v43, v21  }
0x11e: {  	v50 =	vld [tilespmem:$0x79F0];
	v49 =	vmul.f32 v44, v21;
	[tilespmem:$0x7980] =	vst v22  }
0x11f: {  	v51 =	vmul.f32 v45, v21;
	[tilespmem:$0x7990] =	vst v23  }
0x120: {  	v52 =	vmul.f32 v46, v21;
	[tilespmem:$0x79A0] =	vst v49  }
0x121: {  	v53 =	vmul.f32 v47, v21;
	[tilespmem:$0x79B0] =	vst v51  }
0x122: {  	v54 =	vmul.f32 v48, v21;
	[tilespmem:$0x79C0] =	vst v52  }
0x123: {  	v21 =	vmul.f32 v50, v21;
	[tilespmem:$0x79D0] =	vst v53  }
0x124: {  	[tilespmem:$0x79E0] =	vst v54  }
0x125: {  	v55 =	vld [tilespmem:$0x7A00];
	[tilespmem:$0x79F0] =	vst v21  }
0x126: {  	v21 =	vld.idx.msk [tilespmem:v6+s26+$0x0], $0xffff  }
0x127: {  	v56 =	vld [tilespmem:$0x7A10]  }
0x128: {  	v57 =	vld [tilespmem:$0x7A20]  }
0x129: {  	v58 =	vld [tilespmem:$0x7A30]  }
0x12a: {  	v59 =	vld [tilespmem:$0x7A40]  }
0x12b: {  	v60 =	vld [tilespmem:$0x7A50];
	v22 =	vmul.f32 v55, v21  }
0x12c: {  	v61 =	vld [tilespmem:$0x7A60];
	v23 =	vmul.f32 v56, v21  }
0x12d: {  	v63 =	vld [tilespmem:$0x7A70];
	v62 =	vmul.f32 v57, v21;
	[tilespmem:$0x7A00] =	vst v22  }
0x12e: {  	v25 =	vmul.f32 v58, v21;
	[tilespmem:$0x7A10] =	vst v23  }
0x12f: {  	v26 =	vmul.f32 v59, v21;
	[tilespmem:$0x7A20] =	vst v62  }
0x130: {  	v29 =	vmul.f32 v60, v21;
	[tilespmem:$0x7A30] =	vst v25  }
0x131: {  	v30 =	vmul.f32 v61, v21;
	[tilespmem:$0x7A40] =	vst v26  }
0x132: {  	v21 =	vmul.f32 v63, v21;
	[tilespmem:$0x7A50] =	vst v29  }
0x133: {  	[tilespmem:$0x7A60] =	vst v30  }
0x134: {  	v31 =	vld [tilespmem:$0x7A80];
	[tilespmem:$0x7A70] =	vst v21  }
0x135: {  	v21 =	vld.idx.msk [tilespmem:v7+s26+$0x0], $0xffff  }
0x136: {  	v32 =	vld [tilespmem:$0x7A90]  }
0x137: {  	v33 =	vld [tilespmem:$0x7AA0]  }
0x138: {  	v34 =	vld [tilespmem:$0x7AB0]  }
0x139: {  	v35 =	vld [tilespmem:$0x7AC0]  }
0x13a: {  	v36 =	vld [tilespmem:$0x7AD0];
	v22 =	vmul.f32 v31, v21  }
0x13b: {  	v37 =	vld [tilespmem:$0x7AE0];
	v23 =	vmul.f32 v32, v21  }
0x13c: {  	v39 =	vld [tilespmem:$0x7AF0];
	v38 =	vmul.f32 v33, v21;
	[tilespmem:$0x7A80] =	vst v22  }
0x13d: {  	v40 =	vmul.f32 v34, v21;
	[tilespmem:$0x7A90] =	vst v23  }
0x13e: {  	v41 =	vmul.f32 v35, v21;
	[tilespmem:$0x7AA0] =	vst v38  }
0x13f: {  	v42 =	vmul.f32 v36, v21;
	[tilespmem:$0x7AB0] =	vst v40  }
0x140: {  	v43 =	vmul.f32 v37, v21;
	[tilespmem:$0x7AC0] =	vst v41  }
0x141: {  	v21 =	vmul.f32 v39, v21;
	[tilespmem:$0x7AD0] =	vst v42  }
0x142: {  	[tilespmem:$0x7AE0] =	vst v43  }
0x143: {  	v44 =	vld [tilespmem:$0x7B00];
	[tilespmem:$0x7AF0] =	vst v21  }
0x144: {  	v21 =	vld.idx.msk [tilespmem:v8+s26+$0x0], $0xffff  }
0x145: {  	v45 =	vld [tilespmem:$0x7B10]  }
0x146: {  	v46 =	vld [tilespmem:$0x7B20]  }
0x147: {  	v47 =	vld [tilespmem:$0x7B30]  }
0x148: {  	v48 =	vld [tilespmem:$0x7B40]  }
0x149: {  	v49 =	vld [tilespmem:$0x7B50];
	v22 =	vmul.f32 v44, v21  }
0x14a: {  	v50 =	vld [tilespmem:$0x7B60];
	v23 =	vmul.f32 v45, v21  }
0x14b: {  	v52 =	vld [tilespmem:$0x7B70];
	v51 =	vmul.f32 v46, v21;
	[tilespmem:$0x7B00] =	vst v22  }
0x14c: {  	v53 =	vmul.f32 v47, v21;
	[tilespmem:$0x7B10] =	vst v23  }
0x14d: {  	v54 =	vmul.f32 v48, v21;
	[tilespmem:$0x7B20] =	vst v51  }
0x14e: {  	v55 =	vmul.f32 v49, v21;
	[tilespmem:$0x7B30] =	vst v53  }
0x14f: {  	v56 =	vmul.f32 v50, v21;
	[tilespmem:$0x7B40] =	vst v54  }
0x150: {  	v21 =	vmul.f32 v52, v21;
	[tilespmem:$0x7B50] =	vst v55  }
0x151: {  	[tilespmem:$0x7B60] =	vst v56  }
0x152: {  	v57 =	vld [tilespmem:$0x7B80];
	[tilespmem:$0x7B70] =	vst v21  }
0x153: {  	v21 =	vld.idx.msk [tilespmem:v9+s26+$0x0], $0xffff  }
0x154: {  	v58 =	vld [tilespmem:$0x7B90]  }
0x155: {  	v59 =	vld [tilespmem:$0x7BA0]  }
0x156: {  	v60 =	vld [tilespmem:$0x7BB0]  }
0x157: {  	v61 =	vld [tilespmem:$0x7BC0]  }
0x158: {  	v62 =	vld [tilespmem:$0x7BD0];
	v22 =	vmul.f32 v57, v21  }
0x159: {  	v63 =	vld [tilespmem:$0x7BE0];
	v23 =	vmul.f32 v58, v21  }
0x15a: {  	v30 =	vld [tilespmem:$0x7BF0];
	v29 =	vmul.f32 v59, v21;
	[tilespmem:$0x7B80] =	vst v22  }
0x15b: {  	v31 =	vmul.f32 v60, v21;
	[tilespmem:$0x7B90] =	vst v23  }
0x15c: {  	v32 =	vmul.f32 v61, v21;
	[tilespmem:$0x7BA0] =	vst v29  }
0x15d: {  	v33 =	vmul.f32 v62, v21;
	[tilespmem:$0x7BB0] =	vst v31  }
0x15e: {  	v34 =	vmul.f32 v63, v21;
	[tilespmem:$0x7BC0] =	vst v32  }
0x15f: {  	v21 =	vmul.f32 v30, v21;
	[tilespmem:$0x7BD0] =	vst v33  }
0x160: {  	[tilespmem:$0x7BE0] =	vst v34  }
0x161: {  	v35 =	vld [tilespmem:$0x7C00];
	[tilespmem:$0x7BF0] =	vst v21  }
0x162: {  	v21 =	vld.idx.msk [tilespmem:v10+s26+$0x0], $0xffff  }
0x163: {  	v36 =	vld [tilespmem:$0x7C10]  }
0x164: {  	v37 =	vld [tilespmem:$0x7C20]  }
0x165: {  	v38 =	vld [tilespmem:$0x7C30]  }
0x166: {  	v39 =	vld [tilespmem:$0x7C40]  }
0x167: {  	v40 =	vld [tilespmem:$0x7C50];
	v22 =	vmul.f32 v35, v21  }
0x168: {  	v41 =	vld [tilespmem:$0x7C60];
	v23 =	vmul.f32 v36, v21  }
0x169: {  	v43 =	vld [tilespmem:$0x7C70];
	v42 =	vmul.f32 v37, v21;
	[tilespmem:$0x7C00] =	vst v22  }
0x16a: {  	v44 =	vmul.f32 v38, v21;
	[tilespmem:$0x7C10] =	vst v23  }
0x16b: {  	v45 =	vmul.f32 v39, v21;
	[tilespmem:$0x7C20] =	vst v42  }
0x16c: {  	v46 =	vmul.f32 v40, v21;
	[tilespmem:$0x7C30] =	vst v44  }
0x16d: {  	v47 =	vmul.f32 v41, v21;
	[tilespmem:$0x7C40] =	vst v45  }
0x16e: {  	v21 =	vmul.f32 v43, v21;
	[tilespmem:$0x7C50] =	vst v46  }
0x16f: {  	[tilespmem:$0x7C60] =	vst v47  }
0x170: {  	v48 =	vld [tilespmem:$0x7C80];
	[tilespmem:$0x7C70] =	vst v21  }
0x171: {  	v21 =	vld.idx.msk [tilespmem:v11+s26+$0x0], $0xffff  }
0x172: {  	v49 =	vld [tilespmem:$0x7C90]  }
0x173: {  	v50 =	vld [tilespmem:$0x7CA0]  }
0x174: {  	v51 =	vld [tilespmem:$0x7CB0]  }
0x175: {  	v52 =	vld [tilespmem:$0x7CC0]  }
0x176: {  	v53 =	vld [tilespmem:$0x7CD0];
	v22 =	vmul.f32 v48, v21  }
0x177: {  	v54 =	vld [tilespmem:$0x7CE0];
	v23 =	vmul.f32 v49, v21  }
0x178: {  	v56 =	vld [tilespmem:$0x7CF0];
	v55 =	vmul.f32 v50, v21;
	[tilespmem:$0x7C80] =	vst v22  }
0x179: {  	v57 =	vmul.f32 v51, v21;
	[tilespmem:$0x7C90] =	vst v23  }
0x17a: {  	v58 =	vmul.f32 v52, v21;
	[tilespmem:$0x7CA0] =	vst v55  }
0x17b: {  	v59 =	vmul.f32 v53, v21;
	[tilespmem:$0x7CB0] =	vst v57  }
0x17c: {  	v60 =	vmul.f32 v54, v21;
	[tilespmem:$0x7CC0] =	vst v58  }
0x17d: {  	v21 =	vmul.f32 v56, v21;
	[tilespmem:$0x7CD0] =	vst v59  }
0x17e: {  	[tilespmem:$0x7CE0] =	vst v60  }
0x17f: {  	v61 =	vld [tilespmem:$0x7D00];
	[tilespmem:$0x7CF0] =	vst v21  }
0x180: {  	v21 =	vld.idx.msk [tilespmem:v12+s26+$0x0], $0xffff  }
0x181: {  	v62 =	vld [tilespmem:$0x7D10]  }
0x182: {  	v63 =	vld [tilespmem:$0x7D20]  }
0x183: {  	v32 =	vld [tilespmem:$0x7D30]  }
0x184: {  	v33 =	vld [tilespmem:$0x7D40]  }
0x185: {  	v34 =	vld [tilespmem:$0x7D50];
	v22 =	vmul.f32 v61, v21  }
0x186: {  	v35 =	vld [tilespmem:$0x7D60];
	v23 =	vmul.f32 v62, v21  }
0x187: {  	v37 =	vld [tilespmem:$0x7D70];
	v36 =	vmul.f32 v63, v21;
	[tilespmem:$0x7D00] =	vst v22  }
0x188: {  	v38 =	vmul.f32 v32, v21;
	[tilespmem:$0x7D10] =	vst v23  }
0x189: {  	v39 =	vmul.f32 v33, v21;
	[tilespmem:$0x7D20] =	vst v36  }
0x18a: {  	v40 =	vmul.f32 v34, v21;
	[tilespmem:$0x7D30] =	vst v38  }
0x18b: {  	v41 =	vmul.f32 v35, v21;
	[tilespmem:$0x7D40] =	vst v39  }
0x18c: {  	v21 =	vmul.f32 v37, v21;
	[tilespmem:$0x7D50] =	vst v40  }
0x18d: {  	[tilespmem:$0x7D60] =	vst v41  }
0x18e: {  	v42 =	vld [tilespmem:$0x7D80];
	[tilespmem:$0x7D70] =	vst v21  }
0x18f: {  	v21 =	vld.idx.msk [tilespmem:v13+s26+$0x0], $0xffff  }
0x190: {  	v43 =	vld [tilespmem:$0x7D90]  }
0x191: {  	v44 =	vld [tilespmem:$0x7DA0]  }
0x192: {  	v45 =	vld [tilespmem:$0x7DB0]  }
0x193: {  	v46 =	vld [tilespmem:$0x7DC0]  }
0x194: {  	v47 =	vld [tilespmem:$0x7DD0];
	v22 =	vmul.f32 v42, v21  }
0x195: {  	v48 =	vld [tilespmem:$0x7DE0];
	v23 =	vmul.f32 v43, v21  }
0x196: {  	v50 =	vld [tilespmem:$0x7DF0];
	v49 =	vmul.f32 v44, v21;
	[tilespmem:$0x7D80] =	vst v22  }
0x197: {  	v51 =	vmul.f32 v45, v21;
	[tilespmem:$0x7D90] =	vst v23  }
0x198: {  	v52 =	vmul.f32 v46, v21;
	[tilespmem:$0x7DA0] =	vst v49  }
0x199: {  	v53 =	vmul.f32 v47, v21;
	[tilespmem:$0x7DB0] =	vst v51  }
0x19a: {  	v54 =	vmul.f32 v48, v21;
	[tilespmem:$0x7DC0] =	vst v52  }
0x19b: {  	v21 =	vmul.f32 v50, v21;
	[tilespmem:$0x7DD0] =	vst v53  }
0x19c: {  	[tilespmem:$0x7DE0] =	vst v54  }
0x19d: {  	v55 =	vld [tilespmem:$0x7E00];
	[tilespmem:$0x7DF0] =	vst v21  }
0x19e: {  	v21 =	vld.idx.msk [tilespmem:v14+s26+$0x0], $0xffff  }
0x19f: {  	v56 =	vld [tilespmem:$0x7E10]  }
0x1a0: {  	v57 =	vld [tilespmem:$0x7E20]  }
0x1a1: {  	v58 =	vld [tilespmem:$0x7E30]  }
0x1a2: {  	v59 =	vld [tilespmem:$0x7E40]  }
0x1a3: {  	v60 =	vld [tilespmem:$0x7E50];
	v22 =	vmul.f32 v55, v21  }
0x1a4: {  	v61 =	vld [tilespmem:$0x7E60];
	v23 =	vmul.f32 v56, v21  }
0x1a5: {  	v63 =	vld [tilespmem:$0x7E70];
	v62 =	vmul.f32 v57, v21;
	[tilespmem:$0x7E00] =	vst v22  }
0x1a6: {  	v25 =	vmul.f32 v58, v21;
	[tilespmem:$0x7E10] =	vst v23  }
0x1a7: {  	v26 =	vmul.f32 v59, v21;
	[tilespmem:$0x7E20] =	vst v62  }
0x1a8: {  	v29 =	vmul.f32 v60, v21;
	[tilespmem:$0x7E30] =	vst v25  }
0x1a9: {  	v30 =	vmul.f32 v61, v21;
	[tilespmem:$0x7E40] =	vst v26  }
0x1aa: {  	v21 =	vmul.f32 v63, v21;
	[tilespmem:$0x7E50] =	vst v29  }
0x1ab: {  	[tilespmem:$0x7E60] =	vst v30  }
0x1ac: {  	v31 =	vld [tilespmem:$0x7E80];
	[tilespmem:$0x7E70] =	vst v21  }
0x1ad: {  	v21 =	vld.idx.msk [tilespmem:v15+s26+$0x0], $0xffff  }
0x1ae: {  	v32 =	vld [tilespmem:$0x7E90]  }
0x1af: {  	v33 =	vld [tilespmem:$0x7EA0]  }
0x1b0: {  	v34 =	vld [tilespmem:$0x7EB0]  }
0x1b1: {  	v35 =	vld [tilespmem:$0x7EC0]  }
0x1b2: {  	v36 =	vld [tilespmem:$0x7ED0];
	v22 =	vmul.f32 v31, v21  }
0x1b3: {  	v37 =	vld [tilespmem:$0x7EE0];
	v23 =	vmul.f32 v32, v21  }
0x1b4: {  	v39 =	vld [tilespmem:$0x7EF0];
	v38 =	vmul.f32 v33, v21;
	[tilespmem:$0x7E80] =	vst v22  }
0x1b5: {  	v40 =	vmul.f32 v34, v21;
	[tilespmem:$0x7E90] =	vst v23  }
0x1b6: {  	v41 =	vmul.f32 v35, v21;
	[tilespmem:$0x7EA0] =	vst v38  }
0x1b7: {  	v42 =	vmul.f32 v36, v21;
	[tilespmem:$0x7EB0] =	vst v40  }
0x1b8: {  	v43 =	vmul.f32 v37, v21;
	[tilespmem:$0x7EC0] =	vst v41  }
0x1b9: {  	v21 =	vmul.f32 v39, v21;
	[tilespmem:$0x7ED0] =	vst v42  }
0x1ba: {  	[tilespmem:$0x7EE0] =	vst v43  }
0x1bb: {  	v44 =	vld [tilespmem:$0x7F00];
	[tilespmem:$0x7EF0] =	vst v21  }
0x1bc: {  	v21 =	vld.idx.msk [tilespmem:v16+s26+$0x0], $0xffff  }
0x1bd: {  	v45 =	vld [tilespmem:$0x7F10]  }
0x1be: {  	v46 =	vld [tilespmem:$0x7F20]  }
0x1bf: {  	v47 =	vld [tilespmem:$0x7F30]  }
0x1c0: {  	v48 =	vld [tilespmem:$0x7F40]  }
0x1c1: {  	v49 =	vld [tilespmem:$0x7F50];
	v22 =	vmul.f32 v44, v21  }
0x1c2: {  	v50 =	vld [tilespmem:$0x7F60];
	v23 =	vmul.f32 v45, v21  }
0x1c3: {  	v52 =	vld [tilespmem:$0x7F70];
	v51 =	vmul.f32 v46, v21;
	[tilespmem:$0x7F00] =	vst v22  }
0x1c4: {  	v53 =	vmul.f32 v47, v21;
	[tilespmem:$0x7F10] =	vst v23  }
0x1c5: {  	v54 =	vmul.f32 v48, v21;
	[tilespmem:$0x7F20] =	vst v51  }
0x1c6: {  	v55 =	vmul.f32 v49, v21;
	[tilespmem:$0x7F30] =	vst v53  }
0x1c7: {  	v56 =	vmul.f32 v50, v21;
	[tilespmem:$0x7F40] =	vst v54  }
0x1c8: {  	v21 =	vmul.f32 v52, v21;
	[tilespmem:$0x7F50] =	vst v55  }
0x1c9: {  	[tilespmem:$0x7F60] =	vst v56  }
0x1ca: {  	v57 =	vld [tilespmem:$0x7F80];
	[tilespmem:$0x7F70] =	vst v21  }
0x1cb: {  	v21 =	vld.idx.msk [tilespmem:v17+s26+$0x0], $0xffff  }
0x1cc: {  	v58 =	vld [tilespmem:$0x7F90]  }
0x1cd: {  	v59 =	vld [tilespmem:$0x7FA0]  }
0x1ce: {  	v60 =	vld [tilespmem:$0x7FB0]  }
0x1cf: {  	v61 =	vld [tilespmem:$0x7FC0]  }
0x1d0: {  	v62 =	vld [tilespmem:$0x7FD0];
	v22 =	vmul.f32 v57, v21  }
0x1d1: {  	v63 =	vld [tilespmem:$0x7FE0];
	v23 =	vmul.f32 v58, v21  }
0x1d2: {  	v33 =	vld [tilespmem:$0x7FF0];
	v32 =	vmul.f32 v59, v21;
	[tilespmem:$0x7F80] =	vst v22  }
0x1d3: {  	v34 =	vmul.f32 v60, v21;
	[tilespmem:$0x7F90] =	vst v23  }
0x1d4: {  	v35 =	vmul.f32 v61, v21;
	[tilespmem:$0x7FA0] =	vst v32  }
0x1d5: {  	v36 =	vmul.f32 v62, v21;
	[tilespmem:$0x7FB0] =	vst v34  }
0x1d6: {  	v37 =	vmul.f32 v63, v21;
	[tilespmem:$0x7FC0] =	vst v35  }
0x1d7: {  	v21 =	vmul.f32 v33, v21;
	[tilespmem:$0x7FD0] =	vst v36  }
0x1d8: {  	[tilespmem:$0x7FE0] =	vst v37  }
0x1d9: {  	v38 =	vld [tilespmem:$0x8000];
	[tilespmem:$0x7FF0] =	vst v21  }
0x1da: {  	v21 =	vld.idx.msk [tilespmem:v18+s26+$0x0], $0xffff  }
0x1db: {  	v39 =	vld [tilespmem:$0x8010]  }
0x1dc: {  	v40 =	vld [tilespmem:$0x8020]  }
0x1dd: {  	v41 =	vld [tilespmem:$0x8030]  }
0x1de: {  	v42 =	vld [tilespmem:$0x8040]  }
0x1df: {  	v43 =	vld [tilespmem:$0x8050];
	v22 =	vmul.f32 v38, v21  }
0x1e0: {  	v44 =	vld [tilespmem:$0x8060];
	v23 =	vmul.f32 v39, v21  }
0x1e1: {  	v46 =	vld [tilespmem:$0x8070];
	v45 =	vmul.f32 v40, v21;
	[tilespmem:$0x8000] =	vst v22  }
0x1e2: {  	v47 =	vmul.f32 v41, v21;
	[tilespmem:$0x8010] =	vst v23  }
0x1e3: {  	v48 =	vmul.f32 v42, v21;
	[tilespmem:$0x8020] =	vst v45  }
0x1e4: {  	v49 =	vmul.f32 v43, v21;
	[tilespmem:$0x8030] =	vst v47  }
0x1e5: {  	v50 =	vmul.f32 v44, v21;
	[tilespmem:$0x8040] =	vst v48  }
0x1e6: {  	v21 =	vmul.f32 v46, v21;
	[tilespmem:$0x8050] =	vst v49  }
0x1e7: {  	[tilespmem:$0x8060] =	vst v50  }
0x1e8: {  	v51 =	vld [tilespmem:$0x8080];
	[tilespmem:$0x8070] =	vst v21  }
0x1e9: {  	v21 =	vld.idx.msk [tilespmem:v19+s26+$0x0], $0xffff  }
0x1ea: {  	v52 =	vld [tilespmem:$0x8090]  }
0x1eb: {  	v53 =	vld [tilespmem:$0x80A0]  }
0x1ec: {  	v54 =	vld [tilespmem:$0x80B0]  }
0x1ed: {  	v55 =	vld [tilespmem:$0x80C0]  }
0x1ee: {  	v56 =	vld [tilespmem:$0x80D0];
	v22 =	vmul.f32 v51, v21  }
0x1ef: {  	v57 =	vld [tilespmem:$0x80E0];
	v23 =	vmul.f32 v52, v21  }
0x1f0: {  	v59 =	vld [tilespmem:$0x80F0];
	v58 =	vmul.f32 v53, v21;
	[tilespmem:$0x8080] =	vst v22  }
0x1f1: {  	v60 =	vmul.f32 v54, v21;
	[tilespmem:$0x8090] =	vst v23  }
0x1f2: {  	v61 =	vmul.f32 v55, v21;
	[tilespmem:$0x80A0] =	vst v58  }
0x1f3: {  	v62 =	vmul.f32 v56, v21;
	[tilespmem:$0x80B0] =	vst v60  }
0x1f4: {  	v63 =	vmul.f32 v57, v21;
	[tilespmem:$0x80C0] =	vst v61  }
0x1f5: {  	v21 =	vmul.f32 v59, v21;
	[tilespmem:$0x80D0] =	vst v62  }
0x1f6: {  	p0 =	sne.s32 s30, $0x1;
	[tilespmem:$0x80E0] =	vst v63  }
.Ltmp6:
0x1f7: {  	[tilespmem:$0x80F0] =	vst v21;
	(pc) =	sbr.rel @p0 .LBB2_8-.Ltmp6, $4  }
0x1f8: {  	[spmem:s3] =	stream.indirect_vreg.scatter.add.f32 [tilespmem:s25], [sflag:$0x1], $0x80, v20, vm0, $0xb8;
	[tilespmem:$0x1E180] =	vst v63  }
0x1f9: {  	_ =	swait.ge [sflag:s21], $0x800  }
0x1fa: {  	s29 =	sadd.s32 $0x10, s29;
	[sflag:s21] =	ssyncset.done $0x0  }
0x1fb: {  	s31 =	sadd.s32 $0x10, s31;
	s30 =	sadd.s32 $0xFFFFFFFF, s30;
	[sflag:s21] =	ssyncadd.s32 $0xFFFFF800  }
.Ltmp7:
0x1fc: {  	_ = 	snop;
	(pc) =	sbr.rel .LBB2_9-.Ltmp7, $1  }
0x1fd: {  	_ =	sdelay $0x3  }
.LBB2_10:
0x1fe: {  	_ =	sfence.sel $0x180000  }
0x1ff: {  	[bflag:$0x0] =	sbarrier.arrive $0xFFFF  }
0x200: {  	_ =	strace $0x9000004A  }
0x201: {  	[bflag:$0x2] =	sbarrier.arrive $0xFFFF  }
0x202: {  	p0 =	sne.s32 s0, $0x0;
	s0 =	rddreg [dreg:$0x3]  }
0x203: {  	s0 =	sadd.s32 @!p0 $0x100000, s0  }
0x204: {  	[sflag:s0] =	ssyncadd.tile.s32 @!p0 $0x1;
	_ =	shalt  }
.Lfunc_end2:
_tile_overlayer_lowered:
.L_overlay_start_2:
0x205: {  	(tag) =	ssettag $0x2  }
0x206: {  	s0 =	rddreg [dreg:$0x0];
	s2 =	stileid.u32  }
0x207: {  	s1 =	rddreg [dreg:$0x1];
	p0 =	sne.s32 s2, $0x0  }
0x208: {  	s3 =	rddreg [dreg:$0x2];
	[bflag:$0x3] =	sbarrier.arrive $0xFFFF;
	s2 =	simm.s32 @!p0 $0x1C01  }
0x209: {  	[timem:s3], [sflag:s2] =	dma.local @!p0 [hbm:s0], s1  }
0x20a: {  	s0 =	simm.s32 @!p0 $0x1  }
0x20b: {  	_ =	swait.ge @!p0 [sflag:s0], s1  }
0x20c: {  	s1 =	ssub.s32 @!p0 $0x0, s1;
	[sflag:s0] =	ssyncset.done @!p0 $0x0  }
0x20d: {  	[sflag:s0] =	ssyncadd.s32 @!p0 s1  }
0x20e: {  	[bflag:$0x3] =	sbarrier.arrive $0xFFFF  }
0x20f: {  	_ =	shalt  }

</sc_bundles>
